<compile_context>
chip_gen: v7x
topology: tpu7x:2x2x1
jax: 0.10.2.dev20260603
libtpu: 0.0.44.dev20260713+nightly
codegen_flags: <defaults>
</compile_context>

<pallas_src>
import functools

import jax
import jax.numpy as jnp
import numpy as np
from jax.experimental import pallas as pl
from jax.experimental.pallas import tpu as pltpu
from jax.experimental.pallas import tpu_sc as plsc

_NPOINT1, _RADIUS1, _NSAMPLE1 = 1024, 0.2, 32
_NPOINT2, _RADIUS2, _NSAMPLE2 = 256, 0.4, 32
_ALPHA = 0.2
_BN_S = 1.0 / np.sqrt(1.0 + 1e-5)
_BIG = 1e10


def _feat_body(nw, combine, x_ref, *refs):
    w_refs = refs[:nw]
    b_refs = refs[nw:2 * nw]
    a_ref = refs[2 * nw]
    x = x_ref[0]
    h = x
    for i in range(nw):
        h = jax.nn.relu((jnp.dot(h, w_refs[i][...]) + b_refs[i][...]) * _BN_S)
    feat = h
    xyz = x[:, :3]
    ga = jnp.dot(xyz, a_ref[:3, :]) + jnp.dot(feat, a_ref[3:, :])
    if combine:
        v_ref = refs[2 * nw + 1]
        f = feat.shape[-1]
        v_ref[0, :, 0:f] = feat
        v_ref[0, :, f:2 * f] = ga
    else:
        refs[2 * nw + 1][0] = feat
        refs[2 * nw + 2][0] = ga


def _feat_table(x, Ws, bs, a, combine):
    B, N, Cin = x.shape
    nw = len(Ws)
    f = Ws[-1].shape[1]
    full = lambda s: pl.BlockSpec(s, lambda b: (0,) * len(s))
    in_specs = [pl.BlockSpec((1, N, Cin), lambda b: (b, 0, 0))]
    in_specs += [full(W.shape) for W in Ws]
    in_specs += [full((1, bb.shape[0])) for bb in bs]
    in_specs += [full(a.shape)]
    if combine:
        out_specs = pl.BlockSpec((1, N, 2 * f), lambda b: (b, 0, 0))
        out_shape = jax.ShapeDtypeStruct((B, N, 2 * f), x.dtype)
    else:
        out_specs = [pl.BlockSpec((1, N, f), lambda b: (b, 0, 0))] * 2
        out_shape = [jax.ShapeDtypeStruct((B, N, f), x.dtype)] * 2
    out = pl.pallas_call(
        functools.partial(_feat_body, nw, combine),
        grid=(B,),
        in_specs=in_specs,
        out_specs=out_specs,
        out_shape=out_shape,
    )(x, *Ws, *[bb.reshape(1, -1) for bb in bs], a)
    return out


def _fps_body(npoint, n, xt_ref, idx_ref, cxyz_ref):
    B = xt_ref.shape[0]
    tboff = jax.lax.broadcasted_iota(jnp.int32, (1, B), 1) * n
    liota = jax.lax.broadcasted_iota(jnp.int32, (B, n), 1)

    def body(i, carry):
        distance, far = carry
        idx_ref[pl.ds(i, 1), :] = jnp.transpose(far, (1, 0)) + tboff
        ohf = jnp.where(liota == far, 1.0, 0.0)
        dist = jnp.zeros_like(distance)
        ccs = []
        for c in range(3):
            xc = xt_ref[:, c, :]
            cc = jnp.sum(xc * ohf, axis=1, keepdims=True)
            ccs.append(cc)
            t = xc - cc
            dist = dist + t * t
        cxyz_ref[pl.ds(i, 1), :, :] = jnp.concatenate(ccs, axis=1)[None]
        distance = jnp.minimum(dist, distance)
        far = jnp.argmax(distance, axis=1).astype(jnp.int32)[:, None]
        return distance, far

    distance0 = jnp.full((B, n), _BIG, jnp.float32)
    far0 = jnp.zeros((B, 1), jnp.int32)
    jax.lax.fori_loop(0, npoint, body, (distance0, far0))


def _fps(xyzT, npoint):
    B, _, N = xyzT.shape
    idxT, cxyzP = pl.pallas_call(
        functools.partial(_fps_body, npoint, N),
        in_specs=[pl.BlockSpec((B, 3, N), lambda: (0, 0, 0))],
        out_specs=[pl.BlockSpec((npoint, B), lambda: (0, 0)),
                   pl.BlockSpec((npoint, B, 3), lambda: (0, 0, 0))],
        out_shape=[jax.ShapeDtypeStruct((npoint, B), jnp.int32),
                   jax.ShapeDtypeStruct((npoint, B, 3), jnp.float32)],
    )(xyzT)
    return jnp.transpose(idxT, (1, 0)), jnp.transpose(cxyzP, (1, 0, 2))


def _ballq_body(r2, nsample, n, cxyz_ref, xt_ref, gi_ref, dm_ref):
    b = pl.program_id(0)
    cb = cxyz_ref.shape[1]
    c = cxyz_ref[0]
    xt = xt_ref[0]
    d = -2.0 * jnp.dot(c, xt)
    d = d + jnp.sum(c * c, axis=-1)[:, None]
    xn = xt[0] * xt[0] + xt[1] * xt[1] + xt[2] * xt[2]
    d = d + xn[None, :]
    dmv0 = jnp.where(d > r2, _BIG, d)
    dm_ref[...] = dmv0
    cnt = jnp.sum(jnp.where(d > r2, 0, 1), axis=1)
    liota = jax.lax.broadcasted_iota(jnp.int32, (cb, n), 1)
    siota = jax.lax.broadcasted_iota(jnp.int32, (cb, nsample), 1)
    first = jnp.argmin(dmv0, axis=1).astype(jnp.int32)
    gi_ref[0] = jnp.broadcast_to((first + b * n)[:, None], gi_ref.shape[1:])

    def body(k, prev):
        dmm = jnp.where(liota == prev[:, None], _BIG, dm_ref[...])
        dm_ref[...] = dmm
        idx = jnp.argmin(dmm, axis=1).astype(jnp.int32)
        sel = jnp.where(k < cnt, idx, first) + b * n
        gi_ref[0] = jnp.where(siota == k, sel[:, None], gi_ref[0])
        return idx

    jax.lax.fori_loop(1, nsample, body, first)


def _ballq(cxyz, xyzT, radius, nsample, cb):
    B, npnt, _ = cxyz.shape
    N = xyzT.shape[2]
    gi = pl.pallas_call(
        functools.partial(_ballq_body, radius ** 2, nsample, N),
        grid=(B, npnt // cb),
        in_specs=[pl.BlockSpec((1, cb, 3), lambda b, j: (b, j, 0)),
                  pl.BlockSpec((1, 3, N), lambda b, j: (b, 0, 0))],
        out_specs=pl.BlockSpec((1, cb, nsample), lambda b, j: (b, j, 0)),
        out_shape=jax.ShapeDtypeStruct((B, npnt, nsample), jnp.int32),
        scratch_shapes=[pltpu.VMEM((cb, N), jnp.float32)],
    )(cxyz, xyzT)
    return gi


def _sc_gather_impl(table, idx, window):
    K = idx.shape[0]
    Wd = table.shape[1]
    mesh = plsc.VectorSubcoreMesh(core_axis_name="core",
                                  subcore_axis_name="subcore")

    @pl.kernel(out_type=jax.ShapeDtypeStruct((K, Wd), table.dtype), mesh=mesh)
    def kern(x_hbm, i_hbm, o_hbm):
        def body(i_vmem, o_vmem):
            pltpu.sync_copy(x_hbm.at[i_vmem.at[0]], o_vmem)

        pltpu.emit_pipeline(
            body,
            grid=(K // window,),
            in_specs=[pl.BlockSpec((1, window), index_map=lambda i: (0, i))],
            out_specs=[pl.BlockSpec((window, Wd), index_map=lambda i: (i, 0))],
            core_axis_name=("core", "subcore"),
            dimension_semantics=(pltpu.PARALLEL,),
        )(i_hbm, o_hbm)

    return kern(table, idx.reshape(1, K))


_gather = _sc_gather_impl


def _gather_rows(table, idx):
    k = idx.shape[0]
    pad = (-k) % 4096
    if pad:
        idx = jnp.concatenate([idx, jnp.zeros((pad,), jnp.int32)])
    out = _gather(table, idx, 128)
    return out[:k] if pad else out


def _att_math(gfeat, ga, ca, cxyz, out_ref):
    l = ga - ca[:, None, :]
    l = jnp.where(l >= 0, l, _ALPHA * l)
    m = jnp.max(l, axis=1, keepdims=True)
    e = jnp.exp(l - m)
    s = jnp.sum(e, axis=1, keepdims=True)
    att = e / s
    feats = jnp.sum(att * gfeat, axis=1)
    out_ref[0, :, 0:3] = cxyz
    out_ref[0, :, 3:] = feats


def _att_body(f, gfeat_ref, ga_ref, ca_ref, cxyz_ref, out_ref):
    _att_math(gfeat_ref[0], ga_ref[0], ca_ref[0], cxyz_ref[0], out_ref)


def _att_comb_body(f, grp_ref, cent_ref, cxyz_ref, out_ref):
    g = grp_ref[0]
    cent = cent_ref[0]
    _att_math(g[:, :, 0:f], g[:, :, f:2 * f], cent[:, f:2 * f],
              cxyz_ref[0], out_ref)


def _att(gfeat, ga, ca, cxyz, f, cb):
    B, npnt, S, _ = gfeat.shape
    out = pl.pallas_call(
        functools.partial(_att_body, f),
        grid=(B, npnt // cb),
        in_specs=[pl.BlockSpec((1, cb, S, f), lambda b, j: (b, j, 0, 0)),
                  pl.BlockSpec((1, cb, S, f), lambda b, j: (b, j, 0, 0)),
                  pl.BlockSpec((1, cb, f), lambda b, j: (b, j, 0)),
                  pl.BlockSpec((1, cb, 3), lambda b, j: (b, j, 0))],
        out_specs=pl.BlockSpec((1, cb, 3 + f), lambda b, j: (b, j, 0)),
        out_shape=jax.ShapeDtypeStruct((B, npnt, 3 + f), jnp.float32),
    )(gfeat, ga, ca, cxyz)
    return out


def _att_comb(grp, cent, cxyz, f, cb):
    B, npnt, S, _ = grp.shape
    out = pl.pallas_call(
        functools.partial(_att_comb_body, f),
        grid=(B, npnt // cb),
        in_specs=[pl.BlockSpec((1, cb, S, 2 * f), lambda b, j: (b, j, 0, 0)),
                  pl.BlockSpec((1, cb, 2 * f), lambda b, j: (b, j, 0)),
                  pl.BlockSpec((1, cb, 3), lambda b, j: (b, j, 0))],
        out_specs=pl.BlockSpec((1, cb, 3 + f), lambda b, j: (b, j, 0)),
        out_shape=jax.ShapeDtypeStruct((B, npnt, 3 + f), jnp.float32),
    )(grp, cent, cxyz)
    return out


def _knn3_mean(qxyz, sxyzT, sfeat):
    nq = qxyz.shape[0]
    ns = sxyzT.shape[1]
    d = -2.0 * jnp.dot(qxyz, sxyzT)
    d = d + jnp.sum(qxyz * qxyz, axis=-1)[:, None]
    sn = sxyzT[0] * sxyzT[0] + sxyzT[1] * sxyzT[1] + sxyzT[2] * sxyzT[2]
    d = d + sn[None, :]
    liota = jax.lax.broadcasted_iota(jnp.int32, (nq, ns), 1)
    wm = jnp.zeros((nq, ns), jnp.float32)
    for _ in range(3):
        idx = jnp.argmin(d, axis=1).astype(jnp.int32)[:, None]
        wm = jnp.where(liota == idx, 1.0, wm)
        d = jnp.where(liota == idx, _BIG, d)
    return jnp.dot(wm, sfeat) / 3.0


def _fp_body(nw, fq, q_ref, st_ref, sf_ref, *refs):
    w_refs = refs[:nw]
    b_refs = refs[nw:2 * nw]
    out_ref = refs[2 * nw]
    q = q_ref[0]
    qxyz = q[:, :3]
    qfeat = q[:, 3:3 + fq]
    interp = _knn3_mean(qxyz, st_ref[0], sf_ref[0])
    w0 = w_refs[0][...]
    h = jax.nn.relu((jnp.dot(qfeat, w0[:fq, :]) + jnp.dot(interp, w0[fq:, :])
                     + b_refs[0][...]) * _BN_S)
    for i in range(1, nw):
        h = jax.nn.relu((jnp.dot(h, w_refs[i][...]) + b_refs[i][...]) * _BN_S)
    out_ref[0, :, 0:3] = qxyz
    out_ref[0, :, 3:] = h


def _fp(q, sxyzT, sfeat, Ws, bs, fq, rb):
    B, Nq, Cq = q.shape
    Ns = sfeat.shape[1]
    Fs = sfeat.shape[2]
    nw = len(Ws)
    fout = Ws[-1].shape[1]
    full = lambda s: pl.BlockSpec(s, lambda b, j: (0,) * len(s))
    in_specs = [pl.BlockSpec((1, rb, Cq), lambda b, j: (b, j, 0)),
                pl.BlockSpec((1, 3, Ns), lambda b, j: (b, 0, 0)),
                pl.BlockSpec((1, Ns, Fs), lambda b, j: (b, 0, 0))]
    in_specs += [full(W.shape) for W in Ws]
    in_specs += [full((1, bb.shape[0])) for bb in bs]
    out = pl.pallas_call(
        functools.partial(_fp_body, nw, fq),
        grid=(B, Nq // rb),
        in_specs=in_specs,
        out_specs=pl.BlockSpec((1, rb, 3 + fout), lambda b, j: (b, j, 0)),
        out_shape=jax.ShapeDtypeStruct((B, Nq, 3 + fout), jnp.float32),
    )(q, sxyzT, sfeat, *Ws, *[bb.reshape(1, -1) for bb in bs])
    return out


def _fp_head_body(nw, fq, q_ref, st_ref, sf_ref, *refs):
    w_refs = refs[:nw]
    b_refs = refs[nw:2 * nw]
    hw_ref = refs[2 * nw]
    hb_ref = refs[2 * nw + 1]
    out_ref = refs[2 * nw + 2]
    q = q_ref[0]
    qxyz = q[:, :3]
    qfeat = q[:, 3:3 + fq]
    interp = _knn3_mean(qxyz, st_ref[0], sf_ref[0])
    w0 = w_refs[0][...]
    h = jax.nn.relu((jnp.dot(qfeat, w0[:fq, :]) + jnp.dot(interp, w0[fq:, :])
                     + b_refs[0][...]) * _BN_S)
    for i in range(1, nw):
        h = jax.nn.relu((jnp.dot(h, w_refs[i][...]) + b_refs[i][...]) * _BN_S)
    logits = jnp.dot(h, hw_ref[...]) + hb_ref[...]
    m = jnp.max(logits, axis=1, keepdims=True)
    sh = logits - m
    out_ref[0] = sh - jnp.log(jnp.sum(jnp.exp(sh), axis=1, keepdims=True))


def _fp_head(q, sxyzT, sfeat, Ws, bs, headW, headb, fq, rb):
    B, Nq, Cq = q.shape
    Ns = sfeat.shape[1]
    Fs = sfeat.shape[2]
    nw = len(Ws)
    ncls = headW.shape[1]
    full = lambda s: pl.BlockSpec(s, lambda b, j: (0,) * len(s))
    in_specs = [pl.BlockSpec((1, rb, Cq), lambda b, j: (b, j, 0)),
                pl.BlockSpec((1, 3, Ns), lambda b, j: (b, 0, 0)),
                pl.BlockSpec((1, Ns, Fs), lambda b, j: (b, 0, 0))]
    in_specs += [full(W.shape) for W in Ws]
    in_specs += [full((1, bb.shape[0])) for bb in bs]
    in_specs += [full(headW.shape), full((1, ncls))]
    out = pl.pallas_call(
        functools.partial(_fp_head_body, nw, fq),
        grid=(B, Nq // rb),
        in_specs=in_specs,
        out_specs=pl.BlockSpec((1, rb, ncls), lambda b, j: (b, j, 0)),
        out_shape=jax.ShapeDtypeStruct((B, Nq, ncls), jnp.float32),
    )(q, sxyzT, sfeat, *Ws, *[bb.reshape(1, -1) for bb in bs], headW,
      headb.reshape(1, -1))
    return out


def _gac_layer(x, Ws, bs, a, npoint, radius, nsample, cb_ball, cb_att,
               xyzT=None):
    B, N, _ = x.shape
    f = Ws[-1].shape[1]
    combine = 2 * f <= 256
    tabs = _feat_table(x, Ws, bs, a, combine)
    if xyzT is None:
        xyzT = jnp.transpose(x[..., :3], (0, 2, 1))
    ci, cxyz = _fps(xyzT, npoint)
    gi = _ballq(cxyz, xyzT, radius, nsample, cb_ball)
    gif = gi.reshape(-1)
    cif = ci.reshape(-1)
    if combine:
        tabf = tabs.reshape(B * N, 2 * f)
        grp = _gather_rows(tabf, gif).reshape(B, npoint, nsample, 2 * f)
        cent = _gather_rows(tabf, cif).reshape(B, npoint, 2 * f)
        return _att_comb(grp, cent, cxyz, f, cb_att), cxyz
    feat, ga = tabs
    featf = feat.reshape(B * N, f)
    gaf = ga.reshape(B * N, f)
    gfeat = _gather_rows(featf, gif).reshape(B, npoint, nsample, f)
    gga = _gather_rows(gaf, gif).reshape(B, npoint, nsample, f)
    ca = _gather_rows(gaf, cif).reshape(B, npoint, f)
    return _att(gfeat, gga, ca, cxyz, f, cb_att), cxyz


def kernel(points, params):
    B = points.shape[0]
    l1, cxyz1 = _gac_layer(points, params['l1_W'], params['l1_b'],
                           params['a1'], _NPOINT1, _RADIUS1, _NSAMPLE1,
                           cb_ball=256, cb_att=128)
    l2, _ = _gac_layer(l1, params['l2_W'], params['l2_b'], params['a2'],
                       _NPOINT2, _RADIUS2, _NSAMPLE2, cb_ball=256, cb_att=128,
                       xyzT=jnp.transpose(cxyz1, (0, 2, 1)))
    l2xyzT = jnp.transpose(l2[..., :3], (0, 2, 1))
    l1u = _fp(l1, l2xyzT, l2[..., 3:], params['fp2_W'], params['fp2_b'],
              fq=128, rb=1024)
    l1uxyzT = jnp.transpose(l1u[..., :3], (0, 2, 1))
    logits = _fp_head(points, l1uxyzT, l1u[..., 3:], params['fp1_W'],
                      params['fp1_b'], params['head_W'], params['head_b'],
                      fq=6, rb=1024)
    return logits

# --- scband reference (transcript-rebuilt; emitter-appended) ---
"""Pipeline reference for scband-gac-net-42314017800359 (READ-ONLY COPY).

The authoritative reference and input builder live on the scoring server;
editing this copy changes nothing except your own understanding.
"""

import jax, jax.numpy as jnp
import numpy as np

NPOINT1, RADIUS1, NSAMPLE1 = 1024, 0.2, 32
NPOINT2, RADIUS2, NSAMPLE2 = 256, 0.4, 32
NUM_CLASSES = 13
ALPHA = 0.2
BN_S = 1.0 / np.sqrt(1.0 + 1e-5)

def index_points(points, idx):
    return jax.vmap(lambda p, i: p[i])(points, idx)

def square_distance(src, dst):
    d = -2.0 * jnp.matmul(src, jnp.swapaxes(dst, 1, 2))
    d = d + jnp.sum(src ** 2, -1)[:, :, None]
    d = d + jnp.sum(dst ** 2, -1)[:, None, :]
    return d

def farthest_point_sample(xyz, npoint):
    xyz = jax.lax.stop_gradient(xyz)
    B, N, C = xyz.shape
    def body(i, state):
        distance, farthest, idxs = state
        idxs = idxs.at[:, i].set(farthest)
        centered = xyz[jnp.arange(B), farthest][:, None, :]
        dist = jnp.sum((xyz - centered) ** 2, -1)
        distance = jnp.where(dist < distance, dist, distance)
        farthest = jnp.argmax(distance, -1).astype(jnp.int32)
        return (distance, farthest, idxs)
    state = (jnp.full((B, N), 1e10, dtype=xyz.dtype), jnp.zeros((B,), jnp.int32), jnp.zeros((B, npoint), jnp.int32))
    _, _, idxs = jax.lax.fori_loop(0, npoint, body, state)
    return idxs

def query_ball_point(nsample, radius, xyz, centered_xyz):
    xyz = jax.lax.stop_gradient(xyz)
    centered_xyz = jax.lax.stop_gradient(centered_xyz)
    dist = square_distance(centered_xyz, xyz)
    dist = jnp.where(dist > radius ** 2, 1e10, dist)
    order = jnp.argsort(dist, -1)
    sd = jnp.sort(dist, -1)
    gi = order[..., :nsample]
    first = jnp.broadcast_to(gi[..., :1], gi.shape)
    mask = sd[..., :nsample] == 1e10
    return jnp.where(mask, first, gi)

def sample_and_group(npoint, radius, nsample, points):
    xyz = points[..., :3]
    features = points[..., 3:]
    ci = farthest_point_sample(xyz, npoint)
    cxyz = index_points(xyz, ci)
    cfeat = index_points(features, ci)
    centered = jnp.concatenate([cxyz, cfeat], -1)
    gi = query_ball_point(nsample, radius, xyz, cxyz)
    gxyz = index_points(xyz, gi)
    gfeat = index_points(features, gi)
    grouped = jnp.concatenate([gxyz, gfeat], -1)
    return centered, grouped

def mlp_apply(x, Ws, bs):
    for W, b in zip(Ws, bs):
        x = jax.nn.relu((jnp.matmul(x, W) + b) * BN_S)
    return x

def gac_layer(points, Ws, bs, a, npoint, radius, nsample):
    centered, grouped = sample_and_group(npoint, radius, nsample, points)
    cfeat = mlp_apply(centered, Ws, bs)
    gfeat = mlp_apply(grouped, Ws, bs)
    new_c = jnp.concatenate([centered[..., :3], cfeat], -1)
    new_g = jnp.concatenate([grouped[..., :3], gfeat], -1)
    delta = new_g - new_c[:, :, None, :]
    att = jax.nn.leaky_relu(jnp.matmul(delta, a), negative_slope=ALPHA)
    att = jax.nn.softmax(att, axis=2)
    feats = jnp.sum(att * new_g[..., 3:], axis=2)
    return jnp.concatenate([new_c[..., :3], feats], -1)

def fp_layer(l1_points, l2_points, Ws, bs):
    dim = l1_points.shape[-1]
    l1_xyz = l1_points[..., :3]
    l1_feat = l1_points[..., 3:]
    l2_feat = l2_points[..., 3:]
    d = square_distance(l1_xyz, l2_points[..., :3])
    idx = jnp.argsort(d, -1)[..., :3]
    ds = jnp.sort(d, -1)[..., :3]
    ds = jnp.where(ds < 1e10, 1e-10, ds)
    w = 1.0 / ds
    knn = index_points(l2_feat, idx)
    interp = jnp.sum(w[..., None] * knn, -2) / jnp.sum(w, -1)[..., None]
    new = interp if dim == 3 else jnp.concatenate([l1_feat, interp], -1)
    x = mlp_apply(new, Ws, bs)
    return jnp.concatenate([l1_xyz, x], -1)

def _forward(points, params):
    l1 = gac_layer(points, params['l1_W'], params['l1_b'], params['a1'], NPOINT1, RADIUS1, NSAMPLE1)
    l2 = gac_layer(l1, params['l2_W'], params['l2_b'], params['a2'], NPOINT2, RADIUS2, NSAMPLE2)
    l1u = fp_layer(l1, l2, params['fp2_W'], params['fp2_b'])
    l0u = fp_layer(points, l1u, params['fp1_W'], params['fp1_b'])
    logits = jax.nn.log_softmax(jnp.matmul(l0u[..., 3:], params['head_W']) + params['head_b'], -1)
    return logits

def _make_params(key):
    specs = [('l1', [9, 64, 64, 128]), ('l2', [131, 128, 128, 256]), ('fp2', [384, 256, 128]), ('fp1', [134, 128, 128, 128])]
    p = {}
    ks = jax.random.split(key, 32)
    i = 0
    def lin(k, din, dout):
        return jax.random.normal(k, (din, dout), jnp.float32) * (1.0 / np.sqrt(din))
    for name, dims in specs:
        Ws = []
        bs = []
        for a, b in zip(dims[:-1], dims[1:]):
            Ws.append(lin(ks[i], a, b))
            i += 1
            bs.append(jnp.zeros((b,), jnp.float32))
        p[name + '_W'] = Ws
        p[name + '_b'] = bs
    p['a1'] = jax.random.normal(ks[i], (131, 128), jnp.float32) * 0.1
    i += 1
    p['a2'] = jax.random.normal(ks[i], (259, 256), jnp.float32) * 0.1
    i += 1
    p['head_W'] = lin(ks[i], 128, NUM_CLASSES)
    p['head_b'] = jnp.zeros((NUM_CLASSES,), jnp.float32)
    return p

def setup_inputs(seed: int = 0):
    key = jax.random.key(seed)
    k1, k2 = jax.random.split(key)
    points = jax.random.uniform(k1, (8, 4096, 9), jnp.float32)
    params = _make_params(k2)
    return {'points': points, 'params': params}

def reference(points, params):
    return _forward(points, params)

if __name__ == "__main__":
    import jax
    _d = setup_inputs()
    print(jax.jit(kernel)(*tuple(_d.values())))

</pallas_src>

<mosaic_0001>
#map = affine_map<(d0, d1) -> (0, 0)>
module attributes {stable_mosaic.version = 14 : i64} {
  func.func @kern(%arg0: i32, %arg1: i32, %arg2: memref<32768x256xf32, #tpu.memory_space<hbm>>, %arg3: memref<1x262144xi32, #tpu.memory_space<hbm>>, %arg4: memref<262144x256xf32, #tpu.memory_space<hbm>>) attributes {dimension_semantics = [#tpu.dimension_semantics<core_parallel>, #tpu.dimension_semantics<subcore_parallel>], iteration_bounds = array<i64: 2, 16>, scalar_prefetch = 0 : i64, scratch_operands = 0 : i64, tpu.core_type = #tpu.core_type<sc_vector_subcore>, window_params = [{transform_indices = #map}, {transform_indices = #map}, {transform_indices = #map}]} {
    %mul3A = arith.constant 1 : i32
    %mul3A_0 = arith.muli %arg1, %mul3A : i32
    %add3A = arith.constant 0 : i32
    %add3A_1 = arith.addi %add3A, %mul3A_0 : i32
    %mul3A_2 = arith.constant 16 : i32
    %mul3A_3 = arith.muli %arg0, %mul3A_2 : i32
    %add3A_4 = arith.addi %add3A_1, %mul3A_3 : i32
    %mul3A_5 = arith.constant 64 : i32
    %mul3A_6 = arith.muli %add3A_4, %mul3A_5 : i32
    "tpu.region"() ({
      %run_scoped3A = memref.alloca() : memref<2x1x128xi32, #tpu.memory_space<vmem>>
      %run_scoped3A_7 = tpu.sem_alloc : memref<2x!tpu.dma_semaphore, #tpu.memory_space<semaphore_mem>>
      %run_scoped3A_8 = memref.alloca() : memref<2x128x256xf32, #tpu.memory_space<vmem>>
      %run_scoped3A_9 = tpu.sem_alloc : memref<2x!tpu.dma_semaphore, #tpu.memory_space<semaphore_mem>>
      %add3A_10 = arith.constant 0 : i32
      %add3A_11 = arith.addi %add3A_10, %mul3A_6 : i32
      %select_n3A = arith.constant true
      %select_n3A_12 = arith.constant 0 : i32
      %select_n3A_13 = arith.constant -1 : i32
      %select_n3A_14 = arith.select %select_n3A, %select_n3A_13, %select_n3A_12 : i32
      %eq3A = arith.constant -1 : i32
      %eq3A_15 = arith.cmpi eq, %select_n3A_14, %eq3A : i32
      %select_n3A_16 = arith.constant 63 : i32
      %select_n3A_17 = arith.select %eq3A_15, %select_n3A_16, %select_n3A_14 : i32
      %add3A_18 = arith.addi %select_n3A_17, %mul3A_6 : i32
      %select_n3A_19 = arith.constant true
      %select_n3A_20 = arith.constant 0 : i32
      %select_n3A_21 = arith.constant 1 : i32
      %select_n3A_22 = arith.select %select_n3A_19, %select_n3A_21, %select_n3A_20 : i32
      %eq3A_23 = arith.constant 64 : i32
      %eq3A_24 = arith.cmpi eq, %select_n3A_22, %eq3A_23 : i32
      %select_n3A_25 = arith.constant 0 : i32
      %select_n3A_26 = arith.select %eq3A_24, %select_n3A_25, %select_n3A_22 : i32
      %add3A_27 = arith.addi %select_n3A_26, %mul3A_6 : i32
      %add3A_28 = arith.constant 1 : i32
      %add3A_29 = arith.addi %select_n3A_26, %add3A_28 : i32
      %select_n3A_30 = arith.constant true
      %select_n3A_31 = arith.select %select_n3A_30, %add3A_29, %select_n3A_26 : i32
      %eq3A_32 = arith.constant 64 : i32
      %eq3A_33 = arith.cmpi eq, %select_n3A_31, %eq3A_32 : i32
      %select_n3A_34 = arith.constant 0 : i32
      %select_n3A_35 = arith.select %eq3A_33, %select_n3A_34, %select_n3A_31 : i32
      %add3A_36 = arith.addi %select_n3A_35, %mul3A_6 : i32
      "tpu.trace_start"() <{level = 10 : i32, message = "ep_initialize_0"}> : () -> ()
      %rem3A = arith.constant 0 : i32
      %rem3A_37 = arith.constant 2 : i32
      %rem3A_38 = arith.remui %rem3A, %rem3A_37 : i32
      %mul3A_39 = arith.constant 128 : i32
      %mul3A_40 = arith.muli %mul3A_39, %add3A_11 : i32
      %dma_start3A = arith.constant 0 : i32
      %dma_start3A_41 = arith.constant 0 : i32
      %dma_start3A_42 = tpu.memref_slice %run_scoped3A[%rem3A_38, %dma_start3A, %dma_start3A_41] : memref<2x1x128xi32, #tpu.memory_space<vmem>> -> memref<1x1x128xi32, #tpu.memory_space<vmem>>
      %dma_start3A_43 = tpu.memref_squeeze %dma_start3A_42 : memref<1x1x128xi32, #tpu.memory_space<vmem>> -> memref<1x128xi32, #tpu.memory_space<vmem>>
      %dma_start3A_44 = arith.constant 0 : i32
      %dma_start3A_45 = tpu.memref_slice %arg3[%dma_start3A_44, %mul3A_40] : memref<1x262144xi32, #tpu.memory_space<hbm>> -> memref<1x128xi32, #tpu.memory_space<hbm>>
      %dma_start3A_46 = tpu.memref_slice %run_scoped3A_7[%rem3A_38] : memref<2x!tpu.dma_semaphore, #tpu.memory_space<semaphore_mem>> -> memref<1x!tpu.dma_semaphore, #tpu.memory_space<semaphore_mem>>
      %dma_start3A_47 = tpu.memref_squeeze %dma_start3A_46 : memref<1x!tpu.dma_semaphore, #tpu.memory_space<semaphore_mem>> -> memref<!tpu.dma_semaphore, #tpu.memory_space<semaphore_mem>>
      %dma_start3A_48 = arith.constant 0 : i32
      %dma_start3A_49 = arith.constant 0 : i32
      %dma_start3A_50 = tpu.memref_slice %run_scoped3A[%rem3A_38, %dma_start3A_48, %dma_start3A_49] : memref<2x1x128xi32, #tpu.memory_space<vmem>> -> memref<1x1x128xi32, #tpu.memory_space<vmem>>
      %dma_start3A_51 = tpu.memref_squeeze %dma_start3A_50 : memref<1x1x128xi32, #tpu.memory_space<vmem>> -> memref<1x128xi32, #tpu.memory_space<vmem>>
      %dma_start3A_52 = arith.constant 0 : i32
      %dma_start3A_53 = tpu.memref_slice %arg3[%dma_start3A_52, %mul3A_40] : memref<1x262144xi32, #tpu.memory_space<hbm>> -> memref<1x128xi32, #tpu.memory_space<hbm>>
      tpu.enqueue_dma source(%dma_start3A_53 : memref<1x128xi32, #tpu.memory_space<hbm>>) target(%dma_start3A_51 : memref<1x128xi32, #tpu.memory_space<vmem>>) target_semaphore(%dma_start3A_47 : memref<!tpu.dma_semaphore, #tpu.memory_space<semaphore_mem>>)
      %add3A_54 = arith.constant 0 : i32
      %add3A_55 = arith.constant 1 : i32
      %add3A_56 = arith.addi %add3A_54, %add3A_55 : i32
      %select_n3A_57 = arith.constant true
      %select_n3A_58 = arith.constant 0 : i32
      %select_n3A_59 = arith.select %select_n3A_57, %add3A_56, %select_n3A_58 : i32
      "tpu.trace_stop"() : () -> ()
      %scan3A = arith.constant 0 : i32
      %scan3A_60 = arith.constant 0 : i32
      %scan3A_61 = arith.constant 0 : i32
      %scan3A_62 = arith.constant 0 : i32
      %scan3A_63 = arith.constant 0 : i32
      %scan3A_64 = arith.constant 64 : i32
      %scan3A_65 = arith.addi %scan3A_63, %scan3A_64 : i32
      %scan3A_66 = arith.constant 1 : i32
      %scan3A_67:5 = scf.for %scan3A_121 = %scan3A_63 to %scan3A_65 step %scan3A_66 iter_args(%scan3A_122 = %select_n3A_59, %scan3A_123 = %scan3A, %scan3A_124 = %scan3A_60, %scan3A_125 = %scan3A_61, %scan3A_126 = %scan3A_62) -> (i32, i32, i32, i32, i32)  : i32 {
        %eq3A_127 = arith.constant 0 : i32
        %eq3A_128 = arith.cmpi eq, %scan3A_121, %eq3A_127 : i32
        %eq3A_129 = arith.constant 63 : i32
        %eq3A_130 = arith.cmpi eq, %scan3A_121, %eq3A_129 : i32
        %add3A_131 = arith.addi %scan3A_126, %mul3A_6 : i32
        %sub3A_132 = arith.constant 1 : i32
        %sub3A_133 = arith.subi %scan3A_126, %sub3A_132 : i32
        %select_n3A_134 = arith.constant true
        %select_n3A_135 = arith.select %select_n3A_134, %sub3A_133, %scan3A_126 : i32
        %eq3A_136 = arith.constant -1 : i32
        %eq3A_137 = arith.cmpi eq, %select_n3A_135, %eq3A_136 : i32
        %select_n3A_138 = arith.constant 63 : i32
        %select_n3A_139 = arith.select %eq3A_137, %select_n3A_138, %select_n3A_135 : i32
        %add3A_140 = arith.addi %select_n3A_139, %mul3A_6 : i32
        %add3A_141 = arith.constant 1 : i32
        %add3A_142 = arith.addi %scan3A_126, %add3A_141 : i32
        %select_n3A_143 = arith.constant true
        %select_n3A_144 = arith.select %select_n3A_143, %add3A_142, %scan3A_126 : i32
        %eq3A_145 = arith.constant 64 : i32
        %eq3A_146 = arith.cmpi eq, %select_n3A_144, %eq3A_145 : i32
        %select_n3A_147 = arith.constant 0 : i32
        %select_n3A_148 = arith.select %eq3A_146, %select_n3A_147, %select_n3A_144 : i32
        %add3A_149 = arith.addi %select_n3A_148, %mul3A_6 : i32
        %add3A_150 = arith.constant 1 : i32
        %add3A_151 = arith.addi %select_n3A_148, %add3A_150 : i32
        %select_n3A_152 = arith.constant true
        %select_n3A_153 = arith.select %select_n3A_152, %add3A_151, %select_n3A_148 : i32
        %eq3A_154 = arith.constant 64 : i32
        %eq3A_155 = arith.cmpi eq, %select_n3A_153, %eq3A_154 : i32
        %select_n3A_156 = arith.constant 0 : i32
        %select_n3A_157 = arith.select %eq3A_155, %select_n3A_156, %select_n3A_153 : i32
        %add3A_158 = arith.addi %select_n3A_157, %mul3A_6 : i32
        %ne3A = arith.cmpi ne, %add3A_131, %add3A_149 : i32
        %or3A = arith.constant false
        %or3A_159 = arith.ori %or3A, %ne3A : i1
        %ge3A = arith.constant 63 : i32
        %ge3A_160 = arith.cmpi sge, %scan3A_121, %ge3A : i32
        %not3A = arith.constant true
        %not3A_161 = arith.xori %ge3A_160, %not3A : i1
        %and3A = arith.andi %or3A_159, %not3A_161 : i1
        %convert_element_type3A = arith.extui %and3A : i1 to i32
        %cond3A = arith.constant 0 : i32
        %cond3A_162 = arith.cmpi ne, %convert_element_type3A, %cond3A : i32
        scf.if %cond3A_162 {
          "tpu.trace_start"() <{level = 10 : i32, message = "ep_copy_in"}> : () -> ()
          %rem3A_264 = arith.constant 2 : i32
          %rem3A_265 = arith.remui %scan3A_122, %rem3A_264 : i32
          %mul3A_266 = arith.constant 128 : i32
          %mul3A_267 = arith.muli %mul3A_266, %add3A_149 : i32
          %dma_start3A_268 = arith.constant 0 : i32
          %dma_start3A_269 = arith.constant 0 : i32
          %dma_start3A_270 = tpu.memref_slice %run_scoped3A[%rem3A_265, %dma_start3A_268, %dma_start3A_269] : memref<2x1x128xi32, #tpu.memory_space<vmem>> -> memref<1x1x128xi32, #tpu.memory_space<vmem>>
          %dma_start3A_271 = tpu.memref_squeeze %dma_start3A_270 : memref<1x1x128xi32, #tpu.memory_space<vmem>> -> memref<1x128xi32, #tpu.memory_space<vmem>>
          %dma_start3A_272 = arith.constant 0 : i32
          %dma_start3A_273 = tpu.memref_slice %arg3[%dma_start3A_272, %mul3A_267] : memref<1x262144xi32, #tpu.memory_space<hbm>> -> memref<1x128xi32, #tpu.memory_space<hbm>>
          %dma_start3A_274 = tpu.memref_slice %run_scoped3A_7[%rem3A_265] : memref<2x!tpu.dma_semaphore, #tpu.memory_space<semaphore_mem>> -> memref<1x!tpu.dma_semaphore, #tpu.memory_space<semaphore_mem>>
          %dma_start3A_275 = tpu.memref_squeeze %dma_start3A_274 : memref<1x!tpu.dma_semaphore, #tpu.memory_space<semaphore_mem>> -> memref<!tpu.dma_semaphore, #tpu.memory_space<semaphore_mem>>
          %dma_start3A_276 = arith.constant 0 : i32
          %dma_start3A_277 = arith.constant 0 : i32
          %dma_start3A_278 = tpu.memref_slice %run_scoped3A[%rem3A_265, %dma_start3A_276, %dma_start3A_277] : memref<2x1x128xi32, #tpu.memory_space<vmem>> -> memref<1x1x128xi32, #tpu.memory_space<vmem>>
          %dma_start3A_279 = tpu.memref_squeeze %dma_start3A_278 : memref<1x1x128xi32, #tpu.memory_space<vmem>> -> memref<1x128xi32, #tpu.memory_space<vmem>>
          %dma_start3A_280 = arith.constant 0 : i32
          %dma_start3A_281 = tpu.memref_slice %arg3[%dma_start3A_280, %mul3A_267] : memref<1x262144xi32, #tpu.memory_space<hbm>> -> memref<1x128xi32, #tpu.memory_space<hbm>>
          tpu.enqueue_dma source(%dma_start3A_281 : memref<1x128xi32, #tpu.memory_space<hbm>>) target(%dma_start3A_279 : memref<1x128xi32, #tpu.memory_space<vmem>>) target_semaphore(%dma_start3A_275 : memref<!tpu.dma_semaphore, #tpu.memory_space<semaphore_mem>>)
          "tpu.trace_stop"() : () -> ()
        } else {
        }
        %and3A_163 = arith.constant true
        %and3A_164 = arith.andi %and3A, %and3A_163 : i1
        %add3A_165 = arith.constant 1 : i32
        %add3A_166 = arith.addi %scan3A_122, %add3A_165 : i32
        %select_n3A_167 = arith.select %and3A_164, %add3A_166, %scan3A_122 : i32
        %ne3A_168 = arith.cmpi ne, %add3A_131, %add3A_149 : i32
        %or3A_169 = arith.constant false
        %or3A_170 = arith.ori %or3A_169, %ne3A_168 : i1
        %or3A_171 = arith.constant false
        %or3A_172 = arith.ori %or3A_170, %or3A_171 : i1
        %ge3A_173 = arith.constant 63 : i32
        %ge3A_174 = arith.cmpi sge, %scan3A_121, %ge3A_173 : i32
        %not3A_175 = arith.constant true
        %not3A_176 = arith.xori %ge3A_174, %not3A_175 : i1
        %and3A_177 = arith.andi %or3A_172, %not3A_176 : i1
        %ne3A_178 = arith.cmpi ne, %add3A_131, %add3A_140 : i32
        %or3A_179 = arith.constant false
        %or3A_180 = arith.ori %or3A_179, %ne3A_178 : i1
        %or3A_181 = arith.ori %or3A_180, %eq3A_128 : i1
        %convert_element_type3A_182 = arith.extui %or3A_181 : i1 to i32
        %cond3A_183 = arith.constant 0 : i32
        %cond3A_184 = arith.cmpi ne, %convert_element_type3A_182, %cond3A_183 : i32
        scf.if %cond3A_184 {
          "tpu.trace_start"() <{level = 10 : i32, message = "ep_wait_in"}> : () -> ()
          %mul3A_264 = arith.constant 128 : i32
          %mul3A_265 = arith.muli %mul3A_264, %add3A_131 : i32
          %rem3A_266 = arith.constant 2 : i32
          %rem3A_267 = arith.remui %scan3A_123, %rem3A_266 : i32
          %dma_wait3A_268 = arith.constant 0 : i32
          %dma_wait3A_269 = arith.constant 0 : i32
          %dma_wait3A_270 = tpu.memref_slice %run_scoped3A[%rem3A_267, %dma_wait3A_268, %dma_wait3A_269] : memref<2x1x128xi32, #tpu.memory_space<vmem>> -> memref<1x1x128xi32, #tpu.memory_space<vmem>>
          %dma_wait3A_271 = tpu.memref_squeeze %dma_wait3A_270 : memref<1x1x128xi32, #tpu.memory_space<vmem>> -> memref<1x128xi32, #tpu.memory_space<vmem>>
          %dma_wait3A_272 = arith.constant 0 : i32
          %dma_wait3A_273 = tpu.memref_slice %arg3[%dma_wait3A_272, %mul3A_265] : memref<1x262144xi32, #tpu.memory_space<hbm>> -> memref<1x128xi32, #tpu.memory_space<hbm>>
          %dma_wait3A_274 = tpu.memref_slice %run_scoped3A_7[%rem3A_267] : memref<2x!tpu.dma_semaphore, #tpu.memory_space<semaphore_mem>> -> memref<1x!tpu.dma_semaphore, #tpu.memory_space<semaphore_mem>>
          %dma_wait3A_275 = tpu.memref_squeeze %dma_wait3A_274 : memref<1x!tpu.dma_semaphore, #tpu.memory_space<semaphore_mem>> -> memref<!tpu.dma_semaphore, #tpu.memory_space<semaphore_mem>>
          %dma_wait3A_276 = arith.constant 0 : i32
          %dma_wait3A_277 = arith.constant 0 : i32
          %dma_wait3A_278 = tpu.memref_slice %run_scoped3A[%rem3A_267, %dma_wait3A_276, %dma_wait3A_277] : memref<2x1x128xi32, #tpu.memory_space<vmem>> -> memref<1x1x128xi32, #tpu.memory_space<vmem>>
          %dma_wait3A_279 = tpu.memref_squeeze %dma_wait3A_278 : memref<1x1x128xi32, #tpu.memory_space<vmem>> -> memref<1x128xi32, #tpu.memory_space<vmem>>
          %dma_wait3A_280 = arith.constant 0 : i32
          %dma_wait3A_281 = tpu.memref_slice %arg3[%dma_wait3A_280, %mul3A_265] : memref<1x262144xi32, #tpu.memory_space<hbm>> -> memref<1x128xi32, #tpu.memory_space<hbm>>
          tpu.wait_dma2 semaphore(%dma_wait3A_275 : memref<!tpu.dma_semaphore, #tpu.memory_space<semaphore_mem>>) src(%dma_wait3A_281 : memref<1x128xi32, #tpu.memory_space<hbm>>) dst(%dma_wait3A_279 : memref<1x128xi32, #tpu.memory_space<vmem>>)
          "tpu.trace_stop"() : () -> ()
        } else {
        }
        %ne3A_185 = arith.cmpi ne, %add3A_131, %add3A_140 : i32
        %or3A_186 = arith.constant false
        %or3A_187 = arith.ori %or3A_186, %ne3A_185 : i1
        %or3A_188 = arith.constant false
        %or3A_189 = arith.ori %or3A_187, %or3A_188 : i1
        %or3A_190 = arith.ori %or3A_189, %eq3A_128 : i1
        %convert_element_type3A_191 = arith.extui %or3A_190 : i1 to i32
        %cond3A_192 = arith.constant 0 : i32
        %cond3A_193 = arith.cmpi ne, %convert_element_type3A_191, %cond3A_192 : i32
        scf.if %cond3A_193 {
        } else {
        }
        %rem3A_194 = arith.constant 2 : i32
        %rem3A_195 = arith.remui %scan3A_123, %rem3A_194 : i32
        %rem3A_196 = arith.constant 2 : i32
        %rem3A_197 = arith.remui %scan3A_124, %rem3A_196 : i32
        %run_scoped3A_198 = arith.constant 0 : i32
        "tpu.trace_start"() <{level = 10 : i32, message = "ep_run_kernel"}> : () -> ()
        "tpu.region"() ({
          %run_scoped3A_264 = tpu.sem_alloc : memref<!tpu.dma_semaphore, #tpu.memory_space<semaphore_mem>>
          %dma_start3A_265 = arith.constant 0 : i32
          %dma_start3A_266 = arith.constant 0 : i32
          %dma_start3A_267 = tpu.memref_slice %run_scoped3A_8[%rem3A_197, %dma_start3A_265, %dma_start3A_266] : memref<2x128x256xf32, #tpu.memory_space<vmem>> -> memref<1x128x256xf32, #tpu.memory_space<vmem>>
          %dma_start3A_268 = tpu.memref_squeeze %dma_start3A_267 : memref<1x128x256xf32, #tpu.memory_space<vmem>> -> memref<128x256xf32, #tpu.memory_space<vmem>>
          %dma_start3A_269 = arith.constant 0 : i32
          %dma_start3A_270 = arith.constant 0 : i32
          %dma_start3A_271 = tpu.memref_slice %run_scoped3A[%rem3A_195, %dma_start3A_269, %dma_start3A_270] : memref<2x1x128xi32, #tpu.memory_space<vmem>> -> memref<1x1x128xi32, #tpu.memory_space<vmem>>
          %dma_start3A_272 = tpu.memref_squeeze %dma_start3A_271 : memref<1x1x128xi32, #tpu.memory_space<vmem>> -> memref<1x128xi32, #tpu.memory_space<vmem>>
          %dma_start3A_273 = arith.constant 0 : i32
          %dma_start3A_274 = tpu.memref_slice %dma_start3A_272[%run_scoped3A_198, %dma_start3A_273] : memref<1x128xi32, #tpu.memory_space<vmem>> -> memref<1x128xi32, #tpu.memory_space<vmem>>
          %dma_start3A_275 = tpu.memref_squeeze %dma_start3A_274 : memref<1x128xi32, #tpu.memory_space<vmem>> -> memref<128xi32, #tpu.memory_space<vmem>>
          %dma_start3A_276 = arith.constant 0 : i32
          %dma_start3A_277 = arith.constant 0 : i32
          %dma_start3A_278 = tpu.memref_slice %arg2[%dma_start3A_276, %dma_start3A_277] : memref<32768x256xf32, #tpu.memory_space<hbm>> -> memref<32768x256xf32, #tpu.memory_space<hbm>>
          tpu.enqueue_indirect_dma source(%dma_start3A_278 : memref<32768x256xf32, #tpu.memory_space<hbm>>) target(%dma_start3A_268 : memref<128x256xf32, #tpu.memory_space<vmem>>) offsets(%dma_start3A_275 : memref<128xi32, #tpu.memory_space<vmem>>) semaphore(%run_scoped3A_264 : memref<!tpu.dma_semaphore, #tpu.memory_space<semaphore_mem>>)
          %dma_wait3A_279 = arith.constant 0 : i32
          %dma_wait3A_280 = arith.constant 0 : i32
          %dma_wait3A_281 = tpu.memref_slice %run_scoped3A_8[%rem3A_197, %dma_wait3A_279, %dma_wait3A_280] : memref<2x128x256xf32, #tpu.memory_space<vmem>> -> memref<1x128x256xf32, #tpu.memory_space<vmem>>
          %dma_wait3A_282 = tpu.memref_squeeze %dma_wait3A_281 : memref<1x128x256xf32, #tpu.memory_space<vmem>> -> memref<128x256xf32, #tpu.memory_space<vmem>>
          %dma_wait3A_283 = arith.constant 0 : i32
          %dma_wait3A_284 = arith.constant 0 : i32
          %dma_wait3A_285 = tpu.memref_slice %run_scoped3A[%rem3A_195, %dma_wait3A_283, %dma_wait3A_284] : memref<2x1x128xi32, #tpu.memory_space<vmem>> -> memref<1x1x128xi32, #tpu.memory_space<vmem>>
          %dma_wait3A_286 = tpu.memref_squeeze %dma_wait3A_285 : memref<1x1x128xi32, #tpu.memory_space<vmem>> -> memref<1x128xi32, #tpu.memory_space<vmem>>
          %dma_wait3A_287 = arith.constant 0 : i32
          %dma_wait3A_288 = tpu.memref_slice %dma_wait3A_286[%run_scoped3A_198, %dma_wait3A_287] : memref<1x128xi32, #tpu.memory_space<vmem>> -> memref<1x128xi32, #tpu.memory_space<vmem>>
          %dma_wait3A_289 = tpu.memref_squeeze %dma_wait3A_288 : memref<1x128xi32, #tpu.memory_space<vmem>> -> memref<128xi32, #tpu.memory_space<vmem>>
          %dma_wait3A_290 = arith.constant 0 : i32
          %dma_wait3A_291 = arith.constant 0 : i32
          %dma_wait3A_292 = tpu.memref_slice %arg2[%dma_wait3A_290, %dma_wait3A_291] : memref<32768x256xf32, #tpu.memory_space<hbm>> -> memref<32768x256xf32, #tpu.memory_space<hbm>>
          tpu.wait_indirect_dma semaphore(%run_scoped3A_264 : memref<!tpu.dma_semaphore, #tpu.memory_space<semaphore_mem>>) src(%dma_wait3A_292 : memref<32768x256xf32, #tpu.memory_space<hbm>>) dst(%dma_wait3A_282 : memref<128x256xf32, #tpu.memory_space<vmem>>)
          tpu.yield
        }) : () -> ()
        "tpu.trace_stop"() : () -> ()
        %ne3A_199 = arith.cmpi ne, %add3A_131, %add3A_149 : i32
        %or3A_200 = arith.constant false
        %or3A_201 = arith.ori %or3A_200, %ne3A_199 : i1
        %or3A_202 = arith.ori %or3A_201, %eq3A_130 : i1
        %convert_element_type3A_203 = arith.extui %or3A_202 : i1 to i32
        %cond3A_204 = arith.constant 0 : i32
        %cond3A_205 = arith.cmpi ne, %convert_element_type3A_203, %cond3A_204 : i32
        scf.if %cond3A_205 {
        } else {
        }
        %and3A_206 = arith.constant false
        %and3A_207 = arith.andi %or3A_202, %and3A_206 : i1
        %ne3A_208 = arith.cmpi ne, %add3A_131, %add3A_149 : i32
        %or3A_209 = arith.constant false
        %or3A_210 = arith.ori %or3A_209, %ne3A_208 : i1
        %or3A_211 = arith.constant false
        %or3A_212 = arith.ori %or3A_210, %or3A_211 : i1
        %or3A_213 = arith.ori %or3A_212, %eq3A_130 : i1
        %convert_element_type3A_214 = arith.extui %or3A_213 : i1 to i32
        %cond3A_215 = arith.constant 0 : i32
        %cond3A_216 = arith.cmpi ne, %convert_element_type3A_214, %cond3A_215 : i32
        scf.if %cond3A_216 {
          "tpu.trace_start"() <{level = 10 : i32, message = "ep_copy_out"}> : () -> ()
          %rem3A_264 = arith.constant 2 : i32
          %rem3A_265 = arith.remui %scan3A_124, %rem3A_264 : i32
          %mul3A_266 = arith.constant 128 : i32
          %mul3A_267 = arith.muli %mul3A_266, %add3A_131 : i32
          %dma_start3A_268 = arith.constant 0 : i32
          %dma_start3A_269 = arith.constant 0 : i32
          %dma_start3A_270 = tpu.memref_slice %run_scoped3A_8[%rem3A_265, %dma_start3A_268, %dma_start3A_269] : memref<2x128x256xf32, #tpu.memory_space<vmem>> -> memref<1x128x256xf32, #tpu.memory_space<vmem>>
          %dma_start3A_271 = tpu.memref_squeeze %dma_start3A_270 : memref<1x128x256xf32, #tpu.memory_space<vmem>> -> memref<128x256xf32, #tpu.memory_space<vmem>>
          %dma_start3A_272 = arith.constant 0 : i32
          %dma_start3A_273 = tpu.memref_slice %arg4[%mul3A_267, %dma_start3A_272] : memref<262144x256xf32, #tpu.memory_space<hbm>> -> memref<128x256xf32, #tpu.memory_space<hbm>>
          %dma_start3A_274 = tpu.memref_slice %run_scoped3A_9[%rem3A_265] : memref<2x!tpu.dma_semaphore, #tpu.memory_space<semaphore_mem>> -> memref<1x!tpu.dma_semaphore, #tpu.memory_space<semaphore_mem>>
          %dma_start3A_275 = tpu.memref_squeeze %dma_start3A_274 : memref<1x!tpu.dma_semaphore, #tpu.memory_space<semaphore_mem>> -> memref<!tpu.dma_semaphore, #tpu.memory_space<semaphore_mem>>
          %dma_start3A_276 = arith.constant 0 : i32
          %dma_start3A_277 = tpu.memref_slice %arg4[%mul3A_267, %dma_start3A_276] : memref<262144x256xf32, #tpu.memory_space<hbm>> -> memref<128x256xf32, #tpu.memory_space<hbm>>
          %dma_start3A_278 = arith.constant 0 : i32
          %dma_start3A_279 = arith.constant 0 : i32
          %dma_start3A_280 = tpu.memref_slice %run_scoped3A_8[%rem3A_265, %dma_start3A_278, %dma_start3A_279] : memref<2x128x256xf32, #tpu.memory_space<vmem>> -> memref<1x128x256xf32, #tpu.memory_space<vmem>>
          %dma_start3A_281 = tpu.memref_squeeze %dma_start3A_280 : memref<1x128x256xf32, #tpu.memory_space<vmem>> -> memref<128x256xf32, #tpu.memory_space<vmem>>
          tpu.enqueue_dma source(%dma_start3A_281 : memref<128x256xf32, #tpu.memory_space<vmem>>) target(%dma_start3A_277 : memref<128x256xf32, #tpu.memory_space<hbm>>) target_semaphore(%dma_start3A_275 : memref<!tpu.dma_semaphore, #tpu.memory_space<semaphore_mem>>)
          "tpu.trace_stop"() : () -> ()
        } else {
        }
        %and3A_217 = arith.constant true
        %and3A_218 = arith.andi %or3A_213, %and3A_217 : i1
        %add3A_219 = arith.constant 1 : i32
        %add3A_220 = arith.addi %scan3A_124, %add3A_219 : i32
        %select_n3A_221 = arith.select %and3A_218, %add3A_220, %scan3A_124 : i32
        %ne3A_222 = arith.cmpi ne, %add3A_131, %add3A_140 : i32
        %or3A_223 = arith.constant false
        %or3A_224 = arith.ori %or3A_223, %ne3A_222 : i1
        %not3A_225 = arith.constant true
        %not3A_226 = arith.xori %eq3A_128, %not3A_225 : i1
        %and3A_227 = arith.andi %or3A_224, %not3A_226 : i1
        %convert_element_type3A_228 = arith.extui %and3A_227 : i1 to i32
        %cond3A_229 = arith.constant 0 : i32
        %cond3A_230 = arith.cmpi ne, %convert_element_type3A_228, %cond3A_229 : i32
        scf.if %cond3A_230 {
        } else {
        }
        %and3A_231 = arith.constant false
        %and3A_232 = arith.andi %and3A_227, %and3A_231 : i1
        %ne3A_233 = arith.cmpi ne, %add3A_131, %add3A_140 : i32
        %or3A_234 = arith.constant false
        %or3A_235 = arith.ori %or3A_234, %ne3A_233 : i1
        %or3A_236 = arith.constant false
        %or3A_237 = arith.ori %or3A_235, %or3A_236 : i1
        %not3A_238 = arith.constant true
        %not3A_239 = arith.xori %eq3A_128, %not3A_238 : i1
        %and3A_240 = arith.andi %or3A_237, %not3A_239 : i1
        %convert_element_type3A_241 = arith.extui %and3A_240 : i1 to i32
        %cond3A_242 = arith.constant 0 : i32
        %cond3A_243 = arith.cmpi ne, %convert_element_type3A_241, %cond3A_242 : i32
        scf.if %cond3A_243 {
          "tpu.trace_start"() <{level = 10 : i32, message = "ep_wait_out"}> : () -> ()
          %rem3A_264 = arith.constant 2 : i32
          %rem3A_265 = arith.remui %scan3A_125, %rem3A_264 : i32
          %mul3A_266 = arith.constant 128 : i32
          %mul3A_267 = arith.muli %mul3A_266, %add3A_140 : i32
          %dma_wait3A_268 = arith.constant 0 : i32
          %dma_wait3A_269 = arith.constant 0 : i32
          %dma_wait3A_270 = tpu.memref_slice %run_scoped3A_8[%rem3A_265, %dma_wait3A_268, %dma_wait3A_269] : memref<2x128x256xf32, #tpu.memory_space<vmem>> -> memref<1x128x256xf32, #tpu.memory_space<vmem>>
          %dma_wait3A_271 = tpu.memref_squeeze %dma_wait3A_270 : memref<1x128x256xf32, #tpu.memory_space<vmem>> -> memref<128x256xf32, #tpu.memory_space<vmem>>
          %dma_wait3A_272 = arith.constant 0 : i32
          %dma_wait3A_273 = tpu.memref_slice %arg4[%mul3A_267, %dma_wait3A_272] : memref<262144x256xf32, #tpu.memory_space<hbm>> -> memref<128x256xf32, #tpu.memory_space<hbm>>
          %dma_wait3A_274 = tpu.memref_slice %run_scoped3A_9[%rem3A_265] : memref<2x!tpu.dma_semaphore, #tpu.memory_space<semaphore_mem>> -> memref<1x!tpu.dma_semaphore, #tpu.memory_space<semaphore_mem>>
          %dma_wait3A_275 = tpu.memref_squeeze %dma_wait3A_274 : memref<1x!tpu.dma_semaphore, #tpu.memory_space<semaphore_mem>> -> memref<!tpu.dma_semaphore, #tpu.memory_space<semaphore_mem>>
          %dma_wait3A_276 = arith.constant 0 : i32
          %dma_wait3A_277 = tpu.memref_slice %arg4[%mul3A_267, %dma_wait3A_276] : memref<262144x256xf32, #tpu.memory_space<hbm>> -> memref<128x256xf32, #tpu.memory_space<hbm>>
          %dma_wait3A_278 = arith.constant 0 : i32
          %dma_wait3A_279 = arith.constant 0 : i32
          %dma_wait3A_280 = tpu.memref_slice %run_scoped3A_8[%rem3A_265, %dma_wait3A_278, %dma_wait3A_279] : memref<2x128x256xf32, #tpu.memory_space<vmem>> -> memref<1x128x256xf32, #tpu.memory_space<vmem>>
          %dma_wait3A_281 = tpu.memref_squeeze %dma_wait3A_280 : memref<1x128x256xf32, #tpu.memory_space<vmem>> -> memref<128x256xf32, #tpu.memory_space<vmem>>
          tpu.wait_dma2 semaphore(%dma_wait3A_275 : memref<!tpu.dma_semaphore, #tpu.memory_space<semaphore_mem>>) src(%dma_wait3A_281 : memref<128x256xf32, #tpu.memory_space<vmem>>) dst(%dma_wait3A_277 : memref<128x256xf32, #tpu.memory_space<hbm>>)
          "tpu.trace_stop"() : () -> ()
        } else {
        }
        %and3A_244 = arith.constant true
        %and3A_245 = arith.andi %and3A_240, %and3A_244 : i1
        %add3A_246 = arith.constant 1 : i32
        %add3A_247 = arith.addi %scan3A_125, %add3A_246 : i32
        %select_n3A_248 = arith.select %and3A_245, %add3A_247, %scan3A_125 : i32
        %ne3A_249 = arith.cmpi ne, %add3A_131, %add3A_149 : i32
        %or3A_250 = arith.constant false
        %or3A_251 = arith.ori %or3A_250, %ne3A_249 : i1
        %or3A_252 = arith.ori %or3A_251, %eq3A_130 : i1
        %add3A_253 = arith.constant 1 : i32
        %add3A_254 = arith.addi %scan3A_123, %add3A_253 : i32
        %select_n3A_255 = arith.select %or3A_252, %add3A_254, %scan3A_123 : i32
        %add3A_256 = arith.constant 1 : i32
        %add3A_257 = arith.addi %scan3A_126, %add3A_256 : i32
        %select_n3A_258 = arith.constant true
        %select_n3A_259 = arith.select %select_n3A_258, %add3A_257, %scan3A_126 : i32
        %eq3A_260 = arith.constant 64 : i32
        %eq3A_261 = arith.cmpi eq, %select_n3A_259, %eq3A_260 : i32
        %select_n3A_262 = arith.constant 0 : i32
        %select_n3A_263 = arith.select %eq3A_261, %select_n3A_262, %select_n3A_259 : i32
        scf.yield %select_n3A_167, %select_n3A_255, %select_n3A_221, %select_n3A_248, %select_n3A_263 : i32, i32, i32, i32, i32
      }
      %scan3A_68 = arith.constant 64 : i32
      %sub3A = arith.constant 1 : i32
      %sub3A_69 = arith.subi %scan3A_67#4, %sub3A : i32
      %select_n3A_70 = arith.constant true
      %select_n3A_71 = arith.select %select_n3A_70, %sub3A_69, %scan3A_67#4 : i32
      %eq3A_72 = arith.constant -1 : i32
      %eq3A_73 = arith.cmpi eq, %select_n3A_71, %eq3A_72 : i32
      %select_n3A_74 = arith.constant 63 : i32
      %select_n3A_75 = arith.select %eq3A_73, %select_n3A_74, %select_n3A_71 : i32
      %add3A_76 = arith.addi %select_n3A_75, %mul3A_6 : i32
      %sub3A_77 = arith.constant 1 : i32
      %sub3A_78 = arith.subi %select_n3A_75, %sub3A_77 : i32
      %select_n3A_79 = arith.constant true
      %select_n3A_80 = arith.select %select_n3A_79, %sub3A_78, %select_n3A_75 : i32
      %eq3A_81 = arith.constant -1 : i32
      %eq3A_82 = arith.cmpi eq, %select_n3A_80, %eq3A_81 : i32
      %select_n3A_83 = arith.constant 63 : i32
      %select_n3A_84 = arith.select %eq3A_82, %select_n3A_83, %select_n3A_80 : i32
      %add3A_85 = arith.addi %select_n3A_84, %mul3A_6 : i32
      %add3A_86 = arith.constant 1 : i32
      %add3A_87 = arith.addi %select_n3A_75, %add3A_86 : i32
      %select_n3A_88 = arith.constant true
      %select_n3A_89 = arith.select %select_n3A_88, %add3A_87, %select_n3A_75 : i32
      %eq3A_90 = arith.constant 64 : i32
      %eq3A_91 = arith.cmpi eq, %select_n3A_89, %eq3A_90 : i32
      %select_n3A_92 = arith.constant 0 : i32
      %select_n3A_93 = arith.select %eq3A_91, %select_n3A_92, %select_n3A_89 : i32
      %add3A_94 = arith.addi %select_n3A_93, %mul3A_6 : i32
      %add3A_95 = arith.constant 1 : i32
      %add3A_96 = arith.addi %select_n3A_93, %add3A_95 : i32
      %select_n3A_97 = arith.constant true
      %select_n3A_98 = arith.select %select_n3A_97, %add3A_96, %select_n3A_93 : i32
      %eq3A_99 = arith.constant 64 : i32
      %eq3A_100 = arith.cmpi eq, %select_n3A_98, %eq3A_99 : i32
      %select_n3A_101 = arith.constant 0 : i32
      %select_n3A_102 = arith.select %eq3A_100, %select_n3A_101, %select_n3A_98 : i32
      %add3A_103 = arith.addi %select_n3A_102, %mul3A_6 : i32
      "tpu.trace_start"() <{level = 10 : i32, message = "ep_finalize"}> : () -> ()
      %rem3A_104 = arith.constant 2 : i32
      %rem3A_105 = arith.remui %scan3A_67#3, %rem3A_104 : i32
      %mul3A_106 = arith.constant 128 : i32
      %mul3A_107 = arith.muli %mul3A_106, %add3A_76 : i32
      %dma_wait3A = arith.constant 0 : i32
      %dma_wait3A_108 = arith.constant 0 : i32
      %dma_wait3A_109 = tpu.memref_slice %run_scoped3A_8[%rem3A_105, %dma_wait3A, %dma_wait3A_108] : memref<2x128x256xf32, #tpu.memory_space<vmem>> -> memref<1x128x256xf32, #tpu.memory_space<vmem>>
      %dma_wait3A_110 = tpu.memref_squeeze %dma_wait3A_109 : memref<1x128x256xf32, #tpu.memory_space<vmem>> -> memref<128x256xf32, #tpu.memory_space<vmem>>
      %dma_wait3A_111 = arith.constant 0 : i32
      %dma_wait3A_112 = tpu.memref_slice %arg4[%mul3A_107, %dma_wait3A_111] : memref<262144x256xf32, #tpu.memory_space<hbm>> -> memref<128x256xf32, #tpu.memory_space<hbm>>
      %dma_wait3A_113 = tpu.memref_slice %run_scoped3A_9[%rem3A_105] : memref<2x!tpu.dma_semaphore, #tpu.memory_space<semaphore_mem>> -> memref<1x!tpu.dma_semaphore, #tpu.memory_space<semaphore_mem>>
      %dma_wait3A_114 = tpu.memref_squeeze %dma_wait3A_113 : memref<1x!tpu.dma_semaphore, #tpu.memory_space<semaphore_mem>> -> memref<!tpu.dma_semaphore, #tpu.memory_space<semaphore_mem>>
      %dma_wait3A_115 = arith.constant 0 : i32
      %dma_wait3A_116 = tpu.memref_slice %arg4[%mul3A_107, %dma_wait3A_115] : memref<262144x256xf32, #tpu.memory_space<hbm>> -> memref<128x256xf32, #tpu.memory_space<hbm>>
      %dma_wait3A_117 = arith.constant 0 : i32
      %dma_wait3A_118 = arith.constant 0 : i32
      %dma_wait3A_119 = tpu.memref_slice %run_scoped3A_8[%rem3A_105, %dma_wait3A_117, %dma_wait3A_118] : memref<2x128x256xf32, #tpu.memory_space<vmem>> -> memref<1x128x256xf32, #tpu.memory_space<vmem>>
      %dma_wait3A_120 = tpu.memref_squeeze %dma_wait3A_119 : memref<1x128x256xf32, #tpu.memory_space<vmem>> -> memref<128x256xf32, #tpu.memory_space<vmem>>
      tpu.wait_dma2 semaphore(%dma_wait3A_114 : memref<!tpu.dma_semaphore, #tpu.memory_space<semaphore_mem>>) src(%dma_wait3A_120 : memref<128x256xf32, #tpu.memory_space<vmem>>) dst(%dma_wait3A_116 : memref<128x256xf32, #tpu.memory_space<hbm>>)
      "tpu.trace_stop"() : () -> ()
      tpu.yield
    }) : () -> ()
    return
  }
}

#map = affine_map<(d0, d1) -> (0, 0)>
module attributes {stable_mosaic.version = 14 : i64} {
  func.func @kern(%arg0: i32, %arg1: i32, %arg2: memref<32768x256xf32, #tpu.memory_space<hbm>>, %arg3: memref<1x8192xi32, #tpu.memory_space<hbm>>, %arg4: memref<8192x256xf32, #tpu.memory_space<hbm>>) attributes {dimension_semantics = [#tpu.dimension_semantics<core_parallel>, #tpu.dimension_semantics<subcore_parallel>], iteration_bounds = array<i64: 2, 16>, scalar_prefetch = 0 : i64, scratch_operands = 0 : i64, tpu.core_type = #tpu.core_type<sc_vector_subcore>, window_params = [{transform_indices = #map}, {transform_indices = #map}, {transform_indices = #map}]} {
    %mul3A = arith.constant 1 : i32
    %mul3A_0 = arith.muli %arg1, %mul3A : i32
    %add3A = arith.constant 0 : i32
    %add3A_1 = arith.addi %add3A, %mul3A_0 : i32
    %mul3A_2 = arith.constant 16 : i32
    %mul3A_3 = arith.muli %arg0, %mul3A_2 : i32
    %add3A_4 = arith.addi %add3A_1, %mul3A_3 : i32
    %mul3A_5 = arith.constant 2 : i32
    %mul3A_6 = arith.muli %add3A_4, %mul3A_5 : i32
    "tpu.region"() ({
      %run_scoped3A = memref.alloca() : memref<2x1x128xi32, #tpu.memory_space<vmem>>
      %run_scoped3A_7 = tpu.sem_alloc : memref<2x!tpu.dma_semaphore, #tpu.memory_space<semaphore_mem>>
      %run_scoped3A_8 = memref.alloca() : memref<2x128x256xf32, #tpu.memory_space<vmem>>
      %run_scoped3A_9 = tpu.sem_alloc : memref<2x!tpu.dma_semaphore, #tpu.memory_space<semaphore_mem>>
      %add3A_10 = arith.constant 0 : i32
      %add3A_11 = arith.addi %add3A_10, %mul3A_6 : i32
      %select_n3A = arith.constant true
      %select_n3A_12 = arith.constant 0 : i32
      %select_n3A_13 = arith.constant -1 : i32
      %select_n3A_14 = arith.select %select_n3A, %select_n3A_13, %select_n3A_12 : i32
      %eq3A = arith.constant -1 : i32
      %eq3A_15 = arith.cmpi eq, %select_n3A_14, %eq3A : i32
      %select_n3A_16 = arith.constant 1 : i32
      %select_n3A_17 = arith.select %eq3A_15, %select_n3A_16, %select_n3A_14 : i32
      %add3A_18 = arith.addi %select_n3A_17, %mul3A_6 : i32
      %select_n3A_19 = arith.constant true
      %select_n3A_20 = arith.constant 0 : i32
      %select_n3A_21 = arith.constant 1 : i32
      %select_n3A_22 = arith.select %select_n3A_19, %select_n3A_21, %select_n3A_20 : i32
      %eq3A_23 = arith.constant 2 : i32
      %eq3A_24 = arith.cmpi eq, %select_n3A_22, %eq3A_23 : i32
      %select_n3A_25 = arith.constant 0 : i32
      %select_n3A_26 = arith.select %eq3A_24, %select_n3A_25, %select_n3A_22 : i32
      %add3A_27 = arith.addi %select_n3A_26, %mul3A_6 : i32
      %add3A_28 = arith.constant 1 : i32
      %add3A_29 = arith.addi %select_n3A_26, %add3A_28 : i32
      %select_n3A_30 = arith.constant true
      %select_n3A_31 = arith.select %select_n3A_30, %add3A_29, %select_n3A_26 : i32
      %eq3A_32 = arith.constant 2 : i32
      %eq3A_33 = arith.cmpi eq, %select_n3A_31, %eq3A_32 : i32
      %select_n3A_34 = arith.constant 0 : i32
      %select_n3A_35 = arith.select %eq3A_33, %select_n3A_34, %select_n3A_31 : i32
      %add3A_36 = arith.addi %select_n3A_35, %mul3A_6 : i32
      "tpu.trace_start"() <{level = 10 : i32, message = "ep_initialize_0"}> : () -> ()
      %rem3A = arith.constant 0 : i32
      %rem3A_37 = arith.constant 2 : i32
      %rem3A_38 = arith.remui %rem3A, %rem3A_37 : i32
      %mul3A_39 = arith.constant 128 : i32
      %mul3A_40 = arith.muli %mul3A_39, %add3A_11 : i32
      %dma_start3A = arith.constant 0 : i32
      %dma_start3A_41 = arith.constant 0 : i32
      %dma_start3A_42 = tpu.memref_slice %run_scoped3A[%rem3A_38, %dma_start3A, %dma_start3A_41] : memref<2x1x128xi32, #tpu.memory_space<vmem>> -> memref<1x1x128xi32, #tpu.memory_space<vmem>>
      %dma_start3A_43 = tpu.memref_squeeze %dma_start3A_42 : memref<1x1x128xi32, #tpu.memory_space<vmem>> -> memref<1x128xi32, #tpu.memory_space<vmem>>
      %dma_start3A_44 = arith.constant 0 : i32
      %dma_start3A_45 = tpu.memref_slice %arg3[%dma_start3A_44, %mul3A_40] : memref<1x8192xi32, #tpu.memory_space<hbm>> -> memref<1x128xi32, #tpu.memory_space<hbm>>
      %dma_start3A_46 = tpu.memref_slice %run_scoped3A_7[%rem3A_38] : memref<2x!tpu.dma_semaphore, #tpu.memory_space<semaphore_mem>> -> memref<1x!tpu.dma_semaphore, #tpu.memory_space<semaphore_mem>>
      %dma_start3A_47 = tpu.memref_squeeze %dma_start3A_46 : memref<1x!tpu.dma_semaphore, #tpu.memory_space<semaphore_mem>> -> memref<!tpu.dma_semaphore, #tpu.memory_space<semaphore_mem>>
      %dma_start3A_48 = arith.constant 0 : i32
      %dma_start3A_49 = arith.constant 0 : i32
      %dma_start3A_50 = tpu.memref_slice %run_scoped3A[%rem3A_38, %dma_start3A_48, %dma_start3A_49] : memref<2x1x128xi32, #tpu.memory_space<vmem>> -> memref<1x1x128xi32, #tpu.memory_space<vmem>>
      %dma_start3A_51 = tpu.memref_squeeze %dma_start3A_50 : memref<1x1x128xi32, #tpu.memory_space<vmem>> -> memref<1x128xi32, #tpu.memory_space<vmem>>
      %dma_start3A_52 = arith.constant 0 : i32
      %dma_start3A_53 = tpu.memref_slice %arg3[%dma_start3A_52, %mul3A_40] : memref<1x8192xi32, #tpu.memory_space<hbm>> -> memref<1x128xi32, #tpu.memory_space<hbm>>
      tpu.enqueue_dma source(%dma_start3A_53 : memref<1x128xi32, #tpu.memory_space<hbm>>) target(%dma_start3A_51 : memref<1x128xi32, #tpu.memory_space<vmem>>) target_semaphore(%dma_start3A_47 : memref<!tpu.dma_semaphore, #tpu.memory_space<semaphore_mem>>)
      %add3A_54 = arith.constant 0 : i32
      %add3A_55 = arith.constant 1 : i32
      %add3A_56 = arith.addi %add3A_54, %add3A_55 : i32
      %select_n3A_57 = arith.constant true
      %select_n3A_58 = arith.constant 0 : i32
      %select_n3A_59 = arith.select %select_n3A_57, %add3A_56, %select_n3A_58 : i32
      "tpu.trace_stop"() : () -> ()
      %scan3A = arith.constant 0 : i32
      %scan3A_60 = arith.constant 0 : i32
      %scan3A_61 = arith.constant 0 : i32
      %scan3A_62 = arith.constant 0 : i32
      %scan3A_63 = arith.constant 0 : i32
      %scan3A_64 = arith.constant 2 : i32
      %scan3A_65 = arith.addi %scan3A_63, %scan3A_64 : i32
      %scan3A_66 = arith.constant 1 : i32
      %scan3A_67:5 = scf.for %scan3A_121 = %scan3A_63 to %scan3A_65 step %scan3A_66 iter_args(%scan3A_122 = %select_n3A_59, %scan3A_123 = %scan3A, %scan3A_124 = %scan3A_60, %scan3A_125 = %scan3A_61, %scan3A_126 = %scan3A_62) -> (i32, i32, i32, i32, i32)  : i32 {
        %eq3A_127 = arith.constant 0 : i32
        %eq3A_128 = arith.cmpi eq, %scan3A_121, %eq3A_127 : i32
        %eq3A_129 = arith.constant 1 : i32
        %eq3A_130 = arith.cmpi eq, %scan3A_121, %eq3A_129 : i32
        %add3A_131 = arith.addi %scan3A_126, %mul3A_6 : i32
        %sub3A_132 = arith.constant 1 : i32
        %sub3A_133 = arith.subi %scan3A_126, %sub3A_132 : i32
        %select_n3A_134 = arith.constant true
        %select_n3A_135 = arith.select %select_n3A_134, %sub3A_133, %scan3A_126 : i32
        %eq3A_136 = arith.constant -1 : i32
        %eq3A_137 = arith.cmpi eq, %select_n3A_135, %eq3A_136 : i32
        %select_n3A_138 = arith.constant 1 : i32
        %select_n3A_139 = arith.select %eq3A_137, %select_n3A_138, %select_n3A_135 : i32
        %add3A_140 = arith.addi %select_n3A_139, %mul3A_6 : i32
        %add3A_141 = arith.constant 1 : i32
        %add3A_142 = arith.addi %scan3A_126, %add3A_141 : i32
        %select_n3A_143 = arith.constant true
        %select_n3A_144 = arith.select %select_n3A_143, %add3A_142, %scan3A_126 : i32
        %eq3A_145 = arith.constant 2 : i32
        %eq3A_146 = arith.cmpi eq, %select_n3A_144, %eq3A_145 : i32
        %select_n3A_147 = arith.constant 0 : i32
        %select_n3A_148 = arith.select %eq3A_146, %select_n3A_147, %select_n3A_144 : i32
        %add3A_149 = arith.addi %select_n3A_148, %mul3A_6 : i32
        %add3A_150 = arith.constant 1 : i32
        %add3A_151 = arith.addi %select_n3A_148, %add3A_150 : i32
        %select_n3A_152 = arith.constant true
        %select_n3A_153 = arith.select %select_n3A_152, %add3A_151, %select_n3A_148 : i32
        %eq3A_154 = arith.constant 2 : i32
        %eq3A_155 = arith.cmpi eq, %select_n3A_153, %eq3A_154 : i32
        %select_n3A_156 = arith.constant 0 : i32
        %select_n3A_157 = arith.select %eq3A_155, %select_n3A_156, %select_n3A_153 : i32
        %add3A_158 = arith.addi %select_n3A_157, %mul3A_6 : i32
        %ne3A = arith.cmpi ne, %add3A_131, %add3A_149 : i32
        %or3A = arith.constant false
        %or3A_159 = arith.ori %or3A, %ne3A : i1
        %ge3A = arith.constant 1 : i32
        %ge3A_160 = arith.cmpi sge, %scan3A_121, %ge3A : i32
        %not3A = arith.constant true
        %not3A_161 = arith.xori %ge3A_160, %not3A : i1
        %and3A = arith.andi %or3A_159, %not3A_161 : i1
        %convert_element_type3A = arith.extui %and3A : i1 to i32
        %cond3A = arith.constant 0 : i32
        %cond3A_162 = arith.cmpi ne, %convert_element_type3A, %cond3A : i32
        scf.if %cond3A_162 {
          "tpu.trace_start"() <{level = 10 : i32, message = "ep_copy_in"}> : () -> ()
          %rem3A_264 = arith.constant 2 : i32
          %rem3A_265 = arith.remui %scan3A_122, %rem3A_264 : i32
          %mul3A_266 = arith.constant 128 : i32
          %mul3A_267 = arith.muli %mul3A_266, %add3A_149 : i32
          %dma_start3A_268 = arith.constant 0 : i32
          %dma_start3A_269 = arith.constant 0 : i32
          %dma_start3A_270 = tpu.memref_slice %run_scoped3A[%rem3A_265, %dma_start3A_268, %dma_start3A_269] : memref<2x1x128xi32, #tpu.memory_space<vmem>> -> memref<1x1x128xi32, #tpu.memory_space<vmem>>
          %dma_start3A_271 = tpu.memref_squeeze %dma_start3A_270 : memref<1x1x128xi32, #tpu.memory_space<vmem>> -> memref<1x128xi32, #tpu.memory_space<vmem>>
          %dma_start3A_272 = arith.constant 0 : i32
          %dma_start3A_273 = tpu.memref_slice %arg3[%dma_start3A_272, %mul3A_267] : memref<1x8192xi32, #tpu.memory_space<hbm>> -> memref<1x128xi32, #tpu.memory_space<hbm>>
          %dma_start3A_274 = tpu.memref_slice %run_scoped3A_7[%rem3A_265] : memref<2x!tpu.dma_semaphore, #tpu.memory_space<semaphore_mem>> -> memref<1x!tpu.dma_semaphore, #tpu.memory_space<semaphore_mem>>
          %dma_start3A_275 = tpu.memref_squeeze %dma_start3A_274 : memref<1x!tpu.dma_semaphore, #tpu.memory_space<semaphore_mem>> -> memref<!tpu.dma_semaphore, #tpu.memory_space<semaphore_mem>>
          %dma_start3A_276 = arith.constant 0 : i32
          %dma_start3A_277 = arith.constant 0 : i32
          %dma_start3A_278 = tpu.memref_slice %run_scoped3A[%rem3A_265, %dma_start3A_276, %dma_start3A_277] : memref<2x1x128xi32, #tpu.memory_space<vmem>> -> memref<1x1x128xi32, #tpu.memory_space<vmem>>
          %dma_start3A_279 = tpu.memref_squeeze %dma_start3A_278 : memref<1x1x128xi32, #tpu.memory_space<vmem>> -> memref<1x128xi32, #tpu.memory_space<vmem>>
          %dma_start3A_280 = arith.constant 0 : i32
          %dma_start3A_281 = tpu.memref_slice %arg3[%dma_start3A_280, %mul3A_267] : memref<1x8192xi32, #tpu.memory_space<hbm>> -> memref<1x128xi32, #tpu.memory_space<hbm>>
          tpu.enqueue_dma source(%dma_start3A_281 : memref<1x128xi32, #tpu.memory_space<hbm>>) target(%dma_start3A_279 : memref<1x128xi32, #tpu.memory_space<vmem>>) target_semaphore(%dma_start3A_275 : memref<!tpu.dma_semaphore, #tpu.memory_space<semaphore_mem>>)
          "tpu.trace_stop"() : () -> ()
        } else {
        }
        %and3A_163 = arith.constant true
        %and3A_164 = arith.andi %and3A, %and3A_163 : i1
        %add3A_165 = arith.constant 1 : i32
        %add3A_166 = arith.addi %scan3A_122, %add3A_165 : i32
        %select_n3A_167 = arith.select %and3A_164, %add3A_166, %scan3A_122 : i32
        %ne3A_168 = arith.cmpi ne, %add3A_131, %add3A_149 : i32
        %or3A_169 = arith.constant false
        %or3A_170 = arith.ori %or3A_169, %ne3A_168 : i1
        %or3A_171 = arith.constant false
        %or3A_172 = arith.ori %or3A_170, %or3A_171 : i1
        %ge3A_173 = arith.constant 1 : i32
        %ge3A_174 = arith.cmpi sge, %scan3A_121, %ge3A_173 : i32
        %not3A_175 = arith.constant true
        %not3A_176 = arith.xori %ge3A_174, %not3A_175 : i1
        %and3A_177 = arith.andi %or3A_172, %not3A_176 : i1
        %ne3A_178 = arith.cmpi ne, %add3A_131, %add3A_140 : i32
        %or3A_179 = arith.constant false
        %or3A_180 = arith.ori %or3A_179, %ne3A_178 : i1
        %or3A_181 = arith.ori %or3A_180, %eq3A_128 : i1
        %convert_element_type3A_182 = arith.extui %or3A_181 : i1 to i32
        %cond3A_183 = arith.constant 0 : i32
        %cond3A_184 = arith.cmpi ne, %convert_element_type3A_182, %cond3A_183 : i32
        scf.if %cond3A_184 {
          "tpu.trace_start"() <{level = 10 : i32, message = "ep_wait_in"}> : () -> ()
          %mul3A_264 = arith.constant 128 : i32
          %mul3A_265 = arith.muli %mul3A_264, %add3A_131 : i32
          %rem3A_266 = arith.constant 2 : i32
          %rem3A_267 = arith.remui %scan3A_123, %rem3A_266 : i32
          %dma_wait3A_268 = arith.constant 0 : i32
          %dma_wait3A_269 = arith.constant 0 : i32
          %dma_wait3A_270 = tpu.memref_slice %run_scoped3A[%rem3A_267, %dma_wait3A_268, %dma_wait3A_269] : memref<2x1x128xi32, #tpu.memory_space<vmem>> -> memref<1x1x128xi32, #tpu.memory_space<vmem>>
          %dma_wait3A_271 = tpu.memref_squeeze %dma_wait3A_270 : memref<1x1x128xi32, #tpu.memory_space<vmem>> -> memref<1x128xi32, #tpu.memory_space<vmem>>
          %dma_wait3A_272 = arith.constant 0 : i32
          %dma_wait3A_273 = tpu.memref_slice %arg3[%dma_wait3A_272, %mul3A_265] : memref<1x8192xi32, #tpu.memory_space<hbm>> -> memref<1x128xi32, #tpu.memory_space<hbm>>
          %dma_wait3A_274 = tpu.memref_slice %run_scoped3A_7[%rem3A_267] : memref<2x!tpu.dma_semaphore, #tpu.memory_space<semaphore_mem>> -> memref<1x!tpu.dma_semaphore, #tpu.memory_space<semaphore_mem>>
          %dma_wait3A_275 = tpu.memref_squeeze %dma_wait3A_274 : memref<1x!tpu.dma_semaphore, #tpu.memory_space<semaphore_mem>> -> memref<!tpu.dma_semaphore, #tpu.memory_space<semaphore_mem>>
          %dma_wait3A_276 = arith.constant 0 : i32
          %dma_wait3A_277 = arith.constant 0 : i32
          %dma_wait3A_278 = tpu.memref_slice %run_scoped3A[%rem3A_267, %dma_wait3A_276, %dma_wait3A_277] : memref<2x1x128xi32, #tpu.memory_space<vmem>> -> memref<1x1x128xi32, #tpu.memory_space<vmem>>
          %dma_wait3A_279 = tpu.memref_squeeze %dma_wait3A_278 : memref<1x1x128xi32, #tpu.memory_space<vmem>> -> memref<1x128xi32, #tpu.memory_space<vmem>>
          %dma_wait3A_280 = arith.constant 0 : i32
          %dma_wait3A_281 = tpu.memref_slice %arg3[%dma_wait3A_280, %mul3A_265] : memref<1x8192xi32, #tpu.memory_space<hbm>> -> memref<1x128xi32, #tpu.memory_space<hbm>>
          tpu.wait_dma2 semaphore(%dma_wait3A_275 : memref<!tpu.dma_semaphore, #tpu.memory_space<semaphore_mem>>) src(%dma_wait3A_281 : memref<1x128xi32, #tpu.memory_space<hbm>>) dst(%dma_wait3A_279 : memref<1x128xi32, #tpu.memory_space<vmem>>)
          "tpu.trace_stop"() : () -> ()
        } else {
        }
        %ne3A_185 = arith.cmpi ne, %add3A_131, %add3A_140 : i32
        %or3A_186 = arith.constant false
        %or3A_187 = arith.ori %or3A_186, %ne3A_185 : i1
        %or3A_188 = arith.constant false
        %or3A_189 = arith.ori %or3A_187, %or3A_188 : i1
        %or3A_190 = arith.ori %or3A_189, %eq3A_128 : i1
        %convert_element_type3A_191 = arith.extui %or3A_190 : i1 to i32
        %cond3A_192 = arith.constant 0 : i32
        %cond3A_193 = arith.cmpi ne, %convert_element_type3A_191, %cond3A_192 : i32
        scf.if %cond3A_193 {
        } else {
        }
        %rem3A_194 = arith.constant 2 : i32
        %rem3A_195 = arith.remui %scan3A_123, %rem3A_194 : i32
        %rem3A_196 = arith.constant 2 : i32
        %rem3A_197 = arith.remui %scan3A_124, %rem3A_196 : i32
        %run_scoped3A_198 = arith.constant 0 : i32
        "tpu.trace_start"() <{level = 10 : i32, message = "ep_run_kernel"}> : () -> ()
        "tpu.region"() ({
          %run_scoped3A_264 = tpu.sem_alloc : memref<!tpu.dma_semaphore, #tpu.memory_space<semaphore_mem>>
          %dma_start3A_265 = arith.constant 0 : i32
          %dma_start3A_266 = arith.constant 0 : i32
          %dma_start3A_267 = tpu.memref_slice %run_scoped3A_8[%rem3A_197, %dma_start3A_265, %dma_start3A_266] : memref<2x128x256xf32, #tpu.memory_space<vmem>> -> memref<1x128x256xf32, #tpu.memory_space<vmem>>
          %dma_start3A_268 = tpu.memref_squeeze %dma_start3A_267 : memref<1x128x256xf32, #tpu.memory_space<vmem>> -> memref<128x256xf32, #tpu.memory_space<vmem>>
          %dma_start3A_269 = arith.constant 0 : i32
          %dma_start3A_270 = arith.constant 0 : i32
          %dma_start3A_271 = tpu.memref_slice %run_scoped3A[%rem3A_195, %dma_start3A_269, %dma_start3A_270] : memref<2x1x128xi32, #tpu.memory_space<vmem>> -> memref<1x1x128xi32, #tpu.memory_space<vmem>>
          %dma_start3A_272 = tpu.memref_squeeze %dma_start3A_271 : memref<1x1x128xi32, #tpu.memory_space<vmem>> -> memref<1x128xi32, #tpu.memory_space<vmem>>
          %dma_start3A_273 = arith.constant 0 : i32
          %dma_start3A_274 = tpu.memref_slice %dma_start3A_272[%run_scoped3A_198, %dma_start3A_273] : memref<1x128xi32, #tpu.memory_space<vmem>> -> memref<1x128xi32, #tpu.memory_space<vmem>>
          %dma_start3A_275 = tpu.memref_squeeze %dma_start3A_274 : memref<1x128xi32, #tpu.memory_space<vmem>> -> memref<128xi32, #tpu.memory_space<vmem>>
          %dma_start3A_276 = arith.constant 0 : i32
          %dma_start3A_277 = arith.constant 0 : i32
          %dma_start3A_278 = tpu.memref_slice %arg2[%dma_start3A_276, %dma_start3A_277] : memref<32768x256xf32, #tpu.memory_space<hbm>> -> memref<32768x256xf32, #tpu.memory_space<hbm>>
          tpu.enqueue_indirect_dma source(%dma_start3A_278 : memref<32768x256xf32, #tpu.memory_space<hbm>>) target(%dma_start3A_268 : memref<128x256xf32, #tpu.memory_space<vmem>>) offsets(%dma_start3A_275 : memref<128xi32, #tpu.memory_space<vmem>>) semaphore(%run_scoped3A_264 : memref<!tpu.dma_semaphore, #tpu.memory_space<semaphore_mem>>)
          %dma_wait3A_279 = arith.constant 0 : i32
          %dma_wait3A_280 = arith.constant 0 : i32
          %dma_wait3A_281 = tpu.memref_slice %run_scoped3A_8[%rem3A_197, %dma_wait3A_279, %dma_wait3A_280] : memref<2x128x256xf32, #tpu.memory_space<vmem>> -> memref<1x128x256xf32, #tpu.memory_space<vmem>>
          %dma_wait3A_282 = tpu.memref_squeeze %dma_wait3A_281 : memref<1x128x256xf32, #tpu.memory_space<vmem>> -> memref<128x256xf32, #tpu.memory_space<vmem>>
          %dma_wait3A_283 = arith.constant 0 : i32
          %dma_wait3A_284 = arith.constant 0 : i32
          %dma_wait3A_285 = tpu.memref_slice %run_scoped3A[%rem3A_195, %dma_wait3A_283, %dma_wait3A_284] : memref<2x1x128xi32, #tpu.memory_space<vmem>> -> memref<1x1x128xi32, #tpu.memory_space<vmem>>
          %dma_wait3A_286 = tpu.memref_squeeze %dma_wait3A_285 : memref<1x1x128xi32, #tpu.memory_space<vmem>> -> memref<1x128xi32, #tpu.memory_space<vmem>>
          %dma_wait3A_287 = arith.constant 0 : i32
          %dma_wait3A_288 = tpu.memref_slice %dma_wait3A_286[%run_scoped3A_198, %dma_wait3A_287] : memref<1x128xi32, #tpu.memory_space<vmem>> -> memref<1x128xi32, #tpu.memory_space<vmem>>
          %dma_wait3A_289 = tpu.memref_squeeze %dma_wait3A_288 : memref<1x128xi32, #tpu.memory_space<vmem>> -> memref<128xi32, #tpu.memory_space<vmem>>
          %dma_wait3A_290 = arith.constant 0 : i32
          %dma_wait3A_291 = arith.constant 0 : i32
          %dma_wait3A_292 = tpu.memref_slice %arg2[%dma_wait3A_290, %dma_wait3A_291] : memref<32768x256xf32, #tpu.memory_space<hbm>> -> memref<32768x256xf32, #tpu.memory_space<hbm>>
          tpu.wait_indirect_dma semaphore(%run_scoped3A_264 : memref<!tpu.dma_semaphore, #tpu.memory_space<semaphore_mem>>) src(%dma_wait3A_292 : memref<32768x256xf32, #tpu.memory_space<hbm>>) dst(%dma_wait3A_282 : memref<128x256xf32, #tpu.memory_space<vmem>>)
          tpu.yield
        }) : () -> ()
        "tpu.trace_stop"() : () -> ()
        %ne3A_199 = arith.cmpi ne, %add3A_131, %add3A_149 : i32
        %or3A_200 = arith.constant false
        %or3A_201 = arith.ori %or3A_200, %ne3A_199 : i1
        %or3A_202 = arith.ori %or3A_201, %eq3A_130 : i1
        %convert_element_type3A_203 = arith.extui %or3A_202 : i1 to i32
        %cond3A_204 = arith.constant 0 : i32
        %cond3A_205 = arith.cmpi ne, %convert_element_type3A_203, %cond3A_204 : i32
        scf.if %cond3A_205 {
        } else {
        }
        %and3A_206 = arith.constant false
        %and3A_207 = arith.andi %or3A_202, %and3A_206 : i1
        %ne3A_208 = arith.cmpi ne, %add3A_131, %add3A_149 : i32
        %or3A_209 = arith.constant false
        %or3A_210 = arith.ori %or3A_209, %ne3A_208 : i1
        %or3A_211 = arith.constant false
        %or3A_212 = arith.ori %or3A_210, %or3A_211 : i1
        %or3A_213 = arith.ori %or3A_212, %eq3A_130 : i1
        %convert_element_type3A_214 = arith.extui %or3A_213 : i1 to i32
        %cond3A_215 = arith.constant 0 : i32
        %cond3A_216 = arith.cmpi ne, %convert_element_type3A_214, %cond3A_215 : i32
        scf.if %cond3A_216 {
          "tpu.trace_start"() <{level = 10 : i32, message = "ep_copy_out"}> : () -> ()
          %rem3A_264 = arith.constant 2 : i32
          %rem3A_265 = arith.remui %scan3A_124, %rem3A_264 : i32
          %mul3A_266 = arith.constant 128 : i32
          %mul3A_267 = arith.muli %mul3A_266, %add3A_131 : i32
          %dma_start3A_268 = arith.constant 0 : i32
          %dma_start3A_269 = arith.constant 0 : i32
          %dma_start3A_270 = tpu.memref_slice %run_scoped3A_8[%rem3A_265, %dma_start3A_268, %dma_start3A_269] : memref<2x128x256xf32, #tpu.memory_space<vmem>> -> memref<1x128x256xf32, #tpu.memory_space<vmem>>
          %dma_start3A_271 = tpu.memref_squeeze %dma_start3A_270 : memref<1x128x256xf32, #tpu.memory_space<vmem>> -> memref<128x256xf32, #tpu.memory_space<vmem>>
          %dma_start3A_272 = arith.constant 0 : i32
          %dma_start3A_273 = tpu.memref_slice %arg4[%mul3A_267, %dma_start3A_272] : memref<8192x256xf32, #tpu.memory_space<hbm>> -> memref<128x256xf32, #tpu.memory_space<hbm>>
          %dma_start3A_274 = tpu.memref_slice %run_scoped3A_9[%rem3A_265] : memref<2x!tpu.dma_semaphore, #tpu.memory_space<semaphore_mem>> -> memref<1x!tpu.dma_semaphore, #tpu.memory_space<semaphore_mem>>
          %dma_start3A_275 = tpu.memref_squeeze %dma_start3A_274 : memref<1x!tpu.dma_semaphore, #tpu.memory_space<semaphore_mem>> -> memref<!tpu.dma_semaphore, #tpu.memory_space<semaphore_mem>>
          %dma_start3A_276 = arith.constant 0 : i32
          %dma_start3A_277 = tpu.memref_slice %arg4[%mul3A_267, %dma_start3A_276] : memref<8192x256xf32, #tpu.memory_space<hbm>> -> memref<128x256xf32, #tpu.memory_space<hbm>>
          %dma_start3A_278 = arith.constant 0 : i32
          %dma_start3A_279 = arith.constant 0 : i32
          %dma_start3A_280 = tpu.memref_slice %run_scoped3A_8[%rem3A_265, %dma_start3A_278, %dma_start3A_279] : memref<2x128x256xf32, #tpu.memory_space<vmem>> -> memref<1x128x256xf32, #tpu.memory_space<vmem>>
          %dma_start3A_281 = tpu.memref_squeeze %dma_start3A_280 : memref<1x128x256xf32, #tpu.memory_space<vmem>> -> memref<128x256xf32, #tpu.memory_space<vmem>>
          tpu.enqueue_dma source(%dma_start3A_281 : memref<128x256xf32, #tpu.memory_space<vmem>>) target(%dma_start3A_277 : memref<128x256xf32, #tpu.memory_space<hbm>>) target_semaphore(%dma_start3A_275 : memref<!tpu.dma_semaphore, #tpu.memory_space<semaphore_mem>>)
          "tpu.trace_stop"() : () -> ()
        } else {
        }
        %and3A_217 = arith.constant true
        %and3A_218 = arith.andi %or3A_213, %and3A_217 : i1
        %add3A_219 = arith.constant 1 : i32
        %add3A_220 = arith.addi %scan3A_124, %add3A_219 : i32
        %select_n3A_221 = arith.select %and3A_218, %add3A_220, %scan3A_124 : i32
        %ne3A_222 = arith.cmpi ne, %add3A_131, %add3A_140 : i32
        %or3A_223 = arith.constant false
        %or3A_224 = arith.ori %or3A_223, %ne3A_222 : i1
        %not3A_225 = arith.constant true
        %not3A_226 = arith.xori %eq3A_128, %not3A_225 : i1
        %and3A_227 = arith.andi %or3A_224, %not3A_226 : i1
        %convert_element_type3A_228 = arith.extui %and3A_227 : i1 to i32
        %cond3A_229 = arith.constant 0 : i32
        %cond3A_230 = arith.cmpi ne, %convert_element_type3A_228, %cond3A_229 : i32
        scf.if %cond3A_230 {
        } else {
        }
        %and3A_231 = arith.constant false
        %and3A_232 = arith.andi %and3A_227, %and3A_231 : i1
        %ne3A_233 = arith.cmpi ne, %add3A_131, %add3A_140 : i32
        %or3A_234 = arith.constant false
        %or3A_235 = arith.ori %or3A_234, %ne3A_233 : i1
        %or3A_236 = arith.constant false
        %or3A_237 = arith.ori %or3A_235, %or3A_236 : i1
        %not3A_238 = arith.constant true
        %not3A_239 = arith.xori %eq3A_128, %not3A_238 : i1
        %and3A_240 = arith.andi %or3A_237, %not3A_239 : i1
        %convert_element_type3A_241 = arith.extui %and3A_240 : i1 to i32
        %cond3A_242 = arith.constant 0 : i32
        %cond3A_243 = arith.cmpi ne, %convert_element_type3A_241, %cond3A_242 : i32
        scf.if %cond3A_243 {
          "tpu.trace_start"() <{level = 10 : i32, message = "ep_wait_out"}> : () -> ()
          %rem3A_264 = arith.constant 2 : i32
          %rem3A_265 = arith.remui %scan3A_125, %rem3A_264 : i32
          %mul3A_266 = arith.constant 128 : i32
          %mul3A_267 = arith.muli %mul3A_266, %add3A_140 : i32
          %dma_wait3A_268 = arith.constant 0 : i32
          %dma_wait3A_269 = arith.constant 0 : i32
          %dma_wait3A_270 = tpu.memref_slice %run_scoped3A_8[%rem3A_265, %dma_wait3A_268, %dma_wait3A_269] : memref<2x128x256xf32, #tpu.memory_space<vmem>> -> memref<1x128x256xf32, #tpu.memory_space<vmem>>
          %dma_wait3A_271 = tpu.memref_squeeze %dma_wait3A_270 : memref<1x128x256xf32, #tpu.memory_space<vmem>> -> memref<128x256xf32, #tpu.memory_space<vmem>>
          %dma_wait3A_272 = arith.constant 0 : i32
          %dma_wait3A_273 = tpu.memref_slice %arg4[%mul3A_267, %dma_wait3A_272] : memref<8192x256xf32, #tpu.memory_space<hbm>> -> memref<128x256xf32, #tpu.memory_space<hbm>>
          %dma_wait3A_274 = tpu.memref_slice %run_scoped3A_9[%rem3A_265] : memref<2x!tpu.dma_semaphore, #tpu.memory_space<semaphore_mem>> -> memref<1x!tpu.dma_semaphore, #tpu.memory_space<semaphore_mem>>
          %dma_wait3A_275 = tpu.memref_squeeze %dma_wait3A_274 : memref<1x!tpu.dma_semaphore, #tpu.memory_space<semaphore_mem>> -> memref<!tpu.dma_semaphore, #tpu.memory_space<semaphore_mem>>
          %dma_wait3A_276 = arith.constant 0 : i32
          %dma_wait3A_277 = tpu.memref_slice %arg4[%mul3A_267, %dma_wait3A_276] : memref<8192x256xf32, #tpu.memory_space<hbm>> -> memref<128x256xf32, #tpu.memory_space<hbm>>
          %dma_wait3A_278 = arith.constant 0 : i32
          %dma_wait3A_279 = arith.constant 0 : i32
          %dma_wait3A_280 = tpu.memref_slice %run_scoped3A_8[%rem3A_265, %dma_wait3A_278, %dma_wait3A_279] : memref<2x128x256xf32, #tpu.memory_space<vmem>> -> memref<1x128x256xf32, #tpu.memory_space<vmem>>
          %dma_wait3A_281 = tpu.memref_squeeze %dma_wait3A_280 : memref<1x128x256xf32, #tpu.memory_space<vmem>> -> memref<128x256xf32, #tpu.memory_space<vmem>>
          tpu.wait_dma2 semaphore(%dma_wait3A_275 : memref<!tpu.dma_semaphore, #tpu.memory_space<semaphore_mem>>) src(%dma_wait3A_281 : memref<128x256xf32, #tpu.memory_space<vmem>>) dst(%dma_wait3A_277 : memref<128x256xf32, #tpu.memory_space<hbm>>)
          "tpu.trace_stop"() : () -> ()
        } else {
        }
        %and3A_244 = arith.constant true
        %and3A_245 = arith.andi %and3A_240, %and3A_244 : i1
        %add3A_246 = arith.constant 1 : i32
        %add3A_247 = arith.addi %scan3A_125, %add3A_246 : i32
        %select_n3A_248 = arith.select %and3A_245, %add3A_247, %scan3A_125 : i32
        %ne3A_249 = arith.cmpi ne, %add3A_131, %add3A_149 : i32
        %or3A_250 = arith.constant false
        %or3A_251 = arith.ori %or3A_250, %ne3A_249 : i1
        %or3A_252 = arith.ori %or3A_251, %eq3A_130 : i1
        %add3A_253 = arith.constant 1 : i32
        %add3A_254 = arith.addi %scan3A_123, %add3A_253 : i32
        %select_n3A_255 = arith.select %or3A_252, %add3A_254, %scan3A_123 : i32
        %add3A_256 = arith.constant 1 : i32
        %add3A_257 = arith.addi %scan3A_126, %add3A_256 : i32
        %select_n3A_258 = arith.constant true
        %select_n3A_259 = arith.select %select_n3A_258, %add3A_257, %scan3A_126 : i32
        %eq3A_260 = arith.constant 2 : i32
        %eq3A_261 = arith.cmpi eq, %select_n3A_259, %eq3A_260 : i32
        %select_n3A_262 = arith.constant 0 : i32
        %select_n3A_263 = arith.select %eq3A_261, %select_n3A_262, %select_n3A_259 : i32
        scf.yield %select_n3A_167, %select_n3A_255, %select_n3A_221, %select_n3A_248, %select_n3A_263 : i32, i32, i32, i32, i32
      }
      %scan3A_68 = arith.constant 2 : i32
      %sub3A = arith.constant 1 : i32
      %sub3A_69 = arith.subi %scan3A_67#4, %sub3A : i32
      %select_n3A_70 = arith.constant true
      %select_n3A_71 = arith.select %select_n3A_70, %sub3A_69, %scan3A_67#4 : i32
      %eq3A_72 = arith.constant -1 : i32
      %eq3A_73 = arith.cmpi eq, %select_n3A_71, %eq3A_72 : i32
      %select_n3A_74 = arith.constant 1 : i32
      %select_n3A_75 = arith.select %eq3A_73, %select_n3A_74, %select_n3A_71 : i32
      %add3A_76 = arith.addi %select_n3A_75, %mul3A_6 : i32
      %sub3A_77 = arith.constant 1 : i32
      %sub3A_78 = arith.subi %select_n3A_75, %sub3A_77 : i32
      %select_n3A_79 = arith.constant true
      %select_n3A_80 = arith.select %select_n3A_79, %sub3A_78, %select_n3A_75 : i32
      %eq3A_81 = arith.constant -1 : i32
      %eq3A_82 = arith.cmpi eq, %select_n3A_80, %eq3A_81 : i32
      %select_n3A_83 = arith.constant 1 : i32
      %select_n3A_84 = arith.select %eq3A_82, %select_n3A_83, %select_n3A_80 : i32
      %add3A_85 = arith.addi %select_n3A_84, %mul3A_6 : i32
      %add3A_86 = arith.constant 1 : i32
      %add3A_87 = arith.addi %select_n3A_75, %add3A_86 : i32
      %select_n3A_88 = arith.constant true
      %select_n3A_89 = arith.select %select_n3A_88, %add3A_87, %select_n3A_75 : i32
      %eq3A_90 = arith.constant 2 : i32
      %eq3A_91 = arith.cmpi eq, %select_n3A_89, %eq3A_90 : i32
      %select_n3A_92 = arith.constant 0 : i32
      %select_n3A_93 = arith.select %eq3A_91, %select_n3A_92, %select_n3A_89 : i32
      %add3A_94 = arith.addi %select_n3A_93, %mul3A_6 : i32
      %add3A_95 = arith.constant 1 : i32
      %add3A_96 = arith.addi %select_n3A_93, %add3A_95 : i32
      %select_n3A_97 = arith.constant true
      %select_n3A_98 = arith.select %select_n3A_97, %add3A_96, %select_n3A_93 : i32
      %eq3A_99 = arith.constant 2 : i32
      %eq3A_100 = arith.cmpi eq, %select_n3A_98, %eq3A_99 : i32
      %select_n3A_101 = arith.constant 0 : i32
      %select_n3A_102 = arith.select %eq3A_100, %select_n3A_101, %select_n3A_98 : i32
      %add3A_103 = arith.addi %select_n3A_102, %mul3A_6 : i32
      "tpu.trace_start"() <{level = 10 : i32, message = "ep_finalize"}> : () -> ()
      %rem3A_104 = arith.constant 2 : i32
      %rem3A_105 = arith.remui %scan3A_67#3, %rem3A_104 : i32
      %mul3A_106 = arith.constant 128 : i32
      %mul3A_107 = arith.muli %mul3A_106, %add3A_76 : i32
      %dma_wait3A = arith.constant 0 : i32
      %dma_wait3A_108 = arith.constant 0 : i32
      %dma_wait3A_109 = tpu.memref_slice %run_scoped3A_8[%rem3A_105, %dma_wait3A, %dma_wait3A_108] : memref<2x128x256xf32, #tpu.memory_space<vmem>> -> memref<1x128x256xf32, #tpu.memory_space<vmem>>
      %dma_wait3A_110 = tpu.memref_squeeze %dma_wait3A_109 : memref<1x128x256xf32, #tpu.memory_space<vmem>> -> memref<128x256xf32, #tpu.memory_space<vmem>>
      %dma_wait3A_111 = arith.constant 0 : i32
      %dma_wait3A_112 = tpu.memref_slice %arg4[%mul3A_107, %dma_wait3A_111] : memref<8192x256xf32, #tpu.memory_space<hbm>> -> memref<128x256xf32, #tpu.memory_space<hbm>>
      %dma_wait3A_113 = tpu.memref_slice %run_scoped3A_9[%rem3A_105] : memref<2x!tpu.dma_semaphore, #tpu.memory_space<semaphore_mem>> -> memref<1x!tpu.dma_semaphore, #tpu.memory_space<semaphore_mem>>
      %dma_wait3A_114 = tpu.memref_squeeze %dma_wait3A_113 : memref<1x!tpu.dma_semaphore, #tpu.memory_space<semaphore_mem>> -> memref<!tpu.dma_semaphore, #tpu.memory_space<semaphore_mem>>
      %dma_wait3A_115 = arith.constant 0 : i32
      %dma_wait3A_116 = tpu.memref_slice %arg4[%mul3A_107, %dma_wait3A_115] : memref<8192x256xf32, #tpu.memory_space<hbm>> -> memref<128x256xf32, #tpu.memory_space<hbm>>
      %dma_wait3A_117 = arith.constant 0 : i32
      %dma_wait3A_118 = arith.constant 0 : i32
      %dma_wait3A_119 = tpu.memref_slice %run_scoped3A_8[%rem3A_105, %dma_wait3A_117, %dma_wait3A_118] : memref<2x128x256xf32, #tpu.memory_space<vmem>> -> memref<1x128x256xf32, #tpu.memory_space<vmem>>
      %dma_wait3A_120 = tpu.memref_squeeze %dma_wait3A_119 : memref<1x128x256xf32, #tpu.memory_space<vmem>> -> memref<128x256xf32, #tpu.memory_space<vmem>>
      tpu.wait_dma2 semaphore(%dma_wait3A_114 : memref<!tpu.dma_semaphore, #tpu.memory_space<semaphore_mem>>) src(%dma_wait3A_120 : memref<128x256xf32, #tpu.memory_space<vmem>>) dst(%dma_wait3A_116 : memref<128x256xf32, #tpu.memory_space<hbm>>)
      "tpu.trace_stop"() : () -> ()
      tpu.yield
    }) : () -> ()
    return
  }
}

#map = affine_map<(d0, d1) -> (0, 0)>
module attributes {stable_mosaic.version = 14 : i64} {
  func.func @kern(%arg0: i32, %arg1: i32, %arg2: memref<8192x256xf32, #tpu.memory_space<hbm>>, %arg3: memref<1x65536xi32, #tpu.memory_space<hbm>>, %arg4: memref<65536x256xf32, #tpu.memory_space<hbm>>) attributes {dimension_semantics = [#tpu.dimension_semantics<core_parallel>, #tpu.dimension_semantics<subcore_parallel>], iteration_bounds = array<i64: 2, 16>, scalar_prefetch = 0 : i64, scratch_operands = 0 : i64, tpu.core_type = #tpu.core_type<sc_vector_subcore>, window_params = [{transform_indices = #map}, {transform_indices = #map}, {transform_indices = #map}]} {
    %mul3A = arith.constant 1 : i32
    %mul3A_0 = arith.muli %arg1, %mul3A : i32
    %add3A = arith.constant 0 : i32
    %add3A_1 = arith.addi %add3A, %mul3A_0 : i32
    %mul3A_2 = arith.constant 16 : i32
    %mul3A_3 = arith.muli %arg0, %mul3A_2 : i32
    %add3A_4 = arith.addi %add3A_1, %mul3A_3 : i32
    %mul3A_5 = arith.constant 16 : i32
    %mul3A_6 = arith.muli %add3A_4, %mul3A_5 : i32
    "tpu.region"() ({
      %run_scoped3A = memref.alloca() : memref<2x1x128xi32, #tpu.memory_space<vmem>>
      %run_scoped3A_7 = tpu.sem_alloc : memref<2x!tpu.dma_semaphore, #tpu.memory_space<semaphore_mem>>
      %run_scoped3A_8 = memref.alloca() : memref<2x128x256xf32, #tpu.memory_space<vmem>>
      %run_scoped3A_9 = tpu.sem_alloc : memref<2x!tpu.dma_semaphore, #tpu.memory_space<semaphore_mem>>
      %add3A_10 = arith.constant 0 : i32
      %add3A_11 = arith.addi %add3A_10, %mul3A_6 : i32
      %select_n3A = arith.constant true
      %select_n3A_12 = arith.constant 0 : i32
      %select_n3A_13 = arith.constant -1 : i32
      %select_n3A_14 = arith.select %select_n3A, %select_n3A_13, %select_n3A_12 : i32
      %eq3A = arith.constant -1 : i32
      %eq3A_15 = arith.cmpi eq, %select_n3A_14, %eq3A : i32
      %select_n3A_16 = arith.constant 15 : i32
      %select_n3A_17 = arith.select %eq3A_15, %select_n3A_16, %select_n3A_14 : i32
      %add3A_18 = arith.addi %select_n3A_17, %mul3A_6 : i32
      %select_n3A_19 = arith.constant true
      %select_n3A_20 = arith.constant 0 : i32
      %select_n3A_21 = arith.constant 1 : i32
      %select_n3A_22 = arith.select %select_n3A_19, %select_n3A_21, %select_n3A_20 : i32
      %eq3A_23 = arith.constant 16 : i32
      %eq3A_24 = arith.cmpi eq, %select_n3A_22, %eq3A_23 : i32
      %select_n3A_25 = arith.constant 0 : i32
      %select_n3A_26 = arith.select %eq3A_24, %select_n3A_25, %select_n3A_22 : i32
      %add3A_27 = arith.addi %select_n3A_26, %mul3A_6 : i32
      %add3A_28 = arith.constant 1 : i32
      %add3A_29 = arith.addi %select_n3A_26, %add3A_28 : i32
      %select_n3A_30 = arith.constant true
      %select_n3A_31 = arith.select %select_n3A_30, %add3A_29, %select_n3A_26 : i32
      %eq3A_32 = arith.constant 16 : i32
      %eq3A_33 = arith.cmpi eq, %select_n3A_31, %eq3A_32 : i32
      %select_n3A_34 = arith.constant 0 : i32
      %select_n3A_35 = arith.select %eq3A_33, %select_n3A_34, %select_n3A_31 : i32
      %add3A_36 = arith.addi %select_n3A_35, %mul3A_6 : i32
      "tpu.trace_start"() <{level = 10 : i32, message = "ep_initialize_0"}> : () -> ()
      %rem3A = arith.constant 0 : i32
      %rem3A_37 = arith.constant 2 : i32
      %rem3A_38 = arith.remui %rem3A, %rem3A_37 : i32
      %mul3A_39 = arith.constant 128 : i32
      %mul3A_40 = arith.muli %mul3A_39, %add3A_11 : i32
      %dma_start3A = arith.constant 0 : i32
      %dma_start3A_41 = arith.constant 0 : i32
      %dma_start3A_42 = tpu.memref_slice %run_scoped3A[%rem3A_38, %dma_start3A, %dma_start3A_41] : memref<2x1x128xi32, #tpu.memory_space<vmem>> -> memref<1x1x128xi32, #tpu.memory_space<vmem>>
      %dma_start3A_43 = tpu.memref_squeeze %dma_start3A_42 : memref<1x1x128xi32, #tpu.memory_space<vmem>> -> memref<1x128xi32, #tpu.memory_space<vmem>>
      %dma_start3A_44 = arith.constant 0 : i32
      %dma_start3A_45 = tpu.memref_slice %arg3[%dma_start3A_44, %mul3A_40] : memref<1x65536xi32, #tpu.memory_space<hbm>> -> memref<1x128xi32, #tpu.memory_space<hbm>>
      %dma_start3A_46 = tpu.memref_slice %run_scoped3A_7[%rem3A_38] : memref<2x!tpu.dma_semaphore, #tpu.memory_space<semaphore_mem>> -> memref<1x!tpu.dma_semaphore, #tpu.memory_space<semaphore_mem>>
      %dma_start3A_47 = tpu.memref_squeeze %dma_start3A_46 : memref<1x!tpu.dma_semaphore, #tpu.memory_space<semaphore_mem>> -> memref<!tpu.dma_semaphore, #tpu.memory_space<semaphore_mem>>
      %dma_start3A_48 = arith.constant 0 : i32
      %dma_start3A_49 = arith.constant 0 : i32
      %dma_start3A_50 = tpu.memref_slice %run_scoped3A[%rem3A_38, %dma_start3A_48, %dma_start3A_49] : memref<2x1x128xi32, #tpu.memory_space<vmem>> -> memref<1x1x128xi32, #tpu.memory_space<vmem>>
      %dma_start3A_51 = tpu.memref_squeeze %dma_start3A_50 : memref<1x1x128xi32, #tpu.memory_space<vmem>> -> memref<1x128xi32, #tpu.memory_space<vmem>>
      %dma_start3A_52 = arith.constant 0 : i32
      %dma_start3A_53 = tpu.memref_slice %arg3[%dma_start3A_52, %mul3A_40] : memref<1x65536xi32, #tpu.memory_space<hbm>> -> memref<1x128xi32, #tpu.memory_space<hbm>>
      tpu.enqueue_dma source(%dma_start3A_53 : memref<1x128xi32, #tpu.memory_space<hbm>>) target(%dma_start3A_51 : memref<1x128xi32, #tpu.memory_space<vmem>>) target_semaphore(%dma_start3A_47 : memref<!tpu.dma_semaphore, #tpu.memory_space<semaphore_mem>>)
      %add3A_54 = arith.constant 0 : i32
      %add3A_55 = arith.constant 1 : i32
      %add3A_56 = arith.addi %add3A_54, %add3A_55 : i32
      %select_n3A_57 = arith.constant true
      %select_n3A_58 = arith.constant 0 : i32
      %select_n3A_59 = arith.select %select_n3A_57, %add3A_56, %select_n3A_58 : i32
      "tpu.trace_stop"() : () -> ()
      %scan3A = arith.constant 0 : i32
      %scan3A_60 = arith.constant 0 : i32
      %scan3A_61 = arith.constant 0 : i32
      %scan3A_62 = arith.constant 0 : i32
      %scan3A_63 = arith.constant 0 : i32
      %scan3A_64 = arith.constant 16 : i32
      %scan3A_65 = arith.addi %scan3A_63, %scan3A_64 : i32
      %scan3A_66 = arith.constant 1 : i32
      %scan3A_67:5 = scf.for %scan3A_121 = %scan3A_63 to %scan3A_65 step %scan3A_66 iter_args(%scan3A_122 = %select_n3A_59, %scan3A_123 = %scan3A, %scan3A_124 = %scan3A_60, %scan3A_125 = %scan3A_61, %scan3A_126 = %scan3A_62) -> (i32, i32, i32, i32, i32)  : i32 {
        %eq3A_127 = arith.constant 0 : i32
        %eq3A_128 = arith.cmpi eq, %scan3A_121, %eq3A_127 : i32
        %eq3A_129 = arith.constant 15 : i32
        %eq3A_130 = arith.cmpi eq, %scan3A_121, %eq3A_129 : i32
        %add3A_131 = arith.addi %scan3A_126, %mul3A_6 : i32
        %sub3A_132 = arith.constant 1 : i32
        %sub3A_133 = arith.subi %scan3A_126, %sub3A_132 : i32
        %select_n3A_134 = arith.constant true
        %select_n3A_135 = arith.select %select_n3A_134, %sub3A_133, %scan3A_126 : i32
        %eq3A_136 = arith.constant -1 : i32
        %eq3A_137 = arith.cmpi eq, %select_n3A_135, %eq3A_136 : i32
        %select_n3A_138 = arith.constant 15 : i32
        %select_n3A_139 = arith.select %eq3A_137, %select_n3A_138, %select_n3A_135 : i32
        %add3A_140 = arith.addi %select_n3A_139, %mul3A_6 : i32
        %add3A_141 = arith.constant 1 : i32
        %add3A_142 = arith.addi %scan3A_126, %add3A_141 : i32
        %select_n3A_143 = arith.constant true
        %select_n3A_144 = arith.select %select_n3A_143, %add3A_142, %scan3A_126 : i32
        %eq3A_145 = arith.constant 16 : i32
        %eq3A_146 = arith.cmpi eq, %select_n3A_144, %eq3A_145 : i32
        %select_n3A_147 = arith.constant 0 : i32
        %select_n3A_148 = arith.select %eq3A_146, %select_n3A_147, %select_n3A_144 : i32
        %add3A_149 = arith.addi %select_n3A_148, %mul3A_6 : i32
        %add3A_150 = arith.constant 1 : i32
        %add3A_151 = arith.addi %select_n3A_148, %add3A_150 : i32
        %select_n3A_152 = arith.constant true
        %select_n3A_153 = arith.select %select_n3A_152, %add3A_151, %select_n3A_148 : i32
        %eq3A_154 = arith.constant 16 : i32
        %eq3A_155 = arith.cmpi eq, %select_n3A_153, %eq3A_154 : i32
        %select_n3A_156 = arith.constant 0 : i32
        %select_n3A_157 = arith.select %eq3A_155, %select_n3A_156, %select_n3A_153 : i32
        %add3A_158 = arith.addi %select_n3A_157, %mul3A_6 : i32
        %ne3A = arith.cmpi ne, %add3A_131, %add3A_149 : i32
        %or3A = arith.constant false
        %or3A_159 = arith.ori %or3A, %ne3A : i1
        %ge3A = arith.constant 15 : i32
        %ge3A_160 = arith.cmpi sge, %scan3A_121, %ge3A : i32
        %not3A = arith.constant true
        %not3A_161 = arith.xori %ge3A_160, %not3A : i1
        %and3A = arith.andi %or3A_159, %not3A_161 : i1
        %convert_element_type3A = arith.extui %and3A : i1 to i32
        %cond3A = arith.constant 0 : i32
        %cond3A_162 = arith.cmpi ne, %convert_element_type3A, %cond3A : i32
        scf.if %cond3A_162 {
          "tpu.trace_start"() <{level = 10 : i32, message = "ep_copy_in"}> : () -> ()
          %rem3A_264 = arith.constant 2 : i32
          %rem3A_265 = arith.remui %scan3A_122, %rem3A_264 : i32
          %mul3A_266 = arith.constant 128 : i32
          %mul3A_267 = arith.muli %mul3A_266, %add3A_149 : i32
          %dma_start3A_268 = arith.constant 0 : i32
          %dma_start3A_269 = arith.constant 0 : i32
          %dma_start3A_270 = tpu.memref_slice %run_scoped3A[%rem3A_265, %dma_start3A_268, %dma_start3A_269] : memref<2x1x128xi32, #tpu.memory_space<vmem>> -> memref<1x1x128xi32, #tpu.memory_space<vmem>>
          %dma_start3A_271 = tpu.memref_squeeze %dma_start3A_270 : memref<1x1x128xi32, #tpu.memory_space<vmem>> -> memref<1x128xi32, #tpu.memory_space<vmem>>
          %dma_start3A_272 = arith.constant 0 : i32
          %dma_start3A_273 = tpu.memref_slice %arg3[%dma_start3A_272, %mul3A_267] : memref<1x65536xi32, #tpu.memory_space<hbm>> -> memref<1x128xi32, #tpu.memory_space<hbm>>
          %dma_start3A_274 = tpu.memref_slice %run_scoped3A_7[%rem3A_265] : memref<2x!tpu.dma_semaphore, #tpu.memory_space<semaphore_mem>> -> memref<1x!tpu.dma_semaphore, #tpu.memory_space<semaphore_mem>>
          %dma_start3A_275 = tpu.memref_squeeze %dma_start3A_274 : memref<1x!tpu.dma_semaphore, #tpu.memory_space<semaphore_mem>> -> memref<!tpu.dma_semaphore, #tpu.memory_space<semaphore_mem>>
          %dma_start3A_276 = arith.constant 0 : i32
          %dma_start3A_277 = arith.constant 0 : i32
          %dma_start3A_278 = tpu.memref_slice %run_scoped3A[%rem3A_265, %dma_start3A_276, %dma_start3A_277] : memref<2x1x128xi32, #tpu.memory_space<vmem>> -> memref<1x1x128xi32, #tpu.memory_space<vmem>>
          %dma_start3A_279 = tpu.memref_squeeze %dma_start3A_278 : memref<1x1x128xi32, #tpu.memory_space<vmem>> -> memref<1x128xi32, #tpu.memory_space<vmem>>
          %dma_start3A_280 = arith.constant 0 : i32
          %dma_start3A_281 = tpu.memref_slice %arg3[%dma_start3A_280, %mul3A_267] : memref<1x65536xi32, #tpu.memory_space<hbm>> -> memref<1x128xi32, #tpu.memory_space<hbm>>
          tpu.enqueue_dma source(%dma_start3A_281 : memref<1x128xi32, #tpu.memory_space<hbm>>) target(%dma_start3A_279 : memref<1x128xi32, #tpu.memory_space<vmem>>) target_semaphore(%dma_start3A_275 : memref<!tpu.dma_semaphore, #tpu.memory_space<semaphore_mem>>)
          "tpu.trace_stop"() : () -> ()
        } else {
        }
        %and3A_163 = arith.constant true
        %and3A_164 = arith.andi %and3A, %and3A_163 : i1
        %add3A_165 = arith.constant 1 : i32
        %add3A_166 = arith.addi %scan3A_122, %add3A_165 : i32
        %select_n3A_167 = arith.select %and3A_164, %add3A_166, %scan3A_122 : i32
        %ne3A_168 = arith.cmpi ne, %add3A_131, %add3A_149 : i32
        %or3A_169 = arith.constant false
        %or3A_170 = arith.ori %or3A_169, %ne3A_168 : i1
        %or3A_171 = arith.constant false
        %or3A_172 = arith.ori %or3A_170, %or3A_171 : i1
        %ge3A_173 = arith.constant 15 : i32
        %ge3A_174 = arith.cmpi sge, %scan3A_121, %ge3A_173 : i32
        %not3A_175 = arith.constant true
        %not3A_176 = arith.xori %ge3A_174, %not3A_175 : i1
        %and3A_177 = arith.andi %or3A_172, %not3A_176 : i1
        %ne3A_178 = arith.cmpi ne, %add3A_131, %add3A_140 : i32
        %or3A_179 = arith.constant false
        %or3A_180 = arith.ori %or3A_179, %ne3A_178 : i1
        %or3A_181 = arith.ori %or3A_180, %eq3A_128 : i1
        %convert_element_type3A_182 = arith.extui %or3A_181 : i1 to i32
        %cond3A_183 = arith.constant 0 : i32
        %cond3A_184 = arith.cmpi ne, %convert_element_type3A_182, %cond3A_183 : i32
        scf.if %cond3A_184 {
          "tpu.trace_start"() <{level = 10 : i32, message = "ep_wait_in"}> : () -> ()
          %mul3A_264 = arith.constant 128 : i32
          %mul3A_265 = arith.muli %mul3A_264, %add3A_131 : i32
          %rem3A_266 = arith.constant 2 : i32
          %rem3A_267 = arith.remui %scan3A_123, %rem3A_266 : i32
          %dma_wait3A_268 = arith.constant 0 : i32
          %dma_wait3A_269 = arith.constant 0 : i32
          %dma_wait3A_270 = tpu.memref_slice %run_scoped3A[%rem3A_267, %dma_wait3A_268, %dma_wait3A_269] : memref<2x1x128xi32, #tpu.memory_space<vmem>> -> memref<1x1x128xi32, #tpu.memory_space<vmem>>
          %dma_wait3A_271 = tpu.memref_squeeze %dma_wait3A_270 : memref<1x1x128xi32, #tpu.memory_space<vmem>> -> memref<1x128xi32, #tpu.memory_space<vmem>>
          %dma_wait3A_272 = arith.constant 0 : i32
          %dma_wait3A_273 = tpu.memref_slice %arg3[%dma_wait3A_272, %mul3A_265] : memref<1x65536xi32, #tpu.memory_space<hbm>> -> memref<1x128xi32, #tpu.memory_space<hbm>>
          %dma_wait3A_274 = tpu.memref_slice %run_scoped3A_7[%rem3A_267] : memref<2x!tpu.dma_semaphore, #tpu.memory_space<semaphore_mem>> -> memref<1x!tpu.dma_semaphore, #tpu.memory_space<semaphore_mem>>
          %dma_wait3A_275 = tpu.memref_squeeze %dma_wait3A_274 : memref<1x!tpu.dma_semaphore, #tpu.memory_space<semaphore_mem>> -> memref<!tpu.dma_semaphore, #tpu.memory_space<semaphore_mem>>
          %dma_wait3A_276 = arith.constant 0 : i32
          %dma_wait3A_277 = arith.constant 0 : i32
          %dma_wait3A_278 = tpu.memref_slice %run_scoped3A[%rem3A_267, %dma_wait3A_276, %dma_wait3A_277] : memref<2x1x128xi32, #tpu.memory_space<vmem>> -> memref<1x1x128xi32, #tpu.memory_space<vmem>>
          %dma_wait3A_279 = tpu.memref_squeeze %dma_wait3A_278 : memref<1x1x128xi32, #tpu.memory_space<vmem>> -> memref<1x128xi32, #tpu.memory_space<vmem>>
          %dma_wait3A_280 = arith.constant 0 : i32
          %dma_wait3A_281 = tpu.memref_slice %arg3[%dma_wait3A_280, %mul3A_265] : memref<1x65536xi32, #tpu.memory_space<hbm>> -> memref<1x128xi32, #tpu.memory_space<hbm>>
          tpu.wait_dma2 semaphore(%dma_wait3A_275 : memref<!tpu.dma_semaphore, #tpu.memory_space<semaphore_mem>>) src(%dma_wait3A_281 : memref<1x128xi32, #tpu.memory_space<hbm>>) dst(%dma_wait3A_279 : memref<1x128xi32, #tpu.memory_space<vmem>>)
          "tpu.trace_stop"() : () -> ()
        } else {
        }
        %ne3A_185 = arith.cmpi ne, %add3A_131, %add3A_140 : i32
        %or3A_186 = arith.constant false
        %or3A_187 = arith.ori %or3A_186, %ne3A_185 : i1
        %or3A_188 = arith.constant false
        %or3A_189 = arith.ori %or3A_187, %or3A_188 : i1
        %or3A_190 = arith.ori %or3A_189, %eq3A_128 : i1
        %convert_element_type3A_191 = arith.extui %or3A_190 : i1 to i32
        %cond3A_192 = arith.constant 0 : i32
        %cond3A_193 = arith.cmpi ne, %convert_element_type3A_191, %cond3A_192 : i32
        scf.if %cond3A_193 {
        } else {
        }
        %rem3A_194 = arith.constant 2 : i32
        %rem3A_195 = arith.remui %scan3A_123, %rem3A_194 : i32
        %rem3A_196 = arith.constant 2 : i32
        %rem3A_197 = arith.remui %scan3A_124, %rem3A_196 : i32
        %run_scoped3A_198 = arith.constant 0 : i32
        "tpu.trace_start"() <{level = 10 : i32, message = "ep_run_kernel"}> : () -> ()
        "tpu.region"() ({
          %run_scoped3A_264 = tpu.sem_alloc : memref<!tpu.dma_semaphore, #tpu.memory_space<semaphore_mem>>
          %dma_start3A_265 = arith.constant 0 : i32
          %dma_start3A_266 = arith.constant 0 : i32
          %dma_start3A_267 = tpu.memref_slice %run_scoped3A_8[%rem3A_197, %dma_start3A_265, %dma_start3A_266] : memref<2x128x256xf32, #tpu.memory_space<vmem>> -> memref<1x128x256xf32, #tpu.memory_space<vmem>>
          %dma_start3A_268 = tpu.memref_squeeze %dma_start3A_267 : memref<1x128x256xf32, #tpu.memory_space<vmem>> -> memref<128x256xf32, #tpu.memory_space<vmem>>
          %dma_start3A_269 = arith.constant 0 : i32
          %dma_start3A_270 = arith.constant 0 : i32
          %dma_start3A_271 = tpu.memref_slice %run_scoped3A[%rem3A_195, %dma_start3A_269, %dma_start3A_270] : memref<2x1x128xi32, #tpu.memory_space<vmem>> -> memref<1x1x128xi32, #tpu.memory_space<vmem>>
          %dma_start3A_272 = tpu.memref_squeeze %dma_start3A_271 : memref<1x1x128xi32, #tpu.memory_space<vmem>> -> memref<1x128xi32, #tpu.memory_space<vmem>>
          %dma_start3A_273 = arith.constant 0 : i32
          %dma_start3A_274 = tpu.memref_slice %dma_start3A_272[%run_scoped3A_198, %dma_start3A_273] : memref<1x128xi32, #tpu.memory_space<vmem>> -> memref<1x128xi32, #tpu.memory_space<vmem>>
          %dma_start3A_275 = tpu.memref_squeeze %dma_start3A_274 : memref<1x128xi32, #tpu.memory_space<vmem>> -> memref<128xi32, #tpu.memory_space<vmem>>
          %dma_start3A_276 = arith.constant 0 : i32
          %dma_start3A_277 = arith.constant 0 : i32
          %dma_start3A_278 = tpu.memref_slice %arg2[%dma_start3A_276, %dma_start3A_277] : memref<8192x256xf32, #tpu.memory_space<hbm>> -> memref<8192x256xf32, #tpu.memory_space<hbm>>
          tpu.enqueue_indirect_dma source(%dma_start3A_278 : memref<8192x256xf32, #tpu.memory_space<hbm>>) target(%dma_start3A_268 : memref<128x256xf32, #tpu.memory_space<vmem>>) offsets(%dma_start3A_275 : memref<128xi32, #tpu.memory_space<vmem>>) semaphore(%run_scoped3A_264 : memref<!tpu.dma_semaphore, #tpu.memory_space<semaphore_mem>>)
          %dma_wait3A_279 = arith.constant 0 : i32
          %dma_wait3A_280 = arith.constant 0 : i32
          %dma_wait3A_281 = tpu.memref_slice %run_scoped3A_8[%rem3A_197, %dma_wait3A_279, %dma_wait3A_280] : memref<2x128x256xf32, #tpu.memory_space<vmem>> -> memref<1x128x256xf32, #tpu.memory_space<vmem>>
          %dma_wait3A_282 = tpu.memref_squeeze %dma_wait3A_281 : memref<1x128x256xf32, #tpu.memory_space<vmem>> -> memref<128x256xf32, #tpu.memory_space<vmem>>
          %dma_wait3A_283 = arith.constant 0 : i32
          %dma_wait3A_284 = arith.constant 0 : i32
          %dma_wait3A_285 = tpu.memref_slice %run_scoped3A[%rem3A_195, %dma_wait3A_283, %dma_wait3A_284] : memref<2x1x128xi32, #tpu.memory_space<vmem>> -> memref<1x1x128xi32, #tpu.memory_space<vmem>>
          %dma_wait3A_286 = tpu.memref_squeeze %dma_wait3A_285 : memref<1x1x128xi32, #tpu.memory_space<vmem>> -> memref<1x128xi32, #tpu.memory_space<vmem>>
          %dma_wait3A_287 = arith.constant 0 : i32
          %dma_wait3A_288 = tpu.memref_slice %dma_wait3A_286[%run_scoped3A_198, %dma_wait3A_287] : memref<1x128xi32, #tpu.memory_space<vmem>> -> memref<1x128xi32, #tpu.memory_space<vmem>>
          %dma_wait3A_289 = tpu.memref_squeeze %dma_wait3A_288 : memref<1x128xi32, #tpu.memory_space<vmem>> -> memref<128xi32, #tpu.memory_space<vmem>>
          %dma_wait3A_290 = arith.constant 0 : i32
          %dma_wait3A_291 = arith.constant 0 : i32
          %dma_wait3A_292 = tpu.memref_slice %arg2[%dma_wait3A_290, %dma_wait3A_291] : memref<8192x256xf32, #tpu.memory_space<hbm>> -> memref<8192x256xf32, #tpu.memory_space<hbm>>
          tpu.wait_indirect_dma semaphore(%run_scoped3A_264 : memref<!tpu.dma_semaphore, #tpu.memory_space<semaphore_mem>>) src(%dma_wait3A_292 : memref<8192x256xf32, #tpu.memory_space<hbm>>) dst(%dma_wait3A_282 : memref<128x256xf32, #tpu.memory_space<vmem>>)
          tpu.yield
        }) : () -> ()
        "tpu.trace_stop"() : () -> ()
        %ne3A_199 = arith.cmpi ne, %add3A_131, %add3A_149 : i32
        %or3A_200 = arith.constant false
        %or3A_201 = arith.ori %or3A_200, %ne3A_199 : i1
        %or3A_202 = arith.ori %or3A_201, %eq3A_130 : i1
        %convert_element_type3A_203 = arith.extui %or3A_202 : i1 to i32
        %cond3A_204 = arith.constant 0 : i32
        %cond3A_205 = arith.cmpi ne, %convert_element_type3A_203, %cond3A_204 : i32
        scf.if %cond3A_205 {
        } else {
        }
        %and3A_206 = arith.constant false
        %and3A_207 = arith.andi %or3A_202, %and3A_206 : i1
        %ne3A_208 = arith.cmpi ne, %add3A_131, %add3A_149 : i32
        %or3A_209 = arith.constant false
        %or3A_210 = arith.ori %or3A_209, %ne3A_208 : i1
        %or3A_211 = arith.constant false
        %or3A_212 = arith.ori %or3A_210, %or3A_211 : i1
        %or3A_213 = arith.ori %or3A_212, %eq3A_130 : i1
        %convert_element_type3A_214 = arith.extui %or3A_213 : i1 to i32
        %cond3A_215 = arith.constant 0 : i32
        %cond3A_216 = arith.cmpi ne, %convert_element_type3A_214, %cond3A_215 : i32
        scf.if %cond3A_216 {
          "tpu.trace_start"() <{level = 10 : i32, message = "ep_copy_out"}> : () -> ()
          %rem3A_264 = arith.constant 2 : i32
          %rem3A_265 = arith.remui %scan3A_124, %rem3A_264 : i32
          %mul3A_266 = arith.constant 128 : i32
          %mul3A_267 = arith.muli %mul3A_266, %add3A_131 : i32
          %dma_start3A_268 = arith.constant 0 : i32
          %dma_start3A_269 = arith.constant 0 : i32
          %dma_start3A_270 = tpu.memref_slice %run_scoped3A_8[%rem3A_265, %dma_start3A_268, %dma_start3A_269] : memref<2x128x256xf32, #tpu.memory_space<vmem>> -> memref<1x128x256xf32, #tpu.memory_space<vmem>>
          %dma_start3A_271 = tpu.memref_squeeze %dma_start3A_270 : memref<1x128x256xf32, #tpu.memory_space<vmem>> -> memref<128x256xf32, #tpu.memory_space<vmem>>
          %dma_start3A_272 = arith.constant 0 : i32
          %dma_start3A_273 = tpu.memref_slice %arg4[%mul3A_267, %dma_start3A_272] : memref<65536x256xf32, #tpu.memory_space<hbm>> -> memref<128x256xf32, #tpu.memory_space<hbm>>
          %dma_start3A_274 = tpu.memref_slice %run_scoped3A_9[%rem3A_265] : memref<2x!tpu.dma_semaphore, #tpu.memory_space<semaphore_mem>> -> memref<1x!tpu.dma_semaphore, #tpu.memory_space<semaphore_mem>>
          %dma_start3A_275 = tpu.memref_squeeze %dma_start3A_274 : memref<1x!tpu.dma_semaphore, #tpu.memory_space<semaphore_mem>> -> memref<!tpu.dma_semaphore, #tpu.memory_space<semaphore_mem>>
          %dma_start3A_276 = arith.constant 0 : i32
          %dma_start3A_277 = tpu.memref_slice %arg4[%mul3A_267, %dma_start3A_276] : memref<65536x256xf32, #tpu.memory_space<hbm>> -> memref<128x256xf32, #tpu.memory_space<hbm>>
          %dma_start3A_278 = arith.constant 0 : i32
          %dma_start3A_279 = arith.constant 0 : i32
          %dma_start3A_280 = tpu.memref_slice %run_scoped3A_8[%rem3A_265, %dma_start3A_278, %dma_start3A_279] : memref<2x128x256xf32, #tpu.memory_space<vmem>> -> memref<1x128x256xf32, #tpu.memory_space<vmem>>
          %dma_start3A_281 = tpu.memref_squeeze %dma_start3A_280 : memref<1x128x256xf32, #tpu.memory_space<vmem>> -> memref<128x256xf32, #tpu.memory_space<vmem>>
          tpu.enqueue_dma source(%dma_start3A_281 : memref<128x256xf32, #tpu.memory_space<vmem>>) target(%dma_start3A_277 : memref<128x256xf32, #tpu.memory_space<hbm>>) target_semaphore(%dma_start3A_275 : memref<!tpu.dma_semaphore, #tpu.memory_space<semaphore_mem>>)
          "tpu.trace_stop"() : () -> ()
        } else {
        }
        %and3A_217 = arith.constant true
        %and3A_218 = arith.andi %or3A_213, %and3A_217 : i1
        %add3A_219 = arith.constant 1 : i32
        %add3A_220 = arith.addi %scan3A_124, %add3A_219 : i32
        %select_n3A_221 = arith.select %and3A_218, %add3A_220, %scan3A_124 : i32
        %ne3A_222 = arith.cmpi ne, %add3A_131, %add3A_140 : i32
        %or3A_223 = arith.constant false
        %or3A_224 = arith.ori %or3A_223, %ne3A_222 : i1
        %not3A_225 = arith.constant true
        %not3A_226 = arith.xori %eq3A_128, %not3A_225 : i1
        %and3A_227 = arith.andi %or3A_224, %not3A_226 : i1
        %convert_element_type3A_228 = arith.extui %and3A_227 : i1 to i32
        %cond3A_229 = arith.constant 0 : i32
        %cond3A_230 = arith.cmpi ne, %convert_element_type3A_228, %cond3A_229 : i32
        scf.if %cond3A_230 {
        } else {
        }
        %and3A_231 = arith.constant false
        %and3A_232 = arith.andi %and3A_227, %and3A_231 : i1
        %ne3A_233 = arith.cmpi ne, %add3A_131, %add3A_140 : i32
        %or3A_234 = arith.constant false
        %or3A_235 = arith.ori %or3A_234, %ne3A_233 : i1
        %or3A_236 = arith.constant false
        %or3A_237 = arith.ori %or3A_235, %or3A_236 : i1
        %not3A_238 = arith.constant true
        %not3A_239 = arith.xori %eq3A_128, %not3A_238 : i1
        %and3A_240 = arith.andi %or3A_237, %not3A_239 : i1
        %convert_element_type3A_241 = arith.extui %and3A_240 : i1 to i32
        %cond3A_242 = arith.constant 0 : i32
        %cond3A_243 = arith.cmpi ne, %convert_element_type3A_241, %cond3A_242 : i32
        scf.if %cond3A_243 {
          "tpu.trace_start"() <{level = 10 : i32, message = "ep_wait_out"}> : () -> ()
          %rem3A_264 = arith.constant 2 : i32
          %rem3A_265 = arith.remui %scan3A_125, %rem3A_264 : i32
          %mul3A_266 = arith.constant 128 : i32
          %mul3A_267 = arith.muli %mul3A_266, %add3A_140 : i32
          %dma_wait3A_268 = arith.constant 0 : i32
          %dma_wait3A_269 = arith.constant 0 : i32
          %dma_wait3A_270 = tpu.memref_slice %run_scoped3A_8[%rem3A_265, %dma_wait3A_268, %dma_wait3A_269] : memref<2x128x256xf32, #tpu.memory_space<vmem>> -> memref<1x128x256xf32, #tpu.memory_space<vmem>>
          %dma_wait3A_271 = tpu.memref_squeeze %dma_wait3A_270 : memref<1x128x256xf32, #tpu.memory_space<vmem>> -> memref<128x256xf32, #tpu.memory_space<vmem>>
          %dma_wait3A_272 = arith.constant 0 : i32
          %dma_wait3A_273 = tpu.memref_slice %arg4[%mul3A_267, %dma_wait3A_272] : memref<65536x256xf32, #tpu.memory_space<hbm>> -> memref<128x256xf32, #tpu.memory_space<hbm>>
          %dma_wait3A_274 = tpu.memref_slice %run_scoped3A_9[%rem3A_265] : memref<2x!tpu.dma_semaphore, #tpu.memory_space<semaphore_mem>> -> memref<1x!tpu.dma_semaphore, #tpu.memory_space<semaphore_mem>>
          %dma_wait3A_275 = tpu.memref_squeeze %dma_wait3A_274 : memref<1x!tpu.dma_semaphore, #tpu.memory_space<semaphore_mem>> -> memref<!tpu.dma_semaphore, #tpu.memory_space<semaphore_mem>>
          %dma_wait3A_276 = arith.constant 0 : i32
          %dma_wait3A_277 = tpu.memref_slice %arg4[%mul3A_267, %dma_wait3A_276] : memref<65536x256xf32, #tpu.memory_space<hbm>> -> memref<128x256xf32, #tpu.memory_space<hbm>>
          %dma_wait3A_278 = arith.constant 0 : i32
          %dma_wait3A_279 = arith.constant 0 : i32
          %dma_wait3A_280 = tpu.memref_slice %run_scoped3A_8[%rem3A_265, %dma_wait3A_278, %dma_wait3A_279] : memref<2x128x256xf32, #tpu.memory_space<vmem>> -> memref<1x128x256xf32, #tpu.memory_space<vmem>>
          %dma_wait3A_281 = tpu.memref_squeeze %dma_wait3A_280 : memref<1x128x256xf32, #tpu.memory_space<vmem>> -> memref<128x256xf32, #tpu.memory_space<vmem>>
          tpu.wait_dma2 semaphore(%dma_wait3A_275 : memref<!tpu.dma_semaphore, #tpu.memory_space<semaphore_mem>>) src(%dma_wait3A_281 : memref<128x256xf32, #tpu.memory_space<vmem>>) dst(%dma_wait3A_277 : memref<128x256xf32, #tpu.memory_space<hbm>>)
          "tpu.trace_stop"() : () -> ()
        } else {
        }
        %and3A_244 = arith.constant true
        %and3A_245 = arith.andi %and3A_240, %and3A_244 : i1
        %add3A_246 = arith.constant 1 : i32
        %add3A_247 = arith.addi %scan3A_125, %add3A_246 : i32
        %select_n3A_248 = arith.select %and3A_245, %add3A_247, %scan3A_125 : i32
        %ne3A_249 = arith.cmpi ne, %add3A_131, %add3A_149 : i32
        %or3A_250 = arith.constant false
        %or3A_251 = arith.ori %or3A_250, %ne3A_249 : i1
        %or3A_252 = arith.ori %or3A_251, %eq3A_130 : i1
        %add3A_253 = arith.constant 1 : i32
        %add3A_254 = arith.addi %scan3A_123, %add3A_253 : i32
        %select_n3A_255 = arith.select %or3A_252, %add3A_254, %scan3A_123 : i32
        %add3A_256 = arith.constant 1 : i32
        %add3A_257 = arith.addi %scan3A_126, %add3A_256 : i32
        %select_n3A_258 = arith.constant true
        %select_n3A_259 = arith.select %select_n3A_258, %add3A_257, %scan3A_126 : i32
        %eq3A_260 = arith.constant 16 : i32
        %eq3A_261 = arith.cmpi eq, %select_n3A_259, %eq3A_260 : i32
        %select_n3A_262 = arith.constant 0 : i32
        %select_n3A_263 = arith.select %eq3A_261, %select_n3A_262, %select_n3A_259 : i32
        scf.yield %select_n3A_167, %select_n3A_255, %select_n3A_221, %select_n3A_248, %select_n3A_263 : i32, i32, i32, i32, i32
      }
      %scan3A_68 = arith.constant 16 : i32
      %sub3A = arith.constant 1 : i32
      %sub3A_69 = arith.subi %scan3A_67#4, %sub3A : i32
      %select_n3A_70 = arith.constant true
      %select_n3A_71 = arith.select %select_n3A_70, %sub3A_69, %scan3A_67#4 : i32
      %eq3A_72 = arith.constant -1 : i32
      %eq3A_73 = arith.cmpi eq, %select_n3A_71, %eq3A_72 : i32
      %select_n3A_74 = arith.constant 15 : i32
      %select_n3A_75 = arith.select %eq3A_73, %select_n3A_74, %select_n3A_71 : i32
      %add3A_76 = arith.addi %select_n3A_75, %mul3A_6 : i32
      %sub3A_77 = arith.constant 1 : i32
      %sub3A_78 = arith.subi %select_n3A_75, %sub3A_77 : i32
      %select_n3A_79 = arith.constant true
      %select_n3A_80 = arith.select %select_n3A_79, %sub3A_78, %select_n3A_75 : i32
      %eq3A_81 = arith.constant -1 : i32
      %eq3A_82 = arith.cmpi eq, %select_n3A_80, %eq3A_81 : i32
      %select_n3A_83 = arith.constant 15 : i32
      %select_n3A_84 = arith.select %eq3A_82, %select_n3A_83, %select_n3A_80 : i32
      %add3A_85 = arith.addi %select_n3A_84, %mul3A_6 : i32
      %add3A_86 = arith.constant 1 : i32
      %add3A_87 = arith.addi %select_n3A_75, %add3A_86 : i32
      %select_n3A_88 = arith.constant true
      %select_n3A_89 = arith.select %select_n3A_88, %add3A_87, %select_n3A_75 : i32
      %eq3A_90 = arith.constant 16 : i32
      %eq3A_91 = arith.cmpi eq, %select_n3A_89, %eq3A_90 : i32
      %select_n3A_92 = arith.constant 0 : i32
      %select_n3A_93 = arith.select %eq3A_91, %select_n3A_92, %select_n3A_89 : i32
      %add3A_94 = arith.addi %select_n3A_93, %mul3A_6 : i32
      %add3A_95 = arith.constant 1 : i32
      %add3A_96 = arith.addi %select_n3A_93, %add3A_95 : i32
      %select_n3A_97 = arith.constant true
      %select_n3A_98 = arith.select %select_n3A_97, %add3A_96, %select_n3A_93 : i32
      %eq3A_99 = arith.constant 16 : i32
      %eq3A_100 = arith.cmpi eq, %select_n3A_98, %eq3A_99 : i32
      %select_n3A_101 = arith.constant 0 : i32
      %select_n3A_102 = arith.select %eq3A_100, %select_n3A_101, %select_n3A_98 : i32
      %add3A_103 = arith.addi %select_n3A_102, %mul3A_6 : i32
      "tpu.trace_start"() <{level = 10 : i32, message = "ep_finalize"}> : () -> ()
      %rem3A_104 = arith.constant 2 : i32
      %rem3A_105 = arith.remui %scan3A_67#3, %rem3A_104 : i32
      %mul3A_106 = arith.constant 128 : i32
      %mul3A_107 = arith.muli %mul3A_106, %add3A_76 : i32
      %dma_wait3A = arith.constant 0 : i32
      %dma_wait3A_108 = arith.constant 0 : i32
      %dma_wait3A_109 = tpu.memref_slice %run_scoped3A_8[%rem3A_105, %dma_wait3A, %dma_wait3A_108] : memref<2x128x256xf32, #tpu.memory_space<vmem>> -> memref<1x128x256xf32, #tpu.memory_space<vmem>>
      %dma_wait3A_110 = tpu.memref_squeeze %dma_wait3A_109 : memref<1x128x256xf32, #tpu.memory_space<vmem>> -> memref<128x256xf32, #tpu.memory_space<vmem>>
      %dma_wait3A_111 = arith.constant 0 : i32
      %dma_wait3A_112 = tpu.memref_slice %arg4[%mul3A_107, %dma_wait3A_111] : memref<65536x256xf32, #tpu.memory_space<hbm>> -> memref<128x256xf32, #tpu.memory_space<hbm>>
      %dma_wait3A_113 = tpu.memref_slice %run_scoped3A_9[%rem3A_105] : memref<2x!tpu.dma_semaphore, #tpu.memory_space<semaphore_mem>> -> memref<1x!tpu.dma_semaphore, #tpu.memory_space<semaphore_mem>>
      %dma_wait3A_114 = tpu.memref_squeeze %dma_wait3A_113 : memref<1x!tpu.dma_semaphore, #tpu.memory_space<semaphore_mem>> -> memref<!tpu.dma_semaphore, #tpu.memory_space<semaphore_mem>>
      %dma_wait3A_115 = arith.constant 0 : i32
      %dma_wait3A_116 = tpu.memref_slice %arg4[%mul3A_107, %dma_wait3A_115] : memref<65536x256xf32, #tpu.memory_space<hbm>> -> memref<128x256xf32, #tpu.memory_space<hbm>>
      %dma_wait3A_117 = arith.constant 0 : i32
      %dma_wait3A_118 = arith.constant 0 : i32
      %dma_wait3A_119 = tpu.memref_slice %run_scoped3A_8[%rem3A_105, %dma_wait3A_117, %dma_wait3A_118] : memref<2x128x256xf32, #tpu.memory_space<vmem>> -> memref<1x128x256xf32, #tpu.memory_space<vmem>>
      %dma_wait3A_120 = tpu.memref_squeeze %dma_wait3A_119 : memref<1x128x256xf32, #tpu.memory_space<vmem>> -> memref<128x256xf32, #tpu.memory_space<vmem>>
      tpu.wait_dma2 semaphore(%dma_wait3A_114 : memref<!tpu.dma_semaphore, #tpu.memory_space<semaphore_mem>>) src(%dma_wait3A_120 : memref<128x256xf32, #tpu.memory_space<vmem>>) dst(%dma_wait3A_116 : memref<128x256xf32, #tpu.memory_space<hbm>>)
      "tpu.trace_stop"() : () -> ()
      tpu.yield
    }) : () -> ()
    return
  }
}

#map = affine_map<(d0, d1) -> (0, 0)>
module attributes {stable_mosaic.version = 14 : i64} {
  func.func @kern(%arg0: i32, %arg1: i32, %arg2: memref<8192x256xf32, #tpu.memory_space<hbm>>, %arg3: memref<1x4096xi32, #tpu.memory_space<hbm>>, %arg4: memref<4096x256xf32, #tpu.memory_space<hbm>>) attributes {dimension_semantics = [#tpu.dimension_semantics<core_parallel>, #tpu.dimension_semantics<subcore_parallel>], iteration_bounds = array<i64: 2, 16>, scalar_prefetch = 0 : i64, scratch_operands = 0 : i64, tpu.core_type = #tpu.core_type<sc_vector_subcore>, window_params = [{transform_indices = #map}, {transform_indices = #map}, {transform_indices = #map}]} {
    %mul3A = arith.constant 1 : i32
    %mul3A_0 = arith.muli %arg1, %mul3A : i32
    %add3A = arith.constant 0 : i32
    %add3A_1 = arith.addi %add3A, %mul3A_0 : i32
    %mul3A_2 = arith.constant 16 : i32
    %mul3A_3 = arith.muli %arg0, %mul3A_2 : i32
    %add3A_4 = arith.addi %add3A_1, %mul3A_3 : i32
    %mul3A_5 = arith.constant 1 : i32
    %mul3A_6 = arith.muli %add3A_4, %mul3A_5 : i32
    "tpu.region"() ({
      %run_scoped3A = memref.alloca() : memref<2x1x128xi32, #tpu.memory_space<vmem>>
      %run_scoped3A_7 = tpu.sem_alloc : memref<2x!tpu.dma_semaphore, #tpu.memory_space<semaphore_mem>>
      %run_scoped3A_8 = memref.alloca() : memref<2x128x256xf32, #tpu.memory_space<vmem>>
      %run_scoped3A_9 = tpu.sem_alloc : memref<2x!tpu.dma_semaphore, #tpu.memory_space<semaphore_mem>>
      %add3A_10 = arith.constant 0 : i32
      %add3A_11 = arith.addi %add3A_10, %mul3A_6 : i32
      %select_n3A = arith.constant true
      %select_n3A_12 = arith.constant 0 : i32
      %select_n3A_13 = arith.constant -1 : i32
      %select_n3A_14 = arith.select %select_n3A, %select_n3A_13, %select_n3A_12 : i32
      %eq3A = arith.constant -1 : i32
      %eq3A_15 = arith.cmpi eq, %select_n3A_14, %eq3A : i32
      %select_n3A_16 = arith.constant 0 : i32
      %select_n3A_17 = arith.select %eq3A_15, %select_n3A_16, %select_n3A_14 : i32
      %add3A_18 = arith.constant 0 : i32
      %add3A_19 = arith.addi %add3A_18, %mul3A_6 : i32
      %select_n3A_20 = arith.constant true
      %select_n3A_21 = arith.constant 0 : i32
      %select_n3A_22 = arith.constant 1 : i32
      %select_n3A_23 = arith.select %select_n3A_20, %select_n3A_22, %select_n3A_21 : i32
      %eq3A_24 = arith.constant 1 : i32
      %eq3A_25 = arith.cmpi eq, %select_n3A_23, %eq3A_24 : i32
      %select_n3A_26 = arith.constant 0 : i32
      %select_n3A_27 = arith.select %eq3A_25, %select_n3A_26, %select_n3A_23 : i32
      %add3A_28 = arith.constant 0 : i32
      %add3A_29 = arith.addi %add3A_28, %mul3A_6 : i32
      %select_n3A_30 = arith.constant true
      %select_n3A_31 = arith.constant 0 : i32
      %select_n3A_32 = arith.constant 1 : i32
      %select_n3A_33 = arith.select %select_n3A_30, %select_n3A_32, %select_n3A_31 : i32
      %eq3A_34 = arith.constant 1 : i32
      %eq3A_35 = arith.cmpi eq, %select_n3A_33, %eq3A_34 : i32
      %select_n3A_36 = arith.constant 0 : i32
      %select_n3A_37 = arith.select %eq3A_35, %select_n3A_36, %select_n3A_33 : i32
      %add3A_38 = arith.constant 0 : i32
      %add3A_39 = arith.addi %add3A_38, %mul3A_6 : i32
      "tpu.trace_start"() <{level = 10 : i32, message = "ep_initialize_0"}> : () -> ()
      %rem3A = arith.constant 0 : i32
      %rem3A_40 = arith.constant 2 : i32
      %rem3A_41 = arith.remui %rem3A, %rem3A_40 : i32
      %mul3A_42 = arith.constant 128 : i32
      %mul3A_43 = arith.muli %mul3A_42, %add3A_11 : i32
      %dma_start3A = arith.constant 0 : i32
      %dma_start3A_44 = arith.constant 0 : i32
      %dma_start3A_45 = tpu.memref_slice %run_scoped3A[%rem3A_41, %dma_start3A, %dma_start3A_44] : memref<2x1x128xi32, #tpu.memory_space<vmem>> -> memref<1x1x128xi32, #tpu.memory_space<vmem>>
      %dma_start3A_46 = tpu.memref_squeeze %dma_start3A_45 : memref<1x1x128xi32, #tpu.memory_space<vmem>> -> memref<1x128xi32, #tpu.memory_space<vmem>>
      %dma_start3A_47 = arith.constant 0 : i32
      %dma_start3A_48 = tpu.memref_slice %arg3[%dma_start3A_47, %mul3A_43] : memref<1x4096xi32, #tpu.memory_space<hbm>> -> memref<1x128xi32, #tpu.memory_space<hbm>>
      %dma_start3A_49 = tpu.memref_slice %run_scoped3A_7[%rem3A_41] : memref<2x!tpu.dma_semaphore, #tpu.memory_space<semaphore_mem>> -> memref<1x!tpu.dma_semaphore, #tpu.memory_space<semaphore_mem>>
      %dma_start3A_50 = tpu.memref_squeeze %dma_start3A_49 : memref<1x!tpu.dma_semaphore, #tpu.memory_space<semaphore_mem>> -> memref<!tpu.dma_semaphore, #tpu.memory_space<semaphore_mem>>
      %dma_start3A_51 = arith.constant 0 : i32
      %dma_start3A_52 = arith.constant 0 : i32
      %dma_start3A_53 = tpu.memref_slice %run_scoped3A[%rem3A_41, %dma_start3A_51, %dma_start3A_52] : memref<2x1x128xi32, #tpu.memory_space<vmem>> -> memref<1x1x128xi32, #tpu.memory_space<vmem>>
      %dma_start3A_54 = tpu.memref_squeeze %dma_start3A_53 : memref<1x1x128xi32, #tpu.memory_space<vmem>> -> memref<1x128xi32, #tpu.memory_space<vmem>>
      %dma_start3A_55 = arith.constant 0 : i32
      %dma_start3A_56 = tpu.memref_slice %arg3[%dma_start3A_55, %mul3A_43] : memref<1x4096xi32, #tpu.memory_space<hbm>> -> memref<1x128xi32, #tpu.memory_space<hbm>>
      tpu.enqueue_dma source(%dma_start3A_56 : memref<1x128xi32, #tpu.memory_space<hbm>>) target(%dma_start3A_54 : memref<1x128xi32, #tpu.memory_space<vmem>>) target_semaphore(%dma_start3A_50 : memref<!tpu.dma_semaphore, #tpu.memory_space<semaphore_mem>>)
      %add3A_57 = arith.constant 0 : i32
      %add3A_58 = arith.constant 1 : i32
      %add3A_59 = arith.addi %add3A_57, %add3A_58 : i32
      %select_n3A_60 = arith.constant true
      %select_n3A_61 = arith.constant 0 : i32
      %select_n3A_62 = arith.select %select_n3A_60, %add3A_59, %select_n3A_61 : i32
      "tpu.trace_stop"() : () -> ()
      %scan3A = arith.constant 0 : i32
      %scan3A_63 = arith.constant 0 : i32
      %scan3A_64 = arith.constant 0 : i32
      %scan3A_65 = arith.constant 0 : i32
      %scan3A_66 = arith.constant 0 : i32
      %eq3A_67 = arith.constant 0 : i32
      %eq3A_68 = arith.cmpi eq, %scan3A_66, %eq3A_67 : i32
      %eq3A_69 = arith.constant 0 : i32
      %eq3A_70 = arith.cmpi eq, %scan3A_66, %eq3A_69 : i32
      %add3A_71 = arith.constant 0 : i32
      %add3A_72 = arith.addi %add3A_71, %mul3A_6 : i32
      %select_n3A_73 = arith.constant true
      %select_n3A_74 = arith.constant 0 : i32
      %select_n3A_75 = arith.constant -1 : i32
      %select_n3A_76 = arith.select %select_n3A_73, %select_n3A_75, %select_n3A_74 : i32
      %eq3A_77 = arith.constant -1 : i32
      %eq3A_78 = arith.cmpi eq, %select_n3A_76, %eq3A_77 : i32
      %select_n3A_79 = arith.constant 0 : i32
      %select_n3A_80 = arith.select %eq3A_78, %select_n3A_79, %select_n3A_76 : i32
      %add3A_81 = arith.constant 0 : i32
      %add3A_82 = arith.addi %add3A_81, %mul3A_6 : i32
      %select_n3A_83 = arith.constant true
      %select_n3A_84 = arith.constant 0 : i32
      %select_n3A_85 = arith.constant 1 : i32
      %select_n3A_86 = arith.select %select_n3A_83, %select_n3A_85, %select_n3A_84 : i32
      %eq3A_87 = arith.constant 1 : i32
      %eq3A_88 = arith.cmpi eq, %select_n3A_86, %eq3A_87 : i32
      %select_n3A_89 = arith.constant 0 : i32
      %select_n3A_90 = arith.select %eq3A_88, %select_n3A_89, %select_n3A_86 : i32
      %add3A_91 = arith.constant 0 : i32
      %add3A_92 = arith.addi %add3A_91, %mul3A_6 : i32
      %select_n3A_93 = arith.constant true
      %select_n3A_94 = arith.constant 0 : i32
      %select_n3A_95 = arith.constant 1 : i32
      %select_n3A_96 = arith.select %select_n3A_93, %select_n3A_95, %select_n3A_94 : i32
      %eq3A_97 = arith.constant 1 : i32
      %eq3A_98 = arith.cmpi eq, %select_n3A_96, %eq3A_97 : i32
      %select_n3A_99 = arith.constant 0 : i32
      %select_n3A_100 = arith.select %eq3A_98, %select_n3A_99, %select_n3A_96 : i32
      %add3A_101 = arith.constant 0 : i32
      %add3A_102 = arith.addi %add3A_101, %mul3A_6 : i32
      %ne3A = arith.cmpi ne, %add3A_72, %add3A_92 : i32
      %or3A = arith.constant false
      %or3A_103 = arith.ori %or3A, %ne3A : i1
      %ge3A = arith.constant 0 : i32
      %ge3A_104 = arith.cmpi sge, %scan3A_66, %ge3A : i32
      %not3A = arith.constant true
      %not3A_105 = arith.xori %ge3A_104, %not3A : i1
      %and3A = arith.andi %or3A_103, %not3A_105 : i1
      %convert_element_type3A = arith.extui %and3A : i1 to i32
      %cond3A = arith.constant 0 : i32
      %cond3A_106 = arith.cmpi ne, %convert_element_type3A, %cond3A : i32
      scf.if %cond3A_106 {
        "tpu.trace_start"() <{level = 10 : i32, message = "ep_copy_in"}> : () -> ()
        %rem3A_266 = arith.constant 2 : i32
        %rem3A_267 = arith.remui %select_n3A_62, %rem3A_266 : i32
        %mul3A_268 = arith.constant 128 : i32
        %mul3A_269 = arith.muli %mul3A_268, %add3A_92 : i32
        %dma_start3A_270 = arith.constant 0 : i32
        %dma_start3A_271 = arith.constant 0 : i32
        %dma_start3A_272 = tpu.memref_slice %run_scoped3A[%rem3A_267, %dma_start3A_270, %dma_start3A_271] : memref<2x1x128xi32, #tpu.memory_space<vmem>> -> memref<1x1x128xi32, #tpu.memory_space<vmem>>
        %dma_start3A_273 = tpu.memref_squeeze %dma_start3A_272 : memref<1x1x128xi32, #tpu.memory_space<vmem>> -> memref<1x128xi32, #tpu.memory_space<vmem>>
        %dma_start3A_274 = arith.constant 0 : i32
        %dma_start3A_275 = tpu.memref_slice %arg3[%dma_start3A_274, %mul3A_269] : memref<1x4096xi32, #tpu.memory_space<hbm>> -> memref<1x128xi32, #tpu.memory_space<hbm>>
        %dma_start3A_276 = tpu.memref_slice %run_scoped3A_7[%rem3A_267] : memref<2x!tpu.dma_semaphore, #tpu.memory_space<semaphore_mem>> -> memref<1x!tpu.dma_semaphore, #tpu.memory_space<semaphore_mem>>
        %dma_start3A_277 = tpu.memref_squeeze %dma_start3A_276 : memref<1x!tpu.dma_semaphore, #tpu.memory_space<semaphore_mem>> -> memref<!tpu.dma_semaphore, #tpu.memory_space<semaphore_mem>>
        %dma_start3A_278 = arith.constant 0 : i32
        %dma_start3A_279 = arith.constant 0 : i32
        %dma_start3A_280 = tpu.memref_slice %run_scoped3A[%rem3A_267, %dma_start3A_278, %dma_start3A_279] : memref<2x1x128xi32, #tpu.memory_space<vmem>> -> memref<1x1x128xi32, #tpu.memory_space<vmem>>
        %dma_start3A_281 = tpu.memref_squeeze %dma_start3A_280 : memref<1x1x128xi32, #tpu.memory_space<vmem>> -> memref<1x128xi32, #tpu.memory_space<vmem>>
        %dma_start3A_282 = arith.constant 0 : i32
        %dma_start3A_283 = tpu.memref_slice %arg3[%dma_start3A_282, %mul3A_269] : memref<1x4096xi32, #tpu.memory_space<hbm>> -> memref<1x128xi32, #tpu.memory_space<hbm>>
        tpu.enqueue_dma source(%dma_start3A_283 : memref<1x128xi32, #tpu.memory_space<hbm>>) target(%dma_start3A_281 : memref<1x128xi32, #tpu.memory_space<vmem>>) target_semaphore(%dma_start3A_277 : memref<!tpu.dma_semaphore, #tpu.memory_space<semaphore_mem>>)
        "tpu.trace_stop"() : () -> ()
      } else {
      }
      %and3A_107 = arith.constant true
      %and3A_108 = arith.andi %and3A, %and3A_107 : i1
      %add3A_109 = arith.constant 1 : i32
      %add3A_110 = arith.addi %select_n3A_62, %add3A_109 : i32
      %select_n3A_111 = arith.select %and3A_108, %add3A_110, %select_n3A_62 : i32
      %ne3A_112 = arith.cmpi ne, %add3A_72, %add3A_92 : i32
      %or3A_113 = arith.constant false
      %or3A_114 = arith.ori %or3A_113, %ne3A_112 : i1
      %or3A_115 = arith.constant false
      %or3A_116 = arith.ori %or3A_114, %or3A_115 : i1
      %ge3A_117 = arith.constant 0 : i32
      %ge3A_118 = arith.cmpi sge, %scan3A_66, %ge3A_117 : i32
      %not3A_119 = arith.constant true
      %not3A_120 = arith.xori %ge3A_118, %not3A_119 : i1
      %and3A_121 = arith.andi %or3A_116, %not3A_120 : i1
      %ne3A_122 = arith.cmpi ne, %add3A_72, %add3A_82 : i32
      %or3A_123 = arith.constant false
      %or3A_124 = arith.ori %or3A_123, %ne3A_122 : i1
      %or3A_125 = arith.ori %or3A_124, %eq3A_68 : i1
      %convert_element_type3A_126 = arith.extui %or3A_125 : i1 to i32
      %cond3A_127 = arith.constant 0 : i32
      %cond3A_128 = arith.cmpi ne, %convert_element_type3A_126, %cond3A_127 : i32
      scf.if %cond3A_128 {
        "tpu.trace_start"() <{level = 10 : i32, message = "ep_wait_in"}> : () -> ()
        %mul3A_266 = arith.constant 128 : i32
        %mul3A_267 = arith.muli %mul3A_266, %add3A_72 : i32
        %rem3A_268 = arith.constant 2 : i32
        %rem3A_269 = arith.remui %scan3A, %rem3A_268 : i32
        %dma_wait3A_270 = arith.constant 0 : i32
        %dma_wait3A_271 = arith.constant 0 : i32
        %dma_wait3A_272 = tpu.memref_slice %run_scoped3A[%rem3A_269, %dma_wait3A_270, %dma_wait3A_271] : memref<2x1x128xi32, #tpu.memory_space<vmem>> -> memref<1x1x128xi32, #tpu.memory_space<vmem>>
        %dma_wait3A_273 = tpu.memref_squeeze %dma_wait3A_272 : memref<1x1x128xi32, #tpu.memory_space<vmem>> -> memref<1x128xi32, #tpu.memory_space<vmem>>
        %dma_wait3A_274 = arith.constant 0 : i32
        %dma_wait3A_275 = tpu.memref_slice %arg3[%dma_wait3A_274, %mul3A_267] : memref<1x4096xi32, #tpu.memory_space<hbm>> -> memref<1x128xi32, #tpu.memory_space<hbm>>
        %dma_wait3A_276 = tpu.memref_slice %run_scoped3A_7[%rem3A_269] : memref<2x!tpu.dma_semaphore, #tpu.memory_space<semaphore_mem>> -> memref<1x!tpu.dma_semaphore, #tpu.memory_space<semaphore_mem>>
        %dma_wait3A_277 = tpu.memref_squeeze %dma_wait3A_276 : memref<1x!tpu.dma_semaphore, #tpu.memory_space<semaphore_mem>> -> memref<!tpu.dma_semaphore, #tpu.memory_space<semaphore_mem>>
        %dma_wait3A_278 = arith.constant 0 : i32
        %dma_wait3A_279 = arith.constant 0 : i32
        %dma_wait3A_280 = tpu.memref_slice %run_scoped3A[%rem3A_269, %dma_wait3A_278, %dma_wait3A_279] : memref<2x1x128xi32, #tpu.memory_space<vmem>> -> memref<1x1x128xi32, #tpu.memory_space<vmem>>
        %dma_wait3A_281 = tpu.memref_squeeze %dma_wait3A_280 : memref<1x1x128xi32, #tpu.memory_space<vmem>> -> memref<1x128xi32, #tpu.memory_space<vmem>>
        %dma_wait3A_282 = arith.constant 0 : i32
        %dma_wait3A_283 = tpu.memref_slice %arg3[%dma_wait3A_282, %mul3A_267] : memref<1x4096xi32, #tpu.memory_space<hbm>> -> memref<1x128xi32, #tpu.memory_space<hbm>>
        tpu.wait_dma2 semaphore(%dma_wait3A_277 : memref<!tpu.dma_semaphore, #tpu.memory_space<semaphore_mem>>) src(%dma_wait3A_283 : memref<1x128xi32, #tpu.memory_space<hbm>>) dst(%dma_wait3A_281 : memref<1x128xi32, #tpu.memory_space<vmem>>)
        "tpu.trace_stop"() : () -> ()
      } else {
      }
      %ne3A_129 = arith.cmpi ne, %add3A_72, %add3A_82 : i32
      %or3A_130 = arith.constant false
      %or3A_131 = arith.ori %or3A_130, %ne3A_129 : i1
      %or3A_132 = arith.constant false
      %or3A_133 = arith.ori %or3A_131, %or3A_132 : i1
      %or3A_134 = arith.ori %or3A_133, %eq3A_68 : i1
      %convert_element_type3A_135 = arith.extui %or3A_134 : i1 to i32
      %cond3A_136 = arith.constant 0 : i32
      %cond3A_137 = arith.cmpi ne, %convert_element_type3A_135, %cond3A_136 : i32
      scf.if %cond3A_137 {
      } else {
      }
      %rem3A_138 = arith.constant 2 : i32
      %rem3A_139 = arith.remui %scan3A, %rem3A_138 : i32
      %rem3A_140 = arith.constant 2 : i32
      %rem3A_141 = arith.remui %scan3A_63, %rem3A_140 : i32
      %run_scoped3A_142 = arith.constant 0 : i32
      "tpu.trace_start"() <{level = 10 : i32, message = "ep_run_kernel"}> : () -> ()
      "tpu.region"() ({
        %run_scoped3A_266 = tpu.sem_alloc : memref<!tpu.dma_semaphore, #tpu.memory_space<semaphore_mem>>
        %dma_start3A_267 = arith.constant 0 : i32
        %dma_start3A_268 = arith.constant 0 : i32
        %dma_start3A_269 = tpu.memref_slice %run_scoped3A_8[%rem3A_141, %dma_start3A_267, %dma_start3A_268] : memref<2x128x256xf32, #tpu.memory_space<vmem>> -> memref<1x128x256xf32, #tpu.memory_space<vmem>>
        %dma_start3A_270 = tpu.memref_squeeze %dma_start3A_269 : memref<1x128x256xf32, #tpu.memory_space<vmem>> -> memref<128x256xf32, #tpu.memory_space<vmem>>
        %dma_start3A_271 = arith.constant 0 : i32
        %dma_start3A_272 = arith.constant 0 : i32
        %dma_start3A_273 = tpu.memref_slice %run_scoped3A[%rem3A_139, %dma_start3A_271, %dma_start3A_272] : memref<2x1x128xi32, #tpu.memory_space<vmem>> -> memref<1x1x128xi32, #tpu.memory_space<vmem>>
        %dma_start3A_274 = tpu.memref_squeeze %dma_start3A_273 : memref<1x1x128xi32, #tpu.memory_space<vmem>> -> memref<1x128xi32, #tpu.memory_space<vmem>>
        %dma_start3A_275 = arith.constant 0 : i32
        %dma_start3A_276 = tpu.memref_slice %dma_start3A_274[%run_scoped3A_142, %dma_start3A_275] : memref<1x128xi32, #tpu.memory_space<vmem>> -> memref<1x128xi32, #tpu.memory_space<vmem>>
        %dma_start3A_277 = tpu.memref_squeeze %dma_start3A_276 : memref<1x128xi32, #tpu.memory_space<vmem>> -> memref<128xi32, #tpu.memory_space<vmem>>
        %dma_start3A_278 = arith.constant 0 : i32
        %dma_start3A_279 = arith.constant 0 : i32
        %dma_start3A_280 = tpu.memref_slice %arg2[%dma_start3A_278, %dma_start3A_279] : memref<8192x256xf32, #tpu.memory_space<hbm>> -> memref<8192x256xf32, #tpu.memory_space<hbm>>
        tpu.enqueue_indirect_dma source(%dma_start3A_280 : memref<8192x256xf32, #tpu.memory_space<hbm>>) target(%dma_start3A_270 : memref<128x256xf32, #tpu.memory_space<vmem>>) offsets(%dma_start3A_277 : memref<128xi32, #tpu.memory_space<vmem>>) semaphore(%run_scoped3A_266 : memref<!tpu.dma_semaphore, #tpu.memory_space<semaphore_mem>>)
        %dma_wait3A_281 = arith.constant 0 : i32
        %dma_wait3A_282 = arith.constant 0 : i32
        %dma_wait3A_283 = tpu.memref_slice %run_scoped3A_8[%rem3A_141, %dma_wait3A_281, %dma_wait3A_282] : memref<2x128x256xf32, #tpu.memory_space<vmem>> -> memref<1x128x256xf32, #tpu.memory_space<vmem>>
        %dma_wait3A_284 = tpu.memref_squeeze %dma_wait3A_283 : memref<1x128x256xf32, #tpu.memory_space<vmem>> -> memref<128x256xf32, #tpu.memory_space<vmem>>
        %dma_wait3A_285 = arith.constant 0 : i32
        %dma_wait3A_286 = arith.constant 0 : i32
        %dma_wait3A_287 = tpu.memref_slice %run_scoped3A[%rem3A_139, %dma_wait3A_285, %dma_wait3A_286] : memref<2x1x128xi32, #tpu.memory_space<vmem>> -> memref<1x1x128xi32, #tpu.memory_space<vmem>>
        %dma_wait3A_288 = tpu.memref_squeeze %dma_wait3A_287 : memref<1x1x128xi32, #tpu.memory_space<vmem>> -> memref<1x128xi32, #tpu.memory_space<vmem>>
        %dma_wait3A_289 = arith.constant 0 : i32
        %dma_wait3A_290 = tpu.memref_slice %dma_wait3A_288[%run_scoped3A_142, %dma_wait3A_289] : memref<1x128xi32, #tpu.memory_space<vmem>> -> memref<1x128xi32, #tpu.memory_space<vmem>>
        %dma_wait3A_291 = tpu.memref_squeeze %dma_wait3A_290 : memref<1x128xi32, #tpu.memory_space<vmem>> -> memref<128xi32, #tpu.memory_space<vmem>>
        %dma_wait3A_292 = arith.constant 0 : i32
        %dma_wait3A_293 = arith.constant 0 : i32
        %dma_wait3A_294 = tpu.memref_slice %arg2[%dma_wait3A_292, %dma_wait3A_293] : memref<8192x256xf32, #tpu.memory_space<hbm>> -> memref<8192x256xf32, #tpu.memory_space<hbm>>
        tpu.wait_indirect_dma semaphore(%run_scoped3A_266 : memref<!tpu.dma_semaphore, #tpu.memory_space<semaphore_mem>>) src(%dma_wait3A_294 : memref<8192x256xf32, #tpu.memory_space<hbm>>) dst(%dma_wait3A_284 : memref<128x256xf32, #tpu.memory_space<vmem>>)
        tpu.yield
      }) : () -> ()
      "tpu.trace_stop"() : () -> ()
      %ne3A_143 = arith.cmpi ne, %add3A_72, %add3A_92 : i32
      %or3A_144 = arith.constant false
      %or3A_145 = arith.ori %or3A_144, %ne3A_143 : i1
      %or3A_146 = arith.ori %or3A_145, %eq3A_70 : i1
      %convert_element_type3A_147 = arith.extui %or3A_146 : i1 to i32
      %cond3A_148 = arith.constant 0 : i32
      %cond3A_149 = arith.cmpi ne, %convert_element_type3A_147, %cond3A_148 : i32
      scf.if %cond3A_149 {
      } else {
      }
      %and3A_150 = arith.constant false
      %and3A_151 = arith.andi %or3A_146, %and3A_150 : i1
      %ne3A_152 = arith.cmpi ne, %add3A_72, %add3A_92 : i32
      %or3A_153 = arith.constant false
      %or3A_154 = arith.ori %or3A_153, %ne3A_152 : i1
      %or3A_155 = arith.constant false
      %or3A_156 = arith.ori %or3A_154, %or3A_155 : i1
      %or3A_157 = arith.ori %or3A_156, %eq3A_70 : i1
      %convert_element_type3A_158 = arith.extui %or3A_157 : i1 to i32
      %cond3A_159 = arith.constant 0 : i32
      %cond3A_160 = arith.cmpi ne, %convert_element_type3A_158, %cond3A_159 : i32
      scf.if %cond3A_160 {
        "tpu.trace_start"() <{level = 10 : i32, message = "ep_copy_out"}> : () -> ()
        %rem3A_266 = arith.constant 2 : i32
        %rem3A_267 = arith.remui %scan3A_63, %rem3A_266 : i32
        %mul3A_268 = arith.constant 128 : i32
        %mul3A_269 = arith.muli %mul3A_268, %add3A_72 : i32
        %dma_start3A_270 = arith.constant 0 : i32
        %dma_start3A_271 = arith.constant 0 : i32
        %dma_start3A_272 = tpu.memref_slice %run_scoped3A_8[%rem3A_267, %dma_start3A_270, %dma_start3A_271] : memref<2x128x256xf32, #tpu.memory_space<vmem>> -> memref<1x128x256xf32, #tpu.memory_space<vmem>>
        %dma_start3A_273 = tpu.memref_squeeze %dma_start3A_272 : memref<1x128x256xf32, #tpu.memory_space<vmem>> -> memref<128x256xf32, #tpu.memory_space<vmem>>
        %dma_start3A_274 = arith.constant 0 : i32
        %dma_start3A_275 = tpu.memref_slice %arg4[%mul3A_269, %dma_start3A_274] : memref<4096x256xf32, #tpu.memory_space<hbm>> -> memref<128x256xf32, #tpu.memory_space<hbm>>
        %dma_start3A_276 = tpu.memref_slice %run_scoped3A_9[%rem3A_267] : memref<2x!tpu.dma_semaphore, #tpu.memory_space<semaphore_mem>> -> memref<1x!tpu.dma_semaphore, #tpu.memory_space<semaphore_mem>>
        %dma_start3A_277 = tpu.memref_squeeze %dma_start3A_276 : memref<1x!tpu.dma_semaphore, #tpu.memory_space<semaphore_mem>> -> memref<!tpu.dma_semaphore, #tpu.memory_space<semaphore_mem>>
        %dma_start3A_278 = arith.constant 0 : i32
        %dma_start3A_279 = tpu.memref_slice %arg4[%mul3A_269, %dma_start3A_278] : memref<4096x256xf32, #tpu.memory_space<hbm>> -> memref<128x256xf32, #tpu.memory_space<hbm>>
        %dma_start3A_280 = arith.constant 0 : i32
        %dma_start3A_281 = arith.constant 0 : i32
        %dma_start3A_282 = tpu.memref_slice %run_scoped3A_8[%rem3A_267, %dma_start3A_280, %dma_start3A_281] : memref<2x128x256xf32, #tpu.memory_space<vmem>> -> memref<1x128x256xf32, #tpu.memory_space<vmem>>
        %dma_start3A_283 = tpu.memref_squeeze %dma_start3A_282 : memref<1x128x256xf32, #tpu.memory_space<vmem>> -> memref<128x256xf32, #tpu.memory_space<vmem>>
        tpu.enqueue_dma source(%dma_start3A_283 : memref<128x256xf32, #tpu.memory_space<vmem>>) target(%dma_start3A_279 : memref<128x256xf32, #tpu.memory_space<hbm>>) target_semaphore(%dma_start3A_277 : memref<!tpu.dma_semaphore, #tpu.memory_space<semaphore_mem>>)
        "tpu.trace_stop"() : () -> ()
      } else {
      }
      %and3A_161 = arith.constant true
      %and3A_162 = arith.andi %or3A_157, %and3A_161 : i1
      %add3A_163 = arith.constant 1 : i32
      %add3A_164 = arith.addi %scan3A_63, %add3A_163 : i32
      %select_n3A_165 = arith.select %and3A_162, %add3A_164, %scan3A_63 : i32
      %ne3A_166 = arith.cmpi ne, %add3A_72, %add3A_82 : i32
      %or3A_167 = arith.constant false
      %or3A_168 = arith.ori %or3A_167, %ne3A_166 : i1
      %not3A_169 = arith.constant true
      %not3A_170 = arith.xori %eq3A_68, %not3A_169 : i1
      %and3A_171 = arith.andi %or3A_168, %not3A_170 : i1
      %convert_element_type3A_172 = arith.extui %and3A_171 : i1 to i32
      %cond3A_173 = arith.constant 0 : i32
      %cond3A_174 = arith.cmpi ne, %convert_element_type3A_172, %cond3A_173 : i32
      scf.if %cond3A_174 {
      } else {
      }
      %and3A_175 = arith.constant false
      %and3A_176 = arith.andi %and3A_171, %and3A_175 : i1
      %ne3A_177 = arith.cmpi ne, %add3A_72, %add3A_82 : i32
      %or3A_178 = arith.constant false
      %or3A_179 = arith.ori %or3A_178, %ne3A_177 : i1
      %or3A_180 = arith.constant false
      %or3A_181 = arith.ori %or3A_179, %or3A_180 : i1
      %not3A_182 = arith.constant true
      %not3A_183 = arith.xori %eq3A_68, %not3A_182 : i1
      %and3A_184 = arith.andi %or3A_181, %not3A_183 : i1
      %convert_element_type3A_185 = arith.extui %and3A_184 : i1 to i32
      %cond3A_186 = arith.constant 0 : i32
      %cond3A_187 = arith.cmpi ne, %convert_element_type3A_185, %cond3A_186 : i32
      scf.if %cond3A_187 {
        "tpu.trace_start"() <{level = 10 : i32, message = "ep_wait_out"}> : () -> ()
        %rem3A_266 = arith.constant 2 : i32
        %rem3A_267 = arith.remui %scan3A_64, %rem3A_266 : i32
        %mul3A_268 = arith.constant 128 : i32
        %mul3A_269 = arith.muli %mul3A_268, %add3A_82 : i32
        %dma_wait3A_270 = arith.constant 0 : i32
        %dma_wait3A_271 = arith.constant 0 : i32
        %dma_wait3A_272 = tpu.memref_slice %run_scoped3A_8[%rem3A_267, %dma_wait3A_270, %dma_wait3A_271] : memref<2x128x256xf32, #tpu.memory_space<vmem>> -> memref<1x128x256xf32, #tpu.memory_space<vmem>>
        %dma_wait3A_273 = tpu.memref_squeeze %dma_wait3A_272 : memref<1x128x256xf32, #tpu.memory_space<vmem>> -> memref<128x256xf32, #tpu.memory_space<vmem>>
        %dma_wait3A_274 = arith.constant 0 : i32
        %dma_wait3A_275 = tpu.memref_slice %arg4[%mul3A_269, %dma_wait3A_274] : memref<4096x256xf32, #tpu.memory_space<hbm>> -> memref<128x256xf32, #tpu.memory_space<hbm>>
        %dma_wait3A_276 = tpu.memref_slice %run_scoped3A_9[%rem3A_267] : memref<2x!tpu.dma_semaphore, #tpu.memory_space<semaphore_mem>> -> memref<1x!tpu.dma_semaphore, #tpu.memory_space<semaphore_mem>>
        %dma_wait3A_277 = tpu.memref_squeeze %dma_wait3A_276 : memref<1x!tpu.dma_semaphore, #tpu.memory_space<semaphore_mem>> -> memref<!tpu.dma_semaphore, #tpu.memory_space<semaphore_mem>>
        %dma_wait3A_278 = arith.constant 0 : i32
        %dma_wait3A_279 = tpu.memref_slice %arg4[%mul3A_269, %dma_wait3A_278] : memref<4096x256xf32, #tpu.memory_space<hbm>> -> memref<128x256xf32, #tpu.memory_space<hbm>>
        %dma_wait3A_280 = arith.constant 0 : i32
        %dma_wait3A_281 = arith.constant 0 : i32
        %dma_wait3A_282 = tpu.memref_slice %run_scoped3A_8[%rem3A_267, %dma_wait3A_280, %dma_wait3A_281] : memref<2x128x256xf32, #tpu.memory_space<vmem>> -> memref<1x128x256xf32, #tpu.memory_space<vmem>>
        %dma_wait3A_283 = tpu.memref_squeeze %dma_wait3A_282 : memref<1x128x256xf32, #tpu.memory_space<vmem>> -> memref<128x256xf32, #tpu.memory_space<vmem>>
        tpu.wait_dma2 semaphore(%dma_wait3A_277 : memref<!tpu.dma_semaphore, #tpu.memory_space<semaphore_mem>>) src(%dma_wait3A_283 : memref<128x256xf32, #tpu.memory_space<vmem>>) dst(%dma_wait3A_279 : memref<128x256xf32, #tpu.memory_space<hbm>>)
        "tpu.trace_stop"() : () -> ()
      } else {
      }
      %and3A_188 = arith.constant true
      %and3A_189 = arith.andi %and3A_184, %and3A_188 : i1
      %add3A_190 = arith.constant 1 : i32
      %add3A_191 = arith.addi %scan3A_64, %add3A_190 : i32
      %select_n3A_192 = arith.select %and3A_189, %add3A_191, %scan3A_64 : i32
      %ne3A_193 = arith.cmpi ne, %add3A_72, %add3A_92 : i32
      %or3A_194 = arith.constant false
      %or3A_195 = arith.ori %or3A_194, %ne3A_193 : i1
      %or3A_196 = arith.ori %or3A_195, %eq3A_70 : i1
      %add3A_197 = arith.constant 1 : i32
      %add3A_198 = arith.addi %scan3A, %add3A_197 : i32
      %select_n3A_199 = arith.select %or3A_196, %add3A_198, %scan3A : i32
      %select_n3A_200 = arith.constant true
      %select_n3A_201 = arith.constant 0 : i32
      %select_n3A_202 = arith.constant 1 : i32
      %select_n3A_203 = arith.select %select_n3A_200, %select_n3A_202, %select_n3A_201 : i32
      %eq3A_204 = arith.constant 1 : i32
      %eq3A_205 = arith.cmpi eq, %select_n3A_203, %eq3A_204 : i32
      %select_n3A_206 = arith.constant 0 : i32
      %select_n3A_207 = arith.select %eq3A_205, %select_n3A_206, %select_n3A_203 : i32
      %scan3A_208 = arith.constant 0 : i32
      %scan3A_209 = arith.constant 1 : i32
      %sub3A = arith.constant 1 : i32
      %sub3A_210 = arith.subi %scan3A_208, %sub3A : i32
      %select_n3A_211 = arith.constant true
      %select_n3A_212 = arith.select %select_n3A_211, %sub3A_210, %scan3A_208 : i32
      %eq3A_213 = arith.constant -1 : i32
      %eq3A_214 = arith.cmpi eq, %select_n3A_212, %eq3A_213 : i32
      %select_n3A_215 = arith.constant 0 : i32
      %select_n3A_216 = arith.select %eq3A_214, %select_n3A_215, %select_n3A_212 : i32
      %add3A_217 = arith.constant 0 : i32
      %add3A_218 = arith.addi %add3A_217, %mul3A_6 : i32
      %select_n3A_219 = arith.constant true
      %select_n3A_220 = arith.constant 0 : i32
      %select_n3A_221 = arith.constant -1 : i32
      %select_n3A_222 = arith.select %select_n3A_219, %select_n3A_221, %select_n3A_220 : i32
      %eq3A_223 = arith.constant -1 : i32
      %eq3A_224 = arith.cmpi eq, %select_n3A_222, %eq3A_223 : i32
      %select_n3A_225 = arith.constant 0 : i32
      %select_n3A_226 = arith.select %eq3A_224, %select_n3A_225, %select_n3A_222 : i32
      %add3A_227 = arith.constant 0 : i32
      %add3A_228 = arith.addi %add3A_227, %mul3A_6 : i32
      %select_n3A_229 = arith.constant true
      %select_n3A_230 = arith.constant 0 : i32
      %select_n3A_231 = arith.constant 1 : i32
      %select_n3A_232 = arith.select %select_n3A_229, %select_n3A_231, %select_n3A_230 : i32
      %eq3A_233 = arith.constant 1 : i32
      %eq3A_234 = arith.cmpi eq, %select_n3A_232, %eq3A_233 : i32
      %select_n3A_235 = arith.constant 0 : i32
      %select_n3A_236 = arith.select %eq3A_234, %select_n3A_235, %select_n3A_232 : i32
      %add3A_237 = arith.constant 0 : i32
      %add3A_238 = arith.addi %add3A_237, %mul3A_6 : i32
      %select_n3A_239 = arith.constant true
      %select_n3A_240 = arith.constant 0 : i32
      %select_n3A_241 = arith.constant 1 : i32
      %select_n3A_242 = arith.select %select_n3A_239, %select_n3A_241, %select_n3A_240 : i32
      %eq3A_243 = arith.constant 1 : i32
      %eq3A_244 = arith.cmpi eq, %select_n3A_242, %eq3A_243 : i32
      %select_n3A_245 = arith.constant 0 : i32
      %select_n3A_246 = arith.select %eq3A_244, %select_n3A_245, %select_n3A_242 : i32
      %add3A_247 = arith.constant 0 : i32
      %add3A_248 = arith.addi %add3A_247, %mul3A_6 : i32
      "tpu.trace_start"() <{level = 10 : i32, message = "ep_finalize"}> : () -> ()
      %rem3A_249 = arith.constant 2 : i32
      %rem3A_250 = arith.remui %select_n3A_192, %rem3A_249 : i32
      %mul3A_251 = arith.constant 128 : i32
      %mul3A_252 = arith.muli %mul3A_251, %add3A_218 : i32
      %dma_wait3A = arith.constant 0 : i32
      %dma_wait3A_253 = arith.constant 0 : i32
      %dma_wait3A_254 = tpu.memref_slice %run_scoped3A_8[%rem3A_250, %dma_wait3A, %dma_wait3A_253] : memref<2x128x256xf32, #tpu.memory_space<vmem>> -> memref<1x128x256xf32, #tpu.memory_space<vmem>>
      %dma_wait3A_255 = tpu.memref_squeeze %dma_wait3A_254 : memref<1x128x256xf32, #tpu.memory_space<vmem>> -> memref<128x256xf32, #tpu.memory_space<vmem>>
      %dma_wait3A_256 = arith.constant 0 : i32
      %dma_wait3A_257 = tpu.memref_slice %arg4[%mul3A_252, %dma_wait3A_256] : memref<4096x256xf32, #tpu.memory_space<hbm>> -> memref<128x256xf32, #tpu.memory_space<hbm>>
      %dma_wait3A_258 = tpu.memref_slice %run_scoped3A_9[%rem3A_250] : memref<2x!tpu.dma_semaphore, #tpu.memory_space<semaphore_mem>> -> memref<1x!tpu.dma_semaphore, #tpu.memory_space<semaphore_mem>>
      %dma_wait3A_259 = tpu.memref_squeeze %dma_wait3A_258 : memref<1x!tpu.dma_semaphore, #tpu.memory_space<semaphore_mem>> -> memref<!tpu.dma_semaphore, #tpu.memory_space<semaphore_mem>>
      %dma_wait3A_260 = arith.constant 0 : i32
      %dma_wait3A_261 = tpu.memref_slice %arg4[%mul3A_252, %dma_wait3A_260] : memref<4096x256xf32, #tpu.memory_space<hbm>> -> memref<128x256xf32, #tpu.memory_space<hbm>>
      %dma_wait3A_262 = arith.constant 0 : i32
      %dma_wait3A_263 = arith.constant 0 : i32
      %dma_wait3A_264 = tpu.memref_slice %run_scoped3A_8[%rem3A_250, %dma_wait3A_262, %dma_wait3A_263] : memref<2x128x256xf32, #tpu.memory_space<vmem>> -> memref<1x128x256xf32, #tpu.memory_space<vmem>>
      %dma_wait3A_265 = tpu.memref_squeeze %dma_wait3A_264 : memref<1x128x256xf32, #tpu.memory_space<vmem>> -> memref<128x256xf32, #tpu.memory_space<vmem>>
      tpu.wait_dma2 semaphore(%dma_wait3A_259 : memref<!tpu.dma_semaphore, #tpu.memory_space<semaphore_mem>>) src(%dma_wait3A_265 : memref<128x256xf32, #tpu.memory_space<vmem>>) dst(%dma_wait3A_261 : memref<128x256xf32, #tpu.memory_space<hbm>>)
      "tpu.trace_stop"() : () -> ()
      tpu.yield
    }) : () -> ()
    return
  }
}

#map = affine_map<(d0, d1) -> (0, 0)>
module attributes {stable_mosaic.version = 14 : i64} {
  func.func @kern(%arg0: i32, %arg1: i32, %arg2: memref<8192x256xf32, #tpu.memory_space<hbm>>, %arg3: memref<1x65536xi32, #tpu.memory_space<hbm>>, %arg4: memref<65536x256xf32, #tpu.memory_space<hbm>>) attributes {dimension_semantics = [#tpu.dimension_semantics<core_parallel>, #tpu.dimension_semantics<subcore_parallel>], iteration_bounds = array<i64: 2, 16>, scalar_prefetch = 0 : i64, scratch_operands = 0 : i64, tpu.core_type = #tpu.core_type<sc_vector_subcore>, window_params = [{transform_indices = #map}, {transform_indices = #map}, {transform_indices = #map}]} {
    %mul3A = arith.constant 1 : i32
    %mul3A_0 = arith.muli %arg1, %mul3A : i32
    %add3A = arith.constant 0 : i32
    %add3A_1 = arith.addi %add3A, %mul3A_0 : i32
    %mul3A_2 = arith.constant 16 : i32
    %mul3A_3 = arith.muli %arg0, %mul3A_2 : i32
    %add3A_4 = arith.addi %add3A_1, %mul3A_3 : i32
    %mul3A_5 = arith.constant 16 : i32
    %mul3A_6 = arith.muli %add3A_4, %mul3A_5 : i32
    "tpu.region"() ({
      %run_scoped3A = memref.alloca() : memref<2x1x128xi32, #tpu.memory_space<vmem>>
      %run_scoped3A_7 = tpu.sem_alloc : memref<2x!tpu.dma_semaphore, #tpu.memory_space<semaphore_mem>>
      %run_scoped3A_8 = memref.alloca() : memref<2x128x256xf32, #tpu.memory_space<vmem>>
      %run_scoped3A_9 = tpu.sem_alloc : memref<2x!tpu.dma_semaphore, #tpu.memory_space<semaphore_mem>>
      %add3A_10 = arith.constant 0 : i32
      %add3A_11 = arith.addi %add3A_10, %mul3A_6 : i32
      %select_n3A = arith.constant true
      %select_n3A_12 = arith.constant 0 : i32
      %select_n3A_13 = arith.constant -1 : i32
      %select_n3A_14 = arith.select %select_n3A, %select_n3A_13, %select_n3A_12 : i32
      %eq3A = arith.constant -1 : i32
      %eq3A_15 = arith.cmpi eq, %select_n3A_14, %eq3A : i32
      %select_n3A_16 = arith.constant 15 : i32
      %select_n3A_17 = arith.select %eq3A_15, %select_n3A_16, %select_n3A_14 : i32
      %add3A_18 = arith.addi %select_n3A_17, %mul3A_6 : i32
      %select_n3A_19 = arith.constant true
      %select_n3A_20 = arith.constant 0 : i32
      %select_n3A_21 = arith.constant 1 : i32
      %select_n3A_22 = arith.select %select_n3A_19, %select_n3A_21, %select_n3A_20 : i32
      %eq3A_23 = arith.constant 16 : i32
      %eq3A_24 = arith.cmpi eq, %select_n3A_22, %eq3A_23 : i32
      %select_n3A_25 = arith.constant 0 : i32
      %select_n3A_26 = arith.select %eq3A_24, %select_n3A_25, %select_n3A_22 : i32
      %add3A_27 = arith.addi %select_n3A_26, %mul3A_6 : i32
      %add3A_28 = arith.constant 1 : i32
      %add3A_29 = arith.addi %select_n3A_26, %add3A_28 : i32
      %select_n3A_30 = arith.constant true
      %select_n3A_31 = arith.select %select_n3A_30, %add3A_29, %select_n3A_26 : i32
      %eq3A_32 = arith.constant 16 : i32
      %eq3A_33 = arith.cmpi eq, %select_n3A_31, %eq3A_32 : i32
      %select_n3A_34 = arith.constant 0 : i32
      %select_n3A_35 = arith.select %eq3A_33, %select_n3A_34, %select_n3A_31 : i32
      %add3A_36 = arith.addi %select_n3A_35, %mul3A_6 : i32
      "tpu.trace_start"() <{level = 10 : i32, message = "ep_initialize_0"}> : () -> ()
      %rem3A = arith.constant 0 : i32
      %rem3A_37 = arith.constant 2 : i32
      %rem3A_38 = arith.remui %rem3A, %rem3A_37 : i32
      %mul3A_39 = arith.constant 128 : i32
      %mul3A_40 = arith.muli %mul3A_39, %add3A_11 : i32
      %dma_start3A = arith.constant 0 : i32
      %dma_start3A_41 = arith.constant 0 : i32
      %dma_start3A_42 = tpu.memref_slice %run_scoped3A[%rem3A_38, %dma_start3A, %dma_start3A_41] : memref<2x1x128xi32, #tpu.memory_space<vmem>> -> memref<1x1x128xi32, #tpu.memory_space<vmem>>
      %dma_start3A_43 = tpu.memref_squeeze %dma_start3A_42 : memref<1x1x128xi32, #tpu.memory_space<vmem>> -> memref<1x128xi32, #tpu.memory_space<vmem>>
      %dma_start3A_44 = arith.constant 0 : i32
      %dma_start3A_45 = tpu.memref_slice %arg3[%dma_start3A_44, %mul3A_40] : memref<1x65536xi32, #tpu.memory_space<hbm>> -> memref<1x128xi32, #tpu.memory_space<hbm>>
      %dma_start3A_46 = tpu.memref_slice %run_scoped3A_7[%rem3A_38] : memref<2x!tpu.dma_semaphore, #tpu.memory_space<semaphore_mem>> -> memref<1x!tpu.dma_semaphore, #tpu.memory_space<semaphore_mem>>
      %dma_start3A_47 = tpu.memref_squeeze %dma_start3A_46 : memref<1x!tpu.dma_semaphore, #tpu.memory_space<semaphore_mem>> -> memref<!tpu.dma_semaphore, #tpu.memory_space<semaphore_mem>>
      %dma_start3A_48 = arith.constant 0 : i32
      %dma_start3A_49 = arith.constant 0 : i32
      %dma_start3A_50 = tpu.memref_slice %run_scoped3A[%rem3A_38, %dma_start3A_48, %dma_start3A_49] : memref<2x1x128xi32, #tpu.memory_space<vmem>> -> memref<1x1x128xi32, #tpu.memory_space<vmem>>
      %dma_start3A_51 = tpu.memref_squeeze %dma_start3A_50 : memref<1x1x128xi32, #tpu.memory_space<vmem>> -> memref<1x128xi32, #tpu.memory_space<vmem>>
      %dma_start3A_52 = arith.constant 0 : i32
      %dma_start3A_53 = tpu.memref_slice %arg3[%dma_start3A_52, %mul3A_40] : memref<1x65536xi32, #tpu.memory_space<hbm>> -> memref<1x128xi32, #tpu.memory_space<hbm>>
      tpu.enqueue_dma source(%dma_start3A_53 : memref<1x128xi32, #tpu.memory_space<hbm>>) target(%dma_start3A_51 : memref<1x128xi32, #tpu.memory_space<vmem>>) target_semaphore(%dma_start3A_47 : memref<!tpu.dma_semaphore, #tpu.memory_space<semaphore_mem>>)
      %add3A_54 = arith.constant 0 : i32
      %add3A_55 = arith.constant 1 : i32
      %add3A_56 = arith.addi %add3A_54, %add3A_55 : i32
      %select_n3A_57 = arith.constant true
      %select_n3A_58 = arith.constant 0 : i32
      %select_n3A_59 = arith.select %select_n3A_57, %add3A_56, %select_n3A_58 : i32
      "tpu.trace_stop"() : () -> ()
      %scan3A = arith.constant 0 : i32
      %scan3A_60 = arith.constant 0 : i32
      %scan3A_61 = arith.constant 0 : i32
      %scan3A_62 = arith.constant 0 : i32
      %scan3A_63 = arith.constant 0 : i32
      %scan3A_64 = arith.constant 16 : i32
      %scan3A_65 = arith.addi %scan3A_63, %scan3A_64 : i32
      %scan3A_66 = arith.constant 1 : i32
      %scan3A_67:5 = scf.for %scan3A_121 = %scan3A_63 to %scan3A_65 step %scan3A_66 iter_args(%scan3A_122 = %select_n3A_59, %scan3A_123 = %scan3A, %scan3A_124 = %scan3A_60, %scan3A_125 = %scan3A_61, %scan3A_126 = %scan3A_62) -> (i32, i32, i32, i32, i32)  : i32 {
        %eq3A_127 = arith.constant 0 : i32
        %eq3A_128 = arith.cmpi eq, %scan3A_121, %eq3A_127 : i32
        %eq3A_129 = arith.constant 15 : i32
        %eq3A_130 = arith.cmpi eq, %scan3A_121, %eq3A_129 : i32
        %add3A_131 = arith.addi %scan3A_126, %mul3A_6 : i32
        %sub3A_132 = arith.constant 1 : i32
        %sub3A_133 = arith.subi %scan3A_126, %sub3A_132 : i32
        %select_n3A_134 = arith.constant true
        %select_n3A_135 = arith.select %select_n3A_134, %sub3A_133, %scan3A_126 : i32
        %eq3A_136 = arith.constant -1 : i32
        %eq3A_137 = arith.cmpi eq, %select_n3A_135, %eq3A_136 : i32
        %select_n3A_138 = arith.constant 15 : i32
        %select_n3A_139 = arith.select %eq3A_137, %select_n3A_138, %select_n3A_135 : i32
        %add3A_140 = arith.addi %select_n3A_139, %mul3A_6 : i32
        %add3A_141 = arith.constant 1 : i32
        %add3A_142 = arith.addi %scan3A_126, %add3A_141 : i32
        %select_n3A_143 = arith.constant true
        %select_n3A_144 = arith.select %select_n3A_143, %add3A_142, %scan3A_126 : i32
        %eq3A_145 = arith.constant 16 : i32
        %eq3A_146 = arith.cmpi eq, %select_n3A_144, %eq3A_145 : i32
        %select_n3A_147 = arith.constant 0 : i32
        %select_n3A_148 = arith.select %eq3A_146, %select_n3A_147, %select_n3A_144 : i32
        %add3A_149 = arith.addi %select_n3A_148, %mul3A_6 : i32
        %add3A_150 = arith.constant 1 : i32
        %add3A_151 = arith.addi %select_n3A_148, %add3A_150 : i32
        %select_n3A_152 = arith.constant true
        %select_n3A_153 = arith.select %select_n3A_152, %add3A_151, %select_n3A_148 : i32
        %eq3A_154 = arith.constant 16 : i32
        %eq3A_155 = arith.cmpi eq, %select_n3A_153, %eq3A_154 : i32
        %select_n3A_156 = arith.constant 0 : i32
        %select_n3A_157 = arith.select %eq3A_155, %select_n3A_156, %select_n3A_153 : i32
        %add3A_158 = arith.addi %select_n3A_157, %mul3A_6 : i32
        %ne3A = arith.cmpi ne, %add3A_131, %add3A_149 : i32
        %or3A = arith.constant false
        %or3A_159 = arith.ori %or3A, %ne3A : i1
        %ge3A = arith.constant 15 : i32
        %ge3A_160 = arith.cmpi sge, %scan3A_121, %ge3A : i32
        %not3A = arith.constant true
        %not3A_161 = arith.xori %ge3A_160, %not3A : i1
        %and3A = arith.andi %or3A_159, %not3A_161 : i1
        %convert_element_type3A = arith.extui %and3A : i1 to i32
        %cond3A = arith.constant 0 : i32
        %cond3A_162 = arith.cmpi ne, %convert_element_type3A, %cond3A : i32
        scf.if %cond3A_162 {
          "tpu.trace_start"() <{level = 10 : i32, message = "ep_copy_in"}> : () -> ()
          %rem3A_264 = arith.constant 2 : i32
          %rem3A_265 = arith.remui %scan3A_122, %rem3A_264 : i32
          %mul3A_266 = arith.constant 128 : i32
          %mul3A_267 = arith.muli %mul3A_266, %add3A_149 : i32
          %dma_start3A_268 = arith.constant 0 : i32
          %dma_start3A_269 = arith.constant 0 : i32
          %dma_start3A_270 = tpu.memref_slice %run_scoped3A[%rem3A_265, %dma_start3A_268, %dma_start3A_269] : memref<2x1x128xi32, #tpu.memory_space<vmem>> -> memref<1x1x128xi32, #tpu.memory_space<vmem>>
          %dma_start3A_271 = tpu.memref_squeeze %dma_start3A_270 : memref<1x1x128xi32, #tpu.memory_space<vmem>> -> memref<1x128xi32, #tpu.memory_space<vmem>>
          %dma_start3A_272 = arith.constant 0 : i32
          %dma_start3A_273 = tpu.memref_slice %arg3[%dma_start3A_272, %mul3A_267] : memref<1x65536xi32, #tpu.memory_space<hbm>> -> memref<1x128xi32, #tpu.memory_space<hbm>>
          %dma_start3A_274 = tpu.memref_slice %run_scoped3A_7[%rem3A_265] : memref<2x!tpu.dma_semaphore, #tpu.memory_space<semaphore_mem>> -> memref<1x!tpu.dma_semaphore, #tpu.memory_space<semaphore_mem>>
          %dma_start3A_275 = tpu.memref_squeeze %dma_start3A_274 : memref<1x!tpu.dma_semaphore, #tpu.memory_space<semaphore_mem>> -> memref<!tpu.dma_semaphore, #tpu.memory_space<semaphore_mem>>
          %dma_start3A_276 = arith.constant 0 : i32
          %dma_start3A_277 = arith.constant 0 : i32
          %dma_start3A_278 = tpu.memref_slice %run_scoped3A[%rem3A_265, %dma_start3A_276, %dma_start3A_277] : memref<2x1x128xi32, #tpu.memory_space<vmem>> -> memref<1x1x128xi32, #tpu.memory_space<vmem>>
          %dma_start3A_279 = tpu.memref_squeeze %dma_start3A_278 : memref<1x1x128xi32, #tpu.memory_space<vmem>> -> memref<1x128xi32, #tpu.memory_space<vmem>>
          %dma_start3A_280 = arith.constant 0 : i32
          %dma_start3A_281 = tpu.memref_slice %arg3[%dma_start3A_280, %mul3A_267] : memref<1x65536xi32, #tpu.memory_space<hbm>> -> memref<1x128xi32, #tpu.memory_space<hbm>>
          tpu.enqueue_dma source(%dma_start3A_281 : memref<1x128xi32, #tpu.memory_space<hbm>>) target(%dma_start3A_279 : memref<1x128xi32, #tpu.memory_space<vmem>>) target_semaphore(%dma_start3A_275 : memref<!tpu.dma_semaphore, #tpu.memory_space<semaphore_mem>>)
          "tpu.trace_stop"() : () -> ()
        } else {
        }
        %and3A_163 = arith.constant true
        %and3A_164 = arith.andi %and3A, %and3A_163 : i1
        %add3A_165 = arith.constant 1 : i32
        %add3A_166 = arith.addi %scan3A_122, %add3A_165 : i32
        %select_n3A_167 = arith.select %and3A_164, %add3A_166, %scan3A_122 : i32
        %ne3A_168 = arith.cmpi ne, %add3A_131, %add3A_149 : i32
        %or3A_169 = arith.constant false
        %or3A_170 = arith.ori %or3A_169, %ne3A_168 : i1
        %or3A_171 = arith.constant false
        %or3A_172 = arith.ori %or3A_170, %or3A_171 : i1
        %ge3A_173 = arith.constant 15 : i32
        %ge3A_174 = arith.cmpi sge, %scan3A_121, %ge3A_173 : i32
        %not3A_175 = arith.constant true
        %not3A_176 = arith.xori %ge3A_174, %not3A_175 : i1
        %and3A_177 = arith.andi %or3A_172, %not3A_176 : i1
        %ne3A_178 = arith.cmpi ne, %add3A_131, %add3A_140 : i32
        %or3A_179 = arith.constant false
        %or3A_180 = arith.ori %or3A_179, %ne3A_178 : i1
        %or3A_181 = arith.ori %or3A_180, %eq3A_128 : i1
        %convert_element_type3A_182 = arith.extui %or3A_181 : i1 to i32
        %cond3A_183 = arith.constant 0 : i32
        %cond3A_184 = arith.cmpi ne, %convert_element_type3A_182, %cond3A_183 : i32
        scf.if %cond3A_184 {
          "tpu.trace_start"() <{level = 10 : i32, message = "ep_wait_in"}> : () -> ()
          %mul3A_264 = arith.constant 128 : i32
          %mul3A_265 = arith.muli %mul3A_264, %add3A_131 : i32
          %rem3A_266 = arith.constant 2 : i32
          %rem3A_267 = arith.remui %scan3A_123, %rem3A_266 : i32
          %dma_wait3A_268 = arith.constant 0 : i32
          %dma_wait3A_269 = arith.constant 0 : i32
          %dma_wait3A_270 = tpu.memref_slice %run_scoped3A[%rem3A_267, %dma_wait3A_268, %dma_wait3A_269] : memref<2x1x128xi32, #tpu.memory_space<vmem>> -> memref<1x1x128xi32, #tpu.memory_space<vmem>>
          %dma_wait3A_271 = tpu.memref_squeeze %dma_wait3A_270 : memref<1x1x128xi32, #tpu.memory_space<vmem>> -> memref<1x128xi32, #tpu.memory_space<vmem>>
          %dma_wait3A_272 = arith.constant 0 : i32
          %dma_wait3A_273 = tpu.memref_slice %arg3[%dma_wait3A_272, %mul3A_265] : memref<1x65536xi32, #tpu.memory_space<hbm>> -> memref<1x128xi32, #tpu.memory_space<hbm>>
          %dma_wait3A_274 = tpu.memref_slice %run_scoped3A_7[%rem3A_267] : memref<2x!tpu.dma_semaphore, #tpu.memory_space<semaphore_mem>> -> memref<1x!tpu.dma_semaphore, #tpu.memory_space<semaphore_mem>>
          %dma_wait3A_275 = tpu.memref_squeeze %dma_wait3A_274 : memref<1x!tpu.dma_semaphore, #tpu.memory_space<semaphore_mem>> -> memref<!tpu.dma_semaphore, #tpu.memory_space<semaphore_mem>>
          %dma_wait3A_276 = arith.constant 0 : i32
          %dma_wait3A_277 = arith.constant 0 : i32
          %dma_wait3A_278 = tpu.memref_slice %run_scoped3A[%rem3A_267, %dma_wait3A_276, %dma_wait3A_277] : memref<2x1x128xi32, #tpu.memory_space<vmem>> -> memref<1x1x128xi32, #tpu.memory_space<vmem>>
          %dma_wait3A_279 = tpu.memref_squeeze %dma_wait3A_278 : memref<1x1x128xi32, #tpu.memory_space<vmem>> -> memref<1x128xi32, #tpu.memory_space<vmem>>
          %dma_wait3A_280 = arith.constant 0 : i32
          %dma_wait3A_281 = tpu.memref_slice %arg3[%dma_wait3A_280, %mul3A_265] : memref<1x65536xi32, #tpu.memory_space<hbm>> -> memref<1x128xi32, #tpu.memory_space<hbm>>
          tpu.wait_dma2 semaphore(%dma_wait3A_275 : memref<!tpu.dma_semaphore, #tpu.memory_space<semaphore_mem>>) src(%dma_wait3A_281 : memref<1x128xi32, #tpu.memory_space<hbm>>) dst(%dma_wait3A_279 : memref<1x128xi32, #tpu.memory_space<vmem>>)
          "tpu.trace_stop"() : () -> ()
        } else {
        }
        %ne3A_185 = arith.cmpi ne, %add3A_131, %add3A_140 : i32
        %or3A_186 = arith.constant false
        %or3A_187 = arith.ori %or3A_186, %ne3A_185 : i1
        %or3A_188 = arith.constant false
        %or3A_189 = arith.ori %or3A_187, %or3A_188 : i1
        %or3A_190 = arith.ori %or3A_189, %eq3A_128 : i1
        %convert_element_type3A_191 = arith.extui %or3A_190 : i1 to i32
        %cond3A_192 = arith.constant 0 : i32
        %cond3A_193 = arith.cmpi ne, %convert_element_type3A_191, %cond3A_192 : i32
        scf.if %cond3A_193 {
        } else {
        }
        %rem3A_194 = arith.constant 2 : i32
        %rem3A_195 = arith.remui %scan3A_123, %rem3A_194 : i32
        %rem3A_196 = arith.constant 2 : i32
        %rem3A_197 = arith.remui %scan3A_124, %rem3A_196 : i32
        %run_scoped3A_198 = arith.constant 0 : i32
        "tpu.trace_start"() <{level = 10 : i32, message = "ep_run_kernel"}> : () -> ()
        "tpu.region"() ({
          %run_scoped3A_264 = tpu.sem_alloc : memref<!tpu.dma_semaphore, #tpu.memory_space<semaphore_mem>>
          %dma_start3A_265 = arith.constant 0 : i32
          %dma_start3A_266 = arith.constant 0 : i32
          %dma_start3A_267 = tpu.memref_slice %run_scoped3A_8[%rem3A_197, %dma_start3A_265, %dma_start3A_266] : memref<2x128x256xf32, #tpu.memory_space<vmem>> -> memref<1x128x256xf32, #tpu.memory_space<vmem>>
          %dma_start3A_268 = tpu.memref_squeeze %dma_start3A_267 : memref<1x128x256xf32, #tpu.memory_space<vmem>> -> memref<128x256xf32, #tpu.memory_space<vmem>>
          %dma_start3A_269 = arith.constant 0 : i32
          %dma_start3A_270 = arith.constant 0 : i32
          %dma_start3A_271 = tpu.memref_slice %run_scoped3A[%rem3A_195, %dma_start3A_269, %dma_start3A_270] : memref<2x1x128xi32, #tpu.memory_space<vmem>> -> memref<1x1x128xi32, #tpu.memory_space<vmem>>
          %dma_start3A_272 = tpu.memref_squeeze %dma_start3A_271 : memref<1x1x128xi32, #tpu.memory_space<vmem>> -> memref<1x128xi32, #tpu.memory_space<vmem>>
          %dma_start3A_273 = arith.constant 0 : i32
          %dma_start3A_274 = tpu.memref_slice %dma_start3A_272[%run_scoped3A_198, %dma_start3A_273] : memref<1x128xi32, #tpu.memory_space<vmem>> -> memref<1x128xi32, #tpu.memory_space<vmem>>
          %dma_start3A_275 = tpu.memref_squeeze %dma_start3A_274 : memref<1x128xi32, #tpu.memory_space<vmem>> -> memref<128xi32, #tpu.memory_space<vmem>>
          %dma_start3A_276 = arith.constant 0 : i32
          %dma_start3A_277 = arith.constant 0 : i32
          %dma_start3A_278 = tpu.memref_slice %arg2[%dma_start3A_276, %dma_start3A_277] : memref<8192x256xf32, #tpu.memory_space<hbm>> -> memref<8192x256xf32, #tpu.memory_space<hbm>>
          tpu.enqueue_indirect_dma source(%dma_start3A_278 : memref<8192x256xf32, #tpu.memory_space<hbm>>) target(%dma_start3A_268 : memref<128x256xf32, #tpu.memory_space<vmem>>) offsets(%dma_start3A_275 : memref<128xi32, #tpu.memory_space<vmem>>) semaphore(%run_scoped3A_264 : memref<!tpu.dma_semaphore, #tpu.memory_space<semaphore_mem>>)
          %dma_wait3A_279 = arith.constant 0 : i32
          %dma_wait3A_280 = arith.constant 0 : i32
          %dma_wait3A_281 = tpu.memref_slice %run_scoped3A_8[%rem3A_197, %dma_wait3A_279, %dma_wait3A_280] : memref<2x128x256xf32, #tpu.memory_space<vmem>> -> memref<1x128x256xf32, #tpu.memory_space<vmem>>
          %dma_wait3A_282 = tpu.memref_squeeze %dma_wait3A_281 : memref<1x128x256xf32, #tpu.memory_space<vmem>> -> memref<128x256xf32, #tpu.memory_space<vmem>>
          %dma_wait3A_283 = arith.constant 0 : i32
          %dma_wait3A_284 = arith.constant 0 : i32
          %dma_wait3A_285 = tpu.memref_slice %run_scoped3A[%rem3A_195, %dma_wait3A_283, %dma_wait3A_284] : memref<2x1x128xi32, #tpu.memory_space<vmem>> -> memref<1x1x128xi32, #tpu.memory_space<vmem>>
          %dma_wait3A_286 = tpu.memref_squeeze %dma_wait3A_285 : memref<1x1x128xi32, #tpu.memory_space<vmem>> -> memref<1x128xi32, #tpu.memory_space<vmem>>
          %dma_wait3A_287 = arith.constant 0 : i32
          %dma_wait3A_288 = tpu.memref_slice %dma_wait3A_286[%run_scoped3A_198, %dma_wait3A_287] : memref<1x128xi32, #tpu.memory_space<vmem>> -> memref<1x128xi32, #tpu.memory_space<vmem>>
          %dma_wait3A_289 = tpu.memref_squeeze %dma_wait3A_288 : memref<1x128xi32, #tpu.memory_space<vmem>> -> memref<128xi32, #tpu.memory_space<vmem>>
          %dma_wait3A_290 = arith.constant 0 : i32
          %dma_wait3A_291 = arith.constant 0 : i32
          %dma_wait3A_292 = tpu.memref_slice %arg2[%dma_wait3A_290, %dma_wait3A_291] : memref<8192x256xf32, #tpu.memory_space<hbm>> -> memref<8192x256xf32, #tpu.memory_space<hbm>>
          tpu.wait_indirect_dma semaphore(%run_scoped3A_264 : memref<!tpu.dma_semaphore, #tpu.memory_space<semaphore_mem>>) src(%dma_wait3A_292 : memref<8192x256xf32, #tpu.memory_space<hbm>>) dst(%dma_wait3A_282 : memref<128x256xf32, #tpu.memory_space<vmem>>)
          tpu.yield
        }) : () -> ()
        "tpu.trace_stop"() : () -> ()
        %ne3A_199 = arith.cmpi ne, %add3A_131, %add3A_149 : i32
        %or3A_200 = arith.constant false
        %or3A_201 = arith.ori %or3A_200, %ne3A_199 : i1
        %or3A_202 = arith.ori %or3A_201, %eq3A_130 : i1
        %convert_element_type3A_203 = arith.extui %or3A_202 : i1 to i32
        %cond3A_204 = arith.constant 0 : i32
        %cond3A_205 = arith.cmpi ne, %convert_element_type3A_203, %cond3A_204 : i32
        scf.if %cond3A_205 {
        } else {
        }
        %and3A_206 = arith.constant false
        %and3A_207 = arith.andi %or3A_202, %and3A_206 : i1
        %ne3A_208 = arith.cmpi ne, %add3A_131, %add3A_149 : i32
        %or3A_209 = arith.constant false
        %or3A_210 = arith.ori %or3A_209, %ne3A_208 : i1
        %or3A_211 = arith.constant false
        %or3A_212 = arith.ori %or3A_210, %or3A_211 : i1
        %or3A_213 = arith.ori %or3A_212, %eq3A_130 : i1
        %convert_element_type3A_214 = arith.extui %or3A_213 : i1 to i32
        %cond3A_215 = arith.constant 0 : i32
        %cond3A_216 = arith.cmpi ne, %convert_element_type3A_214, %cond3A_215 : i32
        scf.if %cond3A_216 {
          "tpu.trace_start"() <{level = 10 : i32, message = "ep_copy_out"}> : () -> ()
          %rem3A_264 = arith.constant 2 : i32
          %rem3A_265 = arith.remui %scan3A_124, %rem3A_264 : i32
          %mul3A_266 = arith.constant 128 : i32
          %mul3A_267 = arith.muli %mul3A_266, %add3A_131 : i32
          %dma_start3A_268 = arith.constant 0 : i32
          %dma_start3A_269 = arith.constant 0 : i32
          %dma_start3A_270 = tpu.memref_slice %run_scoped3A_8[%rem3A_265, %dma_start3A_268, %dma_start3A_269] : memref<2x128x256xf32, #tpu.memory_space<vmem>> -> memref<1x128x256xf32, #tpu.memory_space<vmem>>
          %dma_start3A_271 = tpu.memref_squeeze %dma_start3A_270 : memref<1x128x256xf32, #tpu.memory_space<vmem>> -> memref<128x256xf32, #tpu.memory_space<vmem>>
          %dma_start3A_272 = arith.constant 0 : i32
          %dma_start3A_273 = tpu.memref_slice %arg4[%mul3A_267, %dma_start3A_272] : memref<65536x256xf32, #tpu.memory_space<hbm>> -> memref<128x256xf32, #tpu.memory_space<hbm>>
          %dma_start3A_274 = tpu.memref_slice %run_scoped3A_9[%rem3A_265] : memref<2x!tpu.dma_semaphore, #tpu.memory_space<semaphore_mem>> -> memref<1x!tpu.dma_semaphore, #tpu.memory_space<semaphore_mem>>
          %dma_start3A_275 = tpu.memref_squeeze %dma_start3A_274 : memref<1x!tpu.dma_semaphore, #tpu.memory_space<semaphore_mem>> -> memref<!tpu.dma_semaphore, #tpu.memory_space<semaphore_mem>>
          %dma_start3A_276 = arith.constant 0 : i32
          %dma_start3A_277 = tpu.memref_slice %arg4[%mul3A_267, %dma_start3A_276] : memref<65536x256xf32, #tpu.memory_space<hbm>> -> memref<128x256xf32, #tpu.memory_space<hbm>>
          %dma_start3A_278 = arith.constant 0 : i32
          %dma_start3A_279 = arith.constant 0 : i32
          %dma_start3A_280 = tpu.memref_slice %run_scoped3A_8[%rem3A_265, %dma_start3A_278, %dma_start3A_279] : memref<2x128x256xf32, #tpu.memory_space<vmem>> -> memref<1x128x256xf32, #tpu.memory_space<vmem>>
          %dma_start3A_281 = tpu.memref_squeeze %dma_start3A_280 : memref<1x128x256xf32, #tpu.memory_space<vmem>> -> memref<128x256xf32, #tpu.memory_space<vmem>>
          tpu.enqueue_dma source(%dma_start3A_281 : memref<128x256xf32, #tpu.memory_space<vmem>>) target(%dma_start3A_277 : memref<128x256xf32, #tpu.memory_space<hbm>>) target_semaphore(%dma_start3A_275 : memref<!tpu.dma_semaphore, #tpu.memory_space<semaphore_mem>>)
          "tpu.trace_stop"() : () -> ()
        } else {
        }
        %and3A_217 = arith.constant true
        %and3A_218 = arith.andi %or3A_213, %and3A_217 : i1
        %add3A_219 = arith.constant 1 : i32
        %add3A_220 = arith.addi %scan3A_124, %add3A_219 : i32
        %select_n3A_221 = arith.select %and3A_218, %add3A_220, %scan3A_124 : i32
        %ne3A_222 = arith.cmpi ne, %add3A_131, %add3A_140 : i32
        %or3A_223 = arith.constant false
        %or3A_224 = arith.ori %or3A_223, %ne3A_222 : i1
        %not3A_225 = arith.constant true
        %not3A_226 = arith.xori %eq3A_128, %not3A_225 : i1
        %and3A_227 = arith.andi %or3A_224, %not3A_226 : i1
        %convert_element_type3A_228 = arith.extui %and3A_227 : i1 to i32
        %cond3A_229 = arith.constant 0 : i32
        %cond3A_230 = arith.cmpi ne, %convert_element_type3A_228, %cond3A_229 : i32
        scf.if %cond3A_230 {
        } else {
        }
        %and3A_231 = arith.constant false
        %and3A_232 = arith.andi %and3A_227, %and3A_231 : i1
        %ne3A_233 = arith.cmpi ne, %add3A_131, %add3A_140 : i32
        %or3A_234 = arith.constant false
        %or3A_235 = arith.ori %or3A_234, %ne3A_233 : i1
        %or3A_236 = arith.constant false
        %or3A_237 = arith.ori %or3A_235, %or3A_236 : i1
        %not3A_238 = arith.constant true
        %not3A_239 = arith.xori %eq3A_128, %not3A_238 : i1
        %and3A_240 = arith.andi %or3A_237, %not3A_239 : i1
        %convert_element_type3A_241 = arith.extui %and3A_240 : i1 to i32
        %cond3A_242 = arith.constant 0 : i32
        %cond3A_243 = arith.cmpi ne, %convert_element_type3A_241, %cond3A_242 : i32
        scf.if %cond3A_243 {
          "tpu.trace_start"() <{level = 10 : i32, message = "ep_wait_out"}> : () -> ()
          %rem3A_264 = arith.constant 2 : i32
          %rem3A_265 = arith.remui %scan3A_125, %rem3A_264 : i32
          %mul3A_266 = arith.constant 128 : i32
          %mul3A_267 = arith.muli %mul3A_266, %add3A_140 : i32
          %dma_wait3A_268 = arith.constant 0 : i32
          %dma_wait3A_269 = arith.constant 0 : i32
          %dma_wait3A_270 = tpu.memref_slice %run_scoped3A_8[%rem3A_265, %dma_wait3A_268, %dma_wait3A_269] : memref<2x128x256xf32, #tpu.memory_space<vmem>> -> memref<1x128x256xf32, #tpu.memory_space<vmem>>
          %dma_wait3A_271 = tpu.memref_squeeze %dma_wait3A_270 : memref<1x128x256xf32, #tpu.memory_space<vmem>> -> memref<128x256xf32, #tpu.memory_space<vmem>>
          %dma_wait3A_272 = arith.constant 0 : i32
          %dma_wait3A_273 = tpu.memref_slice %arg4[%mul3A_267, %dma_wait3A_272] : memref<65536x256xf32, #tpu.memory_space<hbm>> -> memref<128x256xf32, #tpu.memory_space<hbm>>
          %dma_wait3A_274 = tpu.memref_slice %run_scoped3A_9[%rem3A_265] : memref<2x!tpu.dma_semaphore, #tpu.memory_space<semaphore_mem>> -> memref<1x!tpu.dma_semaphore, #tpu.memory_space<semaphore_mem>>
          %dma_wait3A_275 = tpu.memref_squeeze %dma_wait3A_274 : memref<1x!tpu.dma_semaphore, #tpu.memory_space<semaphore_mem>> -> memref<!tpu.dma_semaphore, #tpu.memory_space<semaphore_mem>>
          %dma_wait3A_276 = arith.constant 0 : i32
          %dma_wait3A_277 = tpu.memref_slice %arg4[%mul3A_267, %dma_wait3A_276] : memref<65536x256xf32, #tpu.memory_space<hbm>> -> memref<128x256xf32, #tpu.memory_space<hbm>>
          %dma_wait3A_278 = arith.constant 0 : i32
          %dma_wait3A_279 = arith.constant 0 : i32
          %dma_wait3A_280 = tpu.memref_slice %run_scoped3A_8[%rem3A_265, %dma_wait3A_278, %dma_wait3A_279] : memref<2x128x256xf32, #tpu.memory_space<vmem>> -> memref<1x128x256xf32, #tpu.memory_space<vmem>>
          %dma_wait3A_281 = tpu.memref_squeeze %dma_wait3A_280 : memref<1x128x256xf32, #tpu.memory_space<vmem>> -> memref<128x256xf32, #tpu.memory_space<vmem>>
          tpu.wait_dma2 semaphore(%dma_wait3A_275 : memref<!tpu.dma_semaphore, #tpu.memory_space<semaphore_mem>>) src(%dma_wait3A_281 : memref<128x256xf32, #tpu.memory_space<vmem>>) dst(%dma_wait3A_277 : memref<128x256xf32, #tpu.memory_space<hbm>>)
          "tpu.trace_stop"() : () -> ()
        } else {
        }
        %and3A_244 = arith.constant true
        %and3A_245 = arith.andi %and3A_240, %and3A_244 : i1
        %add3A_246 = arith.constant 1 : i32
        %add3A_247 = arith.addi %scan3A_125, %add3A_246 : i32
        %select_n3A_248 = arith.select %and3A_245, %add3A_247, %scan3A_125 : i32
        %ne3A_249 = arith.cmpi ne, %add3A_131, %add3A_149 : i32
        %or3A_250 = arith.constant false
        %or3A_251 = arith.ori %or3A_250, %ne3A_249 : i1
        %or3A_252 = arith.ori %or3A_251, %eq3A_130 : i1
        %add3A_253 = arith.constant 1 : i32
        %add3A_254 = arith.addi %scan3A_123, %add3A_253 : i32
        %select_n3A_255 = arith.select %or3A_252, %add3A_254, %scan3A_123 : i32
        %add3A_256 = arith.constant 1 : i32
        %add3A_257 = arith.addi %scan3A_126, %add3A_256 : i32
        %select_n3A_258 = arith.constant true
        %select_n3A_259 = arith.select %select_n3A_258, %add3A_257, %scan3A_126 : i32
        %eq3A_260 = arith.constant 16 : i32
        %eq3A_261 = arith.cmpi eq, %select_n3A_259, %eq3A_260 : i32
        %select_n3A_262 = arith.constant 0 : i32
        %select_n3A_263 = arith.select %eq3A_261, %select_n3A_262, %select_n3A_259 : i32
        scf.yield %select_n3A_167, %select_n3A_255, %select_n3A_221, %select_n3A_248, %select_n3A_263 : i32, i32, i32, i32, i32
      }
      %scan3A_68 = arith.constant 16 : i32
      %sub3A = arith.constant 1 : i32
      %sub3A_69 = arith.subi %scan3A_67#4, %sub3A : i32
      %select_n3A_70 = arith.constant true
      %select_n3A_71 = arith.select %select_n3A_70, %sub3A_69, %scan3A_67#4 : i32
      %eq3A_72 = arith.constant -1 : i32
      %eq3A_73 = arith.cmpi eq, %select_n3A_71, %eq3A_72 : i32
      %select_n3A_74 = arith.constant 15 : i32
      %select_n3A_75 = arith.select %eq3A_73, %select_n3A_74, %select_n3A_71 : i32
      %add3A_76 = arith.addi %select_n3A_75, %mul3A_6 : i32
      %sub3A_77 = arith.constant 1 : i32
      %sub3A_78 = arith.subi %select_n3A_75, %sub3A_77 : i32
      %select_n3A_79 = arith.constant true
      %select_n3A_80 = arith.select %select_n3A_79, %sub3A_78, %select_n3A_75 : i32
      %eq3A_81 = arith.constant -1 : i32
      %eq3A_82 = arith.cmpi eq, %select_n3A_80, %eq3A_81 : i32
      %select_n3A_83 = arith.constant 15 : i32
      %select_n3A_84 = arith.select %eq3A_82, %select_n3A_83, %select_n3A_80 : i32
      %add3A_85 = arith.addi %select_n3A_84, %mul3A_6 : i32
      %add3A_86 = arith.constant 1 : i32
      %add3A_87 = arith.addi %select_n3A_75, %add3A_86 : i32
      %select_n3A_88 = arith.constant true
      %select_n3A_89 = arith.select %select_n3A_88, %add3A_87, %select_n3A_75 : i32
      %eq3A_90 = arith.constant 16 : i32
      %eq3A_91 = arith.cmpi eq, %select_n3A_89, %eq3A_90 : i32
      %select_n3A_92 = arith.constant 0 : i32
      %select_n3A_93 = arith.select %eq3A_91, %select_n3A_92, %select_n3A_89 : i32
      %add3A_94 = arith.addi %select_n3A_93, %mul3A_6 : i32
      %add3A_95 = arith.constant 1 : i32
      %add3A_96 = arith.addi %select_n3A_93, %add3A_95 : i32
      %select_n3A_97 = arith.constant true
      %select_n3A_98 = arith.select %select_n3A_97, %add3A_96, %select_n3A_93 : i32
      %eq3A_99 = arith.constant 16 : i32
      %eq3A_100 = arith.cmpi eq, %select_n3A_98, %eq3A_99 : i32
      %select_n3A_101 = arith.constant 0 : i32
      %select_n3A_102 = arith.select %eq3A_100, %select_n3A_101, %select_n3A_98 : i32
      %add3A_103 = arith.addi %select_n3A_102, %mul3A_6 : i32
      "tpu.trace_start"() <{level = 10 : i32, message = "ep_finalize"}> : () -> ()
      %rem3A_104 = arith.constant 2 : i32
      %rem3A_105 = arith.remui %scan3A_67#3, %rem3A_104 : i32
      %mul3A_106 = arith.constant 128 : i32
      %mul3A_107 = arith.muli %mul3A_106, %add3A_76 : i32
      %dma_wait3A = arith.constant 0 : i32
      %dma_wait3A_108 = arith.constant 0 : i32
      %dma_wait3A_109 = tpu.memref_slice %run_scoped3A_8[%rem3A_105, %dma_wait3A, %dma_wait3A_108] : memref<2x128x256xf32, #tpu.memory_space<vmem>> -> memref<1x128x256xf32, #tpu.memory_space<vmem>>
      %dma_wait3A_110 = tpu.memref_squeeze %dma_wait3A_109 : memref<1x128x256xf32, #tpu.memory_space<vmem>> -> memref<128x256xf32, #tpu.memory_space<vmem>>
      %dma_wait3A_111 = arith.constant 0 : i32
      %dma_wait3A_112 = tpu.memref_slice %arg4[%mul3A_107, %dma_wait3A_111] : memref<65536x256xf32, #tpu.memory_space<hbm>> -> memref<128x256xf32, #tpu.memory_space<hbm>>
      %dma_wait3A_113 = tpu.memref_slice %run_scoped3A_9[%rem3A_105] : memref<2x!tpu.dma_semaphore, #tpu.memory_space<semaphore_mem>> -> memref<1x!tpu.dma_semaphore, #tpu.memory_space<semaphore_mem>>
      %dma_wait3A_114 = tpu.memref_squeeze %dma_wait3A_113 : memref<1x!tpu.dma_semaphore, #tpu.memory_space<semaphore_mem>> -> memref<!tpu.dma_semaphore, #tpu.memory_space<semaphore_mem>>
      %dma_wait3A_115 = arith.constant 0 : i32
      %dma_wait3A_116 = tpu.memref_slice %arg4[%mul3A_107, %dma_wait3A_115] : memref<65536x256xf32, #tpu.memory_space<hbm>> -> memref<128x256xf32, #tpu.memory_space<hbm>>
      %dma_wait3A_117 = arith.constant 0 : i32
      %dma_wait3A_118 = arith.constant 0 : i32
      %dma_wait3A_119 = tpu.memref_slice %run_scoped3A_8[%rem3A_105, %dma_wait3A_117, %dma_wait3A_118] : memref<2x128x256xf32, #tpu.memory_space<vmem>> -> memref<1x128x256xf32, #tpu.memory_space<vmem>>
      %dma_wait3A_120 = tpu.memref_squeeze %dma_wait3A_119 : memref<1x128x256xf32, #tpu.memory_space<vmem>> -> memref<128x256xf32, #tpu.memory_space<vmem>>
      tpu.wait_dma2 semaphore(%dma_wait3A_114 : memref<!tpu.dma_semaphore, #tpu.memory_space<semaphore_mem>>) src(%dma_wait3A_120 : memref<128x256xf32, #tpu.memory_space<vmem>>) dst(%dma_wait3A_116 : memref<128x256xf32, #tpu.memory_space<hbm>>)
      "tpu.trace_stop"() : () -> ()
      tpu.yield
    }) : () -> ()
    return
  }
}

module attributes {stable_mosaic.version = 14 : i64} {
  func.func @_fps_body(%arg0: memref<8x3x4096xf32, #tpu.memory_space<vmem>>, %arg1: memref<1024x8xi32, #tpu.memory_space<vmem>>, %arg2: memref<1024x8x3xf32, #tpu.memory_space<vmem>>) attributes {dimension_semantics = [], scalar_prefetch = 0 : i64, scratch_operands = 0 : i64, tpu.core_type = #tpu.core_type<tc>} {
    %iota3A = tpu.iota {dimensions = array<i32: 1>} : vector<1x8xi32>
    %mul3A = arith.constant 4096 : i32
    %mul3A_0 = vector.broadcast %mul3A : i32 to vector<1x8xi32>
    %mul3A_1 = arith.muli %iota3A, %mul3A_0 : vector<1x8xi32>
    %iota3A_2 = tpu.iota {dimensions = array<i32: 1>} : vector<8x4096xi32>
    %broadcast_in_dim3A = arith.constant 1.000000e+10 : f32
    %broadcast_in_dim3A_3 = vector.broadcast %broadcast_in_dim3A : f32 to vector<8x4096xf32>
    %broadcast_in_dim3A_4 = arith.constant 0 : i32
    %broadcast_in_dim3A_5 = vector.broadcast %broadcast_in_dim3A_4 : i32 to vector<8x1xi32>
    %scan3A = arith.constant 0 : i32
    %scan3A_6 = arith.constant 1024 : i32
    %scan3A_7 = arith.addi %scan3A, %scan3A_6 : i32
    %scan3A_8 = arith.constant 1 : i32
    %scan3A_9:2 = scf.for %scan3A_11 = %scan3A to %scan3A_7 step %scan3A_8 iter_args(%scan3A_12 = %broadcast_in_dim3A_3, %scan3A_13 = %broadcast_in_dim3A_5) -> (vector<8x4096xf32>, vector<8x1xi32>)  : i32 {
      %transpose3A = tpu.transpose %scan3A_13, [1, 0] : vector<8x1xi32> -> vector<1x8xi32>
      %add3A = arith.addi %transpose3A, %mul3A_1 : vector<1x8xi32>
      %swap3A = arith.index_cast %scan3A_11 : i32 to index
      %swap3A_14 = arith.constant 0 : index
      %swap3A_15 = vector.load %arg1[%swap3A, %swap3A_14] : memref<1024x8xi32, #tpu.memory_space<vmem>>, vector<1x8xi32>
      tpu.vector_store %arg1[%swap3A, %swap3A_14], %add3A {strides = array<i32>} : memref<1024x8xi32, #tpu.memory_space<vmem>>, vector<1x8xi32>,
      %eq3A = vector.broadcast %scan3A_13 : vector<8x1xi32> to vector<8x4096xi32>
      %eq3A_16 = arith.cmpi eq, %iota3A_2, %eq3A : vector<8x4096xi32>
      %jit3A = arith.constant 1.000000e+00 : f32
      %jit3A_17 = arith.constant 0.000000e+00 : f32
      %broadcast_in_dim3A_18 = vector.broadcast %jit3A : f32 to vector<8x4096xf32>
      %broadcast_in_dim3A_19 = vector.broadcast %jit3A_17 : f32 to vector<8x4096xf32>
      %select_n3A = arith.select %eq3A_16, %broadcast_in_dim3A_18, %broadcast_in_dim3A_19 : vector<8x4096xi1>, vector<8x4096xf32>
      %broadcast_in_dim3A_20 = arith.constant 0.000000e+00 : f32
      %broadcast_in_dim3A_21 = vector.broadcast %broadcast_in_dim3A_20 : f32 to vector<8x4096xf32>
      %get3A = arith.constant 0 : index
      %get3A_22 = arith.constant 0 : index
      %get3A_23 = arith.constant 0 : index
      %get3A_24 = vector.load %arg0[%get3A, %get3A_22, %get3A_23] : memref<8x3x4096xf32, #tpu.memory_space<vmem>>, vector<8x1x4096xf32>
      %get3A_25 = vector.shape_cast %get3A_24 : vector<8x1x4096xf32> to vector<8x4096xf32>
      %mul3A_26 = arith.mulf %get3A_25, %select_n3A : vector<8x4096xf32>
      %reduce_sum3A = arith.constant dense<0.000000e+00> : vector<8xf32>
      %reduce_sum3A_27 = vector.multi_reduction <add>, %mul3A_26, %reduce_sum3A [1] : vector<8x4096xf32> to vector<8xf32>
      %broadcast_in_dim3A_28 = vector.shape_cast %reduce_sum3A_27 : vector<8xf32> to vector<8x1xf32>
      %sub3A = vector.broadcast %broadcast_in_dim3A_28 : vector<8x1xf32> to vector<8x4096xf32>
      %sub3A_29 = arith.subf %get3A_25, %sub3A : vector<8x4096xf32>
      %mul3A_30 = arith.mulf %sub3A_29, %sub3A_29 : vector<8x4096xf32>
      %add3A_31 = arith.addf %broadcast_in_dim3A_21, %mul3A_30 : vector<8x4096xf32>
      %get3A_32 = arith.constant 0 : index
      %get3A_33 = arith.constant 1 : index
      %get3A_34 = arith.constant 0 : index
      %get3A_35 = vector.load %arg0[%get3A_32, %get3A_33, %get3A_34] : memref<8x3x4096xf32, #tpu.memory_space<vmem>>, vector<8x1x4096xf32>
      %get3A_36 = vector.shape_cast %get3A_35 : vector<8x1x4096xf32> to vector<8x4096xf32>
      %mul3A_37 = arith.mulf %get3A_36, %select_n3A : vector<8x4096xf32>
      %reduce_sum3A_38 = arith.constant dense<0.000000e+00> : vector<8xf32>
      %reduce_sum3A_39 = vector.multi_reduction <add>, %mul3A_37, %reduce_sum3A_38 [1] : vector<8x4096xf32> to vector<8xf32>
      %broadcast_in_dim3A_40 = vector.shape_cast %reduce_sum3A_39 : vector<8xf32> to vector<8x1xf32>
      %sub3A_41 = vector.broadcast %broadcast_in_dim3A_40 : vector<8x1xf32> to vector<8x4096xf32>
      %sub3A_42 = arith.subf %get3A_36, %sub3A_41 : vector<8x4096xf32>
      %mul3A_43 = arith.mulf %sub3A_42, %sub3A_42 : vector<8x4096xf32>
      %add3A_44 = arith.addf %add3A_31, %mul3A_43 : vector<8x4096xf32>
      %get3A_45 = arith.constant 0 : index
      %get3A_46 = arith.constant 2 : index
      %get3A_47 = arith.constant 0 : index
      %get3A_48 = vector.load %arg0[%get3A_45, %get3A_46, %get3A_47] : memref<8x3x4096xf32, #tpu.memory_space<vmem>>, vector<8x1x4096xf32>
      %get3A_49 = vector.shape_cast %get3A_48 : vector<8x1x4096xf32> to vector<8x4096xf32>
      %mul3A_50 = arith.mulf %get3A_49, %select_n3A : vector<8x4096xf32>
      %reduce_sum3A_51 = arith.constant dense<0.000000e+00> : vector<8xf32>
      %reduce_sum3A_52 = vector.multi_reduction <add>, %mul3A_50, %reduce_sum3A_51 [1] : vector<8x4096xf32> to vector<8xf32>
      %broadcast_in_dim3A_53 = vector.shape_cast %reduce_sum3A_52 : vector<8xf32> to vector<8x1xf32>
      %sub3A_54 = vector.broadcast %broadcast_in_dim3A_53 : vector<8x1xf32> to vector<8x4096xf32>
      %sub3A_55 = arith.subf %get3A_49, %sub3A_54 : vector<8x4096xf32>
      %mul3A_56 = arith.mulf %sub3A_55, %sub3A_55 : vector<8x4096xf32>
      %add3A_57 = arith.addf %add3A_44, %mul3A_56 : vector<8x4096xf32>
      %concatenate3A = tpu.concatenate %broadcast_in_dim3A_28, %broadcast_in_dim3A_40, %broadcast_in_dim3A_53 in 1 : vector<8x1xf32>, vector<8x1xf32>, vector<8x1xf32> -> vector<8x3xf32>
      %broadcast_in_dim3A_58 = vector.shape_cast %concatenate3A : vector<8x3xf32> to vector<1x8x3xf32>
      %swap3A_59 = arith.index_cast %scan3A_11 : i32 to index
      %swap3A_60 = arith.constant 0 : index
      %swap3A_61 = arith.constant 0 : index
      %swap3A_62 = vector.load %arg2[%swap3A_59, %swap3A_60, %swap3A_61] : memref<1024x8x3xf32, #tpu.memory_space<vmem>>, vector<1x8x3xf32>
      tpu.vector_store %arg2[%swap3A_59, %swap3A_60, %swap3A_61], %broadcast_in_dim3A_58 {strides = array<i32>} : memref<1024x8x3xf32, #tpu.memory_space<vmem>>, vector<1x8x3xf32>,
      %min3A = arith.minimumf %add3A_57, %scan3A_12 : vector<8x4096xf32>
      %argmax3A = tpu.reduce_index %min3A {axis = 1 : i32, kind = #tpu.reduction_kind<arg_max>} : vector<8x4096xf32> -> vector<8xi32>
      %broadcast_in_dim3A_63 = vector.shape_cast %argmax3A : vector<8xi32> to vector<8x1xi32>
      scf.yield %min3A, %broadcast_in_dim3A_63 : vector<8x4096xf32>, vector<8x1xi32>
    }
    %scan3A_10 = arith.constant 1024 : i32
    return
  }
}

module attributes {stable_mosaic.version = 14 : i64} {
  func.func @_feat_body(%arg0: i32, %arg1: memref<1x4096x9xf32, #tpu.memory_space<vmem>>, %arg2: memref<9x64xf32, #tpu.memory_space<vmem>>, %arg3: memref<64x64xf32, #tpu.memory_space<vmem>>, %arg4: memref<64x128xf32, #tpu.memory_space<vmem>>, %arg5: memref<1x64xf32, #tpu.memory_space<vmem>>, %arg6: memref<1x64xf32, #tpu.memory_space<vmem>>, %arg7: memref<1x128xf32, #tpu.memory_space<vmem>>, %arg8: memref<131x128xf32, #tpu.memory_space<vmem>>, %arg9: memref<1x4096x256xf32, #tpu.memory_space<vmem>>) attributes {dimension_semantics = [#tpu.dimension_semantics<arbitrary>], iteration_bounds = array<i64: 8>, scalar_prefetch = 0 : i64, scratch_operands = 0 : i64, tpu.core_type = #tpu.core_type<tc>, window_params = [{transform_indices = @transform_0, window_bounds = array<i64: 1, 4096, 9>}, {pipeline_mode = #tpu.pipeline_mode<synchronous>, transform_indices = @transform_1, window_bounds = array<i64: 9, 64>}, {pipeline_mode = #tpu.pipeline_mode<synchronous>, transform_indices = @transform_2, window_bounds = array<i64: 64, 64>}, {pipeline_mode = #tpu.pipeline_mode<synchronous>, transform_indices = @transform_3, window_bounds = array<i64: 64, 128>}, {pipeline_mode = #tpu.pipeline_mode<synchronous>, transform_indices = @transform_4, window_bounds = array<i64: 1, 64>}, {pipeline_mode = #tpu.pipeline_mode<synchronous>, transform_indices = @transform_5, window_bounds = array<i64: 1, 64>}, {pipeline_mode = #tpu.pipeline_mode<synchronous>, transform_indices = @transform_6, window_bounds = array<i64: 1, 128>}, {pipeline_mode = #tpu.pipeline_mode<synchronous>, transform_indices = @transform_7, window_bounds = array<i64: 131, 128>}, {transform_indices = @transform_8, window_bounds = array<i64: 1, 4096, 256>}]} {
    %get3A = arith.constant 0 : index
    %get3A_0 = arith.constant 0 : index
    %get3A_1 = arith.constant 0 : index
    %get3A_2 = vector.load %arg1[%get3A, %get3A_0, %get3A_1] : memref<1x4096x9xf32, #tpu.memory_space<vmem>>, vector<1x4096x9xf32>
    %get3A_3 = vector.shape_cast %get3A_2 : vector<1x4096x9xf32> to vector<4096x9xf32>
    %get3A_4 = arith.constant 0 : index
    %get3A_5 = arith.constant 0 : index
    %get3A_6 = vector.load %arg2[%get3A_4, %get3A_5] : memref<9x64xf32, #tpu.memory_space<vmem>>, vector<9x64xf32>
    %dot_general3A = arith.constant dense<0.000000e+00> : vector<4096x64xf32>
    %dot_general3A_7 = tpu.matmul %get3A_3, %get3A_6, %dot_general3A {dimension_numbers = #tpu.dot_dimension_numbers<[1], [0], [0], [1], [0, 0, 1, 1], [], []>, transpose_lhs_hint = false} : vector<4096x9xf32>, vector<9x64xf32>, vector<4096x64xf32> -> vector<4096x64xf32>
    %get3A_8 = arith.constant 0 : index
    %get3A_9 = arith.constant 0 : index
    %get3A_10 = vector.load %arg5[%get3A_8, %get3A_9] : memref<1x64xf32, #tpu.memory_space<vmem>>, vector<1x64xf32>
    %add3A = vector.broadcast %get3A_10 : vector<1x64xf32> to vector<4096x64xf32>
    %add3A_11 = arith.addf %dot_general3A_7, %add3A : vector<4096x64xf32>
    %mul3A = arith.constant 0.999994993 : f32
    %mul3A_12 = vector.broadcast %mul3A : f32 to vector<4096x64xf32>
    %mul3A_13 = arith.mulf %add3A_11, %mul3A_12 : vector<4096x64xf32>
    %max3A = arith.constant 0.000000e+00 : f32
    %max3A_14 = vector.broadcast %max3A : f32 to vector<4096x64xf32>
    %max3A_15 = arith.maximumf %mul3A_13, %max3A_14 : vector<4096x64xf32>
    %get3A_16 = arith.constant 0 : index
    %get3A_17 = arith.constant 0 : index
    %get3A_18 = vector.load %arg3[%get3A_16, %get3A_17] : memref<64x64xf32, #tpu.memory_space<vmem>>, vector<64x64xf32>
    %dot_general3A_19 = arith.constant dense<0.000000e+00> : vector<4096x64xf32>
    %dot_general3A_20 = tpu.matmul %max3A_15, %get3A_18, %dot_general3A_19 {dimension_numbers = #tpu.dot_dimension_numbers<[1], [0], [0], [1], [0, 0, 1, 1], [], []>, transpose_lhs_hint = false} : vector<4096x64xf32>, vector<64x64xf32>, vector<4096x64xf32> -> vector<4096x64xf32>
    %get3A_21 = arith.constant 0 : index
    %get3A_22 = arith.constant 0 : index
    %get3A_23 = vector.load %arg6[%get3A_21, %get3A_22] : memref<1x64xf32, #tpu.memory_space<vmem>>, vector<1x64xf32>
    %add3A_24 = vector.broadcast %get3A_23 : vector<1x64xf32> to vector<4096x64xf32>
    %add3A_25 = arith.addf %dot_general3A_20, %add3A_24 : vector<4096x64xf32>
    %mul3A_26 = arith.constant 0.999994993 : f32
    %mul3A_27 = vector.broadcast %mul3A_26 : f32 to vector<4096x64xf32>
    %mul3A_28 = arith.mulf %add3A_25, %mul3A_27 : vector<4096x64xf32>
    %max3A_29 = arith.constant 0.000000e+00 : f32
    %max3A_30 = vector.broadcast %max3A_29 : f32 to vector<4096x64xf32>
    %max3A_31 = arith.maximumf %mul3A_28, %max3A_30 : vector<4096x64xf32>
    %get3A_32 = arith.constant 0 : index
    %get3A_33 = arith.constant 0 : index
    %get3A_34 = vector.load %arg4[%get3A_32, %get3A_33] : memref<64x128xf32, #tpu.memory_space<vmem>>, vector<64x128xf32>
    %dot_general3A_35 = arith.constant dense<0.000000e+00> : vector<4096x128xf32>
    %dot_general3A_36 = tpu.matmul %max3A_31, %get3A_34, %dot_general3A_35 {dimension_numbers = #tpu.dot_dimension_numbers<[1], [0], [0], [1], [0, 0, 1, 1], [], []>, transpose_lhs_hint = false} : vector<4096x64xf32>, vector<64x128xf32>, vector<4096x128xf32> -> vector<4096x128xf32>
    %get3A_37 = arith.constant 0 : index
    %get3A_38 = arith.constant 0 : index
    %get3A_39 = vector.load %arg7[%get3A_37, %get3A_38] : memref<1x128xf32, #tpu.memory_space<vmem>>, vector<1x128xf32>
    %add3A_40 = vector.broadcast %get3A_39 : vector<1x128xf32> to vector<4096x128xf32>
    %add3A_41 = arith.addf %dot_general3A_36, %add3A_40 : vector<4096x128xf32>
    %mul3A_42 = arith.constant 0.999994993 : f32
    %mul3A_43 = vector.broadcast %mul3A_42 : f32 to vector<4096x128xf32>
    %mul3A_44 = arith.mulf %add3A_41, %mul3A_43 : vector<4096x128xf32>
    %max3A_45 = arith.constant 0.000000e+00 : f32
    %max3A_46 = vector.broadcast %max3A_45 : f32 to vector<4096x128xf32>
    %max3A_47 = arith.maximumf %mul3A_44, %max3A_46 : vector<4096x128xf32>
    %slice3A = vector.extract_strided_slice %get3A_3 {offsets = [0, 0], sizes = [4096, 3], strides = [1, 1]} : vector<4096x9xf32> to vector<4096x3xf32>
    %get3A_48 = arith.constant 0 : index
    %get3A_49 = arith.constant 0 : index
    %get3A_50 = vector.load %arg8[%get3A_48, %get3A_49] : memref<131x128xf32, #tpu.memory_space<vmem>>, vector<3x128xf32>
    %dot_general3A_51 = arith.constant dense<0.000000e+00> : vector<4096x128xf32>
    %dot_general3A_52 = tpu.matmul %slice3A, %get3A_50, %dot_general3A_51 {dimension_numbers = #tpu.dot_dimension_numbers<[1], [0], [0], [1], [0, 0, 1, 1], [], []>, transpose_lhs_hint = false} : vector<4096x3xf32>, vector<3x128xf32>, vector<4096x128xf32> -> vector<4096x128xf32>
    %get3A_53 = arith.constant 3 : index
    %get3A_54 = arith.constant 0 : index
    %get3A_55 = vector.load %arg8[%get3A_53, %get3A_54] : memref<131x128xf32, #tpu.memory_space<vmem>>, vector<128x128xf32>
    %dot_general3A_56 = arith.constant dense<0.000000e+00> : vector<4096x128xf32>
    %dot_general3A_57 = tpu.matmul %max3A_47, %get3A_55, %dot_general3A_56 {dimension_numbers = #tpu.dot_dimension_numbers<[1], [0], [0], [1], [0, 0, 1, 1], [], []>, transpose_lhs_hint = false} : vector<4096x128xf32>, vector<128x128xf32>, vector<4096x128xf32> -> vector<4096x128xf32>
    %add3A_58 = arith.addf %dot_general3A_52, %dot_general3A_57 : vector<4096x128xf32>
    %swap3A = arith.constant 0 : index
    %swap3A_59 = arith.constant 0 : index
    %swap3A_60 = arith.constant 0 : index
    %swap3A_61 = vector.load %arg9[%swap3A, %swap3A_59, %swap3A_60] : memref<1x4096x256xf32, #tpu.memory_space<vmem>>, vector<1x4096x128xf32>
    %swap3A_62 = vector.shape_cast %swap3A_61 : vector<1x4096x128xf32> to vector<4096x128xf32>
    %swap3A_63 = vector.shape_cast %max3A_47 : vector<4096x128xf32> to vector<1x4096x128xf32>
    tpu.vector_store %arg9[%swap3A, %swap3A_59, %swap3A_60], %swap3A_63 {strides = array<i32>} : memref<1x4096x256xf32, #tpu.memory_space<vmem>>, vector<1x4096x128xf32>,
    %swap3A_64 = arith.constant 0 : index
    %swap3A_65 = arith.constant 0 : index
    %swap3A_66 = arith.constant 128 : index
    %swap3A_67 = vector.load %arg9[%swap3A_64, %swap3A_65, %swap3A_66] : memref<1x4096x256xf32, #tpu.memory_space<vmem>>, vector<1x4096x128xf32>
    %swap3A_68 = vector.shape_cast %swap3A_67 : vector<1x4096x128xf32> to vector<4096x128xf32>
    %swap3A_69 = vector.shape_cast %add3A_58 : vector<4096x128xf32> to vector<1x4096x128xf32>
    tpu.vector_store %arg9[%swap3A_64, %swap3A_65, %swap3A_66], %swap3A_69 {strides = array<i32>} : memref<1x4096x256xf32, #tpu.memory_space<vmem>>, vector<1x4096x128xf32>,
    return
  }
  func.func @transform_0(%arg0: i32) -> (i32, i32, i32) {
    %c0_i32 = arith.constant 0 : i32
    %c0_i32_0 = arith.constant 0 : i32
    %c0_i32_1 = arith.constant 0 : i32
    return %arg0, %c0_i32, %c0_i32_0 : i32, i32, i32
  }
  func.func @transform_1(%arg0: i32) -> (i32, i32) {
    %c0_i32 = arith.constant 0 : i32
    %c0_i32_0 = arith.constant 0 : i32
    %c0_i32_1 = arith.constant 0 : i32
    return %c0_i32, %c0_i32_0 : i32, i32
  }
  func.func @transform_2(%arg0: i32) -> (i32, i32) {
    %c0_i32 = arith.constant 0 : i32
    %c0_i32_0 = arith.constant 0 : i32
    %c0_i32_1 = arith.constant 0 : i32
    return %c0_i32, %c0_i32_0 : i32, i32
  }
  func.func @transform_3(%arg0: i32) -> (i32, i32) {
    %c0_i32 = arith.constant 0 : i32
    %c0_i32_0 = arith.constant 0 : i32
    %c0_i32_1 = arith.constant 0 : i32
    return %c0_i32, %c0_i32_0 : i32, i32
  }
  func.func @transform_4(%arg0: i32) -> (i32, i32) {
    %c0_i32 = arith.constant 0 : i32
    %c0_i32_0 = arith.constant 0 : i32
    %c0_i32_1 = arith.constant 0 : i32
    return %c0_i32, %c0_i32_0 : i32, i32
  }
  func.func @transform_5(%arg0: i32) -> (i32, i32) {
    %c0_i32 = arith.constant 0 : i32
    %c0_i32_0 = arith.constant 0 : i32
    %c0_i32_1 = arith.constant 0 : i32
    return %c0_i32, %c0_i32_0 : i32, i32
  }
  func.func @transform_6(%arg0: i32) -> (i32, i32) {
    %c0_i32 = arith.constant 0 : i32
    %c0_i32_0 = arith.constant 0 : i32
    %c0_i32_1 = arith.constant 0 : i32
    return %c0_i32, %c0_i32_0 : i32, i32
  }
  func.func @transform_7(%arg0: i32) -> (i32, i32) {
    %c0_i32 = arith.constant 0 : i32
    %c0_i32_0 = arith.constant 0 : i32
    %c0_i32_1 = arith.constant 0 : i32
    return %c0_i32, %c0_i32_0 : i32, i32
  }
  func.func @transform_8(%arg0: i32) -> (i32, i32, i32) {
    %c0_i32 = arith.constant 0 : i32
    %c0_i32_0 = arith.constant 0 : i32
    %c0_i32_1 = arith.constant 0 : i32
    return %arg0, %c0_i32, %c0_i32_0 : i32, i32, i32
  }
}

module attributes {stable_mosaic.version = 14 : i64} {
  func.func @_ballq_body(%arg0: i32, %arg1: i32, %arg2: memref<1x256x3xf32, #tpu.memory_space<vmem>>, %arg3: memref<1x3x4096xf32, #tpu.memory_space<vmem>>, %arg4: memref<1x256x32xi32, #tpu.memory_space<vmem>>, %arg5: memref<256x4096xf32, #tpu.memory_space<vmem>>) attributes {dimension_semantics = [#tpu.dimension_semantics<arbitrary>, #tpu.dimension_semantics<arbitrary>], iteration_bounds = array<i64: 8, 4>, scalar_prefetch = 0 : i64, scratch_operands = 1 : i64, tpu.core_type = #tpu.core_type<tc>, window_params = [{transform_indices = @transform_0, window_bounds = array<i64: 1, 256, 3>}, {transform_indices = @transform_1, window_bounds = array<i64: 1, 3, 4096>}, {transform_indices = @transform_2, window_bounds = array<i64: 1, 256, 32>}]} {
    %get3A = arith.constant 0 : index
    %get3A_0 = arith.constant 0 : index
    %get3A_1 = arith.constant 0 : index
    %get3A_2 = vector.load %arg2[%get3A, %get3A_0, %get3A_1] : memref<1x256x3xf32, #tpu.memory_space<vmem>>, vector<1x256x3xf32>
    %get3A_3 = vector.shape_cast %get3A_2 : vector<1x256x3xf32> to vector<256x3xf32>
    %get3A_4 = arith.constant 0 : index
    %get3A_5 = arith.constant 0 : index
    %get3A_6 = arith.constant 0 : index
    %get3A_7 = vector.load %arg3[%get3A_4, %get3A_5, %get3A_6] : memref<1x3x4096xf32, #tpu.memory_space<vmem>>, vector<1x3x4096xf32>
    %get3A_8 = vector.shape_cast %get3A_7 : vector<1x3x4096xf32> to vector<3x4096xf32>
    %dot_general3A = arith.constant dense<0.000000e+00> : vector<256x4096xf32>
    %dot_general3A_9 = tpu.matmul %get3A_3, %get3A_8, %dot_general3A {dimension_numbers = #tpu.dot_dimension_numbers<[1], [0], [0], [1], [0, 0, 1, 1], [], []>, transpose_lhs_hint = false} : vector<256x3xf32>, vector<3x4096xf32>, vector<256x4096xf32> -> vector<256x4096xf32>
    %mul3A = arith.constant -2.000000e+00 : f32
    %mul3A_10 = vector.broadcast %mul3A : f32 to vector<256x4096xf32>
    %mul3A_11 = arith.mulf %mul3A_10, %dot_general3A_9 : vector<256x4096xf32>
    %mul3A_12 = arith.mulf %get3A_3, %get3A_3 : vector<256x3xf32>
    %reduce_sum3A = arith.constant dense<0.000000e+00> : vector<256xf32>
    %reduce_sum3A_13 = vector.multi_reduction <add>, %mul3A_12, %reduce_sum3A [1] : vector<256x3xf32> to vector<256xf32>
    %broadcast_in_dim3A = vector.shape_cast %reduce_sum3A_13 : vector<256xf32> to vector<256x1xf32>
    %add3A = vector.broadcast %broadcast_in_dim3A : vector<256x1xf32> to vector<256x4096xf32>
    %add3A_14 = arith.addf %mul3A_11, %add3A : vector<256x4096xf32>
    %slice3A = vector.extract_strided_slice %get3A_8 {offsets = [0, 0], sizes = [1, 4096], strides = [1, 1]} : vector<3x4096xf32> to vector<1x4096xf32>
    %squeeze3A = vector.shape_cast %slice3A : vector<1x4096xf32> to vector<4096xf32>
    %slice3A_15 = vector.extract_strided_slice %get3A_8 {offsets = [0, 0], sizes = [1, 4096], strides = [1, 1]} : vector<3x4096xf32> to vector<1x4096xf32>
    %squeeze3A_16 = vector.shape_cast %slice3A_15 : vector<1x4096xf32> to vector<4096xf32>
    %mul3A_17 = arith.mulf %squeeze3A, %squeeze3A_16 : vector<4096xf32>
    %slice3A_18 = vector.extract_strided_slice %get3A_8 {offsets = [1, 0], sizes = [1, 4096], strides = [1, 1]} : vector<3x4096xf32> to vector<1x4096xf32>
    %squeeze3A_19 = vector.shape_cast %slice3A_18 : vector<1x4096xf32> to vector<4096xf32>
    %slice3A_20 = vector.extract_strided_slice %get3A_8 {offsets = [1, 0], sizes = [1, 4096], strides = [1, 1]} : vector<3x4096xf32> to vector<1x4096xf32>
    %squeeze3A_21 = vector.shape_cast %slice3A_20 : vector<1x4096xf32> to vector<4096xf32>
    %mul3A_22 = arith.mulf %squeeze3A_19, %squeeze3A_21 : vector<4096xf32>
    %add3A_23 = arith.addf %mul3A_17, %mul3A_22 : vector<4096xf32>
    %slice3A_24 = vector.extract_strided_slice %get3A_8 {offsets = [2, 0], sizes = [1, 4096], strides = [1, 1]} : vector<3x4096xf32> to vector<1x4096xf32>
    %squeeze3A_25 = vector.shape_cast %slice3A_24 : vector<1x4096xf32> to vector<4096xf32>
    %slice3A_26 = vector.extract_strided_slice %get3A_8 {offsets = [2, 0], sizes = [1, 4096], strides = [1, 1]} : vector<3x4096xf32> to vector<1x4096xf32>
    %squeeze3A_27 = vector.shape_cast %slice3A_26 : vector<1x4096xf32> to vector<4096xf32>
    %mul3A_28 = arith.mulf %squeeze3A_25, %squeeze3A_27 : vector<4096xf32>
    %add3A_29 = arith.addf %add3A_23, %mul3A_28 : vector<4096xf32>
    %broadcast_in_dim3A_30 = vector.shape_cast %add3A_29 : vector<4096xf32> to vector<1x4096xf32>
    %add3A_31 = vector.broadcast %broadcast_in_dim3A_30 : vector<1x4096xf32> to vector<256x4096xf32>
    %add3A_32 = arith.addf %add3A_14, %add3A_31 : vector<256x4096xf32>
    %gt3A = arith.constant 4.000000e-02 : f32
    %gt3A_33 = vector.broadcast %gt3A : f32 to vector<256x4096xf32>
    %gt3A_34 = arith.cmpf ogt, %add3A_32, %gt3A_33 : vector<256x4096xf32>
    %jit3A = arith.constant 1.000000e+10 : f32
    %broadcast_in_dim3A_35 = vector.broadcast %jit3A : f32 to vector<256x4096xf32>
    %select_n3A = arith.select %gt3A_34, %broadcast_in_dim3A_35, %add3A_32 : vector<256x4096xi1>, vector<256x4096xf32>
    %swap3A = arith.constant 0 : index
    %swap3A_36 = arith.constant 0 : index
    %swap3A_37 = vector.load %arg5[%swap3A, %swap3A_36] : memref<256x4096xf32, #tpu.memory_space<vmem>>, vector<256x4096xf32>
    tpu.vector_store %arg5[%swap3A, %swap3A_36], %select_n3A {strides = array<i32>} : memref<256x4096xf32, #tpu.memory_space<vmem>>, vector<256x4096xf32>,
    %gt3A_38 = arith.constant 4.000000e-02 : f32
    %gt3A_39 = vector.broadcast %gt3A_38 : f32 to vector<256x4096xf32>
    %gt3A_40 = arith.cmpf ogt, %add3A_32, %gt3A_39 : vector<256x4096xf32>
    %jit3A_41 = arith.constant 0 : i32
    %jit3A_42 = arith.constant 1 : i32
    %broadcast_in_dim3A_43 = vector.broadcast %jit3A_41 : i32 to vector<256x4096xi32>
    %broadcast_in_dim3A_44 = vector.broadcast %jit3A_42 : i32 to vector<256x4096xi32>
    %select_n3A_45 = arith.select %gt3A_40, %broadcast_in_dim3A_43, %broadcast_in_dim3A_44 : vector<256x4096xi1>, vector<256x4096xi32>
    %reduce_sum3A_46 = arith.constant dense<0> : vector<256xi32>
    %reduce_sum3A_47 = vector.multi_reduction <add>, %select_n3A_45, %reduce_sum3A_46 [1] : vector<256x4096xi32> to vector<256xi32>
    %iota3A = tpu.iota {dimensions = array<i32: 1>} : vector<256x4096xi32>
    %iota3A_48 = tpu.iota {dimensions = array<i32: 1>} : vector<256x32xi32>
    %argmin3A = tpu.reduce_index %select_n3A {axis = 1 : i32, kind = #tpu.reduction_kind<arg_min>} : vector<256x4096xf32> -> vector<256xi32>
    %mul3A_49 = arith.constant 4096 : i32
    %mul3A_50 = arith.muli %arg0, %mul3A_49 : i32
    %add3A_51 = vector.broadcast %mul3A_50 : i32 to vector<256xi32>
    %add3A_52 = arith.addi %argmin3A, %add3A_51 : vector<256xi32>
    %broadcast_in_dim3A_53 = vector.shape_cast %add3A_52 : vector<256xi32> to vector<256x1xi32>
    %broadcast_in_dim3A_54 = vector.shape_cast %broadcast_in_dim3A_53 : vector<256x1xi32> to vector<256x1xi32>
    %broadcast_in_dim3A_55 = vector.broadcast %broadcast_in_dim3A_54 : vector<256x1xi32> to vector<256x32xi32>
    %swap3A_56 = arith.constant 0 : index
    %swap3A_57 = arith.constant 0 : index
    %swap3A_58 = arith.constant 0 : index
    %swap3A_59 = vector.load %arg4[%swap3A_56, %swap3A_57, %swap3A_58] : memref<1x256x32xi32, #tpu.memory_space<vmem>>, vector<1x256x32xi32>
    %swap3A_60 = vector.shape_cast %swap3A_59 : vector<1x256x32xi32> to vector<256x32xi32>
    %swap3A_61 = vector.shape_cast %broadcast_in_dim3A_55 : vector<256x32xi32> to vector<1x256x32xi32>
    tpu.vector_store %arg4[%swap3A_56, %swap3A_57, %swap3A_58], %swap3A_61 {strides = array<i32>} : memref<1x256x32xi32, #tpu.memory_space<vmem>>, vector<1x256x32xi32>,
    %scan3A = arith.constant 1 : i32
    %scan3A_62 = arith.constant 31 : i32
    %scan3A_63 = arith.addi %scan3A, %scan3A_62 : i32
    %scan3A_64 = arith.constant 1 : i32
    %scan3A_65 = scf.for %scan3A_67 = %scan3A to %scan3A_63 step %scan3A_64 iter_args(%scan3A_68 = %argmin3A) -> (vector<256xi32>)  : i32 {
      %broadcast_in_dim3A_69 = vector.shape_cast %scan3A_68 : vector<256xi32> to vector<256x1xi32>
      %eq3A = vector.broadcast %broadcast_in_dim3A_69 : vector<256x1xi32> to vector<256x4096xi32>
      %eq3A_70 = arith.cmpi eq, %iota3A, %eq3A : vector<256x4096xi32>
      %get3A_71 = arith.constant 0 : index
      %get3A_72 = arith.constant 0 : index
      %get3A_73 = vector.load %arg5[%get3A_71, %get3A_72] : memref<256x4096xf32, #tpu.memory_space<vmem>>, vector<256x4096xf32>
      %jit3A_74 = arith.constant 1.000000e+10 : f32
      %broadcast_in_dim3A_75 = vector.broadcast %jit3A_74 : f32 to vector<256x4096xf32>
      %select_n3A_76 = arith.select %eq3A_70, %broadcast_in_dim3A_75, %get3A_73 : vector<256x4096xi1>, vector<256x4096xf32>
      %swap3A_77 = arith.constant 0 : index
      %swap3A_78 = arith.constant 0 : index
      %swap3A_79 = vector.load %arg5[%swap3A_77, %swap3A_78] : memref<256x4096xf32, #tpu.memory_space<vmem>>, vector<256x4096xf32>
      tpu.vector_store %arg5[%swap3A_77, %swap3A_78], %select_n3A_76 {strides = array<i32>} : memref<256x4096xf32, #tpu.memory_space<vmem>>, vector<256x4096xf32>,
      %argmin3A_80 = tpu.reduce_index %select_n3A_76 {axis = 1 : i32, kind = #tpu.reduction_kind<arg_min>} : vector<256x4096xf32> -> vector<256xi32>
      %lt3A = vector.broadcast %scan3A_67 : i32 to vector<256xi32>
      %lt3A_81 = arith.cmpi slt, %lt3A, %reduce_sum3A_47 : vector<256xi32>
      %select_n3A_82 = arith.select %lt3A_81, %argmin3A_80, %argmin3A : vector<256xi1>, vector<256xi32>
      %mul3A_83 = arith.constant 4096 : i32
      %mul3A_84 = arith.muli %arg0, %mul3A_83 : i32
      %add3A_85 = vector.broadcast %mul3A_84 : i32 to vector<256xi32>
      %add3A_86 = arith.addi %select_n3A_82, %add3A_85 : vector<256xi32>
      %eq3A_87 = vector.broadcast %scan3A_67 : i32 to vector<256x32xi32>
      %eq3A_88 = arith.cmpi eq, %iota3A_48, %eq3A_87 : vector<256x32xi32>
      %broadcast_in_dim3A_89 = vector.shape_cast %add3A_86 : vector<256xi32> to vector<256x1xi32>
      %get3A_90 = arith.constant 0 : index
      %get3A_91 = arith.constant 0 : index
      %get3A_92 = arith.constant 0 : index
      %get3A_93 = vector.load %arg4[%get3A_90, %get3A_91, %get3A_92] : memref<1x256x32xi32, #tpu.memory_space<vmem>>, vector<1x256x32xi32>
      %get3A_94 = vector.shape_cast %get3A_93 : vector<1x256x32xi32> to vector<256x32xi32>
      %broadcast_in_dim3A_95 = vector.shape_cast %broadcast_in_dim3A_89 : vector<256x1xi32> to vector<256x1xi32>
      %broadcast_in_dim3A_96 = vector.broadcast %broadcast_in_dim3A_95 : vector<256x1xi32> to vector<256x32xi32>
      %select_n3A_97 = arith.select %eq3A_88, %broadcast_in_dim3A_96, %get3A_94 : vector<256x32xi1>, vector<256x32xi32>
      %swap3A_98 = arith.constant 0 : index
      %swap3A_99 = arith.constant 0 : index
      %swap3A_100 = arith.constant 0 : index
      %swap3A_101 = vector.load %arg4[%swap3A_98, %swap3A_99, %swap3A_100] : memref<1x256x32xi32, #tpu.memory_space<vmem>>, vector<1x256x32xi32>
      %swap3A_102 = vector.shape_cast %swap3A_101 : vector<1x256x32xi32> to vector<256x32xi32>
      %swap3A_103 = vector.shape_cast %select_n3A_97 : vector<256x32xi32> to vector<1x256x32xi32>
      tpu.vector_store %arg4[%swap3A_98, %swap3A_99, %swap3A_100], %swap3A_103 {strides = array<i32>} : memref<1x256x32xi32, #tpu.memory_space<vmem>>, vector<1x256x32xi32>,
      scf.yield %argmin3A_80 : vector<256xi32>
    }
    %scan3A_66 = arith.constant 31 : i32
    return
  }
  func.func @transform_0(%arg0: i32, %arg1: i32) -> (i32, i32, i32) {
    %c0_i32 = arith.constant 0 : i32
    %c0_i32_0 = arith.constant 0 : i32
    return %arg0, %arg1, %c0_i32 : i32, i32, i32
  }
  func.func @transform_1(%arg0: i32, %arg1: i32) -> (i32, i32, i32) {
    %c0_i32 = arith.constant 0 : i32
    %c0_i32_0 = arith.constant 0 : i32
    %c0_i32_1 = arith.constant 0 : i32
    return %arg0, %c0_i32, %c0_i32_0 : i32, i32, i32
  }
  func.func @transform_2(%arg0: i32, %arg1: i32) -> (i32, i32, i32) {
    %c0_i32 = arith.constant 0 : i32
    %c0_i32_0 = arith.constant 0 : i32
    return %arg0, %arg1, %c0_i32 : i32, i32, i32
  }
}

module attributes {stable_mosaic.version = 14 : i64} {
  func.func @_fps_body(%arg0: memref<8x3x1024xf32, #tpu.memory_space<vmem>>, %arg1: memref<256x8xi32, #tpu.memory_space<vmem>>, %arg2: memref<256x8x3xf32, #tpu.memory_space<vmem>>) attributes {dimension_semantics = [], scalar_prefetch = 0 : i64, scratch_operands = 0 : i64, tpu.core_type = #tpu.core_type<tc>} {
    %iota3A = tpu.iota {dimensions = array<i32: 1>} : vector<1x8xi32>
    %mul3A = arith.constant 1024 : i32
    %mul3A_0 = vector.broadcast %mul3A : i32 to vector<1x8xi32>
    %mul3A_1 = arith.muli %iota3A, %mul3A_0 : vector<1x8xi32>
    %iota3A_2 = tpu.iota {dimensions = array<i32: 1>} : vector<8x1024xi32>
    %broadcast_in_dim3A = arith.constant 1.000000e+10 : f32
    %broadcast_in_dim3A_3 = vector.broadcast %broadcast_in_dim3A : f32 to vector<8x1024xf32>
    %broadcast_in_dim3A_4 = arith.constant 0 : i32
    %broadcast_in_dim3A_5 = vector.broadcast %broadcast_in_dim3A_4 : i32 to vector<8x1xi32>
    %scan3A = arith.constant 0 : i32
    %scan3A_6 = arith.constant 256 : i32
    %scan3A_7 = arith.addi %scan3A, %scan3A_6 : i32
    %scan3A_8 = arith.constant 1 : i32
    %scan3A_9:2 = scf.for %scan3A_11 = %scan3A to %scan3A_7 step %scan3A_8 iter_args(%scan3A_12 = %broadcast_in_dim3A_3, %scan3A_13 = %broadcast_in_dim3A_5) -> (vector<8x1024xf32>, vector<8x1xi32>)  : i32 {
      %transpose3A = tpu.transpose %scan3A_13, [1, 0] : vector<8x1xi32> -> vector<1x8xi32>
      %add3A = arith.addi %transpose3A, %mul3A_1 : vector<1x8xi32>
      %swap3A = arith.index_cast %scan3A_11 : i32 to index
      %swap3A_14 = arith.constant 0 : index
      %swap3A_15 = vector.load %arg1[%swap3A, %swap3A_14] : memref<256x8xi32, #tpu.memory_space<vmem>>, vector<1x8xi32>
      tpu.vector_store %arg1[%swap3A, %swap3A_14], %add3A {strides = array<i32>} : memref<256x8xi32, #tpu.memory_space<vmem>>, vector<1x8xi32>,
      %eq3A = vector.broadcast %scan3A_13 : vector<8x1xi32> to vector<8x1024xi32>
      %eq3A_16 = arith.cmpi eq, %iota3A_2, %eq3A : vector<8x1024xi32>
      %jit3A = arith.constant 1.000000e+00 : f32
      %jit3A_17 = arith.constant 0.000000e+00 : f32
      %broadcast_in_dim3A_18 = vector.broadcast %jit3A : f32 to vector<8x1024xf32>
      %broadcast_in_dim3A_19 = vector.broadcast %jit3A_17 : f32 to vector<8x1024xf32>
      %select_n3A = arith.select %eq3A_16, %broadcast_in_dim3A_18, %broadcast_in_dim3A_19 : vector<8x1024xi1>, vector<8x1024xf32>
      %broadcast_in_dim3A_20 = arith.constant 0.000000e+00 : f32
      %broadcast_in_dim3A_21 = vector.broadcast %broadcast_in_dim3A_20 : f32 to vector<8x1024xf32>
      %get3A = arith.constant 0 : index
      %get3A_22 = arith.constant 0 : index
      %get3A_23 = arith.constant 0 : index
      %get3A_24 = vector.load %arg0[%get3A, %get3A_22, %get3A_23] : memref<8x3x1024xf32, #tpu.memory_space<vmem>>, vector<8x1x1024xf32>
      %get3A_25 = vector.shape_cast %get3A_24 : vector<8x1x1024xf32> to vector<8x1024xf32>
      %mul3A_26 = arith.mulf %get3A_25, %select_n3A : vector<8x1024xf32>
      %reduce_sum3A = arith.constant dense<0.000000e+00> : vector<8xf32>
      %reduce_sum3A_27 = vector.multi_reduction <add>, %mul3A_26, %reduce_sum3A [1] : vector<8x1024xf32> to vector<8xf32>
      %broadcast_in_dim3A_28 = vector.shape_cast %reduce_sum3A_27 : vector<8xf32> to vector<8x1xf32>
      %sub3A = vector.broadcast %broadcast_in_dim3A_28 : vector<8x1xf32> to vector<8x1024xf32>
      %sub3A_29 = arith.subf %get3A_25, %sub3A : vector<8x1024xf32>
      %mul3A_30 = arith.mulf %sub3A_29, %sub3A_29 : vector<8x1024xf32>
      %add3A_31 = arith.addf %broadcast_in_dim3A_21, %mul3A_30 : vector<8x1024xf32>
      %get3A_32 = arith.constant 0 : index
      %get3A_33 = arith.constant 1 : index
      %get3A_34 = arith.constant 0 : index
      %get3A_35 = vector.load %arg0[%get3A_32, %get3A_33, %get3A_34] : memref<8x3x1024xf32, #tpu.memory_space<vmem>>, vector<8x1x1024xf32>
      %get3A_36 = vector.shape_cast %get3A_35 : vector<8x1x1024xf32> to vector<8x1024xf32>
      %mul3A_37 = arith.mulf %get3A_36, %select_n3A : vector<8x1024xf32>
      %reduce_sum3A_38 = arith.constant dense<0.000000e+00> : vector<8xf32>
      %reduce_sum3A_39 = vector.multi_reduction <add>, %mul3A_37, %reduce_sum3A_38 [1] : vector<8x1024xf32> to vector<8xf32>
      %broadcast_in_dim3A_40 = vector.shape_cast %reduce_sum3A_39 : vector<8xf32> to vector<8x1xf32>
      %sub3A_41 = vector.broadcast %broadcast_in_dim3A_40 : vector<8x1xf32> to vector<8x1024xf32>
      %sub3A_42 = arith.subf %get3A_36, %sub3A_41 : vector<8x1024xf32>
      %mul3A_43 = arith.mulf %sub3A_42, %sub3A_42 : vector<8x1024xf32>
      %add3A_44 = arith.addf %add3A_31, %mul3A_43 : vector<8x1024xf32>
      %get3A_45 = arith.constant 0 : index
      %get3A_46 = arith.constant 2 : index
      %get3A_47 = arith.constant 0 : index
      %get3A_48 = vector.load %arg0[%get3A_45, %get3A_46, %get3A_47] : memref<8x3x1024xf32, #tpu.memory_space<vmem>>, vector<8x1x1024xf32>
      %get3A_49 = vector.shape_cast %get3A_48 : vector<8x1x1024xf32> to vector<8x1024xf32>
      %mul3A_50 = arith.mulf %get3A_49, %select_n3A : vector<8x1024xf32>
      %reduce_sum3A_51 = arith.constant dense<0.000000e+00> : vector<8xf32>
      %reduce_sum3A_52 = vector.multi_reduction <add>, %mul3A_50, %reduce_sum3A_51 [1] : vector<8x1024xf32> to vector<8xf32>
      %broadcast_in_dim3A_53 = vector.shape_cast %reduce_sum3A_52 : vector<8xf32> to vector<8x1xf32>
      %sub3A_54 = vector.broadcast %broadcast_in_dim3A_53 : vector<8x1xf32> to vector<8x1024xf32>
      %sub3A_55 = arith.subf %get3A_49, %sub3A_54 : vector<8x1024xf32>
      %mul3A_56 = arith.mulf %sub3A_55, %sub3A_55 : vector<8x1024xf32>
      %add3A_57 = arith.addf %add3A_44, %mul3A_56 : vector<8x1024xf32>
      %concatenate3A = tpu.concatenate %broadcast_in_dim3A_28, %broadcast_in_dim3A_40, %broadcast_in_dim3A_53 in 1 : vector<8x1xf32>, vector<8x1xf32>, vector<8x1xf32> -> vector<8x3xf32>
      %broadcast_in_dim3A_58 = vector.shape_cast %concatenate3A : vector<8x3xf32> to vector<1x8x3xf32>
      %swap3A_59 = arith.index_cast %scan3A_11 : i32 to index
      %swap3A_60 = arith.constant 0 : index
      %swap3A_61 = arith.constant 0 : index
      %swap3A_62 = vector.load %arg2[%swap3A_59, %swap3A_60, %swap3A_61] : memref<256x8x3xf32, #tpu.memory_space<vmem>>, vector<1x8x3xf32>
      tpu.vector_store %arg2[%swap3A_59, %swap3A_60, %swap3A_61], %broadcast_in_dim3A_58 {strides = array<i32>} : memref<256x8x3xf32, #tpu.memory_space<vmem>>, vector<1x8x3xf32>,
      %min3A = arith.minimumf %add3A_57, %scan3A_12 : vector<8x1024xf32>
      %argmax3A = tpu.reduce_index %min3A {axis = 1 : i32, kind = #tpu.reduction_kind<arg_max>} : vector<8x1024xf32> -> vector<8xi32>
      %broadcast_in_dim3A_63 = vector.shape_cast %argmax3A : vector<8xi32> to vector<8x1xi32>
      scf.yield %min3A, %broadcast_in_dim3A_63 : vector<8x1024xf32>, vector<8x1xi32>
    }
    %scan3A_10 = arith.constant 256 : i32
    return
  }
}

module attributes {stable_mosaic.version = 14 : i64} {
  func.func @_att_comb_body(%arg0: i32, %arg1: i32, %arg2: memref<1x128x32x256xf32, #tpu.memory_space<vmem>>, %arg3: memref<1x128x256xf32, #tpu.memory_space<vmem>>, %arg4: memref<1x128x3xf32, #tpu.memory_space<vmem>>, %arg5: memref<1x128x131xf32, #tpu.memory_space<vmem>>) attributes {dimension_semantics = [#tpu.dimension_semantics<arbitrary>, #tpu.dimension_semantics<arbitrary>], iteration_bounds = array<i64: 8, 8>, scalar_prefetch = 0 : i64, scratch_operands = 0 : i64, tpu.core_type = #tpu.core_type<tc>, window_params = [{transform_indices = @transform_0, window_bounds = array<i64: 1, 128, 32, 256>}, {transform_indices = @transform_1, window_bounds = array<i64: 1, 128, 256>}, {transform_indices = @transform_2, window_bounds = array<i64: 1, 128, 3>}, {transform_indices = @transform_3, window_bounds = array<i64: 1, 128, 131>}]} {
    %get3A = arith.constant 0 : index
    %get3A_0 = arith.constant 0 : index
    %get3A_1 = arith.constant 0 : index
    %get3A_2 = arith.constant 0 : index
    %get3A_3 = vector.load %arg2[%get3A, %get3A_0, %get3A_1, %get3A_2] : memref<1x128x32x256xf32, #tpu.memory_space<vmem>>, vector<1x128x32x256xf32>
    %get3A_4 = vector.shape_cast %get3A_3 : vector<1x128x32x256xf32> to vector<128x32x256xf32>
    %get3A_5 = arith.constant 0 : index
    %get3A_6 = arith.constant 0 : index
    %get3A_7 = arith.constant 0 : index
    %get3A_8 = vector.load %arg3[%get3A_5, %get3A_6, %get3A_7] : memref<1x128x256xf32, #tpu.memory_space<vmem>>, vector<1x128x256xf32>
    %get3A_9 = vector.shape_cast %get3A_8 : vector<1x128x256xf32> to vector<128x256xf32>
    %slice3A = vector.extract_strided_slice %get3A_4 {offsets = [0, 0, 0], sizes = [128, 32, 128], strides = [1, 1, 1]} : vector<128x32x256xf32> to vector<128x32x128xf32>
    %slice3A_10 = vector.extract_strided_slice %get3A_4 {offsets = [0, 0, 128], sizes = [128, 32, 128], strides = [1, 1, 1]} : vector<128x32x256xf32> to vector<128x32x128xf32>
    %slice3A_11 = vector.extract_strided_slice %get3A_9 {offsets = [0, 128], sizes = [128, 128], strides = [1, 1]} : vector<128x256xf32> to vector<128x128xf32>
    %get3A_12 = arith.constant 0 : index
    %get3A_13 = arith.constant 0 : index
    %get3A_14 = arith.constant 0 : index
    %get3A_15 = vector.load %arg4[%get3A_12, %get3A_13, %get3A_14] : memref<1x128x3xf32, #tpu.memory_space<vmem>>, vector<1x128x3xf32>
    %get3A_16 = vector.shape_cast %get3A_15 : vector<1x128x3xf32> to vector<128x3xf32>
    %broadcast_in_dim3A = vector.shape_cast %slice3A_11 : vector<128x128xf32> to vector<128x1x128xf32>
    %sub3A = vector.broadcast %broadcast_in_dim3A : vector<128x1x128xf32> to vector<128x32x128xf32>
    %sub3A_17 = arith.subf %slice3A_10, %sub3A : vector<128x32x128xf32>
    %ge3A = arith.constant 0.000000e+00 : f32
    %ge3A_18 = vector.broadcast %ge3A : f32 to vector<128x32x128xf32>
    %ge3A_19 = arith.cmpf oge, %sub3A_17, %ge3A_18 : vector<128x32x128xf32>
    %mul3A = arith.constant 2.000000e-01 : f32
    %mul3A_20 = vector.broadcast %mul3A : f32 to vector<128x32x128xf32>
    %mul3A_21 = arith.mulf %mul3A_20, %sub3A_17 : vector<128x32x128xf32>
    %select_n3A = arith.select %ge3A_19, %sub3A_17, %mul3A_21 : vector<128x32x128xi1>, vector<128x32x128xf32>
    %reduce_max3A = arith.constant dense<0xFF800000> : vector<128x128xf32>
    %reduce_max3A_22 = vector.multi_reduction <maximumf>, %select_n3A, %reduce_max3A [1] : vector<128x32x128xf32> to vector<128x128xf32>
    %broadcast_in_dim3A_23 = vector.shape_cast %reduce_max3A_22 : vector<128x128xf32> to vector<128x1x128xf32>
    %sub3A_24 = vector.broadcast %broadcast_in_dim3A_23 : vector<128x1x128xf32> to vector<128x32x128xf32>
    %sub3A_25 = arith.subf %select_n3A, %sub3A_24 : vector<128x32x128xf32>
    %exp3A = math.exp %sub3A_25 : vector<128x32x128xf32>
    %reduce_sum3A = arith.constant dense<0.000000e+00> : vector<128x128xf32>
    %reduce_sum3A_26 = vector.multi_reduction <add>, %exp3A, %reduce_sum3A [1] : vector<128x32x128xf32> to vector<128x128xf32>
    %broadcast_in_dim3A_27 = vector.shape_cast %reduce_sum3A_26 : vector<128x128xf32> to vector<128x1x128xf32>
    %div3A = vector.broadcast %broadcast_in_dim3A_27 : vector<128x1x128xf32> to vector<128x32x128xf32>
    %div3A_28 = arith.divf %exp3A, %div3A : vector<128x32x128xf32>
    %mul3A_29 = arith.mulf %div3A_28, %slice3A : vector<128x32x128xf32>
    %reduce_sum3A_30 = arith.constant dense<0.000000e+00> : vector<128x128xf32>
    %reduce_sum3A_31 = vector.multi_reduction <add>, %mul3A_29, %reduce_sum3A_30 [1] : vector<128x32x128xf32> to vector<128x128xf32>
    %swap3A = arith.constant 0 : index
    %swap3A_32 = arith.constant 0 : index
    %swap3A_33 = arith.constant 0 : index
    %swap3A_34 = vector.load %arg5[%swap3A, %swap3A_32, %swap3A_33] : memref<1x128x131xf32, #tpu.memory_space<vmem>>, vector<1x128x3xf32>
    %swap3A_35 = vector.shape_cast %swap3A_34 : vector<1x128x3xf32> to vector<128x3xf32>
    %swap3A_36 = vector.shape_cast %get3A_16 : vector<128x3xf32> to vector<1x128x3xf32>
    tpu.vector_store %arg5[%swap3A, %swap3A_32, %swap3A_33], %swap3A_36 {strides = array<i32>} : memref<1x128x131xf32, #tpu.memory_space<vmem>>, vector<1x128x3xf32>,
    %swap3A_37 = arith.constant 0 : index
    %swap3A_38 = arith.constant 0 : index
    %swap3A_39 = arith.constant 3 : index
    %swap3A_40 = vector.load %arg5[%swap3A_37, %swap3A_38, %swap3A_39] : memref<1x128x131xf32, #tpu.memory_space<vmem>>, vector<1x128x128xf32>
    %swap3A_41 = vector.shape_cast %swap3A_40 : vector<1x128x128xf32> to vector<128x128xf32>
    %swap3A_42 = vector.shape_cast %reduce_sum3A_31 : vector<128x128xf32> to vector<1x128x128xf32>
    tpu.vector_store %arg5[%swap3A_37, %swap3A_38, %swap3A_39], %swap3A_42 {strides = array<i32>} : memref<1x128x131xf32, #tpu.memory_space<vmem>>, vector<1x128x128xf32>,
    return
  }
  func.func @transform_0(%arg0: i32, %arg1: i32) -> (i32, i32, i32, i32) {
    %c0_i32 = arith.constant 0 : i32
    %c0_i32_0 = arith.constant 0 : i32
    %c0_i32_1 = arith.constant 0 : i32
    return %arg0, %arg1, %c0_i32, %c0_i32_0 : i32, i32, i32, i32
  }
  func.func @transform_1(%arg0: i32, %arg1: i32) -> (i32, i32, i32) {
    %c0_i32 = arith.constant 0 : i32
    %c0_i32_0 = arith.constant 0 : i32
    return %arg0, %arg1, %c0_i32 : i32, i32, i32
  }
  func.func @transform_2(%arg0: i32, %arg1: i32) -> (i32, i32, i32) {
    %c0_i32 = arith.constant 0 : i32
    %c0_i32_0 = arith.constant 0 : i32
    return %arg0, %arg1, %c0_i32 : i32, i32, i32
  }
  func.func @transform_3(%arg0: i32, %arg1: i32) -> (i32, i32, i32) {
    %c0_i32 = arith.constant 0 : i32
    %c0_i32_0 = arith.constant 0 : i32
    return %arg0, %arg1, %c0_i32 : i32, i32, i32
  }
}

module attributes {stable_mosaic.version = 14 : i64} {
  func.func @_feat_body(%arg0: i32, %arg1: memref<1x1024x131xf32, #tpu.memory_space<vmem>>, %arg2: memref<131x128xf32, #tpu.memory_space<vmem>>, %arg3: memref<128x128xf32, #tpu.memory_space<vmem>>, %arg4: memref<128x256xf32, #tpu.memory_space<vmem>>, %arg5: memref<1x128xf32, #tpu.memory_space<vmem>>, %arg6: memref<1x128xf32, #tpu.memory_space<vmem>>, %arg7: memref<1x256xf32, #tpu.memory_space<vmem>>, %arg8: memref<259x256xf32, #tpu.memory_space<vmem>>, %arg9: memref<1x1024x256xf32, #tpu.memory_space<vmem>>, %arg10: memref<1x1024x256xf32, #tpu.memory_space<vmem>>) attributes {dimension_semantics = [#tpu.dimension_semantics<arbitrary>], iteration_bounds = array<i64: 8>, scalar_prefetch = 0 : i64, scratch_operands = 0 : i64, tpu.core_type = #tpu.core_type<tc>, window_params = [{transform_indices = @transform_0, window_bounds = array<i64: 1, 1024, 131>}, {pipeline_mode = #tpu.pipeline_mode<synchronous>, transform_indices = @transform_1, window_bounds = array<i64: 131, 128>}, {pipeline_mode = #tpu.pipeline_mode<synchronous>, transform_indices = @transform_2, window_bounds = array<i64: 128, 128>}, {pipeline_mode = #tpu.pipeline_mode<synchronous>, transform_indices = @transform_3, window_bounds = array<i64: 128, 256>}, {pipeline_mode = #tpu.pipeline_mode<synchronous>, transform_indices = @transform_4, window_bounds = array<i64: 1, 128>}, {pipeline_mode = #tpu.pipeline_mode<synchronous>, transform_indices = @transform_5, window_bounds = array<i64: 1, 128>}, {pipeline_mode = #tpu.pipeline_mode<synchronous>, transform_indices = @transform_6, window_bounds = array<i64: 1, 256>}, {pipeline_mode = #tpu.pipeline_mode<synchronous>, transform_indices = @transform_7, window_bounds = array<i64: 259, 256>}, {transform_indices = @transform_8, window_bounds = array<i64: 1, 1024, 256>}, {transform_indices = @transform_9, window_bounds = array<i64: 1, 1024, 256>}]} {
    %get3A = arith.constant 0 : index
    %get3A_0 = arith.constant 0 : index
    %get3A_1 = arith.constant 0 : index
    %get3A_2 = vector.load %arg1[%get3A, %get3A_0, %get3A_1] : memref<1x1024x131xf32, #tpu.memory_space<vmem>>, vector<1x1024x131xf32>
    %get3A_3 = vector.shape_cast %get3A_2 : vector<1x1024x131xf32> to vector<1024x131xf32>
    %get3A_4 = arith.constant 0 : index
    %get3A_5 = arith.constant 0 : index
    %get3A_6 = vector.load %arg2[%get3A_4, %get3A_5] : memref<131x128xf32, #tpu.memory_space<vmem>>, vector<131x128xf32>
    %dot_general3A = arith.constant dense<0.000000e+00> : vector<1024x128xf32>
    %dot_general3A_7 = tpu.matmul %get3A_3, %get3A_6, %dot_general3A {dimension_numbers = #tpu.dot_dimension_numbers<[1], [0], [0], [1], [0, 0, 1, 1], [], []>, transpose_lhs_hint = false} : vector<1024x131xf32>, vector<131x128xf32>, vector<1024x128xf32> -> vector<1024x128xf32>
    %get3A_8 = arith.constant 0 : index
    %get3A_9 = arith.constant 0 : index
    %get3A_10 = vector.load %arg5[%get3A_8, %get3A_9] : memref<1x128xf32, #tpu.memory_space<vmem>>, vector<1x128xf32>
    %add3A = vector.broadcast %get3A_10 : vector<1x128xf32> to vector<1024x128xf32>
    %add3A_11 = arith.addf %dot_general3A_7, %add3A : vector<1024x128xf32>
    %mul3A = arith.constant 0.999994993 : f32
    %mul3A_12 = vector.broadcast %mul3A : f32 to vector<1024x128xf32>
    %mul3A_13 = arith.mulf %add3A_11, %mul3A_12 : vector<1024x128xf32>
    %max3A = arith.constant 0.000000e+00 : f32
    %max3A_14 = vector.broadcast %max3A : f32 to vector<1024x128xf32>
    %max3A_15 = arith.maximumf %mul3A_13, %max3A_14 : vector<1024x128xf32>
    %get3A_16 = arith.constant 0 : index
    %get3A_17 = arith.constant 0 : index
    %get3A_18 = vector.load %arg3[%get3A_16, %get3A_17] : memref<128x128xf32, #tpu.memory_space<vmem>>, vector<128x128xf32>
    %dot_general3A_19 = arith.constant dense<0.000000e+00> : vector<1024x128xf32>
    %dot_general3A_20 = tpu.matmul %max3A_15, %get3A_18, %dot_general3A_19 {dimension_numbers = #tpu.dot_dimension_numbers<[1], [0], [0], [1], [0, 0, 1, 1], [], []>, transpose_lhs_hint = false} : vector<1024x128xf32>, vector<128x128xf32>, vector<1024x128xf32> -> vector<1024x128xf32>
    %get3A_21 = arith.constant 0 : index
    %get3A_22 = arith.constant 0 : index
    %get3A_23 = vector.load %arg6[%get3A_21, %get3A_22] : memref<1x128xf32, #tpu.memory_space<vmem>>, vector<1x128xf32>
    %add3A_24 = vector.broadcast %get3A_23 : vector<1x128xf32> to vector<1024x128xf32>
    %add3A_25 = arith.addf %dot_general3A_20, %add3A_24 : vector<1024x128xf32>
    %mul3A_26 = arith.constant 0.999994993 : f32
    %mul3A_27 = vector.broadcast %mul3A_26 : f32 to vector<1024x128xf32>
    %mul3A_28 = arith.mulf %add3A_25, %mul3A_27 : vector<1024x128xf32>
    %max3A_29 = arith.constant 0.000000e+00 : f32
    %max3A_30 = vector.broadcast %max3A_29 : f32 to vector<1024x128xf32>
    %max3A_31 = arith.maximumf %mul3A_28, %max3A_30 : vector<1024x128xf32>
    %get3A_32 = arith.constant 0 : index
    %get3A_33 = arith.constant 0 : index
    %get3A_34 = vector.load %arg4[%get3A_32, %get3A_33] : memref<128x256xf32, #tpu.memory_space<vmem>>, vector<128x256xf32>
    %dot_general3A_35 = arith.constant dense<0.000000e+00> : vector<1024x256xf32>
    %dot_general3A_36 = tpu.matmul %max3A_31, %get3A_34, %dot_general3A_35 {dimension_numbers = #tpu.dot_dimension_numbers<[1], [0], [0], [1], [0, 0, 1, 1], [], []>, transpose_lhs_hint = false} : vector<1024x128xf32>, vector<128x256xf32>, vector<1024x256xf32> -> vector<1024x256xf32>
    %get3A_37 = arith.constant 0 : index
    %get3A_38 = arith.constant 0 : index
    %get3A_39 = vector.load %arg7[%get3A_37, %get3A_38] : memref<1x256xf32, #tpu.memory_space<vmem>>, vector<1x256xf32>
    %add3A_40 = vector.broadcast %get3A_39 : vector<1x256xf32> to vector<1024x256xf32>
    %add3A_41 = arith.addf %dot_general3A_36, %add3A_40 : vector<1024x256xf32>
    %mul3A_42 = arith.constant 0.999994993 : f32
    %mul3A_43 = vector.broadcast %mul3A_42 : f32 to vector<1024x256xf32>
    %mul3A_44 = arith.mulf %add3A_41, %mul3A_43 : vector<1024x256xf32>
    %max3A_45 = arith.constant 0.000000e+00 : f32
    %max3A_46 = vector.broadcast %max3A_45 : f32 to vector<1024x256xf32>
    %max3A_47 = arith.maximumf %mul3A_44, %max3A_46 : vector<1024x256xf32>
    %slice3A = vector.extract_strided_slice %get3A_3 {offsets = [0, 0], sizes = [1024, 3], strides = [1, 1]} : vector<1024x131xf32> to vector<1024x3xf32>
    %get3A_48 = arith.constant 0 : index
    %get3A_49 = arith.constant 0 : index
    %get3A_50 = vector.load %arg8[%get3A_48, %get3A_49] : memref<259x256xf32, #tpu.memory_space<vmem>>, vector<3x256xf32>
    %dot_general3A_51 = arith.constant dense<0.000000e+00> : vector<1024x256xf32>
    %dot_general3A_52 = tpu.matmul %slice3A, %get3A_50, %dot_general3A_51 {dimension_numbers = #tpu.dot_dimension_numbers<[1], [0], [0], [1], [0, 0, 1, 1], [], []>, transpose_lhs_hint = false} : vector<1024x3xf32>, vector<3x256xf32>, vector<1024x256xf32> -> vector<1024x256xf32>
    %get3A_53 = arith.constant 3 : index
    %get3A_54 = arith.constant 0 : index
    %get3A_55 = vector.load %arg8[%get3A_53, %get3A_54] : memref<259x256xf32, #tpu.memory_space<vmem>>, vector<256x256xf32>
    %dot_general3A_56 = arith.constant dense<0.000000e+00> : vector<1024x256xf32>
    %dot_general3A_57 = tpu.matmul %max3A_47, %get3A_55, %dot_general3A_56 {dimension_numbers = #tpu.dot_dimension_numbers<[1], [0], [0], [1], [0, 0, 1, 1], [], []>, transpose_lhs_hint = false} : vector<1024x256xf32>, vector<256x256xf32>, vector<1024x256xf32> -> vector<1024x256xf32>
    %add3A_58 = arith.addf %dot_general3A_52, %dot_general3A_57 : vector<1024x256xf32>
    %swap3A = arith.constant 0 : index
    %swap3A_59 = arith.constant 0 : index
    %swap3A_60 = arith.constant 0 : index
    %swap3A_61 = vector.load %arg9[%swap3A, %swap3A_59, %swap3A_60] : memref<1x1024x256xf32, #tpu.memory_space<vmem>>, vector<1x1024x256xf32>
    %swap3A_62 = vector.shape_cast %swap3A_61 : vector<1x1024x256xf32> to vector<1024x256xf32>
    %swap3A_63 = vector.shape_cast %max3A_47 : vector<1024x256xf32> to vector<1x1024x256xf32>
    tpu.vector_store %arg9[%swap3A, %swap3A_59, %swap3A_60], %swap3A_63 {strides = array<i32>} : memref<1x1024x256xf32, #tpu.memory_space<vmem>>, vector<1x1024x256xf32>,
    %swap3A_64 = arith.constant 0 : index
    %swap3A_65 = arith.constant 0 : index
    %swap3A_66 = arith.constant 0 : index
    %swap3A_67 = vector.load %arg10[%swap3A_64, %swap3A_65, %swap3A_66] : memref<1x1024x256xf32, #tpu.memory_space<vmem>>, vector<1x1024x256xf32>
    %swap3A_68 = vector.shape_cast %swap3A_67 : vector<1x1024x256xf32> to vector<1024x256xf32>
    %swap3A_69 = vector.shape_cast %add3A_58 : vector<1024x256xf32> to vector<1x1024x256xf32>
    tpu.vector_store %arg10[%swap3A_64, %swap3A_65, %swap3A_66], %swap3A_69 {strides = array<i32>} : memref<1x1024x256xf32, #tpu.memory_space<vmem>>, vector<1x1024x256xf32>,
    return
  }
  func.func @transform_0(%arg0: i32) -> (i32, i32, i32) {
    %c0_i32 = arith.constant 0 : i32
    %c0_i32_0 = arith.constant 0 : i32
    %c0_i32_1 = arith.constant 0 : i32
    return %arg0, %c0_i32, %c0_i32_0 : i32, i32, i32
  }
  func.func @transform_1(%arg0: i32) -> (i32, i32) {
    %c0_i32 = arith.constant 0 : i32
    %c0_i32_0 = arith.constant 0 : i32
    %c0_i32_1 = arith.constant 0 : i32
    return %c0_i32, %c0_i32_0 : i32, i32
  }
  func.func @transform_2(%arg0: i32) -> (i32, i32) {
    %c0_i32 = arith.constant 0 : i32
    %c0_i32_0 = arith.constant 0 : i32
    %c0_i32_1 = arith.constant 0 : i32
    return %c0_i32, %c0_i32_0 : i32, i32
  }
  func.func @transform_3(%arg0: i32) -> (i32, i32) {
    %c0_i32 = arith.constant 0 : i32
    %c0_i32_0 = arith.constant 0 : i32
    %c0_i32_1 = arith.constant 0 : i32
    return %c0_i32, %c0_i32_0 : i32, i32
  }
  func.func @transform_4(%arg0: i32) -> (i32, i32) {
    %c0_i32 = arith.constant 0 : i32
    %c0_i32_0 = arith.constant 0 : i32
    %c0_i32_1 = arith.constant 0 : i32
    return %c0_i32, %c0_i32_0 : i32, i32
  }
  func.func @transform_5(%arg0: i32) -> (i32, i32) {
    %c0_i32 = arith.constant 0 : i32
    %c0_i32_0 = arith.constant 0 : i32
    %c0_i32_1 = arith.constant 0 : i32
    return %c0_i32, %c0_i32_0 : i32, i32
  }
  func.func @transform_6(%arg0: i32) -> (i32, i32) {
    %c0_i32 = arith.constant 0 : i32
    %c0_i32_0 = arith.constant 0 : i32
    %c0_i32_1 = arith.constant 0 : i32
    return %c0_i32, %c0_i32_0 : i32, i32
  }
  func.func @transform_7(%arg0: i32) -> (i32, i32) {
    %c0_i32 = arith.constant 0 : i32
    %c0_i32_0 = arith.constant 0 : i32
    %c0_i32_1 = arith.constant 0 : i32
    return %c0_i32, %c0_i32_0 : i32, i32
  }
  func.func @transform_8(%arg0: i32) -> (i32, i32, i32) {
    %c0_i32 = arith.constant 0 : i32
    %c0_i32_0 = arith.constant 0 : i32
    %c0_i32_1 = arith.constant 0 : i32
    return %arg0, %c0_i32, %c0_i32_0 : i32, i32, i32
  }
  func.func @transform_9(%arg0: i32) -> (i32, i32, i32) {
    %c0_i32 = arith.constant 0 : i32
    %c0_i32_0 = arith.constant 0 : i32
    %c0_i32_1 = arith.constant 0 : i32
    return %arg0, %c0_i32, %c0_i32_0 : i32, i32, i32
  }
}

module attributes {stable_mosaic.version = 14 : i64} {
  func.func @_ballq_body(%arg0: i32, %arg1: i32, %arg2: memref<1x256x3xf32, #tpu.memory_space<vmem>>, %arg3: memref<1x3x1024xf32, #tpu.memory_space<vmem>>, %arg4: memref<1x256x32xi32, #tpu.memory_space<vmem>>, %arg5: memref<256x1024xf32, #tpu.memory_space<vmem>>) attributes {dimension_semantics = [#tpu.dimension_semantics<arbitrary>, #tpu.dimension_semantics<arbitrary>], iteration_bounds = array<i64: 8, 1>, scalar_prefetch = 0 : i64, scratch_operands = 1 : i64, tpu.core_type = #tpu.core_type<tc>, window_params = [{transform_indices = @transform_0, window_bounds = array<i64: 1, 256, 3>}, {transform_indices = @transform_1, window_bounds = array<i64: 1, 3, 1024>}, {transform_indices = @transform_2, window_bounds = array<i64: 1, 256, 32>}]} {
    %get3A = arith.constant 0 : index
    %get3A_0 = arith.constant 0 : index
    %get3A_1 = arith.constant 0 : index
    %get3A_2 = vector.load %arg2[%get3A, %get3A_0, %get3A_1] : memref<1x256x3xf32, #tpu.memory_space<vmem>>, vector<1x256x3xf32>
    %get3A_3 = vector.shape_cast %get3A_2 : vector<1x256x3xf32> to vector<256x3xf32>
    %get3A_4 = arith.constant 0 : index
    %get3A_5 = arith.constant 0 : index
    %get3A_6 = arith.constant 0 : index
    %get3A_7 = vector.load %arg3[%get3A_4, %get3A_5, %get3A_6] : memref<1x3x1024xf32, #tpu.memory_space<vmem>>, vector<1x3x1024xf32>
    %get3A_8 = vector.shape_cast %get3A_7 : vector<1x3x1024xf32> to vector<3x1024xf32>
    %dot_general3A = arith.constant dense<0.000000e+00> : vector<256x1024xf32>
    %dot_general3A_9 = tpu.matmul %get3A_3, %get3A_8, %dot_general3A {dimension_numbers = #tpu.dot_dimension_numbers<[1], [0], [0], [1], [0, 0, 1, 1], [], []>, transpose_lhs_hint = false} : vector<256x3xf32>, vector<3x1024xf32>, vector<256x1024xf32> -> vector<256x1024xf32>
    %mul3A = arith.constant -2.000000e+00 : f32
    %mul3A_10 = vector.broadcast %mul3A : f32 to vector<256x1024xf32>
    %mul3A_11 = arith.mulf %mul3A_10, %dot_general3A_9 : vector<256x1024xf32>
    %mul3A_12 = arith.mulf %get3A_3, %get3A_3 : vector<256x3xf32>
    %reduce_sum3A = arith.constant dense<0.000000e+00> : vector<256xf32>
    %reduce_sum3A_13 = vector.multi_reduction <add>, %mul3A_12, %reduce_sum3A [1] : vector<256x3xf32> to vector<256xf32>
    %broadcast_in_dim3A = vector.shape_cast %reduce_sum3A_13 : vector<256xf32> to vector<256x1xf32>
    %add3A = vector.broadcast %broadcast_in_dim3A : vector<256x1xf32> to vector<256x1024xf32>
    %add3A_14 = arith.addf %mul3A_11, %add3A : vector<256x1024xf32>
    %slice3A = vector.extract_strided_slice %get3A_8 {offsets = [0, 0], sizes = [1, 1024], strides = [1, 1]} : vector<3x1024xf32> to vector<1x1024xf32>
    %squeeze3A = vector.shape_cast %slice3A : vector<1x1024xf32> to vector<1024xf32>
    %slice3A_15 = vector.extract_strided_slice %get3A_8 {offsets = [0, 0], sizes = [1, 1024], strides = [1, 1]} : vector<3x1024xf32> to vector<1x1024xf32>
    %squeeze3A_16 = vector.shape_cast %slice3A_15 : vector<1x1024xf32> to vector<1024xf32>
    %mul3A_17 = arith.mulf %squeeze3A, %squeeze3A_16 : vector<1024xf32>
    %slice3A_18 = vector.extract_strided_slice %get3A_8 {offsets = [1, 0], sizes = [1, 1024], strides = [1, 1]} : vector<3x1024xf32> to vector<1x1024xf32>
    %squeeze3A_19 = vector.shape_cast %slice3A_18 : vector<1x1024xf32> to vector<1024xf32>
    %slice3A_20 = vector.extract_strided_slice %get3A_8 {offsets = [1, 0], sizes = [1, 1024], strides = [1, 1]} : vector<3x1024xf32> to vector<1x1024xf32>
    %squeeze3A_21 = vector.shape_cast %slice3A_20 : vector<1x1024xf32> to vector<1024xf32>
    %mul3A_22 = arith.mulf %squeeze3A_19, %squeeze3A_21 : vector<1024xf32>
    %add3A_23 = arith.addf %mul3A_17, %mul3A_22 : vector<1024xf32>
    %slice3A_24 = vector.extract_strided_slice %get3A_8 {offsets = [2, 0], sizes = [1, 1024], strides = [1, 1]} : vector<3x1024xf32> to vector<1x1024xf32>
    %squeeze3A_25 = vector.shape_cast %slice3A_24 : vector<1x1024xf32> to vector<1024xf32>
    %slice3A_26 = vector.extract_strided_slice %get3A_8 {offsets = [2, 0], sizes = [1, 1024], strides = [1, 1]} : vector<3x1024xf32> to vector<1x1024xf32>
    %squeeze3A_27 = vector.shape_cast %slice3A_26 : vector<1x1024xf32> to vector<1024xf32>
    %mul3A_28 = arith.mulf %squeeze3A_25, %squeeze3A_27 : vector<1024xf32>
    %add3A_29 = arith.addf %add3A_23, %mul3A_28 : vector<1024xf32>
    %broadcast_in_dim3A_30 = vector.shape_cast %add3A_29 : vector<1024xf32> to vector<1x1024xf32>
    %add3A_31 = vector.broadcast %broadcast_in_dim3A_30 : vector<1x1024xf32> to vector<256x1024xf32>
    %add3A_32 = arith.addf %add3A_14, %add3A_31 : vector<256x1024xf32>
    %gt3A = arith.constant 1.600000e-01 : f32
    %gt3A_33 = vector.broadcast %gt3A : f32 to vector<256x1024xf32>
    %gt3A_34 = arith.cmpf ogt, %add3A_32, %gt3A_33 : vector<256x1024xf32>
    %jit3A = arith.constant 1.000000e+10 : f32
    %broadcast_in_dim3A_35 = vector.broadcast %jit3A : f32 to vector<256x1024xf32>
    %select_n3A = arith.select %gt3A_34, %broadcast_in_dim3A_35, %add3A_32 : vector<256x1024xi1>, vector<256x1024xf32>
    %swap3A = arith.constant 0 : index
    %swap3A_36 = arith.constant 0 : index
    %swap3A_37 = vector.load %arg5[%swap3A, %swap3A_36] : memref<256x1024xf32, #tpu.memory_space<vmem>>, vector<256x1024xf32>
    tpu.vector_store %arg5[%swap3A, %swap3A_36], %select_n3A {strides = array<i32>} : memref<256x1024xf32, #tpu.memory_space<vmem>>, vector<256x1024xf32>,
    %gt3A_38 = arith.constant 1.600000e-01 : f32
    %gt3A_39 = vector.broadcast %gt3A_38 : f32 to vector<256x1024xf32>
    %gt3A_40 = arith.cmpf ogt, %add3A_32, %gt3A_39 : vector<256x1024xf32>
    %jit3A_41 = arith.constant 0 : i32
    %jit3A_42 = arith.constant 1 : i32
    %broadcast_in_dim3A_43 = vector.broadcast %jit3A_41 : i32 to vector<256x1024xi32>
    %broadcast_in_dim3A_44 = vector.broadcast %jit3A_42 : i32 to vector<256x1024xi32>
    %select_n3A_45 = arith.select %gt3A_40, %broadcast_in_dim3A_43, %broadcast_in_dim3A_44 : vector<256x1024xi1>, vector<256x1024xi32>
    %reduce_sum3A_46 = arith.constant dense<0> : vector<256xi32>
    %reduce_sum3A_47 = vector.multi_reduction <add>, %select_n3A_45, %reduce_sum3A_46 [1] : vector<256x1024xi32> to vector<256xi32>
    %iota3A = tpu.iota {dimensions = array<i32: 1>} : vector<256x1024xi32>
    %iota3A_48 = tpu.iota {dimensions = array<i32: 1>} : vector<256x32xi32>
    %argmin3A = tpu.reduce_index %select_n3A {axis = 1 : i32, kind = #tpu.reduction_kind<arg_min>} : vector<256x1024xf32> -> vector<256xi32>
    %mul3A_49 = arith.constant 1024 : i32
    %mul3A_50 = arith.muli %arg0, %mul3A_49 : i32
    %add3A_51 = vector.broadcast %mul3A_50 : i32 to vector<256xi32>
    %add3A_52 = arith.addi %argmin3A, %add3A_51 : vector<256xi32>
    %broadcast_in_dim3A_53 = vector.shape_cast %add3A_52 : vector<256xi32> to vector<256x1xi32>
    %broadcast_in_dim3A_54 = vector.shape_cast %broadcast_in_dim3A_53 : vector<256x1xi32> to vector<256x1xi32>
    %broadcast_in_dim3A_55 = vector.broadcast %broadcast_in_dim3A_54 : vector<256x1xi32> to vector<256x32xi32>
    %swap3A_56 = arith.constant 0 : index
    %swap3A_57 = arith.constant 0 : index
    %swap3A_58 = arith.constant 0 : index
    %swap3A_59 = vector.load %arg4[%swap3A_56, %swap3A_57, %swap3A_58] : memref<1x256x32xi32, #tpu.memory_space<vmem>>, vector<1x256x32xi32>
    %swap3A_60 = vector.shape_cast %swap3A_59 : vector<1x256x32xi32> to vector<256x32xi32>
    %swap3A_61 = vector.shape_cast %broadcast_in_dim3A_55 : vector<256x32xi32> to vector<1x256x32xi32>
    tpu.vector_store %arg4[%swap3A_56, %swap3A_57, %swap3A_58], %swap3A_61 {strides = array<i32>} : memref<1x256x32xi32, #tpu.memory_space<vmem>>, vector<1x256x32xi32>,
    %scan3A = arith.constant 1 : i32
    %scan3A_62 = arith.constant 31 : i32
    %scan3A_63 = arith.addi %scan3A, %scan3A_62 : i32
    %scan3A_64 = arith.constant 1 : i32
    %scan3A_65 = scf.for %scan3A_67 = %scan3A to %scan3A_63 step %scan3A_64 iter_args(%scan3A_68 = %argmin3A) -> (vector<256xi32>)  : i32 {
      %broadcast_in_dim3A_69 = vector.shape_cast %scan3A_68 : vector<256xi32> to vector<256x1xi32>
      %eq3A = vector.broadcast %broadcast_in_dim3A_69 : vector<256x1xi32> to vector<256x1024xi32>
      %eq3A_70 = arith.cmpi eq, %iota3A, %eq3A : vector<256x1024xi32>
      %get3A_71 = arith.constant 0 : index
      %get3A_72 = arith.constant 0 : index
      %get3A_73 = vector.load %arg5[%get3A_71, %get3A_72] : memref<256x1024xf32, #tpu.memory_space<vmem>>, vector<256x1024xf32>
      %jit3A_74 = arith.constant 1.000000e+10 : f32
      %broadcast_in_dim3A_75 = vector.broadcast %jit3A_74 : f32 to vector<256x1024xf32>
      %select_n3A_76 = arith.select %eq3A_70, %broadcast_in_dim3A_75, %get3A_73 : vector<256x1024xi1>, vector<256x1024xf32>
      %swap3A_77 = arith.constant 0 : index
      %swap3A_78 = arith.constant 0 : index
      %swap3A_79 = vector.load %arg5[%swap3A_77, %swap3A_78] : memref<256x1024xf32, #tpu.memory_space<vmem>>, vector<256x1024xf32>
      tpu.vector_store %arg5[%swap3A_77, %swap3A_78], %select_n3A_76 {strides = array<i32>} : memref<256x1024xf32, #tpu.memory_space<vmem>>, vector<256x1024xf32>,
      %argmin3A_80 = tpu.reduce_index %select_n3A_76 {axis = 1 : i32, kind = #tpu.reduction_kind<arg_min>} : vector<256x1024xf32> -> vector<256xi32>
      %lt3A = vector.broadcast %scan3A_67 : i32 to vector<256xi32>
      %lt3A_81 = arith.cmpi slt, %lt3A, %reduce_sum3A_47 : vector<256xi32>
      %select_n3A_82 = arith.select %lt3A_81, %argmin3A_80, %argmin3A : vector<256xi1>, vector<256xi32>
      %mul3A_83 = arith.constant 1024 : i32
      %mul3A_84 = arith.muli %arg0, %mul3A_83 : i32
      %add3A_85 = vector.broadcast %mul3A_84 : i32 to vector<256xi32>
      %add3A_86 = arith.addi %select_n3A_82, %add3A_85 : vector<256xi32>
      %eq3A_87 = vector.broadcast %scan3A_67 : i32 to vector<256x32xi32>
      %eq3A_88 = arith.cmpi eq, %iota3A_48, %eq3A_87 : vector<256x32xi32>
      %broadcast_in_dim3A_89 = vector.shape_cast %add3A_86 : vector<256xi32> to vector<256x1xi32>
      %get3A_90 = arith.constant 0 : index
      %get3A_91 = arith.constant 0 : index
      %get3A_92 = arith.constant 0 : index
      %get3A_93 = vector.load %arg4[%get3A_90, %get3A_91, %get3A_92] : memref<1x256x32xi32, #tpu.memory_space<vmem>>, vector<1x256x32xi32>
      %get3A_94 = vector.shape_cast %get3A_93 : vector<1x256x32xi32> to vector<256x32xi32>
      %broadcast_in_dim3A_95 = vector.shape_cast %broadcast_in_dim3A_89 : vector<256x1xi32> to vector<256x1xi32>
      %broadcast_in_dim3A_96 = vector.broadcast %broadcast_in_dim3A_95 : vector<256x1xi32> to vector<256x32xi32>
      %select_n3A_97 = arith.select %eq3A_88, %broadcast_in_dim3A_96, %get3A_94 : vector<256x32xi1>, vector<256x32xi32>
      %swap3A_98 = arith.constant 0 : index
      %swap3A_99 = arith.constant 0 : index
      %swap3A_100 = arith.constant 0 : index
      %swap3A_101 = vector.load %arg4[%swap3A_98, %swap3A_99, %swap3A_100] : memref<1x256x32xi32, #tpu.memory_space<vmem>>, vector<1x256x32xi32>
      %swap3A_102 = vector.shape_cast %swap3A_101 : vector<1x256x32xi32> to vector<256x32xi32>
      %swap3A_103 = vector.shape_cast %select_n3A_97 : vector<256x32xi32> to vector<1x256x32xi32>
      tpu.vector_store %arg4[%swap3A_98, %swap3A_99, %swap3A_100], %swap3A_103 {strides = array<i32>} : memref<1x256x32xi32, #tpu.memory_space<vmem>>, vector<1x256x32xi32>,
      scf.yield %argmin3A_80 : vector<256xi32>
    }
    %scan3A_66 = arith.constant 31 : i32
    return
  }
  func.func @transform_0(%arg0: i32, %arg1: i32) -> (i32, i32, i32) {
    %c0_i32 = arith.constant 0 : i32
    %c0_i32_0 = arith.constant 0 : i32
    return %arg0, %arg1, %c0_i32 : i32, i32, i32
  }
  func.func @transform_1(%arg0: i32, %arg1: i32) -> (i32, i32, i32) {
    %c0_i32 = arith.constant 0 : i32
    %c0_i32_0 = arith.constant 0 : i32
    %c0_i32_1 = arith.constant 0 : i32
    return %arg0, %c0_i32, %c0_i32_0 : i32, i32, i32
  }
  func.func @transform_2(%arg0: i32, %arg1: i32) -> (i32, i32, i32) {
    %c0_i32 = arith.constant 0 : i32
    %c0_i32_0 = arith.constant 0 : i32
    return %arg0, %arg1, %c0_i32 : i32, i32, i32
  }
}

module attributes {stable_mosaic.version = 14 : i64} {
  func.func @_att_body(%arg0: i32, %arg1: i32, %arg2: memref<1x128x32x256xf32, #tpu.memory_space<vmem>>, %arg3: memref<1x128x32x256xf32, #tpu.memory_space<vmem>>, %arg4: memref<1x128x256xf32, #tpu.memory_space<vmem>>, %arg5: memref<1x128x3xf32, #tpu.memory_space<vmem>>, %arg6: memref<1x128x259xf32, #tpu.memory_space<vmem>>) attributes {dimension_semantics = [#tpu.dimension_semantics<arbitrary>, #tpu.dimension_semantics<arbitrary>], iteration_bounds = array<i64: 8, 2>, scalar_prefetch = 0 : i64, scratch_operands = 0 : i64, tpu.core_type = #tpu.core_type<tc>, window_params = [{transform_indices = @transform_0, window_bounds = array<i64: 1, 128, 32, 256>}, {transform_indices = @transform_1, window_bounds = array<i64: 1, 128, 32, 256>}, {transform_indices = @transform_2, window_bounds = array<i64: 1, 128, 256>}, {transform_indices = @transform_3, window_bounds = array<i64: 1, 128, 3>}, {transform_indices = @transform_4, window_bounds = array<i64: 1, 128, 259>}]} {
    %get3A = arith.constant 0 : index
    %get3A_0 = arith.constant 0 : index
    %get3A_1 = arith.constant 0 : index
    %get3A_2 = arith.constant 0 : index
    %get3A_3 = vector.load %arg2[%get3A, %get3A_0, %get3A_1, %get3A_2] : memref<1x128x32x256xf32, #tpu.memory_space<vmem>>, vector<1x128x32x256xf32>
    %get3A_4 = vector.shape_cast %get3A_3 : vector<1x128x32x256xf32> to vector<128x32x256xf32>
    %get3A_5 = arith.constant 0 : index
    %get3A_6 = arith.constant 0 : index
    %get3A_7 = arith.constant 0 : index
    %get3A_8 = arith.constant 0 : index
    %get3A_9 = vector.load %arg3[%get3A_5, %get3A_6, %get3A_7, %get3A_8] : memref<1x128x32x256xf32, #tpu.memory_space<vmem>>, vector<1x128x32x256xf32>
    %get3A_10 = vector.shape_cast %get3A_9 : vector<1x128x32x256xf32> to vector<128x32x256xf32>
    %get3A_11 = arith.constant 0 : index
    %get3A_12 = arith.constant 0 : index
    %get3A_13 = arith.constant 0 : index
    %get3A_14 = vector.load %arg4[%get3A_11, %get3A_12, %get3A_13] : memref<1x128x256xf32, #tpu.memory_space<vmem>>, vector<1x128x256xf32>
    %get3A_15 = vector.shape_cast %get3A_14 : vector<1x128x256xf32> to vector<128x256xf32>
    %get3A_16 = arith.constant 0 : index
    %get3A_17 = arith.constant 0 : index
    %get3A_18 = arith.constant 0 : index
    %get3A_19 = vector.load %arg5[%get3A_16, %get3A_17, %get3A_18] : memref<1x128x3xf32, #tpu.memory_space<vmem>>, vector<1x128x3xf32>
    %get3A_20 = vector.shape_cast %get3A_19 : vector<1x128x3xf32> to vector<128x3xf32>
    %broadcast_in_dim3A = vector.shape_cast %get3A_15 : vector<128x256xf32> to vector<128x1x256xf32>
    %sub3A = vector.broadcast %broadcast_in_dim3A : vector<128x1x256xf32> to vector<128x32x256xf32>
    %sub3A_21 = arith.subf %get3A_10, %sub3A : vector<128x32x256xf32>
    %ge3A = arith.constant 0.000000e+00 : f32
    %ge3A_22 = vector.broadcast %ge3A : f32 to vector<128x32x256xf32>
    %ge3A_23 = arith.cmpf oge, %sub3A_21, %ge3A_22 : vector<128x32x256xf32>
    %mul3A = arith.constant 2.000000e-01 : f32
    %mul3A_24 = vector.broadcast %mul3A : f32 to vector<128x32x256xf32>
    %mul3A_25 = arith.mulf %mul3A_24, %sub3A_21 : vector<128x32x256xf32>
    %select_n3A = arith.select %ge3A_23, %sub3A_21, %mul3A_25 : vector<128x32x256xi1>, vector<128x32x256xf32>
    %reduce_max3A = arith.constant dense<0xFF800000> : vector<128x256xf32>
    %reduce_max3A_26 = vector.multi_reduction <maximumf>, %select_n3A, %reduce_max3A [1] : vector<128x32x256xf32> to vector<128x256xf32>
    %broadcast_in_dim3A_27 = vector.shape_cast %reduce_max3A_26 : vector<128x256xf32> to vector<128x1x256xf32>
    %sub3A_28 = vector.broadcast %broadcast_in_dim3A_27 : vector<128x1x256xf32> to vector<128x32x256xf32>
    %sub3A_29 = arith.subf %select_n3A, %sub3A_28 : vector<128x32x256xf32>
    %exp3A = math.exp %sub3A_29 : vector<128x32x256xf32>
    %reduce_sum3A = arith.constant dense<0.000000e+00> : vector<128x256xf32>
    %reduce_sum3A_30 = vector.multi_reduction <add>, %exp3A, %reduce_sum3A [1] : vector<128x32x256xf32> to vector<128x256xf32>
    %broadcast_in_dim3A_31 = vector.shape_cast %reduce_sum3A_30 : vector<128x256xf32> to vector<128x1x256xf32>
    %div3A = vector.broadcast %broadcast_in_dim3A_31 : vector<128x1x256xf32> to vector<128x32x256xf32>
    %div3A_32 = arith.divf %exp3A, %div3A : vector<128x32x256xf32>
    %mul3A_33 = arith.mulf %div3A_32, %get3A_4 : vector<128x32x256xf32>
    %reduce_sum3A_34 = arith.constant dense<0.000000e+00> : vector<128x256xf32>
    %reduce_sum3A_35 = vector.multi_reduction <add>, %mul3A_33, %reduce_sum3A_34 [1] : vector<128x32x256xf32> to vector<128x256xf32>
    %swap3A = arith.constant 0 : index
    %swap3A_36 = arith.constant 0 : index
    %swap3A_37 = arith.constant 0 : index
    %swap3A_38 = vector.load %arg6[%swap3A, %swap3A_36, %swap3A_37] : memref<1x128x259xf32, #tpu.memory_space<vmem>>, vector<1x128x3xf32>
    %swap3A_39 = vector.shape_cast %swap3A_38 : vector<1x128x3xf32> to vector<128x3xf32>
    %swap3A_40 = vector.shape_cast %get3A_20 : vector<128x3xf32> to vector<1x128x3xf32>
    tpu.vector_store %arg6[%swap3A, %swap3A_36, %swap3A_37], %swap3A_40 {strides = array<i32>} : memref<1x128x259xf32, #tpu.memory_space<vmem>>, vector<1x128x3xf32>,
    %swap3A_41 = arith.constant 0 : index
    %swap3A_42 = arith.constant 0 : index
    %swap3A_43 = arith.constant 3 : index
    %swap3A_44 = vector.load %arg6[%swap3A_41, %swap3A_42, %swap3A_43] : memref<1x128x259xf32, #tpu.memory_space<vmem>>, vector<1x128x256xf32>
    %swap3A_45 = vector.shape_cast %swap3A_44 : vector<1x128x256xf32> to vector<128x256xf32>
    %swap3A_46 = vector.shape_cast %reduce_sum3A_35 : vector<128x256xf32> to vector<1x128x256xf32>
    tpu.vector_store %arg6[%swap3A_41, %swap3A_42, %swap3A_43], %swap3A_46 {strides = array<i32>} : memref<1x128x259xf32, #tpu.memory_space<vmem>>, vector<1x128x256xf32>,
    return
  }
  func.func @transform_0(%arg0: i32, %arg1: i32) -> (i32, i32, i32, i32) {
    %c0_i32 = arith.constant 0 : i32
    %c0_i32_0 = arith.constant 0 : i32
    %c0_i32_1 = arith.constant 0 : i32
    return %arg0, %arg1, %c0_i32, %c0_i32_0 : i32, i32, i32, i32
  }
  func.func @transform_1(%arg0: i32, %arg1: i32) -> (i32, i32, i32, i32) {
    %c0_i32 = arith.constant 0 : i32
    %c0_i32_0 = arith.constant 0 : i32
    %c0_i32_1 = arith.constant 0 : i32
    return %arg0, %arg1, %c0_i32, %c0_i32_0 : i32, i32, i32, i32
  }
  func.func @transform_2(%arg0: i32, %arg1: i32) -> (i32, i32, i32) {
    %c0_i32 = arith.constant 0 : i32
    %c0_i32_0 = arith.constant 0 : i32
    return %arg0, %arg1, %c0_i32 : i32, i32, i32
  }
  func.func @transform_3(%arg0: i32, %arg1: i32) -> (i32, i32, i32) {
    %c0_i32 = arith.constant 0 : i32
    %c0_i32_0 = arith.constant 0 : i32
    return %arg0, %arg1, %c0_i32 : i32, i32, i32
  }
  func.func @transform_4(%arg0: i32, %arg1: i32) -> (i32, i32, i32) {
    %c0_i32 = arith.constant 0 : i32
    %c0_i32_0 = arith.constant 0 : i32
    return %arg0, %arg1, %c0_i32 : i32, i32, i32
  }
}

module attributes {stable_mosaic.version = 14 : i64} {
  func.func @_fp_body(%arg0: i32, %arg1: i32, %arg2: memref<1x1024x131xf32, #tpu.memory_space<vmem>>, %arg3: memref<1x3x256xf32, #tpu.memory_space<vmem>>, %arg4: memref<1x256x256xf32, #tpu.memory_space<vmem>>, %arg5: memref<384x256xf32, #tpu.memory_space<vmem>>, %arg6: memref<256x128xf32, #tpu.memory_space<vmem>>, %arg7: memref<1x256xf32, #tpu.memory_space<vmem>>, %arg8: memref<1x128xf32, #tpu.memory_space<vmem>>, %arg9: memref<1x1024x131xf32, #tpu.memory_space<vmem>>) attributes {dimension_semantics = [#tpu.dimension_semantics<arbitrary>, #tpu.dimension_semantics<arbitrary>], iteration_bounds = array<i64: 8, 1>, scalar_prefetch = 0 : i64, scratch_operands = 0 : i64, tpu.core_type = #tpu.core_type<tc>, window_params = [{transform_indices = @transform_0, window_bounds = array<i64: 1, 1024, 131>}, {transform_indices = @transform_1, window_bounds = array<i64: 1, 3, 256>}, {transform_indices = @transform_2, window_bounds = array<i64: 1, 256, 256>}, {pipeline_mode = #tpu.pipeline_mode<synchronous>, transform_indices = @transform_3, window_bounds = array<i64: 384, 256>}, {pipeline_mode = #tpu.pipeline_mode<synchronous>, transform_indices = @transform_4, window_bounds = array<i64: 256, 128>}, {pipeline_mode = #tpu.pipeline_mode<synchronous>, transform_indices = @transform_5, window_bounds = array<i64: 1, 256>}, {pipeline_mode = #tpu.pipeline_mode<synchronous>, transform_indices = @transform_6, window_bounds = array<i64: 1, 128>}, {transform_indices = @transform_7, window_bounds = array<i64: 1, 1024, 131>}]} {
    %get3A = arith.constant 0 : index
    %get3A_0 = arith.constant 0 : index
    %get3A_1 = arith.constant 0 : index
    %get3A_2 = vector.load %arg2[%get3A, %get3A_0, %get3A_1] : memref<1x1024x131xf32, #tpu.memory_space<vmem>>, vector<1x1024x131xf32>
    %get3A_3 = vector.shape_cast %get3A_2 : vector<1x1024x131xf32> to vector<1024x131xf32>
    %slice3A = vector.extract_strided_slice %get3A_3 {offsets = [0, 0], sizes = [1024, 3], strides = [1, 1]} : vector<1024x131xf32> to vector<1024x3xf32>
    %slice3A_4 = vector.extract_strided_slice %get3A_3 {offsets = [0, 3], sizes = [1024, 128], strides = [1, 1]} : vector<1024x131xf32> to vector<1024x128xf32>
    %get3A_5 = arith.constant 0 : index
    %get3A_6 = arith.constant 0 : index
    %get3A_7 = arith.constant 0 : index
    %get3A_8 = vector.load %arg3[%get3A_5, %get3A_6, %get3A_7] : memref<1x3x256xf32, #tpu.memory_space<vmem>>, vector<1x3x256xf32>
    %get3A_9 = vector.shape_cast %get3A_8 : vector<1x3x256xf32> to vector<3x256xf32>
    %get3A_10 = arith.constant 0 : index
    %get3A_11 = arith.constant 0 : index
    %get3A_12 = arith.constant 0 : index
    %get3A_13 = vector.load %arg4[%get3A_10, %get3A_11, %get3A_12] : memref<1x256x256xf32, #tpu.memory_space<vmem>>, vector<1x256x256xf32>
    %get3A_14 = vector.shape_cast %get3A_13 : vector<1x256x256xf32> to vector<256x256xf32>
    %dot_general3A = arith.constant dense<0.000000e+00> : vector<1024x256xf32>
    %dot_general3A_15 = tpu.matmul %slice3A, %get3A_9, %dot_general3A {dimension_numbers = #tpu.dot_dimension_numbers<[1], [0], [0], [1], [0, 0, 1, 1], [], []>, transpose_lhs_hint = false} : vector<1024x3xf32>, vector<3x256xf32>, vector<1024x256xf32> -> vector<1024x256xf32>
    %mul3A = arith.constant -2.000000e+00 : f32
    %mul3A_16 = vector.broadcast %mul3A : f32 to vector<1024x256xf32>
    %mul3A_17 = arith.mulf %mul3A_16, %dot_general3A_15 : vector<1024x256xf32>
    %mul3A_18 = arith.mulf %slice3A, %slice3A : vector<1024x3xf32>
    %reduce_sum3A = arith.constant dense<0.000000e+00> : vector<1024xf32>
    %reduce_sum3A_19 = vector.multi_reduction <add>, %mul3A_18, %reduce_sum3A [1] : vector<1024x3xf32> to vector<1024xf32>
    %broadcast_in_dim3A = vector.shape_cast %reduce_sum3A_19 : vector<1024xf32> to vector<1024x1xf32>
    %add3A = vector.broadcast %broadcast_in_dim3A : vector<1024x1xf32> to vector<1024x256xf32>
    %add3A_20 = arith.addf %mul3A_17, %add3A : vector<1024x256xf32>
    %slice3A_21 = vector.extract_strided_slice %get3A_9 {offsets = [0, 0], sizes = [1, 256], strides = [1, 1]} : vector<3x256xf32> to vector<1x256xf32>
    %squeeze3A = vector.shape_cast %slice3A_21 : vector<1x256xf32> to vector<256xf32>
    %slice3A_22 = vector.extract_strided_slice %get3A_9 {offsets = [0, 0], sizes = [1, 256], strides = [1, 1]} : vector<3x256xf32> to vector<1x256xf32>
    %squeeze3A_23 = vector.shape_cast %slice3A_22 : vector<1x256xf32> to vector<256xf32>
    %mul3A_24 = arith.mulf %squeeze3A, %squeeze3A_23 : vector<256xf32>
    %slice3A_25 = vector.extract_strided_slice %get3A_9 {offsets = [1, 0], sizes = [1, 256], strides = [1, 1]} : vector<3x256xf32> to vector<1x256xf32>
    %squeeze3A_26 = vector.shape_cast %slice3A_25 : vector<1x256xf32> to vector<256xf32>
    %slice3A_27 = vector.extract_strided_slice %get3A_9 {offsets = [1, 0], sizes = [1, 256], strides = [1, 1]} : vector<3x256xf32> to vector<1x256xf32>
    %squeeze3A_28 = vector.shape_cast %slice3A_27 : vector<1x256xf32> to vector<256xf32>
    %mul3A_29 = arith.mulf %squeeze3A_26, %squeeze3A_28 : vector<256xf32>
    %add3A_30 = arith.addf %mul3A_24, %mul3A_29 : vector<256xf32>
    %slice3A_31 = vector.extract_strided_slice %get3A_9 {offsets = [2, 0], sizes = [1, 256], strides = [1, 1]} : vector<3x256xf32> to vector<1x256xf32>
    %squeeze3A_32 = vector.shape_cast %slice3A_31 : vector<1x256xf32> to vector<256xf32>
    %slice3A_33 = vector.extract_strided_slice %get3A_9 {offsets = [2, 0], sizes = [1, 256], strides = [1, 1]} : vector<3x256xf32> to vector<1x256xf32>
    %squeeze3A_34 = vector.shape_cast %slice3A_33 : vector<1x256xf32> to vector<256xf32>
    %mul3A_35 = arith.mulf %squeeze3A_32, %squeeze3A_34 : vector<256xf32>
    %add3A_36 = arith.addf %add3A_30, %mul3A_35 : vector<256xf32>
    %broadcast_in_dim3A_37 = vector.shape_cast %add3A_36 : vector<256xf32> to vector<1x256xf32>
    %add3A_38 = vector.broadcast %broadcast_in_dim3A_37 : vector<1x256xf32> to vector<1024x256xf32>
    %add3A_39 = arith.addf %add3A_20, %add3A_38 : vector<1024x256xf32>
    %iota3A = tpu.iota {dimensions = array<i32: 1>} : vector<1024x256xi32>
    %broadcast_in_dim3A_40 = arith.constant 0.000000e+00 : f32
    %broadcast_in_dim3A_41 = vector.broadcast %broadcast_in_dim3A_40 : f32 to vector<1024x256xf32>
    %argmin3A = tpu.reduce_index %add3A_39 {axis = 1 : i32, kind = #tpu.reduction_kind<arg_min>} : vector<1024x256xf32> -> vector<1024xi32>
    %broadcast_in_dim3A_42 = vector.shape_cast %argmin3A : vector<1024xi32> to vector<1024x1xi32>
    %eq3A = vector.broadcast %broadcast_in_dim3A_42 : vector<1024x1xi32> to vector<1024x256xi32>
    %eq3A_43 = arith.cmpi eq, %iota3A, %eq3A : vector<1024x256xi32>
    %jit3A = arith.constant 1.000000e+00 : f32
    %broadcast_in_dim3A_44 = vector.broadcast %jit3A : f32 to vector<1024x256xf32>
    %select_n3A = arith.select %eq3A_43, %broadcast_in_dim3A_44, %broadcast_in_dim3A_41 : vector<1024x256xi1>, vector<1024x256xf32>
    %eq3A_45 = vector.broadcast %broadcast_in_dim3A_42 : vector<1024x1xi32> to vector<1024x256xi32>
    %eq3A_46 = arith.cmpi eq, %iota3A, %eq3A_45 : vector<1024x256xi32>
    %jit3A_47 = arith.constant 1.000000e+10 : f32
    %broadcast_in_dim3A_48 = vector.broadcast %jit3A_47 : f32 to vector<1024x256xf32>
    %select_n3A_49 = arith.select %eq3A_46, %broadcast_in_dim3A_48, %add3A_39 : vector<1024x256xi1>, vector<1024x256xf32>
    %argmin3A_50 = tpu.reduce_index %select_n3A_49 {axis = 1 : i32, kind = #tpu.reduction_kind<arg_min>} : vector<1024x256xf32> -> vector<1024xi32>
    %broadcast_in_dim3A_51 = vector.shape_cast %argmin3A_50 : vector<1024xi32> to vector<1024x1xi32>
    %eq3A_52 = vector.broadcast %broadcast_in_dim3A_51 : vector<1024x1xi32> to vector<1024x256xi32>
    %eq3A_53 = arith.cmpi eq, %iota3A, %eq3A_52 : vector<1024x256xi32>
    %jit3A_54 = arith.constant 1.000000e+00 : f32
    %broadcast_in_dim3A_55 = vector.broadcast %jit3A_54 : f32 to vector<1024x256xf32>
    %select_n3A_56 = arith.select %eq3A_53, %broadcast_in_dim3A_55, %select_n3A : vector<1024x256xi1>, vector<1024x256xf32>
    %eq3A_57 = vector.broadcast %broadcast_in_dim3A_51 : vector<1024x1xi32> to vector<1024x256xi32>
    %eq3A_58 = arith.cmpi eq, %iota3A, %eq3A_57 : vector<1024x256xi32>
    %jit3A_59 = arith.constant 1.000000e+10 : f32
    %broadcast_in_dim3A_60 = vector.broadcast %jit3A_59 : f32 to vector<1024x256xf32>
    %select_n3A_61 = arith.select %eq3A_58, %broadcast_in_dim3A_60, %select_n3A_49 : vector<1024x256xi1>, vector<1024x256xf32>
    %argmin3A_62 = tpu.reduce_index %select_n3A_61 {axis = 1 : i32, kind = #tpu.reduction_kind<arg_min>} : vector<1024x256xf32> -> vector<1024xi32>
    %broadcast_in_dim3A_63 = vector.shape_cast %argmin3A_62 : vector<1024xi32> to vector<1024x1xi32>
    %eq3A_64 = vector.broadcast %broadcast_in_dim3A_63 : vector<1024x1xi32> to vector<1024x256xi32>
    %eq3A_65 = arith.cmpi eq, %iota3A, %eq3A_64 : vector<1024x256xi32>
    %jit3A_66 = arith.constant 1.000000e+00 : f32
    %broadcast_in_dim3A_67 = vector.broadcast %jit3A_66 : f32 to vector<1024x256xf32>
    %select_n3A_68 = arith.select %eq3A_65, %broadcast_in_dim3A_67, %select_n3A_56 : vector<1024x256xi1>, vector<1024x256xf32>
    %dot_general3A_69 = arith.constant dense<0.000000e+00> : vector<1024x256xf32>
    %dot_general3A_70 = tpu.matmul %select_n3A_68, %get3A_14, %dot_general3A_69 {dimension_numbers = #tpu.dot_dimension_numbers<[1], [0], [0], [1], [0, 0, 1, 1], [], []>, transpose_lhs_hint = false} : vector<1024x256xf32>, vector<256x256xf32>, vector<1024x256xf32> -> vector<1024x256xf32>
    %div3A = arith.constant 3.000000e+00 : f32
    %div3A_71 = vector.broadcast %div3A : f32 to vector<1024x256xf32>
    %div3A_72 = arith.divf %dot_general3A_70, %div3A_71 : vector<1024x256xf32>
    %get3A_73 = arith.constant 0 : index
    %get3A_74 = arith.constant 0 : index
    %get3A_75 = vector.load %arg5[%get3A_73, %get3A_74] : memref<384x256xf32, #tpu.memory_space<vmem>>, vector<384x256xf32>
    %slice3A_76 = vector.extract_strided_slice %get3A_75 {offsets = [0, 0], sizes = [128, 256], strides = [1, 1]} : vector<384x256xf32> to vector<128x256xf32>
    %dot_general3A_77 = arith.constant dense<0.000000e+00> : vector<1024x256xf32>
    %dot_general3A_78 = tpu.matmul %slice3A_4, %slice3A_76, %dot_general3A_77 {dimension_numbers = #tpu.dot_dimension_numbers<[1], [0], [0], [1], [0, 0, 1, 1], [], []>, transpose_lhs_hint = false} : vector<1024x128xf32>, vector<128x256xf32>, vector<1024x256xf32> -> vector<1024x256xf32>
    %slice3A_79 = vector.extract_strided_slice %get3A_75 {offsets = [128, 0], sizes = [256, 256], strides = [1, 1]} : vector<384x256xf32> to vector<256x256xf32>
    %dot_general3A_80 = arith.constant dense<0.000000e+00> : vector<1024x256xf32>
    %dot_general3A_81 = tpu.matmul %div3A_72, %slice3A_79, %dot_general3A_80 {dimension_numbers = #tpu.dot_dimension_numbers<[1], [0], [0], [1], [0, 0, 1, 1], [], []>, transpose_lhs_hint = false} : vector<1024x256xf32>, vector<256x256xf32>, vector<1024x256xf32> -> vector<1024x256xf32>
    %add3A_82 = arith.addf %dot_general3A_78, %dot_general3A_81 : vector<1024x256xf32>
    %get3A_83 = arith.constant 0 : index
    %get3A_84 = arith.constant 0 : index
    %get3A_85 = vector.load %arg7[%get3A_83, %get3A_84] : memref<1x256xf32, #tpu.memory_space<vmem>>, vector<1x256xf32>
    %add3A_86 = vector.broadcast %get3A_85 : vector<1x256xf32> to vector<1024x256xf32>
    %add3A_87 = arith.addf %add3A_82, %add3A_86 : vector<1024x256xf32>
    %mul3A_88 = arith.constant 0.999994993 : f32
    %mul3A_89 = vector.broadcast %mul3A_88 : f32 to vector<1024x256xf32>
    %mul3A_90 = arith.mulf %add3A_87, %mul3A_89 : vector<1024x256xf32>
    %max3A = arith.constant 0.000000e+00 : f32
    %max3A_91 = vector.broadcast %max3A : f32 to vector<1024x256xf32>
    %max3A_92 = arith.maximumf %mul3A_90, %max3A_91 : vector<1024x256xf32>
    %get3A_93 = arith.constant 0 : index
    %get3A_94 = arith.constant 0 : index
    %get3A_95 = vector.load %arg6[%get3A_93, %get3A_94] : memref<256x128xf32, #tpu.memory_space<vmem>>, vector<256x128xf32>
    %dot_general3A_96 = arith.constant dense<0.000000e+00> : vector<1024x128xf32>
    %dot_general3A_97 = tpu.matmul %max3A_92, %get3A_95, %dot_general3A_96 {dimension_numbers = #tpu.dot_dimension_numbers<[1], [0], [0], [1], [0, 0, 1, 1], [], []>, transpose_lhs_hint = false} : vector<1024x256xf32>, vector<256x128xf32>, vector<1024x128xf32> -> vector<1024x128xf32>
    %get3A_98 = arith.constant 0 : index
    %get3A_99 = arith.constant 0 : index
    %get3A_100 = vector.load %arg8[%get3A_98, %get3A_99] : memref<1x128xf32, #tpu.memory_space<vmem>>, vector<1x128xf32>
    %add3A_101 = vector.broadcast %get3A_100 : vector<1x128xf32> to vector<1024x128xf32>
    %add3A_102 = arith.addf %dot_general3A_97, %add3A_101 : vector<1024x128xf32>
    %mul3A_103 = arith.constant 0.999994993 : f32
    %mul3A_104 = vector.broadcast %mul3A_103 : f32 to vector<1024x128xf32>
    %mul3A_105 = arith.mulf %add3A_102, %mul3A_104 : vector<1024x128xf32>
    %max3A_106 = arith.constant 0.000000e+00 : f32
    %max3A_107 = vector.broadcast %max3A_106 : f32 to vector<1024x128xf32>
    %max3A_108 = arith.maximumf %mul3A_105, %max3A_107 : vector<1024x128xf32>
    %swap3A = arith.constant 0 : index
    %swap3A_109 = arith.constant 0 : index
    %swap3A_110 = arith.constant 0 : index
    %swap3A_111 = vector.load %arg9[%swap3A, %swap3A_109, %swap3A_110] : memref<1x1024x131xf32, #tpu.memory_space<vmem>>, vector<1x1024x3xf32>
    %swap3A_112 = vector.shape_cast %swap3A_111 : vector<1x1024x3xf32> to vector<1024x3xf32>
    %swap3A_113 = vector.shape_cast %slice3A : vector<1024x3xf32> to vector<1x1024x3xf32>
    tpu.vector_store %arg9[%swap3A, %swap3A_109, %swap3A_110], %swap3A_113 {strides = array<i32>} : memref<1x1024x131xf32, #tpu.memory_space<vmem>>, vector<1x1024x3xf32>,
    %swap3A_114 = arith.constant 0 : index
    %swap3A_115 = arith.constant 0 : index
    %swap3A_116 = arith.constant 3 : index
    %swap3A_117 = vector.load %arg9[%swap3A_114, %swap3A_115, %swap3A_116] : memref<1x1024x131xf32, #tpu.memory_space<vmem>>, vector<1x1024x128xf32>
    %swap3A_118 = vector.shape_cast %swap3A_117 : vector<1x1024x128xf32> to vector<1024x128xf32>
    %swap3A_119 = vector.shape_cast %max3A_108 : vector<1024x128xf32> to vector<1x1024x128xf32>
    tpu.vector_store %arg9[%swap3A_114, %swap3A_115, %swap3A_116], %swap3A_119 {strides = array<i32>} : memref<1x1024x131xf32, #tpu.memory_space<vmem>>, vector<1x1024x128xf32>,
    return
  }
  func.func @transform_0(%arg0: i32, %arg1: i32) -> (i32, i32, i32) {
    %c0_i32 = arith.constant 0 : i32
    %c0_i32_0 = arith.constant 0 : i32
    return %arg0, %arg1, %c0_i32 : i32, i32, i32
  }
  func.func @transform_1(%arg0: i32, %arg1: i32) -> (i32, i32, i32) {
    %c0_i32 = arith.constant 0 : i32
    %c0_i32_0 = arith.constant 0 : i32
    %c0_i32_1 = arith.constant 0 : i32
    return %arg0, %c0_i32, %c0_i32_0 : i32, i32, i32
  }
  func.func @transform_2(%arg0: i32, %arg1: i32) -> (i32, i32, i32) {
    %c0_i32 = arith.constant 0 : i32
    %c0_i32_0 = arith.constant 0 : i32
    %c0_i32_1 = arith.constant 0 : i32
    return %arg0, %c0_i32, %c0_i32_0 : i32, i32, i32
  }
  func.func @transform_3(%arg0: i32, %arg1: i32) -> (i32, i32) {
    %c0_i32 = arith.constant 0 : i32
    %c0_i32_0 = arith.constant 0 : i32
    %c0_i32_1 = arith.constant 0 : i32
    return %c0_i32, %c0_i32_0 : i32, i32
  }
  func.func @transform_4(%arg0: i32, %arg1: i32) -> (i32, i32) {
    %c0_i32 = arith.constant 0 : i32
    %c0_i32_0 = arith.constant 0 : i32
    %c0_i32_1 = arith.constant 0 : i32
    return %c0_i32, %c0_i32_0 : i32, i32
  }
  func.func @transform_5(%arg0: i32, %arg1: i32) -> (i32, i32) {
    %c0_i32 = arith.constant 0 : i32
    %c0_i32_0 = arith.constant 0 : i32
    %c0_i32_1 = arith.constant 0 : i32
    return %c0_i32, %c0_i32_0 : i32, i32
  }
  func.func @transform_6(%arg0: i32, %arg1: i32) -> (i32, i32) {
    %c0_i32 = arith.constant 0 : i32
    %c0_i32_0 = arith.constant 0 : i32
    %c0_i32_1 = arith.constant 0 : i32
    return %c0_i32, %c0_i32_0 : i32, i32
  }
  func.func @transform_7(%arg0: i32, %arg1: i32) -> (i32, i32, i32) {
    %c0_i32 = arith.constant 0 : i32
    %c0_i32_0 = arith.constant 0 : i32
    return %arg0, %arg1, %c0_i32 : i32, i32, i32
  }
}

module attributes {stable_mosaic.version = 14 : i64} {
  func.func @_fp_head_body(%arg0: i32, %arg1: i32, %arg2: memref<1x1024x9xf32, #tpu.memory_space<vmem>>, %arg3: memref<1x3x1024xf32, #tpu.memory_space<vmem>>, %arg4: memref<1x1024x128xf32, #tpu.memory_space<vmem>>, %arg5: memref<134x128xf32, #tpu.memory_space<vmem>>, %arg6: memref<128x128xf32, #tpu.memory_space<vmem>>, %arg7: memref<128x128xf32, #tpu.memory_space<vmem>>, %arg8: memref<1x128xf32, #tpu.memory_space<vmem>>, %arg9: memref<1x128xf32, #tpu.memory_space<vmem>>, %arg10: memref<1x128xf32, #tpu.memory_space<vmem>>, %arg11: memref<128x13xf32, #tpu.memory_space<vmem>>, %arg12: memref<1x13xf32, #tpu.memory_space<vmem>>, %arg13: memref<1x1024x13xf32, #tpu.memory_space<vmem>>) attributes {dimension_semantics = [#tpu.dimension_semantics<arbitrary>, #tpu.dimension_semantics<arbitrary>], iteration_bounds = array<i64: 8, 4>, scalar_prefetch = 0 : i64, scratch_operands = 0 : i64, tpu.core_type = #tpu.core_type<tc>, window_params = [{transform_indices = @transform_0, window_bounds = array<i64: 1, 1024, 9>}, {transform_indices = @transform_1, window_bounds = array<i64: 1, 3, 1024>}, {transform_indices = @transform_2, window_bounds = array<i64: 1, 1024, 128>}, {pipeline_mode = #tpu.pipeline_mode<synchronous>, transform_indices = @transform_3, window_bounds = array<i64: 134, 128>}, {pipeline_mode = #tpu.pipeline_mode<synchronous>, transform_indices = @transform_4, window_bounds = array<i64: 128, 128>}, {pipeline_mode = #tpu.pipeline_mode<synchronous>, transform_indices = @transform_5, window_bounds = array<i64: 128, 128>}, {pipeline_mode = #tpu.pipeline_mode<synchronous>, transform_indices = @transform_6, window_bounds = array<i64: 1, 128>}, {pipeline_mode = #tpu.pipeline_mode<synchronous>, transform_indices = @transform_7, window_bounds = array<i64: 1, 128>}, {pipeline_mode = #tpu.pipeline_mode<synchronous>, transform_indices = @transform_8, window_bounds = array<i64: 1, 128>}, {pipeline_mode = #tpu.pipeline_mode<synchronous>, transform_indices = @transform_9, window_bounds = array<i64: 128, 13>}, {pipeline_mode = #tpu.pipeline_mode<synchronous>, transform_indices = @transform_10, window_bounds = array<i64: 1, 13>}, {transform_indices = @transform_11, window_bounds = array<i64: 1, 1024, 13>}]} {
    %get3A = arith.constant 0 : index
    %get3A_0 = arith.constant 0 : index
    %get3A_1 = arith.constant 0 : index
    %get3A_2 = vector.load %arg2[%get3A, %get3A_0, %get3A_1] : memref<1x1024x9xf32, #tpu.memory_space<vmem>>, vector<1x1024x9xf32>
    %get3A_3 = vector.shape_cast %get3A_2 : vector<1x1024x9xf32> to vector<1024x9xf32>
    %slice3A = vector.extract_strided_slice %get3A_3 {offsets = [0, 0], sizes = [1024, 3], strides = [1, 1]} : vector<1024x9xf32> to vector<1024x3xf32>
    %slice3A_4 = vector.extract_strided_slice %get3A_3 {offsets = [0, 3], sizes = [1024, 6], strides = [1, 1]} : vector<1024x9xf32> to vector<1024x6xf32>
    %get3A_5 = arith.constant 0 : index
    %get3A_6 = arith.constant 0 : index
    %get3A_7 = arith.constant 0 : index
    %get3A_8 = vector.load %arg3[%get3A_5, %get3A_6, %get3A_7] : memref<1x3x1024xf32, #tpu.memory_space<vmem>>, vector<1x3x1024xf32>
    %get3A_9 = vector.shape_cast %get3A_8 : vector<1x3x1024xf32> to vector<3x1024xf32>
    %get3A_10 = arith.constant 0 : index
    %get3A_11 = arith.constant 0 : index
    %get3A_12 = arith.constant 0 : index
    %get3A_13 = vector.load %arg4[%get3A_10, %get3A_11, %get3A_12] : memref<1x1024x128xf32, #tpu.memory_space<vmem>>, vector<1x1024x128xf32>
    %get3A_14 = vector.shape_cast %get3A_13 : vector<1x1024x128xf32> to vector<1024x128xf32>
    %dot_general3A = arith.constant dense<0.000000e+00> : vector<1024x1024xf32>
    %dot_general3A_15 = tpu.matmul %slice3A, %get3A_9, %dot_general3A {dimension_numbers = #tpu.dot_dimension_numbers<[1], [0], [0], [1], [0, 0, 1, 1], [], []>, transpose_lhs_hint = false} : vector<1024x3xf32>, vector<3x1024xf32>, vector<1024x1024xf32> -> vector<1024x1024xf32>
    %mul3A = arith.constant -2.000000e+00 : f32
    %mul3A_16 = vector.broadcast %mul3A : f32 to vector<1024x1024xf32>
    %mul3A_17 = arith.mulf %mul3A_16, %dot_general3A_15 : vector<1024x1024xf32>
    %mul3A_18 = arith.mulf %slice3A, %slice3A : vector<1024x3xf32>
    %reduce_sum3A = arith.constant dense<0.000000e+00> : vector<1024xf32>
    %reduce_sum3A_19 = vector.multi_reduction <add>, %mul3A_18, %reduce_sum3A [1] : vector<1024x3xf32> to vector<1024xf32>
    %broadcast_in_dim3A = vector.shape_cast %reduce_sum3A_19 : vector<1024xf32> to vector<1024x1xf32>
    %add3A = vector.broadcast %broadcast_in_dim3A : vector<1024x1xf32> to vector<1024x1024xf32>
    %add3A_20 = arith.addf %mul3A_17, %add3A : vector<1024x1024xf32>
    %slice3A_21 = vector.extract_strided_slice %get3A_9 {offsets = [0, 0], sizes = [1, 1024], strides = [1, 1]} : vector<3x1024xf32> to vector<1x1024xf32>
    %squeeze3A = vector.shape_cast %slice3A_21 : vector<1x1024xf32> to vector<1024xf32>
    %slice3A_22 = vector.extract_strided_slice %get3A_9 {offsets = [0, 0], sizes = [1, 1024], strides = [1, 1]} : vector<3x1024xf32> to vector<1x1024xf32>
    %squeeze3A_23 = vector.shape_cast %slice3A_22 : vector<1x1024xf32> to vector<1024xf32>
    %mul3A_24 = arith.mulf %squeeze3A, %squeeze3A_23 : vector<1024xf32>
    %slice3A_25 = vector.extract_strided_slice %get3A_9 {offsets = [1, 0], sizes = [1, 1024], strides = [1, 1]} : vector<3x1024xf32> to vector<1x1024xf32>
    %squeeze3A_26 = vector.shape_cast %slice3A_25 : vector<1x1024xf32> to vector<1024xf32>
    %slice3A_27 = vector.extract_strided_slice %get3A_9 {offsets = [1, 0], sizes = [1, 1024], strides = [1, 1]} : vector<3x1024xf32> to vector<1x1024xf32>
    %squeeze3A_28 = vector.shape_cast %slice3A_27 : vector<1x1024xf32> to vector<1024xf32>
    %mul3A_29 = arith.mulf %squeeze3A_26, %squeeze3A_28 : vector<1024xf32>
    %add3A_30 = arith.addf %mul3A_24, %mul3A_29 : vector<1024xf32>
    %slice3A_31 = vector.extract_strided_slice %get3A_9 {offsets = [2, 0], sizes = [1, 1024], strides = [1, 1]} : vector<3x1024xf32> to vector<1x1024xf32>
    %squeeze3A_32 = vector.shape_cast %slice3A_31 : vector<1x1024xf32> to vector<1024xf32>
    %slice3A_33 = vector.extract_strided_slice %get3A_9 {offsets = [2, 0], sizes = [1, 1024], strides = [1, 1]} : vector<3x1024xf32> to vector<1x1024xf32>
    %squeeze3A_34 = vector.shape_cast %slice3A_33 : vector<1x1024xf32> to vector<1024xf32>
    %mul3A_35 = arith.mulf %squeeze3A_32, %squeeze3A_34 : vector<1024xf32>
    %add3A_36 = arith.addf %add3A_30, %mul3A_35 : vector<1024xf32>
    %broadcast_in_dim3A_37 = vector.shape_cast %add3A_36 : vector<1024xf32> to vector<1x1024xf32>
    %add3A_38 = vector.broadcast %broadcast_in_dim3A_37 : vector<1x1024xf32> to vector<1024x1024xf32>
    %add3A_39 = arith.addf %add3A_20, %add3A_38 : vector<1024x1024xf32>
    %iota3A = tpu.iota {dimensions = array<i32: 1>} : vector<1024x1024xi32>
    %broadcast_in_dim3A_40 = arith.constant 0.000000e+00 : f32
    %broadcast_in_dim3A_41 = vector.broadcast %broadcast_in_dim3A_40 : f32 to vector<1024x1024xf32>
    %argmin3A = tpu.reduce_index %add3A_39 {axis = 1 : i32, kind = #tpu.reduction_kind<arg_min>} : vector<1024x1024xf32> -> vector<1024xi32>
    %broadcast_in_dim3A_42 = vector.shape_cast %argmin3A : vector<1024xi32> to vector<1024x1xi32>
    %eq3A = vector.broadcast %broadcast_in_dim3A_42 : vector<1024x1xi32> to vector<1024x1024xi32>
    %eq3A_43 = arith.cmpi eq, %iota3A, %eq3A : vector<1024x1024xi32>
    %jit3A = arith.constant 1.000000e+00 : f32
    %broadcast_in_dim3A_44 = vector.broadcast %jit3A : f32 to vector<1024x1024xf32>
    %select_n3A = arith.select %eq3A_43, %broadcast_in_dim3A_44, %broadcast_in_dim3A_41 : vector<1024x1024xi1>, vector<1024x1024xf32>
    %eq3A_45 = vector.broadcast %broadcast_in_dim3A_42 : vector<1024x1xi32> to vector<1024x1024xi32>
    %eq3A_46 = arith.cmpi eq, %iota3A, %eq3A_45 : vector<1024x1024xi32>
    %jit3A_47 = arith.constant 1.000000e+10 : f32
    %broadcast_in_dim3A_48 = vector.broadcast %jit3A_47 : f32 to vector<1024x1024xf32>
    %select_n3A_49 = arith.select %eq3A_46, %broadcast_in_dim3A_48, %add3A_39 : vector<1024x1024xi1>, vector<1024x1024xf32>
    %argmin3A_50 = tpu.reduce_index %select_n3A_49 {axis = 1 : i32, kind = #tpu.reduction_kind<arg_min>} : vector<1024x1024xf32> -> vector<1024xi32>
    %broadcast_in_dim3A_51 = vector.shape_cast %argmin3A_50 : vector<1024xi32> to vector<1024x1xi32>
    %eq3A_52 = vector.broadcast %broadcast_in_dim3A_51 : vector<1024x1xi32> to vector<1024x1024xi32>
    %eq3A_53 = arith.cmpi eq, %iota3A, %eq3A_52 : vector<1024x1024xi32>
    %jit3A_54 = arith.constant 1.000000e+00 : f32
    %broadcast_in_dim3A_55 = vector.broadcast %jit3A_54 : f32 to vector<1024x1024xf32>
    %select_n3A_56 = arith.select %eq3A_53, %broadcast_in_dim3A_55, %select_n3A : vector<1024x1024xi1>, vector<1024x1024xf32>
    %eq3A_57 = vector.broadcast %broadcast_in_dim3A_51 : vector<1024x1xi32> to vector<1024x1024xi32>
    %eq3A_58 = arith.cmpi eq, %iota3A, %eq3A_57 : vector<1024x1024xi32>
    %jit3A_59 = arith.constant 1.000000e+10 : f32
    %broadcast_in_dim3A_60 = vector.broadcast %jit3A_59 : f32 to vector<1024x1024xf32>
    %select_n3A_61 = arith.select %eq3A_58, %broadcast_in_dim3A_60, %select_n3A_49 : vector<1024x1024xi1>, vector<1024x1024xf32>
    %argmin3A_62 = tpu.reduce_index %select_n3A_61 {axis = 1 : i32, kind = #tpu.reduction_kind<arg_min>} : vector<1024x1024xf32> -> vector<1024xi32>
    %broadcast_in_dim3A_63 = vector.shape_cast %argmin3A_62 : vector<1024xi32> to vector<1024x1xi32>
    %eq3A_64 = vector.broadcast %broadcast_in_dim3A_63 : vector<1024x1xi32> to vector<1024x1024xi32>
    %eq3A_65 = arith.cmpi eq, %iota3A, %eq3A_64 : vector<1024x1024xi32>
    %jit3A_66 = arith.constant 1.000000e+00 : f32
    %broadcast_in_dim3A_67 = vector.broadcast %jit3A_66 : f32 to vector<1024x1024xf32>
    %select_n3A_68 = arith.select %eq3A_65, %broadcast_in_dim3A_67, %select_n3A_56 : vector<1024x1024xi1>, vector<1024x1024xf32>
    %dot_general3A_69 = arith.constant dense<0.000000e+00> : vector<1024x128xf32>
    %dot_general3A_70 = tpu.matmul %select_n3A_68, %get3A_14, %dot_general3A_69 {dimension_numbers = #tpu.dot_dimension_numbers<[1], [0], [0], [1], [0, 0, 1, 1], [], []>, transpose_lhs_hint = false} : vector<1024x1024xf32>, vector<1024x128xf32>, vector<1024x128xf32> -> vector<1024x128xf32>
    %div3A = arith.constant 3.000000e+00 : f32
    %div3A_71 = vector.broadcast %div3A : f32 to vector<1024x128xf32>
    %div3A_72 = arith.divf %dot_general3A_70, %div3A_71 : vector<1024x128xf32>
    %get3A_73 = arith.constant 0 : index
    %get3A_74 = arith.constant 0 : index
    %get3A_75 = vector.load %arg5[%get3A_73, %get3A_74] : memref<134x128xf32, #tpu.memory_space<vmem>>, vector<134x128xf32>
    %slice3A_76 = vector.extract_strided_slice %get3A_75 {offsets = [0, 0], sizes = [6, 128], strides = [1, 1]} : vector<134x128xf32> to vector<6x128xf32>
    %dot_general3A_77 = arith.constant dense<0.000000e+00> : vector<1024x128xf32>
    %dot_general3A_78 = tpu.matmul %slice3A_4, %slice3A_76, %dot_general3A_77 {dimension_numbers = #tpu.dot_dimension_numbers<[1], [0], [0], [1], [0, 0, 1, 1], [], []>, transpose_lhs_hint = false} : vector<1024x6xf32>, vector<6x128xf32>, vector<1024x128xf32> -> vector<1024x128xf32>
    %slice3A_79 = vector.extract_strided_slice %get3A_75 {offsets = [6, 0], sizes = [128, 128], strides = [1, 1]} : vector<134x128xf32> to vector<128x128xf32>
    %dot_general3A_80 = arith.constant dense<0.000000e+00> : vector<1024x128xf32>
    %dot_general3A_81 = tpu.matmul %div3A_72, %slice3A_79, %dot_general3A_80 {dimension_numbers = #tpu.dot_dimension_numbers<[1], [0], [0], [1], [0, 0, 1, 1], [], []>, transpose_lhs_hint = false} : vector<1024x128xf32>, vector<128x128xf32>, vector<1024x128xf32> -> vector<1024x128xf32>
    %add3A_82 = arith.addf %dot_general3A_78, %dot_general3A_81 : vector<1024x128xf32>
    %get3A_83 = arith.constant 0 : index
    %get3A_84 = arith.constant 0 : index
    %get3A_85 = vector.load %arg8[%get3A_83, %get3A_84] : memref<1x128xf32, #tpu.memory_space<vmem>>, vector<1x128xf32>
    %add3A_86 = vector.broadcast %get3A_85 : vector<1x128xf32> to vector<1024x128xf32>
    %add3A_87 = arith.addf %add3A_82, %add3A_86 : vector<1024x128xf32>
    %mul3A_88 = arith.constant 0.999994993 : f32
    %mul3A_89 = vector.broadcast %mul3A_88 : f32 to vector<1024x128xf32>
    %mul3A_90 = arith.mulf %add3A_87, %mul3A_89 : vector<1024x128xf32>
    %max3A = arith.constant 0.000000e+00 : f32
    %max3A_91 = vector.broadcast %max3A : f32 to vector<1024x128xf32>
    %max3A_92 = arith.maximumf %mul3A_90, %max3A_91 : vector<1024x128xf32>
    %get3A_93 = arith.constant 0 : index
    %get3A_94 = arith.constant 0 : index
    %get3A_95 = vector.load %arg6[%get3A_93, %get3A_94] : memref<128x128xf32, #tpu.memory_space<vmem>>, vector<128x128xf32>
    %dot_general3A_96 = arith.constant dense<0.000000e+00> : vector<1024x128xf32>
    %dot_general3A_97 = tpu.matmul %max3A_92, %get3A_95, %dot_general3A_96 {dimension_numbers = #tpu.dot_dimension_numbers<[1], [0], [0], [1], [0, 0, 1, 1], [], []>, transpose_lhs_hint = false} : vector<1024x128xf32>, vector<128x128xf32>, vector<1024x128xf32> -> vector<1024x128xf32>
    %get3A_98 = arith.constant 0 : index
    %get3A_99 = arith.constant 0 : index
    %get3A_100 = vector.load %arg9[%get3A_98, %get3A_99] : memref<1x128xf32, #tpu.memory_space<vmem>>, vector<1x128xf32>
    %add3A_101 = vector.broadcast %get3A_100 : vector<1x128xf32> to vector<1024x128xf32>
    %add3A_102 = arith.addf %dot_general3A_97, %add3A_101 : vector<1024x128xf32>
    %mul3A_103 = arith.constant 0.999994993 : f32
    %mul3A_104 = vector.broadcast %mul3A_103 : f32 to vector<1024x128xf32>
    %mul3A_105 = arith.mulf %add3A_102, %mul3A_104 : vector<1024x128xf32>
    %max3A_106 = arith.constant 0.000000e+00 : f32
    %max3A_107 = vector.broadcast %max3A_106 : f32 to vector<1024x128xf32>
    %max3A_108 = arith.maximumf %mul3A_105, %max3A_107 : vector<1024x128xf32>
    %get3A_109 = arith.constant 0 : index
    %get3A_110 = arith.constant 0 : index
    %get3A_111 = vector.load %arg7[%get3A_109, %get3A_110] : memref<128x128xf32, #tpu.memory_space<vmem>>, vector<128x128xf32>
    %dot_general3A_112 = arith.constant dense<0.000000e+00> : vector<1024x128xf32>
    %dot_general3A_113 = tpu.matmul %max3A_108, %get3A_111, %dot_general3A_112 {dimension_numbers = #tpu.dot_dimension_numbers<[1], [0], [0], [1], [0, 0, 1, 1], [], []>, transpose_lhs_hint = false} : vector<1024x128xf32>, vector<128x128xf32>, vector<1024x128xf32> -> vector<1024x128xf32>
    %get3A_114 = arith.constant 0 : index
    %get3A_115 = arith.constant 0 : index
    %get3A_116 = vector.load %arg10[%get3A_114, %get3A_115] : memref<1x128xf32, #tpu.memory_space<vmem>>, vector<1x128xf32>
    %add3A_117 = vector.broadcast %get3A_116 : vector<1x128xf32> to vector<1024x128xf32>
    %add3A_118 = arith.addf %dot_general3A_113, %add3A_117 : vector<1024x128xf32>
    %mul3A_119 = arith.constant 0.999994993 : f32
    %mul3A_120 = vector.broadcast %mul3A_119 : f32 to vector<1024x128xf32>
    %mul3A_121 = arith.mulf %add3A_118, %mul3A_120 : vector<1024x128xf32>
    %max3A_122 = arith.constant 0.000000e+00 : f32
    %max3A_123 = vector.broadcast %max3A_122 : f32 to vector<1024x128xf32>
    %max3A_124 = arith.maximumf %mul3A_121, %max3A_123 : vector<1024x128xf32>
    %get3A_125 = arith.constant 0 : index
    %get3A_126 = arith.constant 0 : index
    %get3A_127 = vector.load %arg11[%get3A_125, %get3A_126] : memref<128x13xf32, #tpu.memory_space<vmem>>, vector<128x13xf32>
    %dot_general3A_128 = arith.constant dense<0.000000e+00> : vector<1024x13xf32>
    %dot_general3A_129 = tpu.matmul %max3A_124, %get3A_127, %dot_general3A_128 {dimension_numbers = #tpu.dot_dimension_numbers<[1], [0], [0], [1], [0, 0, 1, 1], [], []>, transpose_lhs_hint = false} : vector<1024x128xf32>, vector<128x13xf32>, vector<1024x13xf32> -> vector<1024x13xf32>
    %get3A_130 = arith.constant 0 : index
    %get3A_131 = arith.constant 0 : index
    %get3A_132 = vector.load %arg12[%get3A_130, %get3A_131] : memref<1x13xf32, #tpu.memory_space<vmem>>, vector<1x13xf32>
    %add3A_133 = vector.broadcast %get3A_132 : vector<1x13xf32> to vector<1024x13xf32>
    %add3A_134 = arith.addf %dot_general3A_129, %add3A_133 : vector<1024x13xf32>
    %reduce_max3A = arith.constant dense<0xFF800000> : vector<1024xf32>
    %reduce_max3A_135 = vector.multi_reduction <maximumf>, %add3A_134, %reduce_max3A [1] : vector<1024x13xf32> to vector<1024xf32>
    %broadcast_in_dim3A_136 = vector.shape_cast %reduce_max3A_135 : vector<1024xf32> to vector<1024x1xf32>
    %sub3A = vector.broadcast %broadcast_in_dim3A_136 : vector<1024x1xf32> to vector<1024x13xf32>
    %sub3A_137 = arith.subf %add3A_134, %sub3A : vector<1024x13xf32>
    %exp3A = math.exp %sub3A_137 : vector<1024x13xf32>
    %reduce_sum3A_138 = arith.constant dense<0.000000e+00> : vector<1024xf32>
    %reduce_sum3A_139 = vector.multi_reduction <add>, %exp3A, %reduce_sum3A_138 [1] : vector<1024x13xf32> to vector<1024xf32>
    %broadcast_in_dim3A_140 = vector.shape_cast %reduce_sum3A_139 : vector<1024xf32> to vector<1024x1xf32>
    %log3A = math.log %broadcast_in_dim3A_140 : vector<1024x1xf32>
    %sub3A_141 = vector.broadcast %log3A : vector<1024x1xf32> to vector<1024x13xf32>
    %sub3A_142 = arith.subf %sub3A_137, %sub3A_141 : vector<1024x13xf32>
    %swap3A = arith.constant 0 : index
    %swap3A_143 = arith.constant 0 : index
    %swap3A_144 = arith.constant 0 : index
    %swap3A_145 = vector.load %arg13[%swap3A, %swap3A_143, %swap3A_144] : memref<1x1024x13xf32, #tpu.memory_space<vmem>>, vector<1x1024x13xf32>
    %swap3A_146 = vector.shape_cast %swap3A_145 : vector<1x1024x13xf32> to vector<1024x13xf32>
    %swap3A_147 = vector.shape_cast %sub3A_142 : vector<1024x13xf32> to vector<1x1024x13xf32>
    tpu.vector_store %arg13[%swap3A, %swap3A_143, %swap3A_144], %swap3A_147 {strides = array<i32>} : memref<1x1024x13xf32, #tpu.memory_space<vmem>>, vector<1x1024x13xf32>,
    return
  }
  func.func @transform_0(%arg0: i32, %arg1: i32) -> (i32, i32, i32) {
    %c0_i32 = arith.constant 0 : i32
    %c0_i32_0 = arith.constant 0 : i32
    return %arg0, %arg1, %c0_i32 : i32, i32, i32
  }
  func.func @transform_1(%arg0: i32, %arg1: i32) -> (i32, i32, i32) {
    %c0_i32 = arith.constant 0 : i32
    %c0_i32_0 = arith.constant 0 : i32
    %c0_i32_1 = arith.constant 0 : i32
    return %arg0, %c0_i32, %c0_i32_0 : i32, i32, i32
  }
  func.func @transform_2(%arg0: i32, %arg1: i32) -> (i32, i32, i32) {
    %c0_i32 = arith.constant 0 : i32
    %c0_i32_0 = arith.constant 0 : i32
    %c0_i32_1 = arith.constant 0 : i32
    return %arg0, %c0_i32, %c0_i32_0 : i32, i32, i32
  }
  func.func @transform_3(%arg0: i32, %arg1: i32) -> (i32, i32) {
    %c0_i32 = arith.constant 0 : i32
    %c0_i32_0 = arith.constant 0 : i32
    %c0_i32_1 = arith.constant 0 : i32
    return %c0_i32, %c0_i32_0 : i32, i32
  }
  func.func @transform_4(%arg0: i32, %arg1: i32) -> (i32, i32) {
    %c0_i32 = arith.constant 0 : i32
    %c0_i32_0 = arith.constant 0 : i32
    %c0_i32_1 = arith.constant 0 : i32
    return %c0_i32, %c0_i32_0 : i32, i32
  }
  func.func @transform_5(%arg0: i32, %arg1: i32) -> (i32, i32) {
    %c0_i32 = arith.constant 0 : i32
    %c0_i32_0 = arith.constant 0 : i32
    %c0_i32_1 = arith.constant 0 : i32
    return %c0_i32, %c0_i32_0 : i32, i32
  }
  func.func @transform_6(%arg0: i32, %arg1: i32) -> (i32, i32) {
    %c0_i32 = arith.constant 0 : i32
    %c0_i32_0 = arith.constant 0 : i32
    %c0_i32_1 = arith.constant 0 : i32
    return %c0_i32, %c0_i32_0 : i32, i32
  }
  func.func @transform_7(%arg0: i32, %arg1: i32) -> (i32, i32) {
    %c0_i32 = arith.constant 0 : i32
    %c0_i32_0 = arith.constant 0 : i32
    %c0_i32_1 = arith.constant 0 : i32
    return %c0_i32, %c0_i32_0 : i32, i32
  }
  func.func @transform_8(%arg0: i32, %arg1: i32) -> (i32, i32) {
    %c0_i32 = arith.constant 0 : i32
    %c0_i32_0 = arith.constant 0 : i32
    %c0_i32_1 = arith.constant 0 : i32
    return %c0_i32, %c0_i32_0 : i32, i32
  }
  func.func @transform_9(%arg0: i32, %arg1: i32) -> (i32, i32) {
    %c0_i32 = arith.constant 0 : i32
    %c0_i32_0 = arith.constant 0 : i32
    %c0_i32_1 = arith.constant 0 : i32
    return %c0_i32, %c0_i32_0 : i32, i32
  }
  func.func @transform_10(%arg0: i32, %arg1: i32) -> (i32, i32) {
    %c0_i32 = arith.constant 0 : i32
    %c0_i32_0 = arith.constant 0 : i32
    %c0_i32_1 = arith.constant 0 : i32
    return %c0_i32, %c0_i32_0 : i32, i32
  }
  func.func @transform_11(%arg0: i32, %arg1: i32) -> (i32, i32, i32) {
    %c0_i32 = arith.constant 0 : i32
    %c0_i32_0 = arith.constant 0 : i32
    return %arg0, %arg1, %c0_i32 : i32, i32, i32
  }
}

</mosaic_0001>

<sc_bundles>
// kernel: kernel.17.cloned.1.call-start
scs
__scs_entry_jumppad:
0x0: {  	(pc) =	sbr.rel $0x88, $3  }
0x1: {  	(tag) =	ssettag $0x0;
	lr =	simm.s32 $0x1  }
0x2: {  	[smem:$0x3F86] =	sst lr;
	_ =	strace $0xD0000000  }
0x3: {  	_ = 	snop  }
0x4: {  	_ = 	snop  }
0x5: {  	_ = 	snop  }
0x6: {  	_ = 	snop  }
0x7: {  	_ = 	snop  }
__scs_overlays_trampoline_lowered:
0x8: {  	[smem:$0x3F95] =	sst s0  }
0x9: {  	[smem:$0x3F96] =	sst s1  }
0xa: {  	[smem:$0x3F97] =	sst s2  }
0xb: {  	[smem:$0x3F98] =	sst s3  }
0xc: {  	[smem:$0x3F99] =	sst s4  }
0xd: {  	[smem:$0x3F9A] =	sst s5  }
0xe: {  	[smem:$0x3F9B] =	sst s6  }
0xf: {  	[smem:$0x3F9C] =	sst s7  }
0x10: {  	[smem:$0x3F9D] =	sst s8  }
0x11: {  	[smem:$0x3F9E] =	sst s9;
	s0 =	simm.s32 @!p0 $0x0  }
0x12: {  	s1 =	sld [smem:$0x3F84];
	s0 =	simm.s32 @p0 $0x1  }
0x13: {  	[smem:$0x3F9F] =	sst s0;
	s0 =	simm.s32 @!p1 $0x0  }
0x14: {  	s2 =	sld [smem:$0x3F83];
	s0 =	simm.s32 @p1 $0x1  }
0x15: {  	[smem:$0x3FA0] =	sst s0;
	s0 =	simm.s32 @!p2 $0x0  }
0x16: {  	s3 =	sld [smem:$0x3FDB];
	s0 =	simm.s32 @p2 $0x1  }
0x17: {  	s4 =	simm.s32 $0x1BF5;
	[smem:$0x3FA2] =	sst s0  }
0x18: {  	s0 =	sld [smem:$0x3F85];
	_ =	swait.ge [sflag:s4], $0x0  }
0x19: {  	s7 =	sld [smem:$0x3F86]  }
0x1a: {  	s8 =	sadd.s32 $0xFFFFE003, lr  }
0x1b: {  	s9 =	sadd.s32 $0xFFFFFEF7, lr;
	s5 =	simm.s32 $0xFFFFFFFF;
	p2 =	slt.u32 s8, $0xFFFFF086  }
0x1c: {  	p1 =	slt.u32 s9, $0xF7A;
	s5 =	simm.s32 @!p2 $0x0  }
0x1d: {  	s5 =	simm.s32 @p1 $0x1;
	p0 =	seq.s32 s7, s2  }
0x1e: {  	s7 =	smul.u32 @!p0 $0xF7A, s2;
	p2 =	seq.s32 @!p0 s5, $0x0  }
0x1f: {  	s9 =	smul.u32 $0xF7A, s1;
	s8 =	simm.s32 @!p0 $0x1BF5;
	p2 =	por !p2, p0  }
0x20: {  	[sflag:s8] =	ssyncset.s32 @!p0 $0xFFFFF086;
	s6 =	sadd.s32 @!p0 s3, s7;
	s7 =	simm.s32 @!p0 $0x108  }
0x21: {  	s3 =	sadd.s32 s3, s9;
	s6 =	sadd.s32 @!p0 $0x88, s6;
	s7 =	simm.s32 @p2 $0x1082  }
0x22: {  	[simem:s7], [sflag:s8] =	dma.local @!p0 [hbm:s6], $0xF7A  }
0x23: {  	s9 =	sor.u32 $0xD0000000, s2;
	s6 =	simm.s32 $0x108;
	_ =	swait.ge @!p0 [sflag:s8], $0x0  }
0x24: {  	s3 =	sadd.s32 $0x88, s3;
	s6 =	simm.s32 @!p1 $0x1082;
	[sflag:s4] =	ssyncset.s32 $0xFFFFF086  }
0x25: {  	[simem:s6], [sflag:s4] =	dma.local [hbm:s3], $0xF7A  }
0x26: {  	[smem:$0x3F86] =	sst s1;
	(tag) =	ssettag s2;
	_ =	strace s9  }
0x27: {  	s1 =	sld [smem:$0x3F96]  }
0x28: {  	s2 =	sld [smem:$0x3F97]  }
0x29: {  	s4 =	sld [smem:$0x3F99]  }
0x2a: {  	p0 =	seq.s32 s5, $0x0;
	s5 =	sld [smem:$0x3F9A]  }
0x2b: {  	s6 =	sld [smem:$0x3F9B]  }
0x2c: {  	s7 =	sld [smem:$0x3F9C]  }
0x2d: {  	s3 =	simm.s32 $0x108;
	s8 =	sld [smem:$0x3F9D]  }
0x2e: {  	s3 =	simm.s32 @!p0 $0x1082;
	s9 =	sld [smem:$0x3F9E]  }
0x2f: {  	lr =	sadd.s32 s0, s3;
	s0 =	sld [smem:$0x3F95]  }
0x30: {  	s3 =	sld [smem:$0x3F98]  }
0x31: {  	[smem:$0x3FA1] =	sst s10  }
0x32: {  	s10 =	sld [smem:$0x3F9F];
	_ =	sdelay $0x3  }
0x33: {  	p0 =	seq.s32 s10, $0x1;
	s10 =	sld [smem:$0x3FA1];
	_ =	sdelay $0x3  }
0x34: {  	[smem:$0x3FA1] =	sst s10  }
0x35: {  	s10 =	sld [smem:$0x3FA0];
	_ =	sdelay $0x3  }
0x36: {  	p1 =	seq.s32 s10, $0x1;
	s10 =	sld [smem:$0x3FA1];
	_ =	sdelay $0x3  }
0x37: {  	[smem:$0x3FA1] =	sst s10  }
0x38: {  	s10 =	sld [smem:$0x3FA2]  }
0x39: {  	_ = 	snop;
	(pc) =	sbr.ind lr, $3  }
0x3a: {  	_ = 	snop  }
0x3b: {  	_ = 	snop  }
0x3c: {  	p2 =	seq.s32 s10, $0x1;
	s10 =	sld [smem:$0x3FA1]  }
0x3d: {  	_ =	shalt  }
0x3e: {  	_ =	shalt  }
0x3f: {  	_ =	shalt  }
0x40: {  	_ =	shalt  }
0x41: {  	_ =	shalt  }
0x42: {  	_ =	shalt  }
0x43: {  	_ =	shalt  }
0x44: {  	_ =	shalt  }
0x45: {  	_ =	shalt  }
0x46: {  	_ =	shalt  }
0x47: {  	_ =	shalt  }
0x48: {  	_ =	shalt  }
0x49: {  	_ =	shalt  }
0x4a: {  	_ =	shalt  }
0x4b: {  	_ =	shalt  }
0x4c: {  	_ =	shalt  }
0x4d: {  	_ =	shalt  }
0x4e: {  	_ =	shalt  }
0x4f: {  	_ =	shalt  }
0x50: {  	_ =	shalt  }
0x51: {  	_ =	shalt  }
0x52: {  	_ =	shalt  }
0x53: {  	_ =	shalt  }
0x54: {  	_ =	shalt  }
0x55: {  	_ =	shalt  }
0x56: {  	_ =	shalt  }
0x57: {  	_ =	shalt  }
0x58: {  	_ =	shalt  }
0x59: {  	_ =	shalt  }
0x5a: {  	_ =	shalt  }
0x5b: {  	_ =	shalt  }
0x5c: {  	_ =	shalt  }
0x5d: {  	_ =	shalt  }
0x5e: {  	_ =	shalt  }
0x5f: {  	_ =	shalt  }
0x60: {  	_ =	shalt  }
0x61: {  	_ =	shalt  }
0x62: {  	_ =	shalt  }
0x63: {  	_ =	shalt  }
0x64: {  	_ =	shalt  }
0x65: {  	_ =	shalt  }
0x66: {  	_ =	shalt  }
0x67: {  	_ =	shalt  }
0x68: {  	_ =	shalt  }
0x69: {  	_ =	shalt  }
0x6a: {  	_ =	shalt  }
0x6b: {  	_ =	shalt  }
0x6c: {  	_ =	shalt  }
0x6d: {  	_ =	shalt  }
0x6e: {  	_ =	shalt  }
0x6f: {  	_ =	shalt  }
0x70: {  	_ =	shalt  }
0x71: {  	_ =	shalt  }
0x72: {  	_ =	shalt  }
0x73: {  	_ =	shalt  }
0x74: {  	_ =	shalt  }
0x75: {  	_ =	shalt  }
0x76: {  	_ =	shalt  }
0x77: {  	_ =	shalt  }
0x78: {  	_ =	shalt  }
0x79: {  	_ =	shalt  }
0x7a: {  	_ =	shalt  }
0x7b: {  	_ =	shalt  }
0x7c: {  	_ =	shalt  }
0x7d: {  	_ =	shalt  }
0x7e: {  	_ =	shalt  }
0x7f: {  	_ =	shalt  }
0x80: {  	_ =	shalt  }
0x81: {  	_ =	shalt  }
0x82: {  	_ =	shalt  }
0x83: {  	_ =	shalt  }
0x84: {  	_ =	shalt  }
0x85: {  	_ =	shalt  }
0x86: {  	_ =	shalt  }
0x87: {  	_ =	shalt  }
.Lfunc_end0:
.L_simem_size_0:
called_computation_lowered:
.L_overlay_start_0:
0x88: {  	s2 =	sld [smem:$0x3FD9]  }
0x89: {  	s3 =	sld [smem:$0x3FFE];
	_ =	sdelay $0x1  }
0x8a: {  	s1 =	srdreg.scid  }
0x8b: {  	s0 =	sand.u32 $0x1, s1  }
0x8c: {  	s17 =	sshll.u32 s0, $0xA;
	s2 =	sadd.s32 s3, s2  }
0x8d: {  	s2 =	sadd.s32 s2, s17  }
0x8e: {  	[smem:$0x3FAD] =	sst s2  }
0x8f: {  	_ = 	snop  }
0x90: {  	s18 =	sld [smem:$0x3FD0];
	(tm) =	ssettm $0x1  }
0x91: {  	s19 =	sld [smem:$0x3FFB];
	_ =	sdelay $0x3  }
0x92: {  	_ =	strace s19  }
0x93: {  	s2 =	sld [smem:$0x3FFC];
	_ =	sdelay $0x3  }
0x94: {  	_ =	strace s2  }
0x95: {  	s2 =	sld [smem:$0x3FFD];
	_ =	sdelay $0x3  }
0x96: {  	_ =	strace s2  }
0x97: {  	_ =	strace $0x8FFFFFFF  }
0x98: {  	s20 =	sld [smem:$0x3FDB];
	_ =	sdelay $0x1  }
0x99: {  	s4 =	simm.s32 $_scs_section_size  }
0x9a: {  	s5 =	simm.s32 $_size__tile_overlayer_lowered;
	s6 =	simm.s32 $_tile_overlayer_lowered  }
0x9b: {  	s7 =	simm.s32 $0x1BFF;
	s21 =	sshll.u32 s6, $0x1;
	s4 =	sadd.s32 s4, s20  }
0x9c: {  	s22 =	simm.s32 $0x0;
	s5 =	sshll.u32 s5, $0x1;
	s6 =	sadd.s32 s21, s4  }
0x9d: {  	[timem:s22], [sflag:s7] =	dma.local [hbm:s6], s5  }
0x9e: {  	_ =	swait.ge [sflag:s7], s5  }
0x9f: {  	s5 =	ssub.s32 $0x0, s5;
	[sflag:s7] =	ssyncset.done $0x0  }
0xa0: {  	[sflag:s7] =	ssyncadd.s32 s5;
	_ =	sdelay $0x1  }
0xa1: {  	s23 =	simm.s32 $0x1B8B  }
0xa2: {  	_ =	swait.ge [sflag:s23], $0x1  }
0xa3: {  	[sflag:s23] =	ssyncset.done $0x0  }
0xa4: {  	[sflag:s23] =	ssyncadd.s32 $0xFFFFFFFF  }
0xa5: {  	s5 =	sld [smem:$0x0]  }
0xa6: {  	s6 =	sand.u32 $0xFFFFFFFE, s1  }
0xa7: {  	p0 =	sne.s32 s1, s6  }
0xa8: {  	s6 =	sshll.u32 @p0 s6, $0xE  }
0xa9: {  	s6 =	sadd.s32 @p0 $0x11B8D, s6;
	s7 =	sshll.u32 @p0 s5, $0x11  }
0xaa: {  	s6 =	sor.u32 @p0 s7, s6  }
0xab: {  	[sflag:s6] =	ssyncadd.remote.s32 @p0 $0x1;
	_ =	sdelay $0x1  }
0xac: {  	s6 =	simm.s32 @p0 $0x1B8D  }
0xad: {  	_ =	swait.eq @p0 [sflag:s6], $0x1  }
0xae: {  	[sflag:s6] =	ssyncadd.s32 @p0 $0xFFFFFFFF  }
0xaf: {  	s7 =	sshll.u32 @!p0 s1, $0xE  }
0xb0: {  	s7 =	sor.u32 @!p0 $0x4000, s7;
	s6 =	simm.s32 @!p0 $0x1B8D  }
0xb1: {  	s5 =	sshll.u32 @!p0 s5, $0x11;
	s7 =	sadd.s32 @!p0 $0x11B8D, s7;
	_ =	swait.eq @!p0 [sflag:s6], $0x1  }
0xb2: {  	s5 =	sor.u32 @!p0 s5, s7;
	[sflag:s6] =	ssyncadd.s32 @!p0 $0xFFFFFFFF  }
0xb3: {  	s25 =	simm.s32 $0x1B8E;
	s24 =	sld [smem:$0x3FFE];
	[sflag:s5] =	ssyncadd.remote.s32 @!p0 $0x1  }
0xb4: {  	s26 =	simm.s32 $execute0_lowered;
	[smem:$0x3FD2] =	sst s25  }
0xb5: {  	s6 =	sshll.u32 s26, $0x1;
	_ =	strace $0x80000050;
	[dreg:$0x1] =	wrdreg $0xFFFFFFFF  }
0xb6: {  	s28 =	simm.s32 $_size_execute0_lowered;
	s4 =	sadd.s32 s4, s6;
	[dreg:$0x0] =	wrdreg $0x0  }
0xb7: {  	s6 =	sshll.u32 s28, $0x1;
	[dreg:$0x2] =	wrdreg s4  }
0xb8: {  	[dreg:$0x3] =	wrdreg s6  }
0xb9: {  	[dreg:$0x4] =	wrdreg $0xC0  }
0xba: {  	_ =	task [dreg:s22], $0x5FFFF  }
0xbb: {  	[dreg:$0x1] =	wrdreg $0xFFFFFFFF  }
0xbc: {  	[dreg:$0x0] =	wrdreg $0x60  }
0xbd: {  	[dreg:$0x2] =	wrdreg s24  }
0xbe: {  	[dreg:$0x3] =	wrdreg s18  }
0xbf: {  	[dreg:$0x4] =	wrdreg $0x9  }
0xc0: {  	_ =	task.clear_ibuf [dreg:s22], $0x5FFFF;
	_ =	strace $0x90000050  }
0xc1: {  	s29 =	simm.s32 $0x9;
	_ =	strace $0x80000059  }
0xc2: {  	_ =	swait.ge [sflag:s29], $0x1  }
0xc3: {  	[sflag:s29] =	ssyncadd.s32 $0xFFFFFFFF  }
0xc4: {  	_ =	strace $0x90000059  }
0xc5: {  	_ =	sfence  }
0xc6: {  	s30 =	sld [smem:$0x0];
	_ =	sdelay $0x2  }
0xc7: {  	s31 =	sshll.u32 s1, $0xD;
	s1 =	sshrl.u32 s1, $0x2  }
0xc8: {  	s4 =	sand.u32 $0x4000, s31;
	s1 =	sadd.s32 s1, s30  }
0xc9: {  	s0 =	sor.u32 s4, s0;
	s1 =	sshll.u32 s1, $0x11  }
0xca: {  	s0 =	sor.u32 s1, s0  }
0xcb: {  	s0 =	sadd.s32 $0x8F2B, s0  }
0xcc: {  	[sflag:s0] =	ssyncadd.remote.s32 $0x1  }
0xcd: {  	_ =	sfence.sel $0xFFFF  }
0xce: {  	[dreg:$0x0] =	wrdreg $0xFFFFFFFF;
	(pc) =	sbr.abs _section_cstart, $3  }
0xcf: {  	[dreg:$0x1] =	wrdreg $0xFFFFFFFF  }
0xd0: {  	_ =	task.clear_ibuf [dreg:s22], $0x2FFFF;
	_ =	strace $0x9FFFFFFF  }
0xd1: {  	(tm) =	ssettm $0x7FFFFFFF  }
tec
execute0_lowered:
.L_overlay_start_1:
0x0: {  	(tag) =	ssettag $0x1  }
0x1: {  	s5 =	rddreg [dreg:$0x0]  }
0x2: {  	s1 =	rddreg [dreg:$0x1]  }
0x3: {  	s0 =	rddreg [dreg:$0x2]  }
0x4: {  	s2 =	simm.s32 $0x0;
	s3 =	srdreg.scid;
	s9 =	simm.s32 $0x4  }
0x5: {  	s10 =	simm.s32 $0x0;
	[smem:$0x7FF] =	sst s2;
	s4 =	sadd.s32 $0xA6E00, s5  }
0x6: {  	s6 =	sand.u32 $0x1, s3;
	s3 =	stileid.u32;
	s5 =	sadd.s32 $0x206E00, s5  }
0x7: {  	_ =	strace $0x80000051;
	s7 =	ssub.s32 $0x2, s6;
	s6 =	sshll.u32 s6, $0x4  }
0x8: {  	v2 =	vlaneseq.u32;
	[dreg:$0x3] =	wrdreg s5;
	s8 =	sshrl.u32 s7, $0x1;
	s6 =	sor.u32 s3, s6  }
0x9: {  	vm0 =	vmmov $0xffff;
	v1 =	vshrl.u32 v2, $0x3;
	s7 =	ssub.s32 s7, s8;
	s31 =	sshll.u32 s6, $0xA;
	s5 =	sshll.u32 s6, $0x6  }
0xa: {  	v0 =	vand.u32 $0x7, v2;
	v2 =	vor.u32 $0x8, v2;
	v1 =	vmul.u32 $0x8, v1;
	s8 =	simm.s32 $0x5;
	s6 =	sadd.s32 s1, s31;
	s7 =	smax.u32 s7, $0x1  }
.LBB2_1:
0xb: {  	_ =	strace $0x80000052;
	s11 =	simm.s32 $0x40  }
0xc: {  	s12 =	simm.s32 $0x0;
	s13 =	simm.s32 $0x0;
	s14 =	simm.s32 $0x0  }
0xd: {  	[tilespmem:s2], [sflag:$0x1] =	stream.linear.gather [hbm4b:s6+s2], $0x80, $0x200038;
	[tilespmem:$0x10100] =	vst v63  }
0xe: {  	s15 =	simm.s32 $0x0;
	s16 =	simm.s32 $0x1;
	_ =	strace $0x90000052  }
.LBB2_2:
0xf: {  	s17 =	smov.u32 s12;
	s12 =	sadd.s32 $0x1, s12  }
0x10: {  	p0 =	seq.s32 s12, $0x40  }
0x11: {  	s12 =	simm.s32 @p0 $0x0  }
0x12: {  	p6 =	sne.s32 s11, $0x1;
	p1 =	sne.s32 s17, s12  }
0x13: {  	p0 =	por !p6, !p1  }
0x14: {  	p0 =	por !p0, !p0  }
0x15: {  	s18 =	sadd.s32 @p0 s5, s12  }
0x16: {  	s19 =	sand.u32 @p0 $0x1, s16;
	s18 =	sshll.u32 @p0 s18, $0x4  }
0x17: {  	_ =	strace @p0 $0x80000053;
	s21 =	simm.s32 @p0 $0x0;
	s18 =	sand.u32 @p0 $0x1FFFFFF0, s18  }
0x18: {  	s20 =	sshll.u32 @p0 s19, $0x7;
	s19 =	sadd.s32 @p0 $0x1, s19;
	s18 =	sadd.s32 @p0 s1, s18  }
0x19: {  	[tilespmem:s20], [sflag:s19] =	stream.linear.gather @p0 [hbm4b:s18+s21], $0x80, $0x200038;
	[tilespmem:$0x10100] =	vst v63  }
0x1a: {  	s24 =	sand.u32 $0x1, s15;
	_ =	strace @p0 $0x90000053  }
0x1b: {  	s18 =	sadd.s32 $0x1, s24;
	_ =	strace $0x80000054  }
0x1c: {  	_ =	swait.ge [sflag:s18], $0x80  }
0x1d: {  	[sflag:s18] =	ssyncset.done $0x0  }
0x1e: {  	[sflag:s18] =	ssyncadd.s32 $0xFFFFFF80  }
0x1f: {  	s25 =	sshll.u32 s15, $0x7;
	_ =	strace $0x90000054  }
0x20: {  	s21 =	sand.u32 $0x80, s25;
	_ =	strace $0x80000055  }
0x21: {  	v3 =	vld [tilespmem:s21+$0x0];
	_ =	sdelay $0x4  }
0x22: {  	v4 =	vshll.u32 v3, $0x1  }
0x23: {  	v3 =	vand.u32 $0x7, v3;
	v4 =	vand.u32 $0xFFFFFFF0, v4  }
0x24: {  	v3 =	vor.u32 v3, v4  }
0x25: {  	v4 =	vperm.xlane v3, v0;
	_ =	sdelay $0x1  }
0x26: {  	v3 =	vperm.xlane v3, v2;
	v4 =	vadd.s32 v1, v4;
	_ =	sdelay $0x1  }
0x27: {  	s18 =	sand.u32 $0x1, s14;
	v3 =	vadd.s32 v1, v3  }
0x28: {  	s20 =	sshll.u32 s18, $0xF  }
0x29: {  	s19 =	sor.u32 $0x100, s20  }
0x2a: {  	[tilespmem:s19], [sflag:$0x5] =	stream.indirect_vreg.gather [hbm4b:s4+s2], $0x80, v4, vm0, $0x2000b8;
	[tilespmem:$0x10100] =	vst v63  }
0x2b: {  	s22 =	sor.u32 $0x900, s20  }
0x2c: {  	[tilespmem:s22], [sflag:$0x5] =	stream.indirect_vreg.gather [hbm4b:s4+s2], $0x80, v3, vm0, $0x2000b8;
	[tilespmem:$0x10100] =	vst v63  }
0x2d: {  	v3 =	vld [tilespmem:s21+$0x10];
	_ =	sdelay $0x4  }
0x2e: {  	v57 =	vshll.u32 v3, $0x1  }
0x2f: {  	v3 =	vand.u32 $0x7, v3;
	v4 =	vand.u32 $0xFFFFFFF0, v57  }
0x30: {  	v3 =	vor.u32 v3, v4  }
0x31: {  	v4 =	vperm.xlane v3, v0;
	_ =	sdelay $0x1  }
0x32: {  	v3 =	vperm.xlane v3, v2;
	v4 =	vadd.s32 v1, v4;
	_ =	sdelay $0x1  }
0x33: {  	v3 =	vadd.s32 v1, v3;
	_ =	sdelay $0x1  }
0x34: {  	s26 =	sor.u32 $0x1100, s20  }
0x35: {  	[tilespmem:s26], [sflag:$0x5] =	stream.indirect_vreg.gather [hbm4b:s4+s2], $0x80, v4, vm0, $0x2000b8;
	[tilespmem:$0x10100] =	vst v63  }
0x36: {  	s28 =	sor.u32 $0x1900, s20  }
0x37: {  	[tilespmem:s28], [sflag:$0x5] =	stream.indirect_vreg.gather [hbm4b:s4+s2], $0x80, v3, vm0, $0x2000b8;
	[tilespmem:$0x10100] =	vst v63  }
0x38: {  	v3 =	vld [tilespmem:s21+$0x20];
	_ =	sdelay $0x4  }
0x39: {  	v58 =	vshll.u32 v3, $0x1  }
0x3a: {  	v3 =	vand.u32 $0x7, v3;
	v4 =	vand.u32 $0xFFFFFFF0, v58  }
0x3b: {  	v3 =	vor.u32 v3, v4  }
0x3c: {  	v4 =	vperm.xlane v3, v0;
	_ =	sdelay $0x1  }
0x3d: {  	v3 =	vperm.xlane v3, v2;
	v4 =	vadd.s32 v1, v4;
	_ =	sdelay $0x1  }
0x3e: {  	v3 =	vadd.s32 v1, v3;
	_ =	sdelay $0x1  }
0x3f: {  	s29 =	sor.u32 $0x2100, s20  }
0x40: {  	[tilespmem:s29], [sflag:$0x5] =	stream.indirect_vreg.gather [hbm4b:s4+s2], $0x80, v4, vm0, $0x2000b8;
	[tilespmem:$0x10100] =	vst v63  }
0x41: {  	s30 =	sor.u32 $0x2900, s20  }
0x42: {  	[tilespmem:s30], [sflag:$0x5] =	stream.indirect_vreg.gather [hbm4b:s4+s2], $0x80, v3, vm0, $0x2000b8;
	[tilespmem:$0x10100] =	vst v63  }
0x43: {  	v3 =	vld [tilespmem:s21+$0x30];
	_ =	sdelay $0x4  }
0x44: {  	v59 =	vshll.u32 v3, $0x1  }
0x45: {  	v3 =	vand.u32 $0x7, v3;
	v4 =	vand.u32 $0xFFFFFFF0, v59  }
0x46: {  	v3 =	vor.u32 v3, v4  }
0x47: {  	v4 =	vperm.xlane v3, v0;
	_ =	sdelay $0x1  }
0x48: {  	v3 =	vperm.xlane v3, v2;
	v4 =	vadd.s32 v1, v4;
	_ =	sdelay $0x1  }
0x49: {  	v3 =	vadd.s32 v1, v3;
	_ =	sdelay $0x1  }
0x4a: {  	s31 =	sor.u32 $0x3100, s20  }
0x4b: {  	[tilespmem:s31], [sflag:$0x5] =	stream.indirect_vreg.gather [hbm4b:s4+s2], $0x80, v4, vm0, $0x2000b8;
	[tilespmem:$0x10100] =	vst v63  }
0x4c: {  	s23 =	sor.u32 $0x3900, s20  }
0x4d: {  	[tilespmem:s23], [sflag:$0x5] =	stream.indirect_vreg.gather [hbm4b:s4+s2], $0x80, v3, vm0, $0x2000b8;
	[tilespmem:$0x10100] =	vst v63  }
0x4e: {  	v3 =	vld [tilespmem:s21+$0x40];
	_ =	sdelay $0x4  }
0x4f: {  	v60 =	vshll.u32 v3, $0x1  }
0x50: {  	v3 =	vand.u32 $0x7, v3;
	v4 =	vand.u32 $0xFFFFFFF0, v60  }
0x51: {  	v3 =	vor.u32 v3, v4  }
0x52: {  	v4 =	vperm.xlane v3, v0;
	_ =	sdelay $0x1  }
0x53: {  	v3 =	vperm.xlane v3, v2;
	v4 =	vadd.s32 v1, v4;
	_ =	sdelay $0x1  }
0x54: {  	v3 =	vadd.s32 v1, v3;
	_ =	sdelay $0x1  }
0x55: {  	s24 =	sor.u32 $0x4100, s20  }
0x56: {  	[tilespmem:s24], [sflag:$0x5] =	stream.indirect_vreg.gather [hbm4b:s4+s2], $0x80, v4, vm0, $0x2000b8;
	[tilespmem:$0x10100] =	vst v63  }
0x57: {  	s25 =	sor.u32 $0x4900, s20  }
0x58: {  	[tilespmem:s25], [sflag:$0x5] =	stream.indirect_vreg.gather [hbm4b:s4+s2], $0x80, v3, vm0, $0x2000b8;
	[tilespmem:$0x10100] =	vst v63  }
0x59: {  	v3 =	vld [tilespmem:s21+$0x50];
	_ =	sdelay $0x4  }
0x5a: {  	v61 =	vshll.u32 v3, $0x1  }
0x5b: {  	v3 =	vand.u32 $0x7, v3;
	v4 =	vand.u32 $0xFFFFFFF0, v61  }
0x5c: {  	v3 =	vor.u32 v3, v4  }
0x5d: {  	v4 =	vperm.xlane v3, v0;
	_ =	sdelay $0x1  }
0x5e: {  	v3 =	vperm.xlane v3, v2;
	v4 =	vadd.s32 v1, v4;
	_ =	sdelay $0x1  }
0x5f: {  	v3 =	vadd.s32 v1, v3;
	_ =	sdelay $0x1  }
0x60: {  	s26 =	sor.u32 $0x5100, s20  }
0x61: {  	[tilespmem:s26], [sflag:$0x5] =	stream.indirect_vreg.gather [hbm4b:s4+s2], $0x80, v4, vm0, $0x2000b8;
	[tilespmem:$0x10100] =	vst v63  }
0x62: {  	s28 =	sor.u32 $0x5900, s20  }
0x63: {  	[tilespmem:s28], [sflag:$0x5] =	stream.indirect_vreg.gather [hbm4b:s4+s2], $0x80, v3, vm0, $0x2000b8;
	[tilespmem:$0x10100] =	vst v63  }
0x64: {  	v3 =	vld [tilespmem:s21+$0x60];
	_ =	sdelay $0x4  }
0x65: {  	v62 =	vshll.u32 v3, $0x1  }
0x66: {  	v3 =	vand.u32 $0x7, v3;
	v4 =	vand.u32 $0xFFFFFFF0, v62  }
0x67: {  	v3 =	vor.u32 v3, v4  }
0x68: {  	v4 =	vperm.xlane v3, v0;
	_ =	sdelay $0x1  }
0x69: {  	v3 =	vperm.xlane v3, v2;
	v4 =	vadd.s32 v1, v4;
	_ =	sdelay $0x1  }
0x6a: {  	v3 =	vadd.s32 v1, v3;
	_ =	sdelay $0x1  }
0x6b: {  	s29 =	sor.u32 $0x6100, s20  }
0x6c: {  	[tilespmem:s29], [sflag:$0x5] =	stream.indirect_vreg.gather [hbm4b:s4+s2], $0x80, v4, vm0, $0x2000b8;
	[tilespmem:$0x10100] =	vst v63  }
0x6d: {  	s30 =	sor.u32 $0x6900, s20  }
0x6e: {  	[tilespmem:s30], [sflag:$0x5] =	stream.indirect_vreg.gather [hbm4b:s4+s2], $0x80, v3, vm0, $0x2000b8;
	[tilespmem:$0x10100] =	vst v63  }
0x6f: {  	v3 =	vld [tilespmem:s21+$0x70];
	_ =	sdelay $0x4  }
0x70: {  	v63 =	vshll.u32 v3, $0x1  }
0x71: {  	v3 =	vand.u32 $0x7, v3;
	v4 =	vand.u32 $0xFFFFFFF0, v63  }
0x72: {  	v3 =	vor.u32 v3, v4  }
0x73: {  	v4 =	vperm.xlane v3, v0;
	_ =	sdelay $0x1  }
0x74: {  	v3 =	vperm.xlane v3, v2;
	v4 =	vadd.s32 v1, v4;
	_ =	sdelay $0x1  }
0x75: {  	v3 =	vadd.s32 v1, v3;
	_ =	sdelay $0x1  }
0x76: {  	s31 =	sor.u32 $0x7100, s20  }
0x77: {  	[tilespmem:s31], [sflag:$0x5] =	stream.indirect_vreg.gather [hbm4b:s4+s2], $0x80, v4, vm0, $0x2000b8;
	[tilespmem:$0x10100] =	vst v63  }
0x78: {  	s20 =	sor.u32 $0x7900, s20  }
0x79: {  	[tilespmem:s20], [sflag:$0x5] =	stream.indirect_vreg.gather [hbm4b:s4+s2], $0x80, v3, vm0, $0x2000b8;
	[tilespmem:$0x10100] =	vst v63  }
0x7a: {  	_ =	swait.ge [sflag:s8], $0x8000  }
0x7b: {  	p2 =	seq.s32 s11, $0x1;
	[sflag:s8] =	ssyncset.done $0x0  }
0x7c: {  	s17 =	sadd.s32 s5, s17;
	p1 =	por p2, p1;
	[sflag:s8] =	ssyncadd.s32 $0xFFFF8000  }
0x7d: {  	s17 =	sshll.u32 @p1 s17, $0xC;
	_ =	strace $0x90000055  }
0x7e: {  	s17 =	sand.u32 @p1 $0x1FFFF000, s17;
	s21 =	simm.s32 $0x1;
	_ =	strace @p1 $0x80000056  }
0x7f: {  	s18 =	sadd.s32 @p1 $0x3, s18;
	s21 =	simm.s32 @!p0 $0x0;
	s20 =	rddreg [dreg:$0x3]  }
0x80: {  	p0 =	seq.s32 s11, $0x40;
	s17 =	sadd.s32 @p1 s20, s17;
	s20 =	simm.s32 @p1 $0x0  }
0x81: {  	[hbm4b:s17+s20] =	stream.linear.scatter @p1 [tilespmem:s19], [sflag:s18], $0x8000, $0x200038;
	[tilespmem:$0x10100] =	vst v63  }
0x82: {  	s17 =	simm.s32 $0x1;
	s19 =	simm.s32 $0x1;
	_ =	strace @p1 $0x90000056  }
0x83: {  	s17 =	simm.s32 @!p1 $0x0;
	p1 =	sne.s32 s11, $0x40;
	s11 =	sadd.s32 $0xFFFFFFFF, s11  }
0x84: {  	s18 =	sand.u32 @!p0 $0x1, s13;
	s19 =	simm.s32 @!p1 $0x0;
	p1 =	sne.s32 s11, $0x0  }
.Ltmp0:
0x85: {  	s18 =	sadd.s32 @!p0 $0x3, s18;
	_ =	strace @!p0 $0x80000057;
	(pc) =	sbr.rel @p1 .LBB2_2-.Ltmp0, $4  }
0x86: {  	_ =	swait.ge @!p0 [sflag:s18], $0x8000  }
0x87: {  	[sflag:s18] =	ssyncset.done @!p0 $0x0  }
0x88: {  	s16 =	sadd.s32 s21, s16;
	s14 =	sadd.s32 s17, s14;
	[sflag:s18] =	ssyncadd.s32 @!p0 $0xFFFF8000  }
0x89: {  	s15 =	sadd.s32 s17, s15;
	s13 =	sadd.s32 s19, s13;
	_ =	strace @!p0 $0x90000057  }
0x8a: {  	s10 =	sadd.s32 $0x1, s10  }
0x8b: {  	p0 =	sne.s32 s10, s7  }
.Ltmp1:
0x8c: {  	_ =	strace $0x80000058;
	(pc) =	sbr.rel @p0 .LBB2_1-.Ltmp1, $4  }
0x8d: {  	_ =	swait.ge [sflag:s9], $0x8000  }
0x8e: {  	[sflag:s9] =	ssyncset.done $0x0  }
0x8f: {  	[sflag:s9] =	ssyncadd.s32 $0xFFFF8000  }
0x90: {  	_ =	strace $0x90000058  }
0x91: {  	_ =	sfence.sel $0x180000  }
0x92: {  	[bflag:$0x0] =	sbarrier.arrive $0xFFFF  }
0x93: {  	p0 =	sne.s32 s3, $0x0;
	_ =	strace $0x90000051  }
0x94: {  	s0 =	sadd.s32 @!p0 $0x100000, s0;
	[bflag:$0x2] =	sbarrier.arrive $0xFFFF  }
0x95: {  	[sflag:s0] =	ssyncadd.tile.s32 @!p0 $0x1;
	_ =	shalt  }
.Lfunc_end2:
_tile_overlayer_lowered:
.L_overlay_start_2:
0x96: {  	(tag) =	ssettag $0x2  }
0x97: {  	s0 =	rddreg [dreg:$0x0];
	s2 =	stileid.u32  }
0x98: {  	s1 =	rddreg [dreg:$0x1];
	p0 =	sne.s32 s2, $0x0  }
0x99: {  	s3 =	rddreg [dreg:$0x2];
	[bflag:$0x3] =	sbarrier.arrive $0xFFFF;
	s2 =	simm.s32 @!p0 $0x1C01  }
0x9a: {  	[timem:s3], [sflag:s2] =	dma.local @!p0 [hbm:s0], s1  }
0x9b: {  	s0 =	simm.s32 @!p0 $0x1  }
0x9c: {  	_ =	swait.ge @!p0 [sflag:s0], s1  }
0x9d: {  	s1 =	ssub.s32 @!p0 $0x0, s1;
	[sflag:s0] =	ssyncset.done @!p0 $0x0  }
0x9e: {  	[sflag:s0] =	ssyncadd.s32 @!p0 s1  }
0x9f: {  	[bflag:$0x3] =	sbarrier.arrive $0xFFFF  }
0xa0: {  	_ =	shalt  }

// kernel: kernel.20.cloned.1.call-start
scs
__scs_entry_jumppad:
0x0: {  	(pc) =	sbr.rel $0x88, $3  }
0x1: {  	(tag) =	ssettag $0x0;
	lr =	simm.s32 $0x1  }
0x2: {  	[smem:$0x3F86] =	sst lr;
	_ =	strace $0xD0000000  }
0x3: {  	_ = 	snop  }
0x4: {  	_ = 	snop  }
0x5: {  	_ = 	snop  }
0x6: {  	_ = 	snop  }
0x7: {  	_ = 	snop  }
__scs_overlays_trampoline_lowered:
0x8: {  	[smem:$0x3F95] =	sst s0  }
0x9: {  	[smem:$0x3F96] =	sst s1  }
0xa: {  	[smem:$0x3F97] =	sst s2  }
0xb: {  	[smem:$0x3F98] =	sst s3  }
0xc: {  	[smem:$0x3F99] =	sst s4  }
0xd: {  	[smem:$0x3F9A] =	sst s5  }
0xe: {  	[smem:$0x3F9B] =	sst s6  }
0xf: {  	[smem:$0x3F9C] =	sst s7  }
0x10: {  	[smem:$0x3F9D] =	sst s8  }
0x11: {  	[smem:$0x3F9E] =	sst s9;
	s0 =	simm.s32 @!p0 $0x0  }
0x12: {  	s1 =	sld [smem:$0x3F84];
	s0 =	simm.s32 @p0 $0x1  }
0x13: {  	[smem:$0x3F9F] =	sst s0;
	s0 =	simm.s32 @!p1 $0x0  }
0x14: {  	s2 =	sld [smem:$0x3F83];
	s0 =	simm.s32 @p1 $0x1  }
0x15: {  	[smem:$0x3FA0] =	sst s0;
	s0 =	simm.s32 @!p2 $0x0  }
0x16: {  	s3 =	sld [smem:$0x3FDB];
	s0 =	simm.s32 @p2 $0x1  }
0x17: {  	s4 =	simm.s32 $0x1BF5;
	[smem:$0x3FA2] =	sst s0  }
0x18: {  	s0 =	sld [smem:$0x3F85];
	_ =	swait.ge [sflag:s4], $0x0  }
0x19: {  	s7 =	sld [smem:$0x3F86]  }
0x1a: {  	s8 =	sadd.s32 $0xFFFFE003, lr  }
0x1b: {  	s9 =	sadd.s32 $0xFFFFFEF7, lr;
	s5 =	simm.s32 $0xFFFFFFFF;
	p2 =	slt.u32 s8, $0xFFFFF086  }
0x1c: {  	p1 =	slt.u32 s9, $0xF7A;
	s5 =	simm.s32 @!p2 $0x0  }
0x1d: {  	s5 =	simm.s32 @p1 $0x1;
	p0 =	seq.s32 s7, s2  }
0x1e: {  	s7 =	smul.u32 @!p0 $0xF7A, s2;
	p2 =	seq.s32 @!p0 s5, $0x0  }
0x1f: {  	s9 =	smul.u32 $0xF7A, s1;
	s8 =	simm.s32 @!p0 $0x1BF5;
	p2 =	por !p2, p0  }
0x20: {  	[sflag:s8] =	ssyncset.s32 @!p0 $0xFFFFF086;
	s6 =	sadd.s32 @!p0 s3, s7;
	s7 =	simm.s32 @!p0 $0x108  }
0x21: {  	s3 =	sadd.s32 s3, s9;
	s6 =	sadd.s32 @!p0 $0x88, s6;
	s7 =	simm.s32 @p2 $0x1082  }
0x22: {  	[simem:s7], [sflag:s8] =	dma.local @!p0 [hbm:s6], $0xF7A  }
0x23: {  	s9 =	sor.u32 $0xD0000000, s2;
	s6 =	simm.s32 $0x108;
	_ =	swait.ge @!p0 [sflag:s8], $0x0  }
0x24: {  	s3 =	sadd.s32 $0x88, s3;
	s6 =	simm.s32 @!p1 $0x1082;
	[sflag:s4] =	ssyncset.s32 $0xFFFFF086  }
0x25: {  	[simem:s6], [sflag:s4] =	dma.local [hbm:s3], $0xF7A  }
0x26: {  	[smem:$0x3F86] =	sst s1;
	(tag) =	ssettag s2;
	_ =	strace s9  }
0x27: {  	s1 =	sld [smem:$0x3F96]  }
0x28: {  	s2 =	sld [smem:$0x3F97]  }
0x29: {  	s4 =	sld [smem:$0x3F99]  }
0x2a: {  	p0 =	seq.s32 s5, $0x0;
	s5 =	sld [smem:$0x3F9A]  }
0x2b: {  	s6 =	sld [smem:$0x3F9B]  }
0x2c: {  	s7 =	sld [smem:$0x3F9C]  }
0x2d: {  	s3 =	simm.s32 $0x108;
	s8 =	sld [smem:$0x3F9D]  }
0x2e: {  	s3 =	simm.s32 @!p0 $0x1082;
	s9 =	sld [smem:$0x3F9E]  }
0x2f: {  	lr =	sadd.s32 s0, s3;
	s0 =	sld [smem:$0x3F95]  }
0x30: {  	s3 =	sld [smem:$0x3F98]  }
0x31: {  	[smem:$0x3FA1] =	sst s10  }
0x32: {  	s10 =	sld [smem:$0x3F9F];
	_ =	sdelay $0x3  }
0x33: {  	p0 =	seq.s32 s10, $0x1;
	s10 =	sld [smem:$0x3FA1];
	_ =	sdelay $0x3  }
0x34: {  	[smem:$0x3FA1] =	sst s10  }
0x35: {  	s10 =	sld [smem:$0x3FA0];
	_ =	sdelay $0x3  }
0x36: {  	p1 =	seq.s32 s10, $0x1;
	s10 =	sld [smem:$0x3FA1];
	_ =	sdelay $0x3  }
0x37: {  	[smem:$0x3FA1] =	sst s10  }
0x38: {  	s10 =	sld [smem:$0x3FA2]  }
0x39: {  	_ = 	snop;
	(pc) =	sbr.ind lr, $3  }
0x3a: {  	_ = 	snop  }
0x3b: {  	_ = 	snop  }
0x3c: {  	p2 =	seq.s32 s10, $0x1;
	s10 =	sld [smem:$0x3FA1]  }
0x3d: {  	_ =	shalt  }
0x3e: {  	_ =	shalt  }
0x3f: {  	_ =	shalt  }
0x40: {  	_ =	shalt  }
0x41: {  	_ =	shalt  }
0x42: {  	_ =	shalt  }
0x43: {  	_ =	shalt  }
0x44: {  	_ =	shalt  }
0x45: {  	_ =	shalt  }
0x46: {  	_ =	shalt  }
0x47: {  	_ =	shalt  }
0x48: {  	_ =	shalt  }
0x49: {  	_ =	shalt  }
0x4a: {  	_ =	shalt  }
0x4b: {  	_ =	shalt  }
0x4c: {  	_ =	shalt  }
0x4d: {  	_ =	shalt  }
0x4e: {  	_ =	shalt  }
0x4f: {  	_ =	shalt  }
0x50: {  	_ =	shalt  }
0x51: {  	_ =	shalt  }
0x52: {  	_ =	shalt  }
0x53: {  	_ =	shalt  }
0x54: {  	_ =	shalt  }
0x55: {  	_ =	shalt  }
0x56: {  	_ =	shalt  }
0x57: {  	_ =	shalt  }
0x58: {  	_ =	shalt  }
0x59: {  	_ =	shalt  }
0x5a: {  	_ =	shalt  }
0x5b: {  	_ =	shalt  }
0x5c: {  	_ =	shalt  }
0x5d: {  	_ =	shalt  }
0x5e: {  	_ =	shalt  }
0x5f: {  	_ =	shalt  }
0x60: {  	_ =	shalt  }
0x61: {  	_ =	shalt  }
0x62: {  	_ =	shalt  }
0x63: {  	_ =	shalt  }
0x64: {  	_ =	shalt  }
0x65: {  	_ =	shalt  }
0x66: {  	_ =	shalt  }
0x67: {  	_ =	shalt  }
0x68: {  	_ =	shalt  }
0x69: {  	_ =	shalt  }
0x6a: {  	_ =	shalt  }
0x6b: {  	_ =	shalt  }
0x6c: {  	_ =	shalt  }
0x6d: {  	_ =	shalt  }
0x6e: {  	_ =	shalt  }
0x6f: {  	_ =	shalt  }
0x70: {  	_ =	shalt  }
0x71: {  	_ =	shalt  }
0x72: {  	_ =	shalt  }
0x73: {  	_ =	shalt  }
0x74: {  	_ =	shalt  }
0x75: {  	_ =	shalt  }
0x76: {  	_ =	shalt  }
0x77: {  	_ =	shalt  }
0x78: {  	_ =	shalt  }
0x79: {  	_ =	shalt  }
0x7a: {  	_ =	shalt  }
0x7b: {  	_ =	shalt  }
0x7c: {  	_ =	shalt  }
0x7d: {  	_ =	shalt  }
0x7e: {  	_ =	shalt  }
0x7f: {  	_ =	shalt  }
0x80: {  	_ =	shalt  }
0x81: {  	_ =	shalt  }
0x82: {  	_ =	shalt  }
0x83: {  	_ =	shalt  }
0x84: {  	_ =	shalt  }
0x85: {  	_ =	shalt  }
0x86: {  	_ =	shalt  }
0x87: {  	_ =	shalt  }
.Lfunc_end0:
.L_simem_size_0:
called_computation.1_lowered:
.L_overlay_start_0:
0x88: {  	s2 =	sld [smem:$0x3FD9]  }
0x89: {  	s3 =	sld [smem:$0x3FFE];
	_ =	sdelay $0x1  }
0x8a: {  	s1 =	srdreg.scid  }
0x8b: {  	s0 =	sand.u32 $0x1, s1  }
0x8c: {  	s16 =	sshll.u32 s0, $0xA;
	s2 =	sadd.s32 s3, s2  }
0x8d: {  	s2 =	sadd.s32 s2, s16  }
0x8e: {  	[smem:$0x3FAD] =	sst s2  }
0x8f: {  	_ = 	snop  }
0x90: {  	(tm) =	ssettm $0x1  }
0x91: {  	s17 =	sld [smem:$0x3FFB];
	_ =	sdelay $0x3  }
0x92: {  	_ =	strace s17  }
0x93: {  	s2 =	sld [smem:$0x3FFC];
	_ =	sdelay $0x3  }
0x94: {  	_ =	strace s2  }
0x95: {  	s2 =	sld [smem:$0x3FFD];
	_ =	sdelay $0x3  }
0x96: {  	_ =	strace s2  }
0x97: {  	_ =	strace $0x8FFFFFFF  }
0x98: {  	s18 =	sld [smem:$0x3FDB];
	_ =	sdelay $0x1  }
0x99: {  	s19 =	simm.s32 $_scs_section_size  }
0x9a: {  	s4 =	simm.s32 $_size__tile_overlayer_lowered;
	s5 =	simm.s32 $_tile_overlayer_lowered  }
0x9b: {  	s22 =	simm.s32 $0x1BFF;
	s21 =	sshll.u32 s5, $0x1;
	s2 =	sadd.s32 s19, s18  }
0x9c: {  	s6 =	simm.s32 $0x0;
	s20 =	sshll.u32 s4, $0x1;
	s4 =	sadd.s32 s21, s2  }
0x9d: {  	[timem:s6], [sflag:s22] =	dma.local [hbm:s4], s20  }
0x9e: {  	_ =	swait.ge [sflag:s22], s20  }
0x9f: {  	s3 =	ssub.s32 $0x0, s20;
	[sflag:s22] =	ssyncset.done $0x0  }
0xa0: {  	[sflag:s22] =	ssyncadd.s32 s3;
	_ =	sdelay $0x1  }
0xa1: {  	s23 =	simm.s32 $0x1B8B  }
0xa2: {  	_ =	swait.ge [sflag:s23], $0x1  }
0xa3: {  	[sflag:s23] =	ssyncset.done $0x0  }
0xa4: {  	s25 =	simm.s32 $0x1B8E;
	s24 =	sld [smem:$0x3FFE];
	[sflag:s23] =	ssyncadd.s32 $0xFFFFFFFF  }
0xa5: {  	s26 =	simm.s32 $execute0_lowered;
	[smem:$0x3FD2] =	sst s25  }
0xa6: {  	s4 =	sshll.u32 s26, $0x1;
	_ =	strace $0x80000046;
	[dreg:$0x1] =	wrdreg $0xFFFFFFFF  }
0xa7: {  	s28 =	simm.s32 $_size_execute0_lowered;
	s2 =	sadd.s32 s2, s4;
	[dreg:$0x0] =	wrdreg $0x0  }
0xa8: {  	s4 =	sshll.u32 s28, $0x1;
	[dreg:$0x2] =	wrdreg s2  }
0xa9: {  	[dreg:$0x3] =	wrdreg s4  }
0xaa: {  	[dreg:$0x4] =	wrdreg $0xC0  }
0xab: {  	_ =	task [dreg:s6], $0x5FFFF  }
0xac: {  	[dreg:$0x1] =	wrdreg $0xFFFFFFFF  }
0xad: {  	[dreg:$0x0] =	wrdreg $0x60  }
0xae: {  	[dreg:$0x2] =	wrdreg s24  }
0xaf: {  	[dreg:$0x3] =	wrdreg $0xA  }
0xb0: {  	_ =	task.clear_ibuf [dreg:s6], $0x4FFFF;
	_ =	strace $0x90000046  }
0xb1: {  	s29 =	simm.s32 $0xA;
	_ =	strace $0x8000004F  }
0xb2: {  	_ =	swait.ge [sflag:s29], $0x1  }
0xb3: {  	[sflag:s29] =	ssyncadd.s32 $0xFFFFFFFF  }
0xb4: {  	_ =	strace $0x9000004F  }
0xb5: {  	_ =	sfence  }
0xb6: {  	s30 =	sld [smem:$0x0];
	_ =	sdelay $0x2  }
0xb7: {  	s31 =	sshll.u32 s1, $0xD;
	s1 =	sshrl.u32 s1, $0x2  }
0xb8: {  	s3 =	sand.u32 $0x4000, s31;
	s1 =	sadd.s32 s1, s30  }
0xb9: {  	s0 =	sor.u32 s3, s0;
	s1 =	sshll.u32 s1, $0x11  }
0xba: {  	s0 =	sor.u32 s1, s0  }
0xbb: {  	s0 =	sadd.s32 $0x8F2B, s0  }
0xbc: {  	[sflag:s0] =	ssyncadd.remote.s32 $0x1  }
0xbd: {  	_ =	sfence.sel $0xFFFF  }
0xbe: {  	[dreg:$0x0] =	wrdreg $0xFFFFFFFF;
	(pc) =	sbr.abs _section_cstart, $3  }
0xbf: {  	[dreg:$0x1] =	wrdreg $0xFFFFFFFF  }
0xc0: {  	_ =	task.clear_ibuf [dreg:s6], $0x2FFFF;
	_ =	strace $0x9FFFFFFF  }
0xc1: {  	(tm) =	ssettm $0x7FFFFFFF  }
tec
execute0_lowered:
.L_overlay_start_1:
0x0: {  	(tag) =	ssettag $0x1  }
0x1: {  	s5 =	rddreg [dreg:$0x0]  }
0x2: {  	s0 =	rddreg [dreg:$0x1];
	s1 =	simm.s32 $0x0  }
0x3: {  	s2 =	srdreg.scid;
	s10 =	simm.s32 $0x4;
	s11 =	simm.s32 $0x0  }
0x4: {  	[smem:$0x7FF] =	sst s1;
	s3 =	sadd.s32 $0xA6E00, s5;
	s4 =	sand.u32 $0x1, s2  }
.Ltmp0:
0x5: {  	s2 =	stileid.u32;
	_ =	strace $0x80000047;
	(pc) =	sbr.rel .LBB2_1-.Ltmp0, $4  }
0x6: {  	s6 =	ssub.s32 $0x2, s4;
	s7 =	sshll.u32 s4, $0x4;
	s4 =	sadd.s32 $0xA6A00, s5  }
0x7: {  	v2 =	vlaneseq.u32;
	s5 =	sadd.s32 $0x1A6E00, s5;
	s8 =	sshrl.u32 s6, $0x1;
	s7 =	sor.u32 s2, s7  }
0x8: {  	vm0 =	vmmov $0xffff;
	v1 =	vshrl.u32 v2, $0x3;
	s8 =	ssub.s32 s6, s8;
	s9 =	sshll.u32 s7, $0x5;
	s6 =	sshll.u32 s7, $0x1  }
0x9: {  	v0 =	vand.u32 $0x7, v2;
	v2 =	vor.u32 $0x8, v2;
	v1 =	vmul.u32 $0x8, v1;
	s7 =	sadd.s32 s4, s9;
	s8 =	smax.u32 s8, $0x1;
	s9 =	simm.s32 $0x5  }
.LBB2_4:
0xa: {  	s12 =	sand.u32 $0x1, s12  }
0xb: {  	_ =	strace $0x8000004D;
	s12 =	sadd.s32 $0x3, s12  }
0xc: {  	_ =	swait.ge [sflag:s12], $0x8000  }
0xd: {  	[sflag:s12] =	ssyncset.done $0x0  }
0xe: {  	s11 =	sadd.s32 $0x1, s11;
	[sflag:s12] =	ssyncadd.s32 $0xFFFF8000  }
0xf: {  	p0 =	sne.s32 s11, s8;
	_ =	strace $0x9000004D  }
.Ltmp1:
0x10: {  	_ =	strace $0x8000004E;
	(pc) =	sbr.rel @!p0 .LBB2_5-.Ltmp1, $4  }
0x11: {  	_ =	swait.ge [sflag:s10], $0x8000  }
0x12: {  	[sflag:s10] =	ssyncset.done $0x0  }
0x13: {  	[sflag:s10] =	ssyncadd.s32 $0xFFFF8000  }
0x14: {  	_ =	strace $0x9000004E  }
.LBB2_1:
0x15: {  	_ =	strace $0x80000048  }
0x16: {  	p0 =	por $0x1, $0x1;
	p2 =	por $0x0, $0x0;
	s13 =	simm.s32 $0x0  }
0x17: {  	s12 =	simm.s32 $0x0;
	s17 =	simm.s32 $0x0;
	s14 =	simm.s32 $0x0  }
0x18: {  	[tilespmem:s1], [sflag:$0x1] =	stream.linear.gather [hbm4b:s7+s1], $0x80, $0x200038;
	[tilespmem:$0x10100] =	vst v63  }
0x19: {  	s15 =	simm.s32 $0x1;
	s16 =	simm.s32 $0x0;
	_ =	strace $0x90000048  }
.LBB2_2:
0x1a: {  	s18 =	smov.u32 s13;
	s13 =	sadd.s32 $0x1, s13  }
0x1b: {  	p1 =	seq.s32 s13, $0x2  }
0x1c: {  	s13 =	simm.s32 @p1 $0x0  }
0x1d: {  	p1 =	sne.s32 s18, s13  }
0x1e: {  	p1 =	por !p0, !p1  }
0x1f: {  	p1 =	por !p1, !p1  }
0x20: {  	s19 =	sadd.s32 @p1 s6, s13  }
0x21: {  	s20 =	sand.u32 @p1 $0x1, s15;
	s19 =	sshll.u32 @p1 s19, $0x4  }
0x22: {  	_ =	strace @p1 $0x80000049;
	s22 =	simm.s32 @p1 $0x0;
	s19 =	sand.u32 @p1 $0x1FFFFFF0, s19  }
0x23: {  	s21 =	sshll.u32 @p1 s20, $0x7;
	s20 =	sadd.s32 @p1 $0x1, s20;
	s19 =	sadd.s32 @p1 s4, s19  }
0x24: {  	[tilespmem:s21], [sflag:s20] =	stream.linear.gather @p1 [hbm4b:s19+s22], $0x80, $0x200038;
	[tilespmem:$0x10100] =	vst v63  }
0x25: {  	s23 =	sand.u32 $0x1, s14;
	_ =	strace @p1 $0x90000049  }
0x26: {  	s19 =	sadd.s32 $0x1, s23;
	_ =	strace $0x8000004A  }
0x27: {  	_ =	swait.ge [sflag:s19], $0x80  }
0x28: {  	[sflag:s19] =	ssyncset.done $0x0  }
0x29: {  	[sflag:s19] =	ssyncadd.s32 $0xFFFFFF80  }
0x2a: {  	s24 =	sshll.u32 s14, $0x7;
	_ =	strace $0x9000004A  }
0x2b: {  	s22 =	sand.u32 $0x80, s24;
	_ =	strace $0x8000004B  }
0x2c: {  	v3 =	vld [tilespmem:s22+$0x0];
	_ =	sdelay $0x4  }
0x2d: {  	v4 =	vshll.u32 v3, $0x1  }
0x2e: {  	v3 =	vand.u32 $0x7, v3;
	v4 =	vand.u32 $0xFFFFFFF0, v4  }
0x2f: {  	v3 =	vor.u32 v3, v4  }
0x30: {  	v4 =	vperm.xlane v3, v0;
	_ =	sdelay $0x1  }
0x31: {  	v3 =	vperm.xlane v3, v2;
	v4 =	vadd.s32 v1, v4;
	_ =	sdelay $0x1  }
0x32: {  	s19 =	sand.u32 $0x1, s17;
	v3 =	vadd.s32 v1, v3  }
0x33: {  	s21 =	sshll.u32 s19, $0xF  }
0x34: {  	s20 =	sor.u32 $0x100, s21  }
0x35: {  	[tilespmem:s20], [sflag:$0x5] =	stream.indirect_vreg.gather [hbm4b:s3+s1], $0x80, v4, vm0, $0x2000b8;
	[tilespmem:$0x10100] =	vst v63  }
0x36: {  	s23 =	sor.u32 $0x900, s21  }
0x37: {  	[tilespmem:s23], [sflag:$0x5] =	stream.indirect_vreg.gather [hbm4b:s3+s1], $0x80, v3, vm0, $0x2000b8;
	[tilespmem:$0x10100] =	vst v63  }
0x38: {  	v3 =	vld [tilespmem:s22+$0x10];
	_ =	sdelay $0x4  }
0x39: {  	v57 =	vshll.u32 v3, $0x1  }
0x3a: {  	v3 =	vand.u32 $0x7, v3;
	v4 =	vand.u32 $0xFFFFFFF0, v57  }
0x3b: {  	v3 =	vor.u32 v3, v4  }
0x3c: {  	v4 =	vperm.xlane v3, v0;
	_ =	sdelay $0x1  }
0x3d: {  	v3 =	vperm.xlane v3, v2;
	v4 =	vadd.s32 v1, v4;
	_ =	sdelay $0x1  }
0x3e: {  	v3 =	vadd.s32 v1, v3;
	_ =	sdelay $0x1  }
0x3f: {  	s25 =	sor.u32 $0x1100, s21  }
0x40: {  	[tilespmem:s25], [sflag:$0x5] =	stream.indirect_vreg.gather [hbm4b:s3+s1], $0x80, v4, vm0, $0x2000b8;
	[tilespmem:$0x10100] =	vst v63  }
0x41: {  	s26 =	sor.u32 $0x1900, s21  }
0x42: {  	[tilespmem:s26], [sflag:$0x5] =	stream.indirect_vreg.gather [hbm4b:s3+s1], $0x80, v3, vm0, $0x2000b8;
	[tilespmem:$0x10100] =	vst v63  }
0x43: {  	v3 =	vld [tilespmem:s22+$0x20];
	_ =	sdelay $0x4  }
0x44: {  	v58 =	vshll.u32 v3, $0x1  }
0x45: {  	v3 =	vand.u32 $0x7, v3;
	v4 =	vand.u32 $0xFFFFFFF0, v58  }
0x46: {  	v3 =	vor.u32 v3, v4  }
0x47: {  	v4 =	vperm.xlane v3, v0;
	_ =	sdelay $0x1  }
0x48: {  	v3 =	vperm.xlane v3, v2;
	v4 =	vadd.s32 v1, v4;
	_ =	sdelay $0x1  }
0x49: {  	v3 =	vadd.s32 v1, v3;
	_ =	sdelay $0x1  }
0x4a: {  	s28 =	sor.u32 $0x2100, s21  }
0x4b: {  	[tilespmem:s28], [sflag:$0x5] =	stream.indirect_vreg.gather [hbm4b:s3+s1], $0x80, v4, vm0, $0x2000b8;
	[tilespmem:$0x10100] =	vst v63  }
0x4c: {  	s29 =	sor.u32 $0x2900, s21  }
0x4d: {  	[tilespmem:s29], [sflag:$0x5] =	stream.indirect_vreg.gather [hbm4b:s3+s1], $0x80, v3, vm0, $0x2000b8;
	[tilespmem:$0x10100] =	vst v63  }
0x4e: {  	v3 =	vld [tilespmem:s22+$0x30];
	_ =	sdelay $0x4  }
0x4f: {  	v59 =	vshll.u32 v3, $0x1  }
0x50: {  	v3 =	vand.u32 $0x7, v3;
	v4 =	vand.u32 $0xFFFFFFF0, v59  }
0x51: {  	v3 =	vor.u32 v3, v4  }
0x52: {  	v4 =	vperm.xlane v3, v0;
	_ =	sdelay $0x1  }
0x53: {  	v3 =	vperm.xlane v3, v2;
	v4 =	vadd.s32 v1, v4;
	_ =	sdelay $0x1  }
0x54: {  	v3 =	vadd.s32 v1, v3;
	_ =	sdelay $0x1  }
0x55: {  	s30 =	sor.u32 $0x3100, s21  }
0x56: {  	[tilespmem:s30], [sflag:$0x5] =	stream.indirect_vreg.gather [hbm4b:s3+s1], $0x80, v4, vm0, $0x2000b8;
	[tilespmem:$0x10100] =	vst v63  }
0x57: {  	s31 =	sor.u32 $0x3900, s21  }
0x58: {  	[tilespmem:s31], [sflag:$0x5] =	stream.indirect_vreg.gather [hbm4b:s3+s1], $0x80, v3, vm0, $0x2000b8;
	[tilespmem:$0x10100] =	vst v63  }
0x59: {  	v3 =	vld [tilespmem:s22+$0x40];
	_ =	sdelay $0x4  }
0x5a: {  	v60 =	vshll.u32 v3, $0x1  }
0x5b: {  	v3 =	vand.u32 $0x7, v3;
	v4 =	vand.u32 $0xFFFFFFF0, v60  }
0x5c: {  	v3 =	vor.u32 v3, v4  }
0x5d: {  	v4 =	vperm.xlane v3, v0;
	_ =	sdelay $0x1  }
0x5e: {  	v3 =	vperm.xlane v3, v2;
	v4 =	vadd.s32 v1, v4;
	_ =	sdelay $0x1  }
0x5f: {  	v3 =	vadd.s32 v1, v3;
	_ =	sdelay $0x1  }
0x60: {  	s24 =	sor.u32 $0x4100, s21  }
0x61: {  	[tilespmem:s24], [sflag:$0x5] =	stream.indirect_vreg.gather [hbm4b:s3+s1], $0x80, v4, vm0, $0x2000b8;
	[tilespmem:$0x10100] =	vst v63  }
0x62: {  	s25 =	sor.u32 $0x4900, s21  }
0x63: {  	[tilespmem:s25], [sflag:$0x5] =	stream.indirect_vreg.gather [hbm4b:s3+s1], $0x80, v3, vm0, $0x2000b8;
	[tilespmem:$0x10100] =	vst v63  }
0x64: {  	v3 =	vld [tilespmem:s22+$0x50];
	_ =	sdelay $0x4  }
0x65: {  	v61 =	vshll.u32 v3, $0x1  }
0x66: {  	v3 =	vand.u32 $0x7, v3;
	v4 =	vand.u32 $0xFFFFFFF0, v61  }
0x67: {  	v3 =	vor.u32 v3, v4  }
0x68: {  	v4 =	vperm.xlane v3, v0;
	_ =	sdelay $0x1  }
0x69: {  	v3 =	vperm.xlane v3, v2;
	v4 =	vadd.s32 v1, v4;
	_ =	sdelay $0x1  }
0x6a: {  	v3 =	vadd.s32 v1, v3;
	_ =	sdelay $0x1  }
0x6b: {  	s26 =	sor.u32 $0x5100, s21  }
0x6c: {  	[tilespmem:s26], [sflag:$0x5] =	stream.indirect_vreg.gather [hbm4b:s3+s1], $0x80, v4, vm0, $0x2000b8;
	[tilespmem:$0x10100] =	vst v63  }
0x6d: {  	s28 =	sor.u32 $0x5900, s21  }
0x6e: {  	[tilespmem:s28], [sflag:$0x5] =	stream.indirect_vreg.gather [hbm4b:s3+s1], $0x80, v3, vm0, $0x2000b8;
	[tilespmem:$0x10100] =	vst v63  }
0x6f: {  	v3 =	vld [tilespmem:s22+$0x60];
	_ =	sdelay $0x4  }
0x70: {  	v62 =	vshll.u32 v3, $0x1  }
0x71: {  	v3 =	vand.u32 $0x7, v3;
	v4 =	vand.u32 $0xFFFFFFF0, v62  }
0x72: {  	v3 =	vor.u32 v3, v4  }
0x73: {  	v4 =	vperm.xlane v3, v0;
	_ =	sdelay $0x1  }
0x74: {  	v3 =	vperm.xlane v3, v2;
	v4 =	vadd.s32 v1, v4;
	_ =	sdelay $0x1  }
0x75: {  	v3 =	vadd.s32 v1, v3;
	_ =	sdelay $0x1  }
0x76: {  	s29 =	sor.u32 $0x6100, s21  }
0x77: {  	[tilespmem:s29], [sflag:$0x5] =	stream.indirect_vreg.gather [hbm4b:s3+s1], $0x80, v4, vm0, $0x2000b8;
	[tilespmem:$0x10100] =	vst v63  }
0x78: {  	s30 =	sor.u32 $0x6900, s21  }
0x79: {  	[tilespmem:s30], [sflag:$0x5] =	stream.indirect_vreg.gather [hbm4b:s3+s1], $0x80, v3, vm0, $0x2000b8;
	[tilespmem:$0x10100] =	vst v63  }
0x7a: {  	v3 =	vld [tilespmem:s22+$0x70];
	_ =	sdelay $0x4  }
0x7b: {  	v63 =	vshll.u32 v3, $0x1  }
0x7c: {  	v3 =	vand.u32 $0x7, v3;
	v4 =	vand.u32 $0xFFFFFFF0, v63  }
0x7d: {  	v3 =	vor.u32 v3, v4  }
0x7e: {  	v4 =	vperm.xlane v3, v0;
	_ =	sdelay $0x1  }
0x7f: {  	v3 =	vperm.xlane v3, v2;
	v4 =	vadd.s32 v1, v4;
	_ =	sdelay $0x1  }
0x80: {  	v3 =	vadd.s32 v1, v3;
	_ =	sdelay $0x1  }
0x81: {  	p2 =	por !p2, !p2;
	p3 =	seq.s32 s18, s13;
	s31 =	sor.u32 $0x7100, s21  }
0x82: {  	[tilespmem:s31], [sflag:$0x5] =	stream.indirect_vreg.gather [hbm4b:s3+s1], $0x80, v4, vm0, $0x2000b8;
	[tilespmem:$0x10100] =	vst v63  }
0x83: {  	p2 =	por !p2, !p3;
	s21 =	sor.u32 $0x7900, s21  }
0x84: {  	[tilespmem:s21], [sflag:$0x5] =	stream.indirect_vreg.gather [hbm4b:s3+s1], $0x80, v3, vm0, $0x2000b8;
	[tilespmem:$0x10100] =	vst v63  }
0x85: {  	s18 =	sadd.s32 s6, s18;
	p2 =	por !p2, !p2;
	_ =	swait.ge [sflag:s9], $0x8000  }
0x86: {  	s18 =	sshll.u32 @!p2 s18, $0xC;
	p0 =	por p2, p0;
	[sflag:s9] =	ssyncset.done $0x0  }
.Ltmp2:
0x87: {  	s18 =	sand.u32 @!p2 $0x1FFFF000, s18;
	[sflag:s9] =	ssyncadd.s32 $0xFFFF8000;
	(pc) =	sbr.rel @!p0 .LBB2_4-.Ltmp2, $4  }
0x88: {  	s18 =	sadd.s32 @!p2 s5, s18;
	_ =	strace $0x9000004B  }
0x89: {  	s19 =	sadd.s32 @!p2 $0x3, s19;
	s21 =	simm.s32 @!p2 $0x0;
	_ =	strace @!p2 $0x8000004C  }
0x8a: {  	[hbm4b:s18+s21] =	stream.linear.scatter @!p2 [tilespmem:s20], [sflag:s19], $0x8000, $0x200038;
	[tilespmem:$0x10100] =	vst v63  }
0x8b: {  	_ =	strace @!p2 $0x9000004C  }
.Ltmp3:
0x8c: {  	s18 =	simm.s32 $0x1;
	(pc) =	sbr.rel .LBB2_2-.Ltmp3, $4  }
0x8d: {  	s19 =	simm.s32 @!p2 $0x1;
	s12 =	sadd.s32 s16, s12;
	s18 =	simm.s32 @!p1 $0x0  }
0x8e: {  	s16 =	simm.s32 $0x1;
	s15 =	sadd.s32 s18, s15;
	s18 =	sadd.s32 @!p2 $0x1, s17  }
0x8f: {  	p0 =	por $0x0, $0x0;
	s19 =	simm.s32 @p2 $0x0;
	s18 =	smov.u32 @p2 s17  }
0x90: {  	s14 =	sadd.s32 s14, s19;
	p2 =	por $0x1, $0x1;
	s17 =	smov.u32 s18  }
.LBB2_5:
0x91: {  	_ =	sfence.sel $0x180000  }
0x92: {  	[bflag:$0x0] =	sbarrier.arrive $0xFFFF  }
0x93: {  	p0 =	sne.s32 s2, $0x0;
	_ =	strace $0x90000047  }
0x94: {  	s0 =	sadd.s32 @!p0 $0x100000, s0;
	[bflag:$0x2] =	sbarrier.arrive $0xFFFF  }
0x95: {  	[sflag:s0] =	ssyncadd.tile.s32 @!p0 $0x1;
	_ =	shalt  }
.Lfunc_end2:
_tile_overlayer_lowered:
.L_overlay_start_2:
0x96: {  	(tag) =	ssettag $0x2  }
0x97: {  	s0 =	rddreg [dreg:$0x0];
	s2 =	stileid.u32  }
0x98: {  	s1 =	rddreg [dreg:$0x1];
	p0 =	sne.s32 s2, $0x0  }
0x99: {  	s3 =	rddreg [dreg:$0x2];
	[bflag:$0x3] =	sbarrier.arrive $0xFFFF;
	s2 =	simm.s32 @!p0 $0x1C01  }
0x9a: {  	[timem:s3], [sflag:s2] =	dma.local @!p0 [hbm:s0], s1  }
0x9b: {  	s0 =	simm.s32 @!p0 $0x1  }
0x9c: {  	_ =	swait.ge @!p0 [sflag:s0], s1  }
0x9d: {  	s1 =	ssub.s32 @!p0 $0x0, s1;
	[sflag:s0] =	ssyncset.done @!p0 $0x0  }
0x9e: {  	[sflag:s0] =	ssyncadd.s32 @!p0 s1  }
0x9f: {  	[bflag:$0x3] =	sbarrier.arrive $0xFFFF  }
0xa0: {  	_ =	shalt  }

// kernel: kernel.23.cloned.1.call-start
scs
__scs_entry_jumppad:
0x0: {  	(pc) =	sbr.rel $0x88, $3  }
0x1: {  	(tag) =	ssettag $0x0;
	lr =	simm.s32 $0x1  }
0x2: {  	[smem:$0x3F86] =	sst lr;
	_ =	strace $0xD0000000  }
0x3: {  	_ = 	snop  }
0x4: {  	_ = 	snop  }
0x5: {  	_ = 	snop  }
0x6: {  	_ = 	snop  }
0x7: {  	_ = 	snop  }
__scs_overlays_trampoline_lowered:
0x8: {  	[smem:$0x3F95] =	sst s0  }
0x9: {  	[smem:$0x3F96] =	sst s1  }
0xa: {  	[smem:$0x3F97] =	sst s2  }
0xb: {  	[smem:$0x3F98] =	sst s3  }
0xc: {  	[smem:$0x3F99] =	sst s4  }
0xd: {  	[smem:$0x3F9A] =	sst s5  }
0xe: {  	[smem:$0x3F9B] =	sst s6  }
0xf: {  	[smem:$0x3F9C] =	sst s7  }
0x10: {  	[smem:$0x3F9D] =	sst s8  }
0x11: {  	[smem:$0x3F9E] =	sst s9;
	s0 =	simm.s32 @!p0 $0x0  }
0x12: {  	s1 =	sld [smem:$0x3F84];
	s0 =	simm.s32 @p0 $0x1  }
0x13: {  	[smem:$0x3F9F] =	sst s0;
	s0 =	simm.s32 @!p1 $0x0  }
0x14: {  	s2 =	sld [smem:$0x3F83];
	s0 =	simm.s32 @p1 $0x1  }
0x15: {  	[smem:$0x3FA0] =	sst s0;
	s0 =	simm.s32 @!p2 $0x0  }
0x16: {  	s3 =	sld [smem:$0x3FDB];
	s0 =	simm.s32 @p2 $0x1  }
0x17: {  	s4 =	simm.s32 $0x1BF5;
	[smem:$0x3FA2] =	sst s0  }
0x18: {  	s0 =	sld [smem:$0x3F85];
	_ =	swait.ge [sflag:s4], $0x0  }
0x19: {  	s7 =	sld [smem:$0x3F86]  }
0x1a: {  	s8 =	sadd.s32 $0xFFFFE003, lr  }
0x1b: {  	s9 =	sadd.s32 $0xFFFFFEF7, lr;
	s5 =	simm.s32 $0xFFFFFFFF;
	p2 =	slt.u32 s8, $0xFFFFF086  }
0x1c: {  	p1 =	slt.u32 s9, $0xF7A;
	s5 =	simm.s32 @!p2 $0x0  }
0x1d: {  	s5 =	simm.s32 @p1 $0x1;
	p0 =	seq.s32 s7, s2  }
0x1e: {  	s7 =	smul.u32 @!p0 $0xF7A, s2;
	p2 =	seq.s32 @!p0 s5, $0x0  }
0x1f: {  	s9 =	smul.u32 $0xF7A, s1;
	s8 =	simm.s32 @!p0 $0x1BF5;
	p2 =	por !p2, p0  }
0x20: {  	[sflag:s8] =	ssyncset.s32 @!p0 $0xFFFFF086;
	s6 =	sadd.s32 @!p0 s3, s7;
	s7 =	simm.s32 @!p0 $0x108  }
0x21: {  	s3 =	sadd.s32 s3, s9;
	s6 =	sadd.s32 @!p0 $0x88, s6;
	s7 =	simm.s32 @p2 $0x1082  }
0x22: {  	[simem:s7], [sflag:s8] =	dma.local @!p0 [hbm:s6], $0xF7A  }
0x23: {  	s9 =	sor.u32 $0xD0000000, s2;
	s6 =	simm.s32 $0x108;
	_ =	swait.ge @!p0 [sflag:s8], $0x0  }
0x24: {  	s3 =	sadd.s32 $0x88, s3;
	s6 =	simm.s32 @!p1 $0x1082;
	[sflag:s4] =	ssyncset.s32 $0xFFFFF086  }
0x25: {  	[simem:s6], [sflag:s4] =	dma.local [hbm:s3], $0xF7A  }
0x26: {  	[smem:$0x3F86] =	sst s1;
	(tag) =	ssettag s2;
	_ =	strace s9  }
0x27: {  	s1 =	sld [smem:$0x3F96]  }
0x28: {  	s2 =	sld [smem:$0x3F97]  }
0x29: {  	s4 =	sld [smem:$0x3F99]  }
0x2a: {  	p0 =	seq.s32 s5, $0x0;
	s5 =	sld [smem:$0x3F9A]  }
0x2b: {  	s6 =	sld [smem:$0x3F9B]  }
0x2c: {  	s7 =	sld [smem:$0x3F9C]  }
0x2d: {  	s3 =	simm.s32 $0x108;
	s8 =	sld [smem:$0x3F9D]  }
0x2e: {  	s3 =	simm.s32 @!p0 $0x1082;
	s9 =	sld [smem:$0x3F9E]  }
0x2f: {  	lr =	sadd.s32 s0, s3;
	s0 =	sld [smem:$0x3F95]  }
0x30: {  	s3 =	sld [smem:$0x3F98]  }
0x31: {  	[smem:$0x3FA1] =	sst s10  }
0x32: {  	s10 =	sld [smem:$0x3F9F];
	_ =	sdelay $0x3  }
0x33: {  	p0 =	seq.s32 s10, $0x1;
	s10 =	sld [smem:$0x3FA1];
	_ =	sdelay $0x3  }
0x34: {  	[smem:$0x3FA1] =	sst s10  }
0x35: {  	s10 =	sld [smem:$0x3FA0];
	_ =	sdelay $0x3  }
0x36: {  	p1 =	seq.s32 s10, $0x1;
	s10 =	sld [smem:$0x3FA1];
	_ =	sdelay $0x3  }
0x37: {  	[smem:$0x3FA1] =	sst s10  }
0x38: {  	s10 =	sld [smem:$0x3FA2]  }
0x39: {  	_ = 	snop;
	(pc) =	sbr.ind lr, $3  }
0x3a: {  	_ = 	snop  }
0x3b: {  	_ = 	snop  }
0x3c: {  	p2 =	seq.s32 s10, $0x1;
	s10 =	sld [smem:$0x3FA1]  }
0x3d: {  	_ =	shalt  }
0x3e: {  	_ =	shalt  }
0x3f: {  	_ =	shalt  }
0x40: {  	_ =	shalt  }
0x41: {  	_ =	shalt  }
0x42: {  	_ =	shalt  }
0x43: {  	_ =	shalt  }
0x44: {  	_ =	shalt  }
0x45: {  	_ =	shalt  }
0x46: {  	_ =	shalt  }
0x47: {  	_ =	shalt  }
0x48: {  	_ =	shalt  }
0x49: {  	_ =	shalt  }
0x4a: {  	_ =	shalt  }
0x4b: {  	_ =	shalt  }
0x4c: {  	_ =	shalt  }
0x4d: {  	_ =	shalt  }
0x4e: {  	_ =	shalt  }
0x4f: {  	_ =	shalt  }
0x50: {  	_ =	shalt  }
0x51: {  	_ =	shalt  }
0x52: {  	_ =	shalt  }
0x53: {  	_ =	shalt  }
0x54: {  	_ =	shalt  }
0x55: {  	_ =	shalt  }
0x56: {  	_ =	shalt  }
0x57: {  	_ =	shalt  }
0x58: {  	_ =	shalt  }
0x59: {  	_ =	shalt  }
0x5a: {  	_ =	shalt  }
0x5b: {  	_ =	shalt  }
0x5c: {  	_ =	shalt  }
0x5d: {  	_ =	shalt  }
0x5e: {  	_ =	shalt  }
0x5f: {  	_ =	shalt  }
0x60: {  	_ =	shalt  }
0x61: {  	_ =	shalt  }
0x62: {  	_ =	shalt  }
0x63: {  	_ =	shalt  }
0x64: {  	_ =	shalt  }
0x65: {  	_ =	shalt  }
0x66: {  	_ =	shalt  }
0x67: {  	_ =	shalt  }
0x68: {  	_ =	shalt  }
0x69: {  	_ =	shalt  }
0x6a: {  	_ =	shalt  }
0x6b: {  	_ =	shalt  }
0x6c: {  	_ =	shalt  }
0x6d: {  	_ =	shalt  }
0x6e: {  	_ =	shalt  }
0x6f: {  	_ =	shalt  }
0x70: {  	_ =	shalt  }
0x71: {  	_ =	shalt  }
0x72: {  	_ =	shalt  }
0x73: {  	_ =	shalt  }
0x74: {  	_ =	shalt  }
0x75: {  	_ =	shalt  }
0x76: {  	_ =	shalt  }
0x77: {  	_ =	shalt  }
0x78: {  	_ =	shalt  }
0x79: {  	_ =	shalt  }
0x7a: {  	_ =	shalt  }
0x7b: {  	_ =	shalt  }
0x7c: {  	_ =	shalt  }
0x7d: {  	_ =	shalt  }
0x7e: {  	_ =	shalt  }
0x7f: {  	_ =	shalt  }
0x80: {  	_ =	shalt  }
0x81: {  	_ =	shalt  }
0x82: {  	_ =	shalt  }
0x83: {  	_ =	shalt  }
0x84: {  	_ =	shalt  }
0x85: {  	_ =	shalt  }
0x86: {  	_ =	shalt  }
0x87: {  	_ =	shalt  }
.Lfunc_end0:
.L_simem_size_0:
called_computation.2_lowered:
.L_overlay_start_0:
0x88: {  	s2 =	sld [smem:$0x3FD9]  }
0x89: {  	s3 =	sld [smem:$0x3FFE];
	_ =	sdelay $0x1  }
0x8a: {  	s1 =	srdreg.scid  }
0x8b: {  	s0 =	sand.u32 $0x1, s1  }
0x8c: {  	s17 =	sshll.u32 s0, $0xA;
	s2 =	sadd.s32 s3, s2  }
0x8d: {  	s2 =	sadd.s32 s2, s17  }
0x8e: {  	[smem:$0x3FAD] =	sst s2  }
0x8f: {  	_ = 	snop  }
0x90: {  	(tm) =	ssettm $0x1  }
0x91: {  	s18 =	sld [smem:$0x3FFB];
	_ =	sdelay $0x3  }
0x92: {  	_ =	strace s18  }
0x93: {  	s2 =	sld [smem:$0x3FFC];
	_ =	sdelay $0x3  }
0x94: {  	_ =	strace s2  }
0x95: {  	s2 =	sld [smem:$0x3FFD];
	_ =	sdelay $0x3  }
0x96: {  	_ =	strace s2  }
0x97: {  	_ =	strace $0x8FFFFFFF  }
0x98: {  	s19 =	sld [smem:$0x3FDB];
	_ =	sdelay $0x1  }
0x99: {  	s20 =	simm.s32 $_scs_section_size  }
0x9a: {  	s4 =	simm.s32 $_size__tile_overlayer_lowered;
	s5 =	simm.s32 $_tile_overlayer_lowered  }
0x9b: {  	s6 =	simm.s32 $0x1BFF;
	s21 =	sshll.u32 s5, $0x1;
	s3 =	sadd.s32 s20, s19  }
0x9c: {  	s22 =	simm.s32 $0x0;
	s4 =	sshll.u32 s4, $0x1;
	s5 =	sadd.s32 s21, s3  }
0x9d: {  	[timem:s22], [sflag:s6] =	dma.local [hbm:s5], s4  }
0x9e: {  	_ =	swait.ge [sflag:s6], s4  }
0x9f: {  	s4 =	ssub.s32 $0x0, s4;
	[sflag:s6] =	ssyncset.done $0x0  }
0xa0: {  	[sflag:s6] =	ssyncadd.s32 s4;
	_ =	sdelay $0x1  }
0xa1: {  	s23 =	simm.s32 $0x1B8B  }
0xa2: {  	_ =	swait.ge [sflag:s23], $0x1  }
0xa3: {  	[sflag:s23] =	ssyncset.done $0x0  }
0xa4: {  	[sflag:s23] =	ssyncadd.s32 $0xFFFFFFFF  }
0xa5: {  	s4 =	sld [smem:$0x0]  }
0xa6: {  	s5 =	sand.u32 $0xFFFFFFFE, s1  }
0xa7: {  	p0 =	sne.s32 s1, s5  }
0xa8: {  	s5 =	sshll.u32 @p0 s5, $0xE  }
0xa9: {  	s5 =	sadd.s32 @p0 $0x11B8D, s5;
	s6 =	sshll.u32 @p0 s4, $0x11  }
0xaa: {  	s5 =	sor.u32 @p0 s6, s5  }
0xab: {  	[sflag:s5] =	ssyncadd.remote.s32 @p0 $0x1;
	_ =	sdelay $0x1  }
0xac: {  	s5 =	simm.s32 @p0 $0x1B8D  }
0xad: {  	_ =	swait.eq @p0 [sflag:s5], $0x1  }
0xae: {  	[sflag:s5] =	ssyncadd.s32 @p0 $0xFFFFFFFF  }
0xaf: {  	s6 =	sshll.u32 @!p0 s1, $0xE  }
0xb0: {  	s6 =	sor.u32 @!p0 $0x4000, s6;
	s5 =	simm.s32 @!p0 $0x1B8D  }
0xb1: {  	s4 =	sshll.u32 @!p0 s4, $0x11;
	s6 =	sadd.s32 @!p0 $0x11B8D, s6;
	_ =	swait.eq @!p0 [sflag:s5], $0x1  }
0xb2: {  	s4 =	sor.u32 @!p0 s4, s6;
	[sflag:s5] =	ssyncadd.s32 @!p0 $0xFFFFFFFF  }
0xb3: {  	s25 =	simm.s32 $0x1B8E;
	s24 =	sld [smem:$0x3FFE];
	[sflag:s4] =	ssyncadd.remote.s32 @!p0 $0x1  }
0xb4: {  	s26 =	simm.s32 $execute0_lowered;
	[smem:$0x3FD2] =	sst s25  }
0xb5: {  	s5 =	sshll.u32 s26, $0x1;
	_ =	strace $0x80000062;
	[dreg:$0x1] =	wrdreg $0xFFFFFFFF  }
0xb6: {  	s28 =	simm.s32 $_size_execute0_lowered;
	s3 =	sadd.s32 s3, s5;
	[dreg:$0x0] =	wrdreg $0x0  }
0xb7: {  	s5 =	sshll.u32 s28, $0x1;
	[dreg:$0x2] =	wrdreg s3  }
0xb8: {  	[dreg:$0x3] =	wrdreg s5  }
0xb9: {  	[dreg:$0x4] =	wrdreg $0xC0  }
0xba: {  	_ =	task [dreg:s22], $0x5FFFF  }
0xbb: {  	[dreg:$0x1] =	wrdreg $0xFFFFFFFF  }
0xbc: {  	[dreg:$0x0] =	wrdreg $0x60  }
0xbd: {  	[dreg:$0x2] =	wrdreg s24  }
0xbe: {  	[dreg:$0x3] =	wrdreg $0x9  }
0xbf: {  	_ =	task.clear_ibuf [dreg:s22], $0x4FFFF;
	_ =	strace $0x90000062  }
0xc0: {  	s29 =	simm.s32 $0x9;
	_ =	strace $0x8000006B  }
0xc1: {  	_ =	swait.ge [sflag:s29], $0x1  }
0xc2: {  	[sflag:s29] =	ssyncadd.s32 $0xFFFFFFFF  }
0xc3: {  	_ =	strace $0x9000006B  }
0xc4: {  	_ =	sfence  }
0xc5: {  	s30 =	sld [smem:$0x0];
	_ =	sdelay $0x2  }
0xc6: {  	s31 =	sshll.u32 s1, $0xD;
	s1 =	sshrl.u32 s1, $0x2  }
0xc7: {  	s4 =	sand.u32 $0x4000, s31;
	s1 =	sadd.s32 s1, s30  }
0xc8: {  	s0 =	sor.u32 s4, s0;
	s1 =	sshll.u32 s1, $0x11  }
0xc9: {  	s0 =	sor.u32 s1, s0  }
0xca: {  	s0 =	sadd.s32 $0x8F2B, s0  }
0xcb: {  	[sflag:s0] =	ssyncadd.remote.s32 $0x1  }
0xcc: {  	_ =	sfence.sel $0xFFFF  }
0xcd: {  	[dreg:$0x0] =	wrdreg $0xFFFFFFFF;
	(pc) =	sbr.abs _section_cstart, $3  }
0xce: {  	[dreg:$0x1] =	wrdreg $0xFFFFFFFF  }
0xcf: {  	_ =	task.clear_ibuf [dreg:s22], $0x2FFFF;
	_ =	strace $0x9FFFFFFF  }
0xd0: {  	(tm) =	ssettm $0x7FFFFFFF  }
0xd1: {  	_ =	shalt  }
tec
execute0_lowered:
.L_overlay_start_1:
0x0: {  	(tag) =	ssettag $0x1  }
0x1: {  	s5 =	rddreg [dreg:$0x0]  }
0x2: {  	s0 =	rddreg [dreg:$0x1];
	s1 =	simm.s32 $0x0  }
0x3: {  	s2 =	srdreg.scid;
	s9 =	simm.s32 $0x4;
	[smem:$0x7FF] =	sst s1  }
0x4: {  	s10 =	simm.s32 $0x0;
	s3 =	sadd.s32 $0x106C00, s5;
	s4 =	sadd.s32 $0x166C00, s5  }
0x5: {  	s6 =	sand.u32 $0x1, s2;
	s2 =	stileid.u32;
	s5 =	sadd.s32 $0x168C00, s5  }
0x6: {  	_ =	strace $0x80000063;
	s7 =	ssub.s32 $0x2, s6;
	s6 =	sshll.u32 s6, $0x4  }
0x7: {  	v2 =	vlaneseq.u32;
	[dreg:$0x2] =	wrdreg s5;
	s8 =	sshrl.u32 s7, $0x1;
	s6 =	sor.u32 s2, s6  }
0x8: {  	vm0 =	vmmov $0xffff;
	v1 =	vshrl.u32 v2, $0x3;
	s7 =	ssub.s32 s7, s8;
	s31 =	sshll.u32 s6, $0x8;
	s5 =	sshll.u32 s6, $0x4  }
0x9: {  	v0 =	vand.u32 $0x7, v2;
	v2 =	vor.u32 $0x8, v2;
	v1 =	vmul.u32 $0x8, v1;
	s8 =	simm.s32 $0x5;
	s6 =	sadd.s32 s4, s31;
	s7 =	smax.u32 s7, $0x1  }
.LBB2_1:
0xa: {  	_ =	strace $0x80000064;
	s11 =	simm.s32 $0x10  }
0xb: {  	s12 =	simm.s32 $0x0;
	s13 =	simm.s32 $0x0;
	s14 =	simm.s32 $0x0  }
0xc: {  	[tilespmem:s1], [sflag:$0x1] =	stream.linear.gather [hbm4b:s6+s1], $0x80, $0x200038;
	[tilespmem:$0x10100] =	vst v63  }
0xd: {  	s15 =	simm.s32 $0x0;
	s16 =	simm.s32 $0x1;
	_ =	strace $0x90000064  }
.LBB2_2:
0xe: {  	s17 =	smov.u32 s12;
	s12 =	sadd.s32 $0x1, s12  }
0xf: {  	p0 =	seq.s32 s12, $0x10  }
0x10: {  	s12 =	simm.s32 @p0 $0x0  }
0x11: {  	p6 =	sne.s32 s11, $0x1;
	p1 =	sne.s32 s17, s12  }
0x12: {  	p0 =	por !p6, !p1  }
0x13: {  	p0 =	por !p0, !p0  }
0x14: {  	s18 =	sadd.s32 @p0 s5, s12  }
0x15: {  	s19 =	sand.u32 @p0 $0x1, s16;
	s18 =	sshll.u32 @p0 s18, $0x4  }
0x16: {  	_ =	strace @p0 $0x80000065;
	s21 =	simm.s32 @p0 $0x0;
	s18 =	sand.u32 @p0 $0x1FFFFFF0, s18  }
0x17: {  	s20 =	sshll.u32 @p0 s19, $0x7;
	s19 =	sadd.s32 @p0 $0x1, s19;
	s18 =	sadd.s32 @p0 s4, s18  }
0x18: {  	[tilespmem:s20], [sflag:s19] =	stream.linear.gather @p0 [hbm4b:s18+s21], $0x80, $0x200038;
	[tilespmem:$0x10100] =	vst v63  }
0x19: {  	s24 =	sand.u32 $0x1, s15;
	_ =	strace @p0 $0x90000065  }
0x1a: {  	s18 =	sadd.s32 $0x1, s24;
	_ =	strace $0x80000066  }
0x1b: {  	_ =	swait.ge [sflag:s18], $0x80  }
0x1c: {  	[sflag:s18] =	ssyncset.done $0x0  }
0x1d: {  	[sflag:s18] =	ssyncadd.s32 $0xFFFFFF80  }
0x1e: {  	s25 =	sshll.u32 s15, $0x7;
	_ =	strace $0x90000066  }
0x1f: {  	s21 =	sand.u32 $0x80, s25;
	_ =	strace $0x80000067  }
0x20: {  	v3 =	vld [tilespmem:s21+$0x0];
	_ =	sdelay $0x4  }
0x21: {  	v4 =	vshll.u32 v3, $0x1  }
0x22: {  	v3 =	vand.u32 $0x7, v3;
	v4 =	vand.u32 $0xFFFFFFF0, v4  }
0x23: {  	v3 =	vor.u32 v3, v4  }
0x24: {  	v4 =	vperm.xlane v3, v0;
	_ =	sdelay $0x1  }
0x25: {  	v3 =	vperm.xlane v3, v2;
	v4 =	vadd.s32 v1, v4;
	_ =	sdelay $0x1  }
0x26: {  	s18 =	sand.u32 $0x1, s14;
	v3 =	vadd.s32 v1, v3  }
0x27: {  	s20 =	sshll.u32 s18, $0xF  }
0x28: {  	s19 =	sor.u32 $0x100, s20  }
0x29: {  	[tilespmem:s19], [sflag:$0x5] =	stream.indirect_vreg.gather [hbm4b:s3+s1], $0x80, v4, vm0, $0x2000b8;
	[tilespmem:$0x10100] =	vst v63  }
0x2a: {  	s22 =	sor.u32 $0x900, s20  }
0x2b: {  	[tilespmem:s22], [sflag:$0x5] =	stream.indirect_vreg.gather [hbm4b:s3+s1], $0x80, v3, vm0, $0x2000b8;
	[tilespmem:$0x10100] =	vst v63  }
0x2c: {  	v3 =	vld [tilespmem:s21+$0x10];
	_ =	sdelay $0x4  }
0x2d: {  	v57 =	vshll.u32 v3, $0x1  }
0x2e: {  	v3 =	vand.u32 $0x7, v3;
	v4 =	vand.u32 $0xFFFFFFF0, v57  }
0x2f: {  	v3 =	vor.u32 v3, v4  }
0x30: {  	v4 =	vperm.xlane v3, v0;
	_ =	sdelay $0x1  }
0x31: {  	v3 =	vperm.xlane v3, v2;
	v4 =	vadd.s32 v1, v4;
	_ =	sdelay $0x1  }
0x32: {  	v3 =	vadd.s32 v1, v3;
	_ =	sdelay $0x1  }
0x33: {  	s26 =	sor.u32 $0x1100, s20  }
0x34: {  	[tilespmem:s26], [sflag:$0x5] =	stream.indirect_vreg.gather [hbm4b:s3+s1], $0x80, v4, vm0, $0x2000b8;
	[tilespmem:$0x10100] =	vst v63  }
0x35: {  	s28 =	sor.u32 $0x1900, s20  }
0x36: {  	[tilespmem:s28], [sflag:$0x5] =	stream.indirect_vreg.gather [hbm4b:s3+s1], $0x80, v3, vm0, $0x2000b8;
	[tilespmem:$0x10100] =	vst v63  }
0x37: {  	v3 =	vld [tilespmem:s21+$0x20];
	_ =	sdelay $0x4  }
0x38: {  	v58 =	vshll.u32 v3, $0x1  }
0x39: {  	v3 =	vand.u32 $0x7, v3;
	v4 =	vand.u32 $0xFFFFFFF0, v58  }
0x3a: {  	v3 =	vor.u32 v3, v4  }
0x3b: {  	v4 =	vperm.xlane v3, v0;
	_ =	sdelay $0x1  }
0x3c: {  	v3 =	vperm.xlane v3, v2;
	v4 =	vadd.s32 v1, v4;
	_ =	sdelay $0x1  }
0x3d: {  	v3 =	vadd.s32 v1, v3;
	_ =	sdelay $0x1  }
0x3e: {  	s29 =	sor.u32 $0x2100, s20  }
0x3f: {  	[tilespmem:s29], [sflag:$0x5] =	stream.indirect_vreg.gather [hbm4b:s3+s1], $0x80, v4, vm0, $0x2000b8;
	[tilespmem:$0x10100] =	vst v63  }
0x40: {  	s30 =	sor.u32 $0x2900, s20  }
0x41: {  	[tilespmem:s30], [sflag:$0x5] =	stream.indirect_vreg.gather [hbm4b:s3+s1], $0x80, v3, vm0, $0x2000b8;
	[tilespmem:$0x10100] =	vst v63  }
0x42: {  	v3 =	vld [tilespmem:s21+$0x30];
	_ =	sdelay $0x4  }
0x43: {  	v59 =	vshll.u32 v3, $0x1  }
0x44: {  	v3 =	vand.u32 $0x7, v3;
	v4 =	vand.u32 $0xFFFFFFF0, v59  }
0x45: {  	v3 =	vor.u32 v3, v4  }
0x46: {  	v4 =	vperm.xlane v3, v0;
	_ =	sdelay $0x1  }
0x47: {  	v3 =	vperm.xlane v3, v2;
	v4 =	vadd.s32 v1, v4;
	_ =	sdelay $0x1  }
0x48: {  	v3 =	vadd.s32 v1, v3;
	_ =	sdelay $0x1  }
0x49: {  	s31 =	sor.u32 $0x3100, s20  }
0x4a: {  	[tilespmem:s31], [sflag:$0x5] =	stream.indirect_vreg.gather [hbm4b:s3+s1], $0x80, v4, vm0, $0x2000b8;
	[tilespmem:$0x10100] =	vst v63  }
0x4b: {  	s23 =	sor.u32 $0x3900, s20  }
0x4c: {  	[tilespmem:s23], [sflag:$0x5] =	stream.indirect_vreg.gather [hbm4b:s3+s1], $0x80, v3, vm0, $0x2000b8;
	[tilespmem:$0x10100] =	vst v63  }
0x4d: {  	v3 =	vld [tilespmem:s21+$0x40];
	_ =	sdelay $0x4  }
0x4e: {  	v60 =	vshll.u32 v3, $0x1  }
0x4f: {  	v3 =	vand.u32 $0x7, v3;
	v4 =	vand.u32 $0xFFFFFFF0, v60  }
0x50: {  	v3 =	vor.u32 v3, v4  }
0x51: {  	v4 =	vperm.xlane v3, v0;
	_ =	sdelay $0x1  }
0x52: {  	v3 =	vperm.xlane v3, v2;
	v4 =	vadd.s32 v1, v4;
	_ =	sdelay $0x1  }
0x53: {  	v3 =	vadd.s32 v1, v3;
	_ =	sdelay $0x1  }
0x54: {  	s24 =	sor.u32 $0x4100, s20  }
0x55: {  	[tilespmem:s24], [sflag:$0x5] =	stream.indirect_vreg.gather [hbm4b:s3+s1], $0x80, v4, vm0, $0x2000b8;
	[tilespmem:$0x10100] =	vst v63  }
0x56: {  	s25 =	sor.u32 $0x4900, s20  }
0x57: {  	[tilespmem:s25], [sflag:$0x5] =	stream.indirect_vreg.gather [hbm4b:s3+s1], $0x80, v3, vm0, $0x2000b8;
	[tilespmem:$0x10100] =	vst v63  }
0x58: {  	v3 =	vld [tilespmem:s21+$0x50];
	_ =	sdelay $0x4  }
0x59: {  	v61 =	vshll.u32 v3, $0x1  }
0x5a: {  	v3 =	vand.u32 $0x7, v3;
	v4 =	vand.u32 $0xFFFFFFF0, v61  }
0x5b: {  	v3 =	vor.u32 v3, v4  }
0x5c: {  	v4 =	vperm.xlane v3, v0;
	_ =	sdelay $0x1  }
0x5d: {  	v3 =	vperm.xlane v3, v2;
	v4 =	vadd.s32 v1, v4;
	_ =	sdelay $0x1  }
0x5e: {  	v3 =	vadd.s32 v1, v3;
	_ =	sdelay $0x1  }
0x5f: {  	s26 =	sor.u32 $0x5100, s20  }
0x60: {  	[tilespmem:s26], [sflag:$0x5] =	stream.indirect_vreg.gather [hbm4b:s3+s1], $0x80, v4, vm0, $0x2000b8;
	[tilespmem:$0x10100] =	vst v63  }
0x61: {  	s28 =	sor.u32 $0x5900, s20  }
0x62: {  	[tilespmem:s28], [sflag:$0x5] =	stream.indirect_vreg.gather [hbm4b:s3+s1], $0x80, v3, vm0, $0x2000b8;
	[tilespmem:$0x10100] =	vst v63  }
0x63: {  	v3 =	vld [tilespmem:s21+$0x60];
	_ =	sdelay $0x4  }
0x64: {  	v62 =	vshll.u32 v3, $0x1  }
0x65: {  	v3 =	vand.u32 $0x7, v3;
	v4 =	vand.u32 $0xFFFFFFF0, v62  }
0x66: {  	v3 =	vor.u32 v3, v4  }
0x67: {  	v4 =	vperm.xlane v3, v0;
	_ =	sdelay $0x1  }
0x68: {  	v3 =	vperm.xlane v3, v2;
	v4 =	vadd.s32 v1, v4;
	_ =	sdelay $0x1  }
0x69: {  	v3 =	vadd.s32 v1, v3;
	_ =	sdelay $0x1  }
0x6a: {  	s29 =	sor.u32 $0x6100, s20  }
0x6b: {  	[tilespmem:s29], [sflag:$0x5] =	stream.indirect_vreg.gather [hbm4b:s3+s1], $0x80, v4, vm0, $0x2000b8;
	[tilespmem:$0x10100] =	vst v63  }
0x6c: {  	s30 =	sor.u32 $0x6900, s20  }
0x6d: {  	[tilespmem:s30], [sflag:$0x5] =	stream.indirect_vreg.gather [hbm4b:s3+s1], $0x80, v3, vm0, $0x2000b8;
	[tilespmem:$0x10100] =	vst v63  }
0x6e: {  	v3 =	vld [tilespmem:s21+$0x70];
	_ =	sdelay $0x4  }
0x6f: {  	v63 =	vshll.u32 v3, $0x1  }
0x70: {  	v3 =	vand.u32 $0x7, v3;
	v4 =	vand.u32 $0xFFFFFFF0, v63  }
0x71: {  	v3 =	vor.u32 v3, v4  }
0x72: {  	v4 =	vperm.xlane v3, v0;
	_ =	sdelay $0x1  }
0x73: {  	v3 =	vperm.xlane v3, v2;
	v4 =	vadd.s32 v1, v4;
	_ =	sdelay $0x1  }
0x74: {  	v3 =	vadd.s32 v1, v3;
	_ =	sdelay $0x1  }
0x75: {  	s31 =	sor.u32 $0x7100, s20  }
0x76: {  	[tilespmem:s31], [sflag:$0x5] =	stream.indirect_vreg.gather [hbm4b:s3+s1], $0x80, v4, vm0, $0x2000b8;
	[tilespmem:$0x10100] =	vst v63  }
0x77: {  	s20 =	sor.u32 $0x7900, s20  }
0x78: {  	[tilespmem:s20], [sflag:$0x5] =	stream.indirect_vreg.gather [hbm4b:s3+s1], $0x80, v3, vm0, $0x2000b8;
	[tilespmem:$0x10100] =	vst v63  }
0x79: {  	_ =	swait.ge [sflag:s8], $0x8000  }
0x7a: {  	p2 =	seq.s32 s11, $0x1;
	[sflag:s8] =	ssyncset.done $0x0  }
0x7b: {  	s17 =	sadd.s32 s5, s17;
	p1 =	por p2, p1;
	[sflag:s8] =	ssyncadd.s32 $0xFFFF8000  }
0x7c: {  	s17 =	sshll.u32 @p1 s17, $0xC;
	_ =	strace $0x90000067  }
0x7d: {  	s17 =	sand.u32 @p1 $0x1FFFF000, s17;
	s21 =	simm.s32 $0x1;
	_ =	strace @p1 $0x80000068  }
0x7e: {  	s18 =	sadd.s32 @p1 $0x3, s18;
	s21 =	simm.s32 @!p0 $0x0;
	s20 =	rddreg [dreg:$0x2]  }
0x7f: {  	p0 =	seq.s32 s11, $0x10;
	s17 =	sadd.s32 @p1 s20, s17;
	s20 =	simm.s32 @p1 $0x0  }
0x80: {  	[hbm4b:s17+s20] =	stream.linear.scatter @p1 [tilespmem:s19], [sflag:s18], $0x8000, $0x200038;
	[tilespmem:$0x10100] =	vst v63  }
0x81: {  	s17 =	simm.s32 $0x1;
	s19 =	simm.s32 $0x1;
	_ =	strace @p1 $0x90000068  }
0x82: {  	s17 =	simm.s32 @!p1 $0x0;
	p1 =	sne.s32 s11, $0x10;
	s11 =	sadd.s32 $0xFFFFFFFF, s11  }
0x83: {  	s18 =	sand.u32 @!p0 $0x1, s13;
	s19 =	simm.s32 @!p1 $0x0;
	p1 =	sne.s32 s11, $0x0  }
.Ltmp0:
0x84: {  	s18 =	sadd.s32 @!p0 $0x3, s18;
	_ =	strace @!p0 $0x80000069;
	(pc) =	sbr.rel @p1 .LBB2_2-.Ltmp0, $4  }
0x85: {  	_ =	swait.ge @!p0 [sflag:s18], $0x8000  }
0x86: {  	[sflag:s18] =	ssyncset.done @!p0 $0x0  }
0x87: {  	s16 =	sadd.s32 s21, s16;
	s14 =	sadd.s32 s17, s14;
	[sflag:s18] =	ssyncadd.s32 @!p0 $0xFFFF8000  }
0x88: {  	s15 =	sadd.s32 s17, s15;
	s13 =	sadd.s32 s19, s13;
	_ =	strace @!p0 $0x90000069  }
0x89: {  	s10 =	sadd.s32 $0x1, s10  }
0x8a: {  	p0 =	sne.s32 s10, s7  }
.Ltmp1:
0x8b: {  	_ =	strace $0x8000006A;
	(pc) =	sbr.rel @p0 .LBB2_1-.Ltmp1, $4  }
0x8c: {  	_ =	swait.ge [sflag:s9], $0x8000  }
0x8d: {  	[sflag:s9] =	ssyncset.done $0x0  }
0x8e: {  	[sflag:s9] =	ssyncadd.s32 $0xFFFF8000  }
0x8f: {  	_ =	strace $0x9000006A  }
0x90: {  	_ =	sfence.sel $0x180000  }
0x91: {  	[bflag:$0x0] =	sbarrier.arrive $0xFFFF  }
0x92: {  	p0 =	sne.s32 s2, $0x0;
	_ =	strace $0x90000063  }
0x93: {  	s0 =	sadd.s32 @!p0 $0x100000, s0;
	[bflag:$0x2] =	sbarrier.arrive $0xFFFF  }
0x94: {  	[sflag:s0] =	ssyncadd.tile.s32 @!p0 $0x1;
	_ =	shalt  }
.Lfunc_end2:
_tile_overlayer_lowered:
.L_overlay_start_2:
0x95: {  	(tag) =	ssettag $0x2  }
0x96: {  	s0 =	rddreg [dreg:$0x0];
	s2 =	stileid.u32  }
0x97: {  	s1 =	rddreg [dreg:$0x1];
	p0 =	sne.s32 s2, $0x0  }
0x98: {  	s3 =	rddreg [dreg:$0x2];
	[bflag:$0x3] =	sbarrier.arrive $0xFFFF;
	s2 =	simm.s32 @!p0 $0x1C01  }
0x99: {  	[timem:s3], [sflag:s2] =	dma.local @!p0 [hbm:s0], s1  }
0x9a: {  	s0 =	simm.s32 @!p0 $0x1  }
0x9b: {  	_ =	swait.ge @!p0 [sflag:s0], s1  }
0x9c: {  	s1 =	ssub.s32 @!p0 $0x0, s1;
	[sflag:s0] =	ssyncset.done @!p0 $0x0  }
0x9d: {  	[sflag:s0] =	ssyncadd.s32 @!p0 s1  }
0x9e: {  	[bflag:$0x3] =	sbarrier.arrive $0xFFFF  }
0x9f: {  	_ =	shalt  }

// kernel: kernel.26.cloned.1.call-start
scs
__scs_entry_jumppad:
0x0: {  	(pc) =	sbr.rel $0x88, $3  }
0x1: {  	(tag) =	ssettag $0x0;
	lr =	simm.s32 $0x1  }
0x2: {  	[smem:$0x3F86] =	sst lr;
	_ =	strace $0xD0000000  }
0x3: {  	_ = 	snop  }
0x4: {  	_ = 	snop  }
0x5: {  	_ = 	snop  }
0x6: {  	_ = 	snop  }
0x7: {  	_ = 	snop  }
__scs_overlays_trampoline_lowered:
0x8: {  	[smem:$0x3F95] =	sst s0  }
0x9: {  	[smem:$0x3F96] =	sst s1  }
0xa: {  	[smem:$0x3F97] =	sst s2  }
0xb: {  	[smem:$0x3F98] =	sst s3  }
0xc: {  	[smem:$0x3F99] =	sst s4  }
0xd: {  	[smem:$0x3F9A] =	sst s5  }
0xe: {  	[smem:$0x3F9B] =	sst s6  }
0xf: {  	[smem:$0x3F9C] =	sst s7  }
0x10: {  	[smem:$0x3F9D] =	sst s8  }
0x11: {  	[smem:$0x3F9E] =	sst s9;
	s0 =	simm.s32 @!p0 $0x0  }
0x12: {  	s1 =	sld [smem:$0x3F84];
	s0 =	simm.s32 @p0 $0x1  }
0x13: {  	[smem:$0x3F9F] =	sst s0;
	s0 =	simm.s32 @!p1 $0x0  }
0x14: {  	s2 =	sld [smem:$0x3F83];
	s0 =	simm.s32 @p1 $0x1  }
0x15: {  	[smem:$0x3FA0] =	sst s0;
	s0 =	simm.s32 @!p2 $0x0  }
0x16: {  	s3 =	sld [smem:$0x3FDB];
	s0 =	simm.s32 @p2 $0x1  }
0x17: {  	s4 =	simm.s32 $0x1BF5;
	[smem:$0x3FA2] =	sst s0  }
0x18: {  	s0 =	sld [smem:$0x3F85];
	_ =	swait.ge [sflag:s4], $0x0  }
0x19: {  	s7 =	sld [smem:$0x3F86]  }
0x1a: {  	s8 =	sadd.s32 $0xFFFFE003, lr  }
0x1b: {  	s9 =	sadd.s32 $0xFFFFFEF7, lr;
	s5 =	simm.s32 $0xFFFFFFFF;
	p2 =	slt.u32 s8, $0xFFFFF086  }
0x1c: {  	p1 =	slt.u32 s9, $0xF7A;
	s5 =	simm.s32 @!p2 $0x0  }
0x1d: {  	s5 =	simm.s32 @p1 $0x1;
	p0 =	seq.s32 s7, s2  }
0x1e: {  	s7 =	smul.u32 @!p0 $0xF7A, s2;
	p2 =	seq.s32 @!p0 s5, $0x0  }
0x1f: {  	s9 =	smul.u32 $0xF7A, s1;
	s8 =	simm.s32 @!p0 $0x1BF5;
	p2 =	por !p2, p0  }
0x20: {  	[sflag:s8] =	ssyncset.s32 @!p0 $0xFFFFF086;
	s6 =	sadd.s32 @!p0 s3, s7;
	s7 =	simm.s32 @!p0 $0x108  }
0x21: {  	s3 =	sadd.s32 s3, s9;
	s6 =	sadd.s32 @!p0 $0x88, s6;
	s7 =	simm.s32 @p2 $0x1082  }
0x22: {  	[simem:s7], [sflag:s8] =	dma.local @!p0 [hbm:s6], $0xF7A  }
0x23: {  	s9 =	sor.u32 $0xD0000000, s2;
	s6 =	simm.s32 $0x108;
	_ =	swait.ge @!p0 [sflag:s8], $0x0  }
0x24: {  	s3 =	sadd.s32 $0x88, s3;
	s6 =	simm.s32 @!p1 $0x1082;
	[sflag:s4] =	ssyncset.s32 $0xFFFFF086  }
0x25: {  	[simem:s6], [sflag:s4] =	dma.local [hbm:s3], $0xF7A  }
0x26: {  	[smem:$0x3F86] =	sst s1;
	(tag) =	ssettag s2;
	_ =	strace s9  }
0x27: {  	s1 =	sld [smem:$0x3F96]  }
0x28: {  	s2 =	sld [smem:$0x3F97]  }
0x29: {  	s4 =	sld [smem:$0x3F99]  }
0x2a: {  	p0 =	seq.s32 s5, $0x0;
	s5 =	sld [smem:$0x3F9A]  }
0x2b: {  	s6 =	sld [smem:$0x3F9B]  }
0x2c: {  	s7 =	sld [smem:$0x3F9C]  }
0x2d: {  	s3 =	simm.s32 $0x108;
	s8 =	sld [smem:$0x3F9D]  }
0x2e: {  	s3 =	simm.s32 @!p0 $0x1082;
	s9 =	sld [smem:$0x3F9E]  }
0x2f: {  	lr =	sadd.s32 s0, s3;
	s0 =	sld [smem:$0x3F95]  }
0x30: {  	s3 =	sld [smem:$0x3F98]  }
0x31: {  	[smem:$0x3FA1] =	sst s10  }
0x32: {  	s10 =	sld [smem:$0x3F9F];
	_ =	sdelay $0x3  }
0x33: {  	p0 =	seq.s32 s10, $0x1;
	s10 =	sld [smem:$0x3FA1];
	_ =	sdelay $0x3  }
0x34: {  	[smem:$0x3FA1] =	sst s10  }
0x35: {  	s10 =	sld [smem:$0x3FA0];
	_ =	sdelay $0x3  }
0x36: {  	p1 =	seq.s32 s10, $0x1;
	s10 =	sld [smem:$0x3FA1];
	_ =	sdelay $0x3  }
0x37: {  	[smem:$0x3FA1] =	sst s10  }
0x38: {  	s10 =	sld [smem:$0x3FA2]  }
0x39: {  	_ = 	snop;
	(pc) =	sbr.ind lr, $3  }
0x3a: {  	_ = 	snop  }
0x3b: {  	_ = 	snop  }
0x3c: {  	p2 =	seq.s32 s10, $0x1;
	s10 =	sld [smem:$0x3FA1]  }
0x3d: {  	_ =	shalt  }
0x3e: {  	_ =	shalt  }
0x3f: {  	_ =	shalt  }
0x40: {  	_ =	shalt  }
0x41: {  	_ =	shalt  }
0x42: {  	_ =	shalt  }
0x43: {  	_ =	shalt  }
0x44: {  	_ =	shalt  }
0x45: {  	_ =	shalt  }
0x46: {  	_ =	shalt  }
0x47: {  	_ =	shalt  }
0x48: {  	_ =	shalt  }
0x49: {  	_ =	shalt  }
0x4a: {  	_ =	shalt  }
0x4b: {  	_ =	shalt  }
0x4c: {  	_ =	shalt  }
0x4d: {  	_ =	shalt  }
0x4e: {  	_ =	shalt  }
0x4f: {  	_ =	shalt  }
0x50: {  	_ =	shalt  }
0x51: {  	_ =	shalt  }
0x52: {  	_ =	shalt  }
0x53: {  	_ =	shalt  }
0x54: {  	_ =	shalt  }
0x55: {  	_ =	shalt  }
0x56: {  	_ =	shalt  }
0x57: {  	_ =	shalt  }
0x58: {  	_ =	shalt  }
0x59: {  	_ =	shalt  }
0x5a: {  	_ =	shalt  }
0x5b: {  	_ =	shalt  }
0x5c: {  	_ =	shalt  }
0x5d: {  	_ =	shalt  }
0x5e: {  	_ =	shalt  }
0x5f: {  	_ =	shalt  }
0x60: {  	_ =	shalt  }
0x61: {  	_ =	shalt  }
0x62: {  	_ =	shalt  }
0x63: {  	_ =	shalt  }
0x64: {  	_ =	shalt  }
0x65: {  	_ =	shalt  }
0x66: {  	_ =	shalt  }
0x67: {  	_ =	shalt  }
0x68: {  	_ =	shalt  }
0x69: {  	_ =	shalt  }
0x6a: {  	_ =	shalt  }
0x6b: {  	_ =	shalt  }
0x6c: {  	_ =	shalt  }
0x6d: {  	_ =	shalt  }
0x6e: {  	_ =	shalt  }
0x6f: {  	_ =	shalt  }
0x70: {  	_ =	shalt  }
0x71: {  	_ =	shalt  }
0x72: {  	_ =	shalt  }
0x73: {  	_ =	shalt  }
0x74: {  	_ =	shalt  }
0x75: {  	_ =	shalt  }
0x76: {  	_ =	shalt  }
0x77: {  	_ =	shalt  }
0x78: {  	_ =	shalt  }
0x79: {  	_ =	shalt  }
0x7a: {  	_ =	shalt  }
0x7b: {  	_ =	shalt  }
0x7c: {  	_ =	shalt  }
0x7d: {  	_ =	shalt  }
0x7e: {  	_ =	shalt  }
0x7f: {  	_ =	shalt  }
0x80: {  	_ =	shalt  }
0x81: {  	_ =	shalt  }
0x82: {  	_ =	shalt  }
0x83: {  	_ =	shalt  }
0x84: {  	_ =	shalt  }
0x85: {  	_ =	shalt  }
0x86: {  	_ =	shalt  }
0x87: {  	_ =	shalt  }
.Lfunc_end0:
.L_simem_size_0:
called_computation.3_lowered:
.L_overlay_start_0:
0x88: {  	s2 =	sld [smem:$0x3FD9]  }
0x89: {  	s3 =	sld [smem:$0x3FFE];
	_ =	sdelay $0x1  }
0x8a: {  	s1 =	srdreg.scid  }
0x8b: {  	s0 =	sand.u32 $0x1, s1  }
0x8c: {  	s17 =	sshll.u32 s0, $0xA;
	s2 =	sadd.s32 s3, s2  }
0x8d: {  	s2 =	sadd.s32 s2, s17  }
0x8e: {  	[smem:$0x3FAD] =	sst s2  }
0x8f: {  	_ = 	snop  }
0x90: {  	(tm) =	ssettm $0x1  }
0x91: {  	s18 =	sld [smem:$0x3FFB];
	_ =	sdelay $0x3  }
0x92: {  	_ =	strace s18  }
0x93: {  	s2 =	sld [smem:$0x3FFC];
	_ =	sdelay $0x3  }
0x94: {  	_ =	strace s2  }
0x95: {  	s2 =	sld [smem:$0x3FFD];
	_ =	sdelay $0x3  }
0x96: {  	_ =	strace s2  }
0x97: {  	_ =	strace $0x8FFFFFFF  }
0x98: {  	s19 =	sld [smem:$0x3FDB];
	_ =	sdelay $0x1  }
0x99: {  	s20 =	simm.s32 $_scs_section_size  }
0x9a: {  	s4 =	simm.s32 $_size__tile_overlayer_lowered;
	s5 =	simm.s32 $_tile_overlayer_lowered  }
0x9b: {  	s6 =	simm.s32 $0x1BFF;
	s21 =	sshll.u32 s5, $0x1;
	s3 =	sadd.s32 s20, s19  }
0x9c: {  	s22 =	simm.s32 $0x0;
	s4 =	sshll.u32 s4, $0x1;
	s5 =	sadd.s32 s21, s3  }
0x9d: {  	[timem:s22], [sflag:s6] =	dma.local [hbm:s5], s4  }
0x9e: {  	_ =	swait.ge [sflag:s6], s4  }
0x9f: {  	s4 =	ssub.s32 $0x0, s4;
	[sflag:s6] =	ssyncset.done $0x0  }
0xa0: {  	[sflag:s6] =	ssyncadd.s32 s4;
	_ =	sdelay $0x1  }
0xa1: {  	s23 =	simm.s32 $0x1B8B  }
0xa2: {  	_ =	swait.ge [sflag:s23], $0x1  }
0xa3: {  	[sflag:s23] =	ssyncset.done $0x0  }
0xa4: {  	[sflag:s23] =	ssyncadd.s32 $0xFFFFFFFF  }
0xa5: {  	s4 =	sld [smem:$0x0]  }
0xa6: {  	s5 =	sand.u32 $0xFFFFFFFE, s1  }
0xa7: {  	p0 =	sne.s32 s1, s5  }
0xa8: {  	s5 =	sshll.u32 @p0 s5, $0xE  }
0xa9: {  	s5 =	sadd.s32 @p0 $0x11B8D, s5;
	s6 =	sshll.u32 @p0 s4, $0x11  }
0xaa: {  	s5 =	sor.u32 @p0 s6, s5  }
0xab: {  	[sflag:s5] =	ssyncadd.remote.s32 @p0 $0x1;
	_ =	sdelay $0x1  }
0xac: {  	s5 =	simm.s32 @p0 $0x1B8D  }
0xad: {  	_ =	swait.eq @p0 [sflag:s5], $0x1  }
0xae: {  	[sflag:s5] =	ssyncadd.s32 @p0 $0xFFFFFFFF  }
0xaf: {  	s6 =	sshll.u32 @!p0 s1, $0xE  }
0xb0: {  	s6 =	sor.u32 @!p0 $0x4000, s6;
	s5 =	simm.s32 @!p0 $0x1B8D  }
0xb1: {  	s4 =	sshll.u32 @!p0 s4, $0x11;
	s6 =	sadd.s32 @!p0 $0x11B8D, s6;
	_ =	swait.eq @!p0 [sflag:s5], $0x1  }
0xb2: {  	s4 =	sor.u32 @!p0 s4, s6;
	[sflag:s5] =	ssyncadd.s32 @!p0 $0xFFFFFFFF  }
0xb3: {  	s25 =	simm.s32 $0x1B8E;
	s24 =	sld [smem:$0x3FFE];
	[sflag:s4] =	ssyncadd.remote.s32 @!p0 $0x1  }
0xb4: {  	s26 =	simm.s32 $execute0_lowered;
	[smem:$0x3FD2] =	sst s25  }
0xb5: {  	s5 =	sshll.u32 s26, $0x1;
	_ =	strace $0x8000006C;
	[dreg:$0x1] =	wrdreg $0xFFFFFFFF  }
0xb6: {  	s28 =	simm.s32 $_size_execute0_lowered;
	s3 =	sadd.s32 s3, s5;
	[dreg:$0x0] =	wrdreg $0x0  }
0xb7: {  	s5 =	sshll.u32 s28, $0x1;
	[dreg:$0x2] =	wrdreg s3  }
0xb8: {  	[dreg:$0x3] =	wrdreg s5  }
0xb9: {  	[dreg:$0x4] =	wrdreg $0xC0  }
0xba: {  	_ =	task [dreg:s22], $0x5FFFF  }
0xbb: {  	[dreg:$0x1] =	wrdreg $0xFFFFFFFF  }
0xbc: {  	[dreg:$0x0] =	wrdreg $0x60  }
0xbd: {  	[dreg:$0x2] =	wrdreg s24  }
0xbe: {  	[dreg:$0x3] =	wrdreg $0xA  }
0xbf: {  	_ =	task.clear_ibuf [dreg:s22], $0x4FFFF;
	_ =	strace $0x9000006C  }
0xc0: {  	s29 =	simm.s32 $0xA;
	_ =	strace $0x80000075  }
0xc1: {  	_ =	swait.ge [sflag:s29], $0x1  }
0xc2: {  	[sflag:s29] =	ssyncadd.s32 $0xFFFFFFFF  }
0xc3: {  	_ =	strace $0x90000075  }
0xc4: {  	_ =	sfence  }
0xc5: {  	s30 =	sld [smem:$0x0];
	_ =	sdelay $0x2  }
0xc6: {  	s31 =	sshll.u32 s1, $0xD;
	s1 =	sshrl.u32 s1, $0x2  }
0xc7: {  	s4 =	sand.u32 $0x4000, s31;
	s1 =	sadd.s32 s1, s30  }
0xc8: {  	s0 =	sor.u32 s4, s0;
	s1 =	sshll.u32 s1, $0x11  }
0xc9: {  	s0 =	sor.u32 s1, s0  }
0xca: {  	s0 =	sadd.s32 $0x8F2B, s0  }
0xcb: {  	[sflag:s0] =	ssyncadd.remote.s32 $0x1  }
0xcc: {  	_ =	sfence.sel $0xFFFF  }
0xcd: {  	[dreg:$0x0] =	wrdreg $0xFFFFFFFF;
	(pc) =	sbr.abs _section_cstart, $3  }
0xce: {  	[dreg:$0x1] =	wrdreg $0xFFFFFFFF  }
0xcf: {  	_ =	task.clear_ibuf [dreg:s22], $0x2FFFF;
	_ =	strace $0x9FFFFFFF  }
0xd0: {  	(tm) =	ssettm $0x7FFFFFFF  }
0xd1: {  	_ =	shalt  }
tec
execute0_lowered:
.L_overlay_start_1:
0x0: {  	(tag) =	ssettag $0x1  }
0x1: {  	s5 =	rddreg [dreg:$0x0]  }
0x2: {  	s0 =	rddreg [dreg:$0x1];
	s1 =	simm.s32 $0x0  }
0x3: {  	s2 =	srdreg.scid;
	s9 =	simm.s32 $0x4;
	s10 =	simm.s32 $0x0  }
0x4: {  	[smem:$0x7FF] =	sst s1;
	s3 =	sadd.s32 $0xC6C00, s5;
	s4 =	sadd.s32 $0x166C00, s5  }
0x5: {  	s6 =	sand.u32 $0x1, s2;
	s2 =	stileid.u32;
	s5 =	sadd.s32 $0x368C00, s5  }
0x6: {  	_ =	strace $0x8000006D;
	s7 =	ssub.s32 $0x2, s6;
	s6 =	sshll.u32 s6, $0x4  }
0x7: {  	v2 =	vlaneseq.u32;
	[dreg:$0x2] =	wrdreg s5;
	s8 =	sshrl.u32 s7, $0x1;
	s6 =	sor.u32 s2, s6  }
0x8: {  	vm0 =	vmmov $0xffff;
	v1 =	vshrl.u32 v2, $0x3;
	s7 =	ssub.s32 s7, s8;
	s31 =	sshll.u32 s6, $0x8;
	s5 =	sshll.u32 s6, $0x4  }
0x9: {  	v0 =	vand.u32 $0x7, v2;
	v2 =	vor.u32 $0x8, v2;
	v1 =	vmul.u32 $0x8, v1;
	s8 =	simm.s32 $0x5;
	s6 =	sadd.s32 s4, s31;
	s7 =	smax.u32 s7, $0x1  }
.LBB2_1:
0xa: {  	_ =	strace $0x8000006E;
	s11 =	simm.s32 $0x10  }
0xb: {  	s12 =	simm.s32 $0x0;
	s13 =	simm.s32 $0x0;
	s14 =	simm.s32 $0x0  }
0xc: {  	[tilespmem:s1], [sflag:$0x1] =	stream.linear.gather [hbm4b:s6+s1], $0x80, $0x200038;
	[tilespmem:$0x10100] =	vst v63  }
0xd: {  	s15 =	simm.s32 $0x0;
	s16 =	simm.s32 $0x1;
	_ =	strace $0x9000006E  }
.LBB2_2:
0xe: {  	s17 =	smov.u32 s12;
	s12 =	sadd.s32 $0x1, s12  }
0xf: {  	p0 =	seq.s32 s12, $0x10  }
0x10: {  	s12 =	simm.s32 @p0 $0x0  }
0x11: {  	p6 =	sne.s32 s11, $0x1;
	p1 =	sne.s32 s17, s12  }
0x12: {  	p0 =	por !p6, !p1  }
0x13: {  	p0 =	por !p0, !p0  }
0x14: {  	s18 =	sadd.s32 @p0 s5, s12  }
0x15: {  	s19 =	sand.u32 @p0 $0x1, s16;
	s18 =	sshll.u32 @p0 s18, $0x4  }
0x16: {  	_ =	strace @p0 $0x8000006F;
	s21 =	simm.s32 @p0 $0x0;
	s18 =	sand.u32 @p0 $0x1FFFFFF0, s18  }
0x17: {  	s20 =	sshll.u32 @p0 s19, $0x7;
	s19 =	sadd.s32 @p0 $0x1, s19;
	s18 =	sadd.s32 @p0 s4, s18  }
0x18: {  	[tilespmem:s20], [sflag:s19] =	stream.linear.gather @p0 [hbm4b:s18+s21], $0x80, $0x200038;
	[tilespmem:$0x10100] =	vst v63  }
0x19: {  	s24 =	sand.u32 $0x1, s15;
	_ =	strace @p0 $0x9000006F  }
0x1a: {  	s18 =	sadd.s32 $0x1, s24;
	_ =	strace $0x80000070  }
0x1b: {  	_ =	swait.ge [sflag:s18], $0x80  }
0x1c: {  	[sflag:s18] =	ssyncset.done $0x0  }
0x1d: {  	[sflag:s18] =	ssyncadd.s32 $0xFFFFFF80  }
0x1e: {  	s25 =	sshll.u32 s15, $0x7;
	_ =	strace $0x90000070  }
0x1f: {  	s21 =	sand.u32 $0x80, s25;
	_ =	strace $0x80000071  }
0x20: {  	v3 =	vld [tilespmem:s21+$0x0];
	_ =	sdelay $0x4  }
0x21: {  	v4 =	vshll.u32 v3, $0x1  }
0x22: {  	v3 =	vand.u32 $0x7, v3;
	v4 =	vand.u32 $0xFFFFFFF0, v4  }
0x23: {  	v3 =	vor.u32 v3, v4  }
0x24: {  	v4 =	vperm.xlane v3, v0;
	_ =	sdelay $0x1  }
0x25: {  	v3 =	vperm.xlane v3, v2;
	v4 =	vadd.s32 v1, v4;
	_ =	sdelay $0x1  }
0x26: {  	s18 =	sand.u32 $0x1, s14;
	v3 =	vadd.s32 v1, v3  }
0x27: {  	s20 =	sshll.u32 s18, $0xF  }
0x28: {  	s19 =	sor.u32 $0x100, s20  }
0x29: {  	[tilespmem:s19], [sflag:$0x5] =	stream.indirect_vreg.gather [hbm4b:s3+s1], $0x80, v4, vm0, $0x2000b8;
	[tilespmem:$0x10100] =	vst v63  }
0x2a: {  	s22 =	sor.u32 $0x900, s20  }
0x2b: {  	[tilespmem:s22], [sflag:$0x5] =	stream.indirect_vreg.gather [hbm4b:s3+s1], $0x80, v3, vm0, $0x2000b8;
	[tilespmem:$0x10100] =	vst v63  }
0x2c: {  	v3 =	vld [tilespmem:s21+$0x10];
	_ =	sdelay $0x4  }
0x2d: {  	v57 =	vshll.u32 v3, $0x1  }
0x2e: {  	v3 =	vand.u32 $0x7, v3;
	v4 =	vand.u32 $0xFFFFFFF0, v57  }
0x2f: {  	v3 =	vor.u32 v3, v4  }
0x30: {  	v4 =	vperm.xlane v3, v0;
	_ =	sdelay $0x1  }
0x31: {  	v3 =	vperm.xlane v3, v2;
	v4 =	vadd.s32 v1, v4;
	_ =	sdelay $0x1  }
0x32: {  	v3 =	vadd.s32 v1, v3;
	_ =	sdelay $0x1  }
0x33: {  	s26 =	sor.u32 $0x1100, s20  }
0x34: {  	[tilespmem:s26], [sflag:$0x5] =	stream.indirect_vreg.gather [hbm4b:s3+s1], $0x80, v4, vm0, $0x2000b8;
	[tilespmem:$0x10100] =	vst v63  }
0x35: {  	s28 =	sor.u32 $0x1900, s20  }
0x36: {  	[tilespmem:s28], [sflag:$0x5] =	stream.indirect_vreg.gather [hbm4b:s3+s1], $0x80, v3, vm0, $0x2000b8;
	[tilespmem:$0x10100] =	vst v63  }
0x37: {  	v3 =	vld [tilespmem:s21+$0x20];
	_ =	sdelay $0x4  }
0x38: {  	v58 =	vshll.u32 v3, $0x1  }
0x39: {  	v3 =	vand.u32 $0x7, v3;
	v4 =	vand.u32 $0xFFFFFFF0, v58  }
0x3a: {  	v3 =	vor.u32 v3, v4  }
0x3b: {  	v4 =	vperm.xlane v3, v0;
	_ =	sdelay $0x1  }
0x3c: {  	v3 =	vperm.xlane v3, v2;
	v4 =	vadd.s32 v1, v4;
	_ =	sdelay $0x1  }
0x3d: {  	v3 =	vadd.s32 v1, v3;
	_ =	sdelay $0x1  }
0x3e: {  	s29 =	sor.u32 $0x2100, s20  }
0x3f: {  	[tilespmem:s29], [sflag:$0x5] =	stream.indirect_vreg.gather [hbm4b:s3+s1], $0x80, v4, vm0, $0x2000b8;
	[tilespmem:$0x10100] =	vst v63  }
0x40: {  	s30 =	sor.u32 $0x2900, s20  }
0x41: {  	[tilespmem:s30], [sflag:$0x5] =	stream.indirect_vreg.gather [hbm4b:s3+s1], $0x80, v3, vm0, $0x2000b8;
	[tilespmem:$0x10100] =	vst v63  }
0x42: {  	v3 =	vld [tilespmem:s21+$0x30];
	_ =	sdelay $0x4  }
0x43: {  	v59 =	vshll.u32 v3, $0x1  }
0x44: {  	v3 =	vand.u32 $0x7, v3;
	v4 =	vand.u32 $0xFFFFFFF0, v59  }
0x45: {  	v3 =	vor.u32 v3, v4  }
0x46: {  	v4 =	vperm.xlane v3, v0;
	_ =	sdelay $0x1  }
0x47: {  	v3 =	vperm.xlane v3, v2;
	v4 =	vadd.s32 v1, v4;
	_ =	sdelay $0x1  }
0x48: {  	v3 =	vadd.s32 v1, v3;
	_ =	sdelay $0x1  }
0x49: {  	s31 =	sor.u32 $0x3100, s20  }
0x4a: {  	[tilespmem:s31], [sflag:$0x5] =	stream.indirect_vreg.gather [hbm4b:s3+s1], $0x80, v4, vm0, $0x2000b8;
	[tilespmem:$0x10100] =	vst v63  }
0x4b: {  	s23 =	sor.u32 $0x3900, s20  }
0x4c: {  	[tilespmem:s23], [sflag:$0x5] =	stream.indirect_vreg.gather [hbm4b:s3+s1], $0x80, v3, vm0, $0x2000b8;
	[tilespmem:$0x10100] =	vst v63  }
0x4d: {  	v3 =	vld [tilespmem:s21+$0x40];
	_ =	sdelay $0x4  }
0x4e: {  	v60 =	vshll.u32 v3, $0x1  }
0x4f: {  	v3 =	vand.u32 $0x7, v3;
	v4 =	vand.u32 $0xFFFFFFF0, v60  }
0x50: {  	v3 =	vor.u32 v3, v4  }
0x51: {  	v4 =	vperm.xlane v3, v0;
	_ =	sdelay $0x1  }
0x52: {  	v3 =	vperm.xlane v3, v2;
	v4 =	vadd.s32 v1, v4;
	_ =	sdelay $0x1  }
0x53: {  	v3 =	vadd.s32 v1, v3;
	_ =	sdelay $0x1  }
0x54: {  	s24 =	sor.u32 $0x4100, s20  }
0x55: {  	[tilespmem:s24], [sflag:$0x5] =	stream.indirect_vreg.gather [hbm4b:s3+s1], $0x80, v4, vm0, $0x2000b8;
	[tilespmem:$0x10100] =	vst v63  }
0x56: {  	s25 =	sor.u32 $0x4900, s20  }
0x57: {  	[tilespmem:s25], [sflag:$0x5] =	stream.indirect_vreg.gather [hbm4b:s3+s1], $0x80, v3, vm0, $0x2000b8;
	[tilespmem:$0x10100] =	vst v63  }
0x58: {  	v3 =	vld [tilespmem:s21+$0x50];
	_ =	sdelay $0x4  }
0x59: {  	v61 =	vshll.u32 v3, $0x1  }
0x5a: {  	v3 =	vand.u32 $0x7, v3;
	v4 =	vand.u32 $0xFFFFFFF0, v61  }
0x5b: {  	v3 =	vor.u32 v3, v4  }
0x5c: {  	v4 =	vperm.xlane v3, v0;
	_ =	sdelay $0x1  }
0x5d: {  	v3 =	vperm.xlane v3, v2;
	v4 =	vadd.s32 v1, v4;
	_ =	sdelay $0x1  }
0x5e: {  	v3 =	vadd.s32 v1, v3;
	_ =	sdelay $0x1  }
0x5f: {  	s26 =	sor.u32 $0x5100, s20  }
0x60: {  	[tilespmem:s26], [sflag:$0x5] =	stream.indirect_vreg.gather [hbm4b:s3+s1], $0x80, v4, vm0, $0x2000b8;
	[tilespmem:$0x10100] =	vst v63  }
0x61: {  	s28 =	sor.u32 $0x5900, s20  }
0x62: {  	[tilespmem:s28], [sflag:$0x5] =	stream.indirect_vreg.gather [hbm4b:s3+s1], $0x80, v3, vm0, $0x2000b8;
	[tilespmem:$0x10100] =	vst v63  }
0x63: {  	v3 =	vld [tilespmem:s21+$0x60];
	_ =	sdelay $0x4  }
0x64: {  	v62 =	vshll.u32 v3, $0x1  }
0x65: {  	v3 =	vand.u32 $0x7, v3;
	v4 =	vand.u32 $0xFFFFFFF0, v62  }
0x66: {  	v3 =	vor.u32 v3, v4  }
0x67: {  	v4 =	vperm.xlane v3, v0;
	_ =	sdelay $0x1  }
0x68: {  	v3 =	vperm.xlane v3, v2;
	v4 =	vadd.s32 v1, v4;
	_ =	sdelay $0x1  }
0x69: {  	v3 =	vadd.s32 v1, v3;
	_ =	sdelay $0x1  }
0x6a: {  	s29 =	sor.u32 $0x6100, s20  }
0x6b: {  	[tilespmem:s29], [sflag:$0x5] =	stream.indirect_vreg.gather [hbm4b:s3+s1], $0x80, v4, vm0, $0x2000b8;
	[tilespmem:$0x10100] =	vst v63  }
0x6c: {  	s30 =	sor.u32 $0x6900, s20  }
0x6d: {  	[tilespmem:s30], [sflag:$0x5] =	stream.indirect_vreg.gather [hbm4b:s3+s1], $0x80, v3, vm0, $0x2000b8;
	[tilespmem:$0x10100] =	vst v63  }
0x6e: {  	v3 =	vld [tilespmem:s21+$0x70];
	_ =	sdelay $0x4  }
0x6f: {  	v63 =	vshll.u32 v3, $0x1  }
0x70: {  	v3 =	vand.u32 $0x7, v3;
	v4 =	vand.u32 $0xFFFFFFF0, v63  }
0x71: {  	v3 =	vor.u32 v3, v4  }
0x72: {  	v4 =	vperm.xlane v3, v0;
	_ =	sdelay $0x1  }
0x73: {  	v3 =	vperm.xlane v3, v2;
	v4 =	vadd.s32 v1, v4;
	_ =	sdelay $0x1  }
0x74: {  	v3 =	vadd.s32 v1, v3;
	_ =	sdelay $0x1  }
0x75: {  	s31 =	sor.u32 $0x7100, s20  }
0x76: {  	[tilespmem:s31], [sflag:$0x5] =	stream.indirect_vreg.gather [hbm4b:s3+s1], $0x80, v4, vm0, $0x2000b8;
	[tilespmem:$0x10100] =	vst v63  }
0x77: {  	s20 =	sor.u32 $0x7900, s20  }
0x78: {  	[tilespmem:s20], [sflag:$0x5] =	stream.indirect_vreg.gather [hbm4b:s3+s1], $0x80, v3, vm0, $0x2000b8;
	[tilespmem:$0x10100] =	vst v63  }
0x79: {  	_ =	swait.ge [sflag:s8], $0x8000  }
0x7a: {  	p2 =	seq.s32 s11, $0x1;
	[sflag:s8] =	ssyncset.done $0x0  }
0x7b: {  	s17 =	sadd.s32 s5, s17;
	p1 =	por p2, p1;
	[sflag:s8] =	ssyncadd.s32 $0xFFFF8000  }
0x7c: {  	s17 =	sshll.u32 @p1 s17, $0xC;
	_ =	strace $0x90000071  }
0x7d: {  	s17 =	sand.u32 @p1 $0x1FFFF000, s17;
	s21 =	simm.s32 $0x1;
	_ =	strace @p1 $0x80000072  }
0x7e: {  	s18 =	sadd.s32 @p1 $0x3, s18;
	s21 =	simm.s32 @!p0 $0x0;
	s20 =	rddreg [dreg:$0x2]  }
0x7f: {  	p0 =	seq.s32 s11, $0x10;
	s17 =	sadd.s32 @p1 s20, s17;
	s20 =	simm.s32 @p1 $0x0  }
0x80: {  	[hbm4b:s17+s20] =	stream.linear.scatter @p1 [tilespmem:s19], [sflag:s18], $0x8000, $0x200038;
	[tilespmem:$0x10100] =	vst v63  }
0x81: {  	s17 =	simm.s32 $0x1;
	s19 =	simm.s32 $0x1;
	_ =	strace @p1 $0x90000072  }
0x82: {  	s17 =	simm.s32 @!p1 $0x0;
	p1 =	sne.s32 s11, $0x10;
	s11 =	sadd.s32 $0xFFFFFFFF, s11  }
0x83: {  	s18 =	sand.u32 @!p0 $0x1, s13;
	s19 =	simm.s32 @!p1 $0x0;
	p1 =	sne.s32 s11, $0x0  }
.Ltmp0:
0x84: {  	s18 =	sadd.s32 @!p0 $0x3, s18;
	_ =	strace @!p0 $0x80000073;
	(pc) =	sbr.rel @p1 .LBB2_2-.Ltmp0, $4  }
0x85: {  	_ =	swait.ge @!p0 [sflag:s18], $0x8000  }
0x86: {  	[sflag:s18] =	ssyncset.done @!p0 $0x0  }
0x87: {  	s16 =	sadd.s32 s21, s16;
	s14 =	sadd.s32 s17, s14;
	[sflag:s18] =	ssyncadd.s32 @!p0 $0xFFFF8000  }
0x88: {  	s15 =	sadd.s32 s17, s15;
	s13 =	sadd.s32 s19, s13;
	_ =	strace @!p0 $0x90000073  }
0x89: {  	s10 =	sadd.s32 $0x1, s10  }
0x8a: {  	p0 =	sne.s32 s10, s7  }
.Ltmp1:
0x8b: {  	_ =	strace $0x80000074;
	(pc) =	sbr.rel @p0 .LBB2_1-.Ltmp1, $4  }
0x8c: {  	_ =	swait.ge [sflag:s9], $0x8000  }
0x8d: {  	[sflag:s9] =	ssyncset.done $0x0  }
0x8e: {  	[sflag:s9] =	ssyncadd.s32 $0xFFFF8000  }
0x8f: {  	_ =	strace $0x90000074  }
0x90: {  	_ =	sfence.sel $0x180000  }
0x91: {  	[bflag:$0x0] =	sbarrier.arrive $0xFFFF  }
0x92: {  	p0 =	sne.s32 s2, $0x0;
	_ =	strace $0x9000006D  }
0x93: {  	s0 =	sadd.s32 @!p0 $0x100000, s0;
	[bflag:$0x2] =	sbarrier.arrive $0xFFFF  }
0x94: {  	[sflag:s0] =	ssyncadd.tile.s32 @!p0 $0x1;
	_ =	shalt  }
.Lfunc_end2:
_tile_overlayer_lowered:
.L_overlay_start_2:
0x95: {  	(tag) =	ssettag $0x2  }
0x96: {  	s0 =	rddreg [dreg:$0x0];
	s2 =	stileid.u32  }
0x97: {  	s1 =	rddreg [dreg:$0x1];
	p0 =	sne.s32 s2, $0x0  }
0x98: {  	s3 =	rddreg [dreg:$0x2];
	[bflag:$0x3] =	sbarrier.arrive $0xFFFF;
	s2 =	simm.s32 @!p0 $0x1C01  }
0x99: {  	[timem:s3], [sflag:s2] =	dma.local @!p0 [hbm:s0], s1  }
0x9a: {  	s0 =	simm.s32 @!p0 $0x1  }
0x9b: {  	_ =	swait.ge @!p0 [sflag:s0], s1  }
0x9c: {  	s1 =	ssub.s32 @!p0 $0x0, s1;
	[sflag:s0] =	ssyncset.done @!p0 $0x0  }
0x9d: {  	[sflag:s0] =	ssyncadd.s32 @!p0 s1  }
0x9e: {  	[bflag:$0x3] =	sbarrier.arrive $0xFFFF  }
0x9f: {  	_ =	shalt  }

// kernel: kernel.29.cloned.1.call-start
scs
__scs_entry_jumppad:
0x0: {  	(pc) =	sbr.rel $0x88, $3  }
0x1: {  	(tag) =	ssettag $0x0;
	lr =	simm.s32 $0x1  }
0x2: {  	[smem:$0x3F86] =	sst lr;
	_ =	strace $0xD0000000  }
0x3: {  	_ = 	snop  }
0x4: {  	_ = 	snop  }
0x5: {  	_ = 	snop  }
0x6: {  	_ = 	snop  }
0x7: {  	_ = 	snop  }
__scs_overlays_trampoline_lowered:
0x8: {  	[smem:$0x3F95] =	sst s0  }
0x9: {  	[smem:$0x3F96] =	sst s1  }
0xa: {  	[smem:$0x3F97] =	sst s2  }
0xb: {  	[smem:$0x3F98] =	sst s3  }
0xc: {  	[smem:$0x3F99] =	sst s4  }
0xd: {  	[smem:$0x3F9A] =	sst s5  }
0xe: {  	[smem:$0x3F9B] =	sst s6  }
0xf: {  	[smem:$0x3F9C] =	sst s7  }
0x10: {  	[smem:$0x3F9D] =	sst s8  }
0x11: {  	[smem:$0x3F9E] =	sst s9;
	s0 =	simm.s32 @!p0 $0x0  }
0x12: {  	s1 =	sld [smem:$0x3F84];
	s0 =	simm.s32 @p0 $0x1  }
0x13: {  	[smem:$0x3F9F] =	sst s0;
	s0 =	simm.s32 @!p1 $0x0  }
0x14: {  	s2 =	sld [smem:$0x3F83];
	s0 =	simm.s32 @p1 $0x1  }
0x15: {  	[smem:$0x3FA0] =	sst s0;
	s0 =	simm.s32 @!p2 $0x0  }
0x16: {  	s3 =	sld [smem:$0x3FDB];
	s0 =	simm.s32 @p2 $0x1  }
0x17: {  	s4 =	simm.s32 $0x1BF5;
	[smem:$0x3FA2] =	sst s0  }
0x18: {  	s0 =	sld [smem:$0x3F85];
	_ =	swait.ge [sflag:s4], $0x0  }
0x19: {  	s7 =	sld [smem:$0x3F86]  }
0x1a: {  	s8 =	sadd.s32 $0xFFFFE003, lr  }
0x1b: {  	s9 =	sadd.s32 $0xFFFFFEF7, lr;
	s5 =	simm.s32 $0xFFFFFFFF;
	p2 =	slt.u32 s8, $0xFFFFF086  }
0x1c: {  	p1 =	slt.u32 s9, $0xF7A;
	s5 =	simm.s32 @!p2 $0x0  }
0x1d: {  	s5 =	simm.s32 @p1 $0x1;
	p0 =	seq.s32 s7, s2  }
0x1e: {  	s7 =	smul.u32 @!p0 $0xF7A, s2;
	p2 =	seq.s32 @!p0 s5, $0x0  }
0x1f: {  	s9 =	smul.u32 $0xF7A, s1;
	s8 =	simm.s32 @!p0 $0x1BF5;
	p2 =	por !p2, p0  }
0x20: {  	[sflag:s8] =	ssyncset.s32 @!p0 $0xFFFFF086;
	s6 =	sadd.s32 @!p0 s3, s7;
	s7 =	simm.s32 @!p0 $0x108  }
0x21: {  	s3 =	sadd.s32 s3, s9;
	s6 =	sadd.s32 @!p0 $0x88, s6;
	s7 =	simm.s32 @p2 $0x1082  }
0x22: {  	[simem:s7], [sflag:s8] =	dma.local @!p0 [hbm:s6], $0xF7A  }
0x23: {  	s9 =	sor.u32 $0xD0000000, s2;
	s6 =	simm.s32 $0x108;
	_ =	swait.ge @!p0 [sflag:s8], $0x0  }
0x24: {  	s3 =	sadd.s32 $0x88, s3;
	s6 =	simm.s32 @!p1 $0x1082;
	[sflag:s4] =	ssyncset.s32 $0xFFFFF086  }
0x25: {  	[simem:s6], [sflag:s4] =	dma.local [hbm:s3], $0xF7A  }
0x26: {  	[smem:$0x3F86] =	sst s1;
	(tag) =	ssettag s2;
	_ =	strace s9  }
0x27: {  	s1 =	sld [smem:$0x3F96]  }
0x28: {  	s2 =	sld [smem:$0x3F97]  }
0x29: {  	s4 =	sld [smem:$0x3F99]  }
0x2a: {  	p0 =	seq.s32 s5, $0x0;
	s5 =	sld [smem:$0x3F9A]  }
0x2b: {  	s6 =	sld [smem:$0x3F9B]  }
0x2c: {  	s7 =	sld [smem:$0x3F9C]  }
0x2d: {  	s3 =	simm.s32 $0x108;
	s8 =	sld [smem:$0x3F9D]  }
0x2e: {  	s3 =	simm.s32 @!p0 $0x1082;
	s9 =	sld [smem:$0x3F9E]  }
0x2f: {  	lr =	sadd.s32 s0, s3;
	s0 =	sld [smem:$0x3F95]  }
0x30: {  	s3 =	sld [smem:$0x3F98]  }
0x31: {  	[smem:$0x3FA1] =	sst s10  }
0x32: {  	s10 =	sld [smem:$0x3F9F];
	_ =	sdelay $0x3  }
0x33: {  	p0 =	seq.s32 s10, $0x1;
	s10 =	sld [smem:$0x3FA1];
	_ =	sdelay $0x3  }
0x34: {  	[smem:$0x3FA1] =	sst s10  }
0x35: {  	s10 =	sld [smem:$0x3FA0];
	_ =	sdelay $0x3  }
0x36: {  	p1 =	seq.s32 s10, $0x1;
	s10 =	sld [smem:$0x3FA1];
	_ =	sdelay $0x3  }
0x37: {  	[smem:$0x3FA1] =	sst s10  }
0x38: {  	s10 =	sld [smem:$0x3FA2]  }
0x39: {  	_ = 	snop;
	(pc) =	sbr.ind lr, $3  }
0x3a: {  	_ = 	snop  }
0x3b: {  	_ = 	snop  }
0x3c: {  	p2 =	seq.s32 s10, $0x1;
	s10 =	sld [smem:$0x3FA1]  }
0x3d: {  	_ =	shalt  }
0x3e: {  	_ =	shalt  }
0x3f: {  	_ =	shalt  }
0x40: {  	_ =	shalt  }
0x41: {  	_ =	shalt  }
0x42: {  	_ =	shalt  }
0x43: {  	_ =	shalt  }
0x44: {  	_ =	shalt  }
0x45: {  	_ =	shalt  }
0x46: {  	_ =	shalt  }
0x47: {  	_ =	shalt  }
0x48: {  	_ =	shalt  }
0x49: {  	_ =	shalt  }
0x4a: {  	_ =	shalt  }
0x4b: {  	_ =	shalt  }
0x4c: {  	_ =	shalt  }
0x4d: {  	_ =	shalt  }
0x4e: {  	_ =	shalt  }
0x4f: {  	_ =	shalt  }
0x50: {  	_ =	shalt  }
0x51: {  	_ =	shalt  }
0x52: {  	_ =	shalt  }
0x53: {  	_ =	shalt  }
0x54: {  	_ =	shalt  }
0x55: {  	_ =	shalt  }
0x56: {  	_ =	shalt  }
0x57: {  	_ =	shalt  }
0x58: {  	_ =	shalt  }
0x59: {  	_ =	shalt  }
0x5a: {  	_ =	shalt  }
0x5b: {  	_ =	shalt  }
0x5c: {  	_ =	shalt  }
0x5d: {  	_ =	shalt  }
0x5e: {  	_ =	shalt  }
0x5f: {  	_ =	shalt  }
0x60: {  	_ =	shalt  }
0x61: {  	_ =	shalt  }
0x62: {  	_ =	shalt  }
0x63: {  	_ =	shalt  }
0x64: {  	_ =	shalt  }
0x65: {  	_ =	shalt  }
0x66: {  	_ =	shalt  }
0x67: {  	_ =	shalt  }
0x68: {  	_ =	shalt  }
0x69: {  	_ =	shalt  }
0x6a: {  	_ =	shalt  }
0x6b: {  	_ =	shalt  }
0x6c: {  	_ =	shalt  }
0x6d: {  	_ =	shalt  }
0x6e: {  	_ =	shalt  }
0x6f: {  	_ =	shalt  }
0x70: {  	_ =	shalt  }
0x71: {  	_ =	shalt  }
0x72: {  	_ =	shalt  }
0x73: {  	_ =	shalt  }
0x74: {  	_ =	shalt  }
0x75: {  	_ =	shalt  }
0x76: {  	_ =	shalt  }
0x77: {  	_ =	shalt  }
0x78: {  	_ =	shalt  }
0x79: {  	_ =	shalt  }
0x7a: {  	_ =	shalt  }
0x7b: {  	_ =	shalt  }
0x7c: {  	_ =	shalt  }
0x7d: {  	_ =	shalt  }
0x7e: {  	_ =	shalt  }
0x7f: {  	_ =	shalt  }
0x80: {  	_ =	shalt  }
0x81: {  	_ =	shalt  }
0x82: {  	_ =	shalt  }
0x83: {  	_ =	shalt  }
0x84: {  	_ =	shalt  }
0x85: {  	_ =	shalt  }
0x86: {  	_ =	shalt  }
0x87: {  	_ =	shalt  }
.Lfunc_end0:
.L_simem_size_0:
called_computation.4_lowered:
.L_overlay_start_0:
0x88: {  	s2 =	sld [smem:$0x3FD9]  }
0x89: {  	s3 =	sld [smem:$0x3FFE];
	_ =	sdelay $0x1  }
0x8a: {  	s1 =	srdreg.scid  }
0x8b: {  	s0 =	sand.u32 $0x1, s1  }
0x8c: {  	s16 =	sshll.u32 s0, $0xA;
	s2 =	sadd.s32 s3, s2  }
0x8d: {  	s2 =	sadd.s32 s2, s16  }
0x8e: {  	[smem:$0x3FAD] =	sst s2  }
0x8f: {  	_ = 	snop  }
0x90: {  	(tm) =	ssettm $0x1  }
0x91: {  	s17 =	sld [smem:$0x3FFB];
	_ =	sdelay $0x3  }
0x92: {  	_ =	strace s17  }
0x93: {  	s2 =	sld [smem:$0x3FFC];
	_ =	sdelay $0x3  }
0x94: {  	_ =	strace s2  }
0x95: {  	s2 =	sld [smem:$0x3FFD];
	_ =	sdelay $0x3  }
0x96: {  	_ =	strace s2  }
0x97: {  	_ =	strace $0x8FFFFFFF  }
0x98: {  	s18 =	sld [smem:$0x3FDB];
	_ =	sdelay $0x1  }
0x99: {  	s19 =	simm.s32 $_scs_section_size  }
0x9a: {  	s4 =	simm.s32 $_size__tile_overlayer_lowered;
	s5 =	simm.s32 $_tile_overlayer_lowered  }
0x9b: {  	s22 =	simm.s32 $0x1BFF;
	s21 =	sshll.u32 s5, $0x1;
	s2 =	sadd.s32 s19, s18  }
0x9c: {  	s6 =	simm.s32 $0x0;
	s20 =	sshll.u32 s4, $0x1;
	s4 =	sadd.s32 s21, s2  }
0x9d: {  	[timem:s6], [sflag:s22] =	dma.local [hbm:s4], s20  }
0x9e: {  	_ =	swait.ge [sflag:s22], s20  }
0x9f: {  	s3 =	ssub.s32 $0x0, s20;
	[sflag:s22] =	ssyncset.done $0x0  }
0xa0: {  	[sflag:s22] =	ssyncadd.s32 s3;
	_ =	sdelay $0x1  }
0xa1: {  	s23 =	simm.s32 $0x1B8B  }
0xa2: {  	_ =	swait.ge [sflag:s23], $0x1  }
0xa3: {  	[sflag:s23] =	ssyncset.done $0x0  }
0xa4: {  	s25 =	simm.s32 $0x1B8E;
	s24 =	sld [smem:$0x3FFE];
	[sflag:s23] =	ssyncadd.s32 $0xFFFFFFFF  }
0xa5: {  	s26 =	simm.s32 $execute0_lowered;
	[smem:$0x3FD2] =	sst s25  }
0xa6: {  	s4 =	sshll.u32 s26, $0x1;
	_ =	strace $0x8000005A;
	[dreg:$0x1] =	wrdreg $0xFFFFFFFF  }
0xa7: {  	s28 =	simm.s32 $_size_execute0_lowered;
	s2 =	sadd.s32 s2, s4;
	[dreg:$0x0] =	wrdreg $0x0  }
0xa8: {  	s4 =	sshll.u32 s28, $0x1;
	[dreg:$0x2] =	wrdreg s2  }
0xa9: {  	[dreg:$0x3] =	wrdreg s4  }
0xaa: {  	[dreg:$0x4] =	wrdreg $0xC0  }
0xab: {  	_ =	task [dreg:s6], $0x5FFFF  }
0xac: {  	[dreg:$0x1] =	wrdreg $0xFFFFFFFF  }
0xad: {  	[dreg:$0x0] =	wrdreg $0x60  }
0xae: {  	[dreg:$0x2] =	wrdreg s24  }
0xaf: {  	[dreg:$0x3] =	wrdreg $0xB  }
0xb0: {  	_ =	task.clear_ibuf [dreg:s6], $0x4FFFF;
	_ =	strace $0x9000005A  }
0xb1: {  	s29 =	simm.s32 $0xB;
	_ =	strace $0x80000061  }
0xb2: {  	_ =	swait.ge [sflag:s29], $0x1  }
0xb3: {  	[sflag:s29] =	ssyncadd.s32 $0xFFFFFFFF  }
0xb4: {  	_ =	strace $0x90000061  }
0xb5: {  	_ =	sfence  }
0xb6: {  	s30 =	sld [smem:$0x0];
	_ =	sdelay $0x2  }
0xb7: {  	s31 =	sshll.u32 s1, $0xD;
	s1 =	sshrl.u32 s1, $0x2  }
0xb8: {  	s3 =	sand.u32 $0x4000, s31;
	s1 =	sadd.s32 s1, s30  }
0xb9: {  	s0 =	sor.u32 s3, s0;
	s1 =	sshll.u32 s1, $0x11  }
0xba: {  	s0 =	sor.u32 s1, s0  }
0xbb: {  	s0 =	sadd.s32 $0x8F2B, s0  }
0xbc: {  	[sflag:s0] =	ssyncadd.remote.s32 $0x1  }
0xbd: {  	_ =	sfence.sel $0xFFFF  }
0xbe: {  	[dreg:$0x0] =	wrdreg $0xFFFFFFFF;
	(pc) =	sbr.abs _section_cstart, $3  }
0xbf: {  	[dreg:$0x1] =	wrdreg $0xFFFFFFFF  }
0xc0: {  	_ =	task.clear_ibuf [dreg:s6], $0x2FFFF;
	_ =	strace $0x9FFFFFFF  }
0xc1: {  	(tm) =	ssettm $0x7FFFFFFF  }
tec
execute0_lowered:
.L_overlay_start_1:
0x0: {  	(tag) =	ssettag $0x1  }
0x1: {  	s4 =	rddreg [dreg:$0x0]  }
0x2: {  	s0 =	rddreg [dreg:$0x1]  }
0x3: {  	s3 =	srdreg.scid;
	s2 =	simm.s32 $0x0;
	s1 =	stileid.u32  }
0x4: {  	s9 =	simm.s32 $0x900;
	s10 =	simm.s32 $0x1100;
	s11 =	simm.s32 $0x1900  }
0x5: {  	s12 =	simm.s32 $0x2100;
	s13 =	simm.s32 $0x2900;
	s14 =	simm.s32 $0x3100  }
0x6: {  	s15 =	simm.s32 $0x3900;
	s16 =	simm.s32 $0x4100;
	s17 =	simm.s32 $0x4900  }
0x7: {  	s18 =	simm.s32 $0x5100;
	s19 =	simm.s32 $0x5900;
	s20 =	simm.s32 $0x6100  }
0x8: {  	s21 =	simm.s32 $0x6900;
	s22 =	simm.s32 $0x7100;
	s23 =	simm.s32 $0x7900  }
0x9: {  	s24 =	simm.s32 $0x5;
	s25 =	simm.s32 $0x3;
	s5 =	sand.u32 $0x1, s3  }
0xa: {  	[smem:$0x7FF] =	sst s2;
	s6 =	sshll.u32 s1, $0x7;
	s3 =	sshll.u32 s5, $0xB  }
0xb: {  	_ =	strace $0x8000005B;
	s5 =	ssub.s32 $0x2, s5;
	s6 =	sor.u32 s6, s3  }
0xc: {  	s3 =	sadd.s32 $0xC6C00, s4;
	s7 =	sshrl.u32 s6, $0x3;
	s6 =	sshll.u32 s6, $0x5  }
0xd: {  	v2 =	vlaneseq.u32;
	s8 =	sshrl.u32 s5, $0x1;
	s7 =	sadd.s32 s7, s4;
	s6 =	sadd.s32 s6, s4  }
0xe: {  	vm0 =	vmmov $0xffff;
	v1 =	vshrl.u32 v2, $0x3;
	s8 =	ssub.s32 s5, s8;
	s4 =	sadd.s32 $0x86A00, s7;
	s5 =	sadd.s32 $0x146C00, s6  }
0xf: {  	v0 =	vand.u32 $0x7, v2;
	v2 =	vor.u32 $0x8, v2;
	v1 =	vmul.u32 $0x8, v1;
	s6 =	smax.u32 s8, $0x1;
	s7 =	simm.s32 $0x1;
	s8 =	simm.s32 $0x100  }
.LBB2_1:
0x10: {  	_ =	strace $0x8000005C  }
0x11: {  	[tilespmem:s2], [sflag:$0x1] =	stream.linear.gather [hbm4b:s4+s2], $0x80, $0x200038;
	[tilespmem:$0x10100] =	vst v63  }
0x12: {  	_ =	strace $0x9000005C  }
0x13: {  	_ =	strace $0x8000005D  }
0x14: {  	_ =	swait.ge [sflag:s7], $0x80  }
0x15: {  	[sflag:s7] =	ssyncset.done $0x0  }
0x16: {  	[sflag:s7] =	ssyncadd.s32 $0xFFFFFF80  }
0x17: {  	_ =	strace $0x9000005D  }
0x18: {  	_ =	strace $0x8000005E  }
0x19: {  	v3 =	vld [tilespmem:$0x0];
	_ =	sdelay $0x4  }
0x1a: {  	v4 =	vshll.u32 v3, $0x1  }
0x1b: {  	v3 =	vand.u32 $0x7, v3;
	v4 =	vand.u32 $0xFFFFFFF0, v4  }
0x1c: {  	v3 =	vor.u32 v3, v4  }
0x1d: {  	v4 =	vperm.xlane v3, v0;
	_ =	sdelay $0x1  }
0x1e: {  	v3 =	vperm.xlane v3, v2;
	v4 =	vadd.s32 v1, v4;
	_ =	sdelay $0x1  }
0x1f: {  	v3 =	vadd.s32 v1, v3;
	_ =	sdelay $0x2  }
0x20: {  	[tilespmem:s8], [sflag:$0x5] =	stream.indirect_vreg.gather [hbm4b:s3+s2], $0x80, v4, vm0, $0x2000b8;
	[tilespmem:$0x10100] =	vst v63  }
0x21: {  	_ = 	snop  }
0x22: {  	[tilespmem:s9], [sflag:$0x5] =	stream.indirect_vreg.gather [hbm4b:s3+s2], $0x80, v3, vm0, $0x2000b8;
	[tilespmem:$0x10100] =	vst v63  }
0x23: {  	v3 =	vld [tilespmem:$0x10];
	_ =	sdelay $0x4  }
0x24: {  	v57 =	vshll.u32 v3, $0x1  }
0x25: {  	v3 =	vand.u32 $0x7, v3;
	v4 =	vand.u32 $0xFFFFFFF0, v57  }
0x26: {  	v3 =	vor.u32 v3, v4  }
0x27: {  	v4 =	vperm.xlane v3, v0;
	_ =	sdelay $0x1  }
0x28: {  	v3 =	vperm.xlane v3, v2;
	v4 =	vadd.s32 v1, v4;
	_ =	sdelay $0x1  }
0x29: {  	v3 =	vadd.s32 v1, v3;
	_ =	sdelay $0x2  }
0x2a: {  	[tilespmem:s10], [sflag:$0x5] =	stream.indirect_vreg.gather [hbm4b:s3+s2], $0x80, v4, vm0, $0x2000b8;
	[tilespmem:$0x10100] =	vst v63  }
0x2b: {  	_ = 	snop  }
0x2c: {  	[tilespmem:s11], [sflag:$0x5] =	stream.indirect_vreg.gather [hbm4b:s3+s2], $0x80, v3, vm0, $0x2000b8;
	[tilespmem:$0x10100] =	vst v63  }
0x2d: {  	v3 =	vld [tilespmem:$0x20];
	_ =	sdelay $0x4  }
0x2e: {  	v58 =	vshll.u32 v3, $0x1  }
0x2f: {  	v3 =	vand.u32 $0x7, v3;
	v4 =	vand.u32 $0xFFFFFFF0, v58  }
0x30: {  	v3 =	vor.u32 v3, v4  }
0x31: {  	v4 =	vperm.xlane v3, v0;
	_ =	sdelay $0x1  }
0x32: {  	v3 =	vperm.xlane v3, v2;
	v4 =	vadd.s32 v1, v4;
	_ =	sdelay $0x1  }
0x33: {  	v3 =	vadd.s32 v1, v3;
	_ =	sdelay $0x2  }
0x34: {  	[tilespmem:s12], [sflag:$0x5] =	stream.indirect_vreg.gather [hbm4b:s3+s2], $0x80, v4, vm0, $0x2000b8;
	[tilespmem:$0x10100] =	vst v63  }
0x35: {  	_ = 	snop  }
0x36: {  	[tilespmem:s13], [sflag:$0x5] =	stream.indirect_vreg.gather [hbm4b:s3+s2], $0x80, v3, vm0, $0x2000b8;
	[tilespmem:$0x10100] =	vst v63  }
0x37: {  	v3 =	vld [tilespmem:$0x30];
	_ =	sdelay $0x4  }
0x38: {  	v59 =	vshll.u32 v3, $0x1  }
0x39: {  	v3 =	vand.u32 $0x7, v3;
	v4 =	vand.u32 $0xFFFFFFF0, v59  }
0x3a: {  	v3 =	vor.u32 v3, v4  }
0x3b: {  	v4 =	vperm.xlane v3, v0;
	_ =	sdelay $0x1  }
0x3c: {  	v3 =	vperm.xlane v3, v2;
	v4 =	vadd.s32 v1, v4;
	_ =	sdelay $0x1  }
0x3d: {  	v3 =	vadd.s32 v1, v3;
	_ =	sdelay $0x2  }
0x3e: {  	[tilespmem:s14], [sflag:$0x5] =	stream.indirect_vreg.gather [hbm4b:s3+s2], $0x80, v4, vm0, $0x2000b8;
	[tilespmem:$0x10100] =	vst v63  }
0x3f: {  	_ = 	snop  }
0x40: {  	[tilespmem:s15], [sflag:$0x5] =	stream.indirect_vreg.gather [hbm4b:s3+s2], $0x80, v3, vm0, $0x2000b8;
	[tilespmem:$0x10100] =	vst v63  }
0x41: {  	v3 =	vld [tilespmem:$0x40];
	_ =	sdelay $0x4  }
0x42: {  	v60 =	vshll.u32 v3, $0x1  }
0x43: {  	v3 =	vand.u32 $0x7, v3;
	v4 =	vand.u32 $0xFFFFFFF0, v60  }
0x44: {  	v3 =	vor.u32 v3, v4  }
0x45: {  	v4 =	vperm.xlane v3, v0;
	_ =	sdelay $0x1  }
0x46: {  	v3 =	vperm.xlane v3, v2;
	v4 =	vadd.s32 v1, v4;
	_ =	sdelay $0x1  }
0x47: {  	v3 =	vadd.s32 v1, v3;
	_ =	sdelay $0x2  }
0x48: {  	[tilespmem:s16], [sflag:$0x5] =	stream.indirect_vreg.gather [hbm4b:s3+s2], $0x80, v4, vm0, $0x2000b8;
	[tilespmem:$0x10100] =	vst v63  }
0x49: {  	_ = 	snop  }
0x4a: {  	[tilespmem:s17], [sflag:$0x5] =	stream.indirect_vreg.gather [hbm4b:s3+s2], $0x80, v3, vm0, $0x2000b8;
	[tilespmem:$0x10100] =	vst v63  }
0x4b: {  	v3 =	vld [tilespmem:$0x50];
	_ =	sdelay $0x4  }
0x4c: {  	v61 =	vshll.u32 v3, $0x1  }
0x4d: {  	v3 =	vand.u32 $0x7, v3;
	v4 =	vand.u32 $0xFFFFFFF0, v61  }
0x4e: {  	v3 =	vor.u32 v3, v4  }
0x4f: {  	v4 =	vperm.xlane v3, v0;
	_ =	sdelay $0x1  }
0x50: {  	v3 =	vperm.xlane v3, v2;
	v4 =	vadd.s32 v1, v4;
	_ =	sdelay $0x1  }
0x51: {  	v3 =	vadd.s32 v1, v3;
	_ =	sdelay $0x2  }
0x52: {  	[tilespmem:s18], [sflag:$0x5] =	stream.indirect_vreg.gather [hbm4b:s3+s2], $0x80, v4, vm0, $0x2000b8;
	[tilespmem:$0x10100] =	vst v63  }
0x53: {  	_ = 	snop  }
0x54: {  	[tilespmem:s19], [sflag:$0x5] =	stream.indirect_vreg.gather [hbm4b:s3+s2], $0x80, v3, vm0, $0x2000b8;
	[tilespmem:$0x10100] =	vst v63  }
0x55: {  	v3 =	vld [tilespmem:$0x60];
	_ =	sdelay $0x4  }
0x56: {  	v62 =	vshll.u32 v3, $0x1  }
0x57: {  	v3 =	vand.u32 $0x7, v3;
	v4 =	vand.u32 $0xFFFFFFF0, v62  }
0x58: {  	v3 =	vor.u32 v3, v4  }
0x59: {  	v4 =	vperm.xlane v3, v0;
	_ =	sdelay $0x1  }
0x5a: {  	v3 =	vperm.xlane v3, v2;
	v4 =	vadd.s32 v1, v4;
	_ =	sdelay $0x1  }
0x5b: {  	v3 =	vadd.s32 v1, v3;
	_ =	sdelay $0x2  }
0x5c: {  	[tilespmem:s20], [sflag:$0x5] =	stream.indirect_vreg.gather [hbm4b:s3+s2], $0x80, v4, vm0, $0x2000b8;
	[tilespmem:$0x10100] =	vst v63  }
0x5d: {  	_ = 	snop  }
0x5e: {  	[tilespmem:s21], [sflag:$0x5] =	stream.indirect_vreg.gather [hbm4b:s3+s2], $0x80, v3, vm0, $0x2000b8;
	[tilespmem:$0x10100] =	vst v63  }
0x5f: {  	v3 =	vld [tilespmem:$0x70];
	_ =	sdelay $0x4  }
0x60: {  	v63 =	vshll.u32 v3, $0x1  }
0x61: {  	v3 =	vand.u32 $0x7, v3;
	v4 =	vand.u32 $0xFFFFFFF0, v63  }
0x62: {  	v3 =	vor.u32 v3, v4  }
0x63: {  	v4 =	vperm.xlane v3, v0;
	_ =	sdelay $0x1  }
0x64: {  	v3 =	vperm.xlane v3, v2;
	v4 =	vadd.s32 v1, v4;
	_ =	sdelay $0x1  }
0x65: {  	v3 =	vadd.s32 v1, v3;
	_ =	sdelay $0x2  }
0x66: {  	[tilespmem:s22], [sflag:$0x5] =	stream.indirect_vreg.gather [hbm4b:s3+s2], $0x80, v4, vm0, $0x2000b8;
	[tilespmem:$0x10100] =	vst v63  }
0x67: {  	_ = 	snop  }
0x68: {  	[tilespmem:s23], [sflag:$0x5] =	stream.indirect_vreg.gather [hbm4b:s3+s2], $0x80, v3, vm0, $0x2000b8;
	[tilespmem:$0x10100] =	vst v63  }
0x69: {  	_ =	swait.ge [sflag:s24], $0x8000  }
0x6a: {  	[sflag:s24] =	ssyncset.done $0x0  }
0x6b: {  	[sflag:s24] =	ssyncadd.s32 $0xFFFF8000  }
0x6c: {  	_ =	strace $0x9000005E  }
0x6d: {  	_ =	strace $0x8000005F  }
0x6e: {  	[hbm4b:s5+s2] =	stream.linear.scatter [tilespmem:s8], [sflag:$0x3], $0x8000, $0x200038;
	[tilespmem:$0x10100] =	vst v63  }
0x6f: {  	p0 =	sne.s32 s6, $0x1;
	_ =	strace $0x9000005F  }
.Ltmp0:
0x70: {  	_ =	strace $0x80000060;
	(pc) =	sbr.rel @p0 .LBB2_1-.Ltmp0, $4  }
0x71: {  	_ =	swait.ge [sflag:s25], $0x8000  }
0x72: {  	[sflag:s25] =	ssyncset.done $0x0  }
0x73: {  	[sflag:s25] =	ssyncadd.s32 $0xFFFF8000  }
0x74: {  	s6 =	sadd.s32 $0xFFFFFFFF, s6;
	_ =	strace $0x90000060  }
0x75: {  	_ =	sfence.sel $0x180000  }
0x76: {  	[bflag:$0x0] =	sbarrier.arrive $0xFFFF  }
0x77: {  	p0 =	sne.s32 s1, $0x0;
	_ =	strace $0x9000005B  }
0x78: {  	s0 =	sadd.s32 @!p0 $0x100000, s0;
	[bflag:$0x2] =	sbarrier.arrive $0xFFFF  }
0x79: {  	[sflag:s0] =	ssyncadd.tile.s32 @!p0 $0x1;
	_ =	shalt  }
.Lfunc_end2:
_tile_overlayer_lowered:
.L_overlay_start_2:
0x7a: {  	(tag) =	ssettag $0x2  }
0x7b: {  	s0 =	rddreg [dreg:$0x0];
	s2 =	stileid.u32  }
0x7c: {  	s1 =	rddreg [dreg:$0x1];
	p0 =	sne.s32 s2, $0x0  }
0x7d: {  	s3 =	rddreg [dreg:$0x2];
	[bflag:$0x3] =	sbarrier.arrive $0xFFFF;
	s2 =	simm.s32 @!p0 $0x1C01  }
0x7e: {  	[timem:s3], [sflag:s2] =	dma.local @!p0 [hbm:s0], s1  }
0x7f: {  	s0 =	simm.s32 @!p0 $0x1  }
0x80: {  	_ =	swait.ge @!p0 [sflag:s0], s1  }
0x81: {  	s1 =	ssub.s32 @!p0 $0x0, s1;
	[sflag:s0] =	ssyncset.done @!p0 $0x0  }
0x82: {  	[sflag:s0] =	ssyncadd.s32 @!p0 s1  }
0x83: {  	[bflag:$0x3] =	sbarrier.arrive $0xFFFF  }
0x84: {  	_ =	shalt  }

</sc_bundles>
